<compile_context>
chip_gen: v7x
topology: tpu7x:2x2x1
jax: 0.10.2.dev20260603
libtpu: 0.0.44.dev20260713+nightly
codegen_flags: <defaults>
</compile_context>

<pallas_src>
import functools
import jax
import jax.numpy as jnp
from jax import lax
from jax.experimental import pallas as pl
from jax.experimental.pallas import tpu as pltpu
from jax.experimental.pallas import tpu_sc as plsc

N = 10000
E = 320000
D = 128
G = 64
OUT = 10

NC = 2
NS = 16
NW = NC * NS
CHUNK = 128
NCHT = 2560
CPT = NCHT // NW
EPAD = NCHT * CHUNK - E
NP = 10016
JUNK = 10008
RPT = 624
RPT_LAST = N - RPT * (NS - 1)
ZR = 208

BLK = 1000
NB = N // BLK
NBP = NP // BLK + 1

_SC_MESH = plsc.VectorSubcoreMesh(core_axis_name="c", subcore_axis_name="s")

import numpy as _np
_CHUNK_PERM = _np.concatenate([_np.arange(w, NCHT, NW) for w in range(NW)])



def _zero_acc(sid, zrows_hbm, acc):
    base = sid * RPT
    for k in range(RPT // ZR):
        pltpu.sync_copy(zrows_hbm, acc.at[pl.ds(base + k * ZR, ZR), :])

    @pl.when(sid == NS - 1)
    def _zero_tail():
        pltpu.sync_copy(zrows_hbm.at[pl.ds(0, RPT_LAST - RPT), :],
                        acc.at[pl.ds(N - (RPT_LAST - RPT), RPT_LAST - RPT), :])


def _writeout_acc(cid, sid, acc, out_hbm):
    @pl.when(sid < NS - 1)
    def _wr():
        pltpu.sync_copy(acc.at[pl.ds(sid * RPT, RPT), :],
                        out_hbm.at[cid, pl.ds(sid * RPT, RPT), :])

    @pl.when(sid == NS - 1)
    def _wr_last():
        base = RPT * (NS - 1)
        pltpu.sync_copy(acc.at[pl.ds(base, RPT_LAST), :],
                        out_hbm.at[cid, pl.ds(base, RPT_LAST), :])


EPT_W = CPT * CHUNK


def _decode(epkall, j, idxs, idxd):
    for q in range(CHUNK // 16):
        w = epkall[pl.ds(j * CHUNK + q * 16, 16)]
        if idxs is not None:
            idxs[pl.ds(q * 16, 16)] = w & 0xFFFF
        if idxd is not None:
            idxd[pl.ds(q * 16, 16)] = lax.shift_right_logical(w, 16)


@functools.partial(
    pl.kernel,
    out_type=jax.ShapeDtypeStruct((NC, N, D), jnp.float32),
    mesh=_SC_MESH,
    scratch_types=[
        pltpu.VMEM((EPT_W,), jnp.int32),
        pltpu.VMEM((CHUNK,), jnp.int32),
        pltpu.VMEM((CHUNK, D), jnp.float32),
        pltpu.VMEM_SHARED((N, D), jnp.float32),
    ],
)
def _sc_degree(epk_hbm, ones_hbm, zrows_hbm, degp_hbm,
               epkall, idxd, ones_v, deg_t):
    cid = lax.axis_index("c")
    sid = lax.axis_index("s")
    wid = sid * NC + cid

    pltpu.sync_copy(ones_hbm, ones_v)
    _zero_acc(sid, zrows_hbm, deg_t)
    pltpu.sync_copy(epk_hbm.at[pl.ds(wid * EPT_W, EPT_W)], epkall)
    plsc.subcore_barrier()

    def body(j, carry):
        _decode(epkall, j, None, idxd)
        pltpu.sync_copy(ones_v, deg_t.at[idxd], add=True)
        return carry

    lax.fori_loop(0, CPT, body, 0)

    plsc.subcore_barrier()
    _writeout_acc(cid, sid, deg_t, degp_hbm)


@functools.partial(
    pl.kernel,
    out_type=jax.ShapeDtypeStruct((NC, N, D), jnp.float32),
    mesh=_SC_MESH,
    scratch_types=(
        [pltpu.VMEM((CHUNK,), jnp.int32) for _ in range(3)]
        + [pltpu.VMEM((CHUNK,), jnp.int32) for _ in range(3)]
        + [pltpu.VMEM((CHUNK,), jnp.int32) for _ in range(3)]
        + [pltpu.VMEM((CHUNK, D), jnp.float32) for _ in range(3)]
        + [pltpu.VMEM_SHARED((N, D), jnp.float32)]
        + [pltpu.SemaphoreType.DMA for _ in range(6)]
    ),
)
def _sc_message(hws_hbm, epk_hbm, zrows_hbm, accp_hbm,
                pk0, pk1, pk2, is0, is1, is2, id0, id1, id2,
                rw0, rw1, rw2, acc, si0, si1, si2, sg0, sg1, sg2):
    cid = lax.axis_index("c")
    sid = lax.axis_index("s")
    wid = sid * NC + cid
    base = wid * CPT

    pk = (pk0, pk1, pk2)
    ixs = (is0, is1, is2)
    ixd = (id0, id1, id2)
    rw = (rw0, rw1, rw2)
    si = (si0, si1, si2)
    sg = (sg0, sg1, sg2)

    _zero_acc(sid, zrows_hbm, acc)
    plsc.subcore_barrier()

    def decode_pk(b):
        for q in range(CHUNK // 16):
            w = pk[b][pl.ds(q * 16, 16)]
            ixs[b][pl.ds(q * 16, 16)] = w & 0xFFFF
            ixd[b][pl.ds(q * 16, 16)] = lax.shift_right_logical(w, 16)

    def load_idx(j, b):
        pltpu.async_copy(epk_hbm.at[pl.ds((base + j) * CHUNK, CHUNK)],
                         pk[b], si[b])

    def wait_idx(b):
        pltpu.make_async_copy(epk_hbm.at[pl.ds(0, CHUNK)], pk[b],
                              si[b]).wait()

    def wait_gather(b):
        pltpu.make_async_copy(zrows_hbm.at[pl.ds(0, CHUNK), :], rw[b],
                              sg[b]).wait()

    load_idx(0, 0)
    load_idx(1, 1)
    wait_idx(0)
    decode_pk(0)
    pltpu.async_copy(hws_hbm.at[ixs[0]], rw[0], sg[0])

    def body(k, carry):
        j0 = k * 3
        for t in range(3):
            j = j0 + t
            b = t
            b1 = (t + 1) % 3
            b2 = (t + 2) % 3

            @pl.when(j + 2 < CPT)
            def _load():
                load_idx(j + 2, b2)

            @pl.when(j + 1 < CPT)
            def _gather():
                wait_idx(b1)
                decode_pk(b1)
                pltpu.async_copy(hws_hbm.at[ixs[b1]], rw[b1], sg[b1])

            @pl.when(j < CPT)
            def _scatter():
                wait_gather(b)
                pltpu.sync_copy(rw[b], acc.at[ixd[b]], add=True)
        return carry

    lax.fori_loop(0, (CPT + 2) // 3, body, 0)

    plsc.subcore_barrier()
    _writeout_acc(cid, sid, acc, accp_hbm)



_HI = lax.Precision.HIGHEST


def _mm_body(x_ref, w_ref, out_ref):
    out_ref[...] = jnp.dot(x_ref[...], w_ref[...],
                           preferred_element_type=jnp.float32)


def _tc_matmul(x, W0):
    return pl.pallas_call(
        _mm_body,
        grid=(NBP,),
        in_specs=[
            pl.BlockSpec((BLK, D), lambda i: (i, 0)),
            pl.BlockSpec((D, D), lambda i: (0, 0)),
        ],
        out_specs=pl.BlockSpec((BLK, D), lambda i: (i, 0)),
        out_shape=jax.ShapeDtypeStruct((NP, D), jnp.float32),
    )(x, W0)


def _t0_body(degp_ref, hw_ref, dis_ref, hws_ref):
    i = pl.program_id(0)
    rowid = i * BLK + lax.broadcasted_iota(jnp.int32, (BLK, 1), 0)
    valid = rowid < N
    d = degp_ref[0, :, 0:1] + degp_ref[1, :, 0:1] + 1.0
    d = d - jnp.where(rowid < EPAD, 1.0, 0.0)
    dis = jnp.where(valid, lax.rsqrt(d), 0.0)
    dis_ref[...] = dis
    hws_ref[...] = jnp.where(valid, dis * hw_ref[...], 0.0)


def _tc_first(degp, hw0):
    return pl.pallas_call(
        _t0_body,
        grid=(NBP,),
        in_specs=[
            pl.BlockSpec((NC, BLK, D), lambda i: (0, i, 0)),
            pl.BlockSpec((BLK, D), lambda i: (i, 0)),
        ],
        out_specs=[
            pl.BlockSpec((BLK, 1), lambda i: (i, 0)),
            pl.BlockSpec((BLK, D), lambda i: (i, 0)),
        ],
        out_shape=[
            jax.ShapeDtypeStruct((NP, 1), jnp.float32),
            jax.ShapeDtypeStruct((NP, D), jnp.float32),
        ],
    )(degp, hw0)


def _tl_body(accp_ref, hws_ref, dis_ref, b_ref, w_ref, out_ref):
    i = pl.program_id(0)
    rowid = i * BLK + lax.broadcasted_iota(jnp.int32, (BLK, 1), 0)
    valid = rowid < N
    acc = accp_ref[0] + accp_ref[1]
    dis = dis_ref[...]
    h = jnp.maximum(dis * (acc + hws_ref[...]) + b_ref[...], 0.0)
    out_ref[...] = jnp.where(
        valid,
        dis * jnp.dot(h, w_ref[...], preferred_element_type=jnp.float32),
        0.0)


def _tc_layer(accp, hws, dis, b, Wn):
    return pl.pallas_call(
        _tl_body,
        grid=(NBP,),
        in_specs=[
            pl.BlockSpec((NC, BLK, D), lambda i: (0, i, 0)),
            pl.BlockSpec((BLK, D), lambda i: (i, 0)),
            pl.BlockSpec((BLK, 1), lambda i: (i, 0)),
            pl.BlockSpec((1, D), lambda i: (0, 0)),
            pl.BlockSpec((D, D), lambda i: (0, 0)),
        ],
        out_specs=pl.BlockSpec((BLK, D), lambda i: (i, 0)),
        out_shape=jax.ShapeDtypeStruct((NP, D), jnp.float32),
    )(accp, hws, dis, b, Wn)


def _t3_body(accp_ref, hws_ref, dis_ref, b_ref, br_ref, w_ref, bo_ref,
             out_ref, gmax, gsum, cnt):
    step = pl.program_id(0)

    @pl.when(step == 0)
    def _init():
        gmax[...] = jnp.full((G, D), -jnp.inf, jnp.float32)
        gsum[...] = jnp.zeros((G, D), jnp.float32)
        cnt[...] = jnp.zeros((G, D), jnp.float32)

    acc = accp_ref[0] + accp_ref[1]
    dis = dis_ref[...]
    h = jnp.maximum(dis * (acc + hws_ref[...]) + b_ref[...], 0.0)

    br = br_ref[...]
    onehot = (br == lax.broadcasted_iota(jnp.int32, (BLK, G), 1)
              ).astype(jnp.float32)
    dgen = (((0,), (0,)), ((), ()))
    gsum[...] += lax.dot_general(onehot, h, dgen,
                                 preferred_element_type=jnp.float32,
                                 precision=_HI)
    cnt[...] += lax.dot_general(onehot, jnp.ones((BLK, D), jnp.float32),
                                dgen, preferred_element_type=jnp.float32,
                                precision=_HI)

    def gbody(g, carry):
        m = br == g
        v = jnp.max(jnp.where(m, h, -jnp.inf), axis=0, keepdims=True)
        gmax[pl.ds(g, 1), :] = jnp.maximum(gmax[pl.ds(g, 1), :], v)
        return carry

    lax.fori_loop(br[0, 0], br[BLK - 1, 0] + 1, gbody, 0)

    @pl.when(step == NB - 1)
    def _head():
        c = cnt[...]
        gmaxf = jnp.where(c > 0, gmax[...], 0.0)
        gs = gsum[...]
        gmean = gs / jnp.maximum(c, 1.0)
        w = w_ref[...]
        out_ref[...] = (
            jnp.dot(gmaxf, w[0:D, :], preferred_element_type=jnp.float32,
                    precision=_HI)
            + jnp.dot(gmean, w[D:2 * D, :],
                      preferred_element_type=jnp.float32, precision=_HI)
            + jnp.dot(gs, w[2 * D:3 * D, :],
                      preferred_element_type=jnp.float32, precision=_HI)
            + bo_ref[...])


def _tc_pool_head(accp, hws, dis, b, br, Wp, bop):
    return pl.pallas_call(
        _t3_body,
        grid=(NB,),
        in_specs=[
            pl.BlockSpec((NC, BLK, D), lambda i: (0, i, 0)),
            pl.BlockSpec((BLK, D), lambda i: (i, 0)),
            pl.BlockSpec((BLK, 1), lambda i: (i, 0)),
            pl.BlockSpec((1, D), lambda i: (0, 0)),
            pl.BlockSpec((BLK, 1), lambda i: (i, 0)),
            pl.BlockSpec((3 * D, D), lambda i: (0, 0)),
            pl.BlockSpec((1, D), lambda i: (0, 0)),
        ],
        out_specs=pl.BlockSpec((G, D), lambda i: (0, 0)),
        out_shape=jax.ShapeDtypeStruct((G, D), jnp.float32),
        scratch_shapes=[
            pltpu.VMEM((G, D), jnp.float32),
            pltpu.VMEM((G, D), jnp.float32),
            pltpu.VMEM((G, D), jnp.float32),
        ],
    )(accp, hws, dis, b, br, Wp, bop)



@jax.jit
def kernel(x, edge_index, batch, W0, b0, W1, b1, W2, b2, Wout, bout):
    src = edge_index[0]
    dst = edge_index[1]
    srcp = jnp.concatenate(
        [src, N + jnp.arange(EPAD, dtype=jnp.int32) % (NP - N)])
    dstp = jnp.concatenate([dst, jnp.arange(EPAD, dtype=jnp.int32)])
    epk = jnp.bitwise_or(srcp, dstp << 16)
    epk = epk.reshape(NCHT, CHUNK)[_CHUNK_PERM].reshape(-1)

    zrows = jnp.zeros((ZR, D), jnp.float32)
    ones_c = jnp.ones((CHUNK, D), jnp.float32)

    degp = _sc_degree(epk, ones_c, zrows)
    hw0 = _tc_matmul(x, W0)
    dis, hws = _tc_first(degp, hw0)

    b0r = b0.reshape(1, D)
    b1r = b1.reshape(1, D)
    b2r = b2.reshape(1, D)
    br = batch.reshape(N, 1)
    Wp = jnp.pad(Wout, ((0, 0), (0, D - OUT)))
    bop = jnp.pad(bout, (0, D - OUT)).reshape(1, D)

    accp = _sc_message(hws, epk, zrows)
    hws1 = _tc_layer(accp, hws, dis, b0r, W1)
    accp = _sc_message(hws1, epk, zrows)
    hws2 = _tc_layer(accp, hws1, dis, b1r, W2)
    accp = _sc_message(hws2, epk, zrows)
    out128 = _tc_pool_head(accp, hws2, dis, b2r, br, Wp, bop)
    return out128[:, :OUT]

# --- scband reference (transcript-rebuilt; emitter-appended) ---
"""Pipeline reference for scband-gcn-model-77077483095003 (READ-ONLY COPY).

The authoritative reference and input builder live on the scoring server;
editing this copy changes nothing except your own understanding.
"""

import jax, jax.numpy as jnp
import numpy as np

N = 10000
E = 320000
D = 128
H = 128
G = 64
OUT = 10


def setup_inputs(seed: int = 0) -> dict:
    key = jax.random.key(seed)
    ks = jax.random.split(key, 12)
    x = jax.random.normal(ks[0], (N, D), dtype=jnp.float32)
    edge_index = jax.random.randint(ks[1], (2, E), 0, N, dtype=jnp.int32)
    batch = jnp.sort(jax.random.randint(ks[2], (N,), 0, G, dtype=jnp.int32))
    # GCNConv parameters: 3 layers (128->128, 128->128, 128->128)
    W0 = jax.random.normal(ks[3], (D, H), dtype=jnp.float32) * (1.0 / np.sqrt(D))
    b0 = jnp.zeros((H,), dtype=jnp.float32)
    W1 = jax.random.normal(ks[4], (H, H), dtype=jnp.float32) * (1.0 / np.sqrt(H))
    b1 = jnp.zeros((H,), dtype=jnp.float32)
    W2 = jax.random.normal(ks[5], (H, H), dtype=jnp.float32) * (1.0 / np.sqrt(H))
    b2 = jnp.zeros((H,), dtype=jnp.float32)
    # output Linear: (3*H -> OUT)
    Wout = jax.random.normal(ks[6], (3 * H, OUT), dtype=jnp.float32) * (1.0 / np.sqrt(3 * H))
    bout = jnp.zeros((OUT,), dtype=jnp.float32)
    return {"x": x, "edge_index": edge_index, "batch": batch,
            "W0": W0, "b0": b0, "W1": W1, "b1": b1, "W2": W2, "b2": b2,
            "Wout": Wout, "bout": bout}


def gcn_conv(h, edge_index, W, b, num_nodes):
    # GCNConv: out = D^-1/2 (A + I) D^-1/2 (h W) + b
    loop = jnp.arange(num_nodes, dtype=edge_index.dtype)
    src = jnp.concatenate([edge_index[0], loop])
    dst = jnp.concatenate([edge_index[1], loop])
    deg = jnp.zeros((num_nodes,), dtype=jnp.float32).at[dst].add(1.0)
    dis = jnp.where(deg > 0, deg ** -0.5, 0.0)
    norm = dis[src] * dis[dst]
    hw = h @ W
    msg = hw[src] * norm[:, None]
    out = jnp.zeros((num_nodes, W.shape[1]), dtype=jnp.float32).at[dst].add(msg)
    return out + b


def reference(x, edge_index, batch, W0, b0, W1, b1, W2, b2, Wout, bout):
    h = x
    for W, b in ((W0, b0), (W1, b1), (W2, b2)):
        h = jax.nn.relu(gcn_conv(h, edge_index, W, b, N))
    gmax = jax.ops.segment_max(h, batch, num_segments=G)
    gmax = jnp.where(jnp.isfinite(gmax), gmax, 0.0)
    gsum = jax.ops.segment_sum(h, batch, num_segments=G)
    cnt = jax.ops.segment_sum(jnp.ones((N, 1), dtype=jnp.float32), batch, num_segments=G)
    gmean = gsum / jnp.maximum(cnt, 1.0)
    hidden = jnp.concatenate([gmax, gmean, gsum], axis=1)
    # dropout p=0.5 is identity in eval mode
    out = hidden @ Wout + bout
    return out

if __name__ == "__main__":
    import jax
    _d = setup_inputs()
    print(jax.jit(kernel)(*tuple(_d.values())))

</pallas_src>

<mosaic_0001>
#map = affine_map<(d0, d1) -> (0, 0)>
#map1 = affine_map<(d0, d1) -> (0)>
#map2 = affine_map<(d0, d1) -> (0, 0, 0)>
module attributes {stable_mosaic.version = 14 : i64} {
  func.func @_sc_message(%arg0: i32, %arg1: i32, %arg2: memref<10016x128xf32, #tpu.memory_space<hbm>>, %arg3: memref<327680xi32, #tpu.memory_space<hbm>>, %arg4: memref<208x128xf32, #tpu.memory_space<hbm>>, %arg5: memref<2x10000x128xf32, #tpu.memory_space<hbm>>, %arg6: memref<128xi32, #tpu.memory_space<vmem>>, %arg7: memref<128xi32, #tpu.memory_space<vmem>>, %arg8: memref<128xi32, #tpu.memory_space<vmem>>, %arg9: memref<128xi32, #tpu.memory_space<vmem>>, %arg10: memref<128xi32, #tpu.memory_space<vmem>>, %arg11: memref<128xi32, #tpu.memory_space<vmem>>, %arg12: memref<128xi32, #tpu.memory_space<vmem>>, %arg13: memref<128xi32, #tpu.memory_space<vmem>>, %arg14: memref<128xi32, #tpu.memory_space<vmem>>, %arg15: memref<128x128xf32, #tpu.memory_space<vmem>>, %arg16: memref<128x128xf32, #tpu.memory_space<vmem>>, %arg17: memref<128x128xf32, #tpu.memory_space<vmem>>, %arg18: memref<10000x128xf32, #tpu.memory_space<vmem_shared>>, %arg19: memref<!tpu.dma_semaphore, #tpu.memory_space<semaphore_mem>>, %arg20: memref<!tpu.dma_semaphore, #tpu.memory_space<semaphore_mem>>, %arg21: memref<!tpu.dma_semaphore, #tpu.memory_space<semaphore_mem>>, %arg22: memref<!tpu.dma_semaphore, #tpu.memory_space<semaphore_mem>>, %arg23: memref<!tpu.dma_semaphore, #tpu.memory_space<semaphore_mem>>, %arg24: memref<!tpu.dma_semaphore, #tpu.memory_space<semaphore_mem>>) attributes {dimension_semantics = [#tpu.dimension_semantics<core_parallel>, #tpu.dimension_semantics<subcore_parallel>], iteration_bounds = array<i64: 2, 16>, scalar_prefetch = 0 : i64, scratch_operands = 19 : i64, tpu.core_type = #tpu.core_type<sc_vector_subcore>, window_params = [{transform_indices = #map}, {transform_indices = #map1}, {transform_indices = #map}, {transform_indices = #map2}]} {
    %mul3A = arith.constant 2 : i32
    %mul3A_0 = arith.muli %arg1, %mul3A : i32
    %add3A = arith.addi %mul3A_0, %arg0 : i32
    %mul3A_1 = arith.constant 80 : i32
    %mul3A_2 = arith.muli %add3A, %mul3A_1 : i32
    %mul3A_3 = arith.constant 624 : i32
    %mul3A_4 = arith.muli %arg1, %mul3A_3 : i32
    %add3A_5 = arith.constant 0 : i32
    %add3A_6 = arith.addi %mul3A_4, %add3A_5 : i32
    "tpu.region"() ({
      %run_scoped3A = tpu.sem_alloc : memref<!tpu.dma_semaphore, #tpu.memory_space<semaphore_mem>>
      %dma_start3A_177 = arith.constant 0 : i32
      %dma_start3A_178 = tpu.memref_slice %arg18[%add3A_6, %dma_start3A_177] : memref<10000x128xf32, #tpu.memory_space<vmem_shared>> -> memref<208x128xf32, #tpu.memory_space<vmem_shared>>
      tpu.enqueue_dma source(%arg4 : memref<208x128xf32, #tpu.memory_space<hbm>>) target(%dma_start3A_178 : memref<208x128xf32, #tpu.memory_space<vmem_shared>>) target_semaphore(%run_scoped3A : memref<!tpu.dma_semaphore, #tpu.memory_space<semaphore_mem>>)
      %dma_wait3A_179 = arith.constant 0 : i32
      %dma_wait3A_180 = tpu.memref_slice %arg18[%add3A_6, %dma_wait3A_179] : memref<10000x128xf32, #tpu.memory_space<vmem_shared>> -> memref<208x128xf32, #tpu.memory_space<vmem_shared>>
      tpu.wait_dma2 semaphore(%run_scoped3A : memref<!tpu.dma_semaphore, #tpu.memory_space<semaphore_mem>>) src(%arg4 : memref<208x128xf32, #tpu.memory_space<hbm>>) dst(%dma_wait3A_180 : memref<208x128xf32, #tpu.memory_space<vmem_shared>>)
      tpu.yield
    }) : () -> ()
    %add3A_7 = arith.constant 208 : i32
    %add3A_8 = arith.addi %mul3A_4, %add3A_7 : i32
    "tpu.region"() ({
      %run_scoped3A = tpu.sem_alloc : memref<!tpu.dma_semaphore, #tpu.memory_space<semaphore_mem>>
      %dma_start3A_177 = arith.constant 0 : i32
      %dma_start3A_178 = tpu.memref_slice %arg18[%add3A_8, %dma_start3A_177] : memref<10000x128xf32, #tpu.memory_space<vmem_shared>> -> memref<208x128xf32, #tpu.memory_space<vmem_shared>>
      tpu.enqueue_dma source(%arg4 : memref<208x128xf32, #tpu.memory_space<hbm>>) target(%dma_start3A_178 : memref<208x128xf32, #tpu.memory_space<vmem_shared>>) target_semaphore(%run_scoped3A : memref<!tpu.dma_semaphore, #tpu.memory_space<semaphore_mem>>)
      %dma_wait3A_179 = arith.constant 0 : i32
      %dma_wait3A_180 = tpu.memref_slice %arg18[%add3A_8, %dma_wait3A_179] : memref<10000x128xf32, #tpu.memory_space<vmem_shared>> -> memref<208x128xf32, #tpu.memory_space<vmem_shared>>
      tpu.wait_dma2 semaphore(%run_scoped3A : memref<!tpu.dma_semaphore, #tpu.memory_space<semaphore_mem>>) src(%arg4 : memref<208x128xf32, #tpu.memory_space<hbm>>) dst(%dma_wait3A_180 : memref<208x128xf32, #tpu.memory_space<vmem_shared>>)
      tpu.yield
    }) : () -> ()
    %add3A_9 = arith.constant 416 : i32
    %add3A_10 = arith.addi %mul3A_4, %add3A_9 : i32
    "tpu.region"() ({
      %run_scoped3A = tpu.sem_alloc : memref<!tpu.dma_semaphore, #tpu.memory_space<semaphore_mem>>
      %dma_start3A_177 = arith.constant 0 : i32
      %dma_start3A_178 = tpu.memref_slice %arg18[%add3A_10, %dma_start3A_177] : memref<10000x128xf32, #tpu.memory_space<vmem_shared>> -> memref<208x128xf32, #tpu.memory_space<vmem_shared>>
      tpu.enqueue_dma source(%arg4 : memref<208x128xf32, #tpu.memory_space<hbm>>) target(%dma_start3A_178 : memref<208x128xf32, #tpu.memory_space<vmem_shared>>) target_semaphore(%run_scoped3A : memref<!tpu.dma_semaphore, #tpu.memory_space<semaphore_mem>>)
      %dma_wait3A_179 = arith.constant 0 : i32
      %dma_wait3A_180 = tpu.memref_slice %arg18[%add3A_10, %dma_wait3A_179] : memref<10000x128xf32, #tpu.memory_space<vmem_shared>> -> memref<208x128xf32, #tpu.memory_space<vmem_shared>>
      tpu.wait_dma2 semaphore(%run_scoped3A : memref<!tpu.dma_semaphore, #tpu.memory_space<semaphore_mem>>) src(%arg4 : memref<208x128xf32, #tpu.memory_space<hbm>>) dst(%dma_wait3A_180 : memref<208x128xf32, #tpu.memory_space<vmem_shared>>)
      tpu.yield
    }) : () -> ()
    %eq3A = arith.constant 15 : i32
    %eq3A_11 = arith.cmpi eq, %arg1, %eq3A : i32
    %convert_element_type3A = arith.extui %eq3A_11 : i1 to i32
    %cond3A = arith.constant 0 : i32
    %cond3A_12 = arith.cmpi ne, %convert_element_type3A, %cond3A : i32
    scf.if %cond3A_12 {
      "tpu.region"() ({
        %run_scoped3A = tpu.sem_alloc : memref<!tpu.dma_semaphore, #tpu.memory_space<semaphore_mem>>
        %dma_start3A_177 = arith.constant 9984 : i32
        %dma_start3A_178 = arith.constant 0 : i32
        %dma_start3A_179 = tpu.memref_slice %arg18[%dma_start3A_177, %dma_start3A_178] : memref<10000x128xf32, #tpu.memory_space<vmem_shared>> -> memref<16x128xf32, #tpu.memory_space<vmem_shared>>
        %dma_start3A_180 = arith.constant 0 : i32
        %dma_start3A_181 = arith.constant 0 : i32
        %dma_start3A_182 = tpu.memref_slice %arg4[%dma_start3A_180, %dma_start3A_181] : memref<208x128xf32, #tpu.memory_space<hbm>> -> memref<16x128xf32, #tpu.memory_space<hbm>>
        tpu.enqueue_dma source(%dma_start3A_182 : memref<16x128xf32, #tpu.memory_space<hbm>>) target(%dma_start3A_179 : memref<16x128xf32, #tpu.memory_space<vmem_shared>>) target_semaphore(%run_scoped3A : memref<!tpu.dma_semaphore, #tpu.memory_space<semaphore_mem>>)
        %dma_wait3A_183 = arith.constant 9984 : i32
        %dma_wait3A_184 = arith.constant 0 : i32
        %dma_wait3A_185 = tpu.memref_slice %arg18[%dma_wait3A_183, %dma_wait3A_184] : memref<10000x128xf32, #tpu.memory_space<vmem_shared>> -> memref<16x128xf32, #tpu.memory_space<vmem_shared>>
        %dma_wait3A_186 = arith.constant 0 : i32
        %dma_wait3A_187 = arith.constant 0 : i32
        %dma_wait3A_188 = tpu.memref_slice %arg4[%dma_wait3A_186, %dma_wait3A_187] : memref<208x128xf32, #tpu.memory_space<hbm>> -> memref<16x128xf32, #tpu.memory_space<hbm>>
        tpu.wait_dma2 semaphore(%run_scoped3A : memref<!tpu.dma_semaphore, #tpu.memory_space<semaphore_mem>>) src(%dma_wait3A_188 : memref<16x128xf32, #tpu.memory_space<hbm>>) dst(%dma_wait3A_185 : memref<16x128xf32, #tpu.memory_space<vmem_shared>>)
        tpu.yield
      }) : () -> ()
    } else {
    }
    %barrier3A = arith.constant 0 : index
    tpu.barrier barrier_id(%barrier3A)
    %add3A_13 = arith.constant 0 : i32
    %add3A_14 = arith.addi %mul3A_2, %add3A_13 : i32
    %mul3A_15 = arith.constant 128 : i32
    %mul3A_16 = arith.muli %add3A_14, %mul3A_15 : i32
    %dma_start3A = tpu.memref_slice %arg3[%mul3A_16] : memref<327680xi32, #tpu.memory_space<hbm>> -> memref<128xi32, #tpu.memory_space<hbm>>
    %dma_start3A_17 = tpu.memref_slice %arg3[%mul3A_16] : memref<327680xi32, #tpu.memory_space<hbm>> -> memref<128xi32, #tpu.memory_space<hbm>>
    tpu.enqueue_dma source(%dma_start3A_17 : memref<128xi32, #tpu.memory_space<hbm>>) target(%arg6 : memref<128xi32, #tpu.memory_space<vmem>>) target_semaphore(%arg19 : memref<!tpu.dma_semaphore, #tpu.memory_space<semaphore_mem>>)
    %add3A_18 = arith.constant 1 : i32
    %add3A_19 = arith.addi %mul3A_2, %add3A_18 : i32
    %mul3A_20 = arith.constant 128 : i32
    %mul3A_21 = arith.muli %add3A_19, %mul3A_20 : i32
    %dma_start3A_22 = tpu.memref_slice %arg3[%mul3A_21] : memref<327680xi32, #tpu.memory_space<hbm>> -> memref<128xi32, #tpu.memory_space<hbm>>
    %dma_start3A_23 = tpu.memref_slice %arg3[%mul3A_21] : memref<327680xi32, #tpu.memory_space<hbm>> -> memref<128xi32, #tpu.memory_space<hbm>>
    tpu.enqueue_dma source(%dma_start3A_23 : memref<128xi32, #tpu.memory_space<hbm>>) target(%arg7 : memref<128xi32, #tpu.memory_space<vmem>>) target_semaphore(%arg20 : memref<!tpu.dma_semaphore, #tpu.memory_space<semaphore_mem>>)
    %dma_wait3A = arith.constant 0 : i32
    %dma_wait3A_24 = tpu.memref_slice %arg3[%dma_wait3A] : memref<327680xi32, #tpu.memory_space<hbm>> -> memref<128xi32, #tpu.memory_space<hbm>>
    %dma_wait3A_25 = arith.constant 0 : i32
    %dma_wait3A_26 = tpu.memref_slice %arg3[%dma_wait3A_25] : memref<327680xi32, #tpu.memory_space<hbm>> -> memref<128xi32, #tpu.memory_space<hbm>>
    tpu.wait_dma2 semaphore(%arg19 : memref<!tpu.dma_semaphore, #tpu.memory_space<semaphore_mem>>) src(%dma_wait3A_26 : memref<128xi32, #tpu.memory_space<hbm>>) dst(%arg6 : memref<128xi32, #tpu.memory_space<vmem>>)
    %get3A = arith.constant 0 : index
    %get3A_27 = tpu.vector_load %arg6[%get3A] {strides = array<i32>} : memref<128xi32, #tpu.memory_space<vmem>>, vector<16xi32>,
    %get3A_28 = vector.shape_cast %get3A_27 : vector<16xi32> to vector<16xi32>
    %and3A = arith.constant 65535 : i32
    %and3A_29 = vector.broadcast %and3A : i32 to vector<16xi32>
    %and3A_30 = arith.andi %get3A_28, %and3A_29 : vector<16xi32>
    %swap3A = arith.constant 0 : index
    %swap3A_31 = tpu.vector_load %arg9[%swap3A] {strides = array<i32>} : memref<128xi32, #tpu.memory_space<vmem>>, vector<16xi32>,
    %swap3A_32 = vector.shape_cast %swap3A_31 : vector<16xi32> to vector<16xi32>
    %swap3A_33 = vector.shape_cast %and3A_30 : vector<16xi32> to vector<16xi32>
    tpu.vector_store %arg9[%swap3A], %swap3A_33 {strides = array<i32>} : memref<128xi32, #tpu.memory_space<vmem>>, vector<16xi32>,
    %shift_right_logical3A = arith.constant 16 : i32
    %shift_right_logical3A_34 = vector.broadcast %shift_right_logical3A : i32 to vector<16xi32>
    %shift_right_logical3A_35 = arith.shrui %get3A_28, %shift_right_logical3A_34 : vector<16xi32>
    %swap3A_36 = arith.constant 0 : index
    %swap3A_37 = tpu.vector_load %arg12[%swap3A_36] {strides = array<i32>} : memref<128xi32, #tpu.memory_space<vmem>>, vector<16xi32>,
    %swap3A_38 = vector.shape_cast %swap3A_37 : vector<16xi32> to vector<16xi32>
    %swap3A_39 = vector.shape_cast %shift_right_logical3A_35 : vector<16xi32> to vector<16xi32>
    tpu.vector_store %arg12[%swap3A_36], %swap3A_39 {strides = array<i32>} : memref<128xi32, #tpu.memory_space<vmem>>, vector<16xi32>,
    %get3A_40 = arith.constant 16 : index
    %get3A_41 = tpu.vector_load %arg6[%get3A_40] {strides = array<i32>} : memref<128xi32, #tpu.memory_space<vmem>>, vector<16xi32>,
    %get3A_42 = vector.shape_cast %get3A_41 : vector<16xi32> to vector<16xi32>
    %and3A_43 = arith.constant 65535 : i32
    %and3A_44 = vector.broadcast %and3A_43 : i32 to vector<16xi32>
    %and3A_45 = arith.andi %get3A_42, %and3A_44 : vector<16xi32>
    %swap3A_46 = arith.constant 16 : index
    %swap3A_47 = tpu.vector_load %arg9[%swap3A_46] {strides = array<i32>} : memref<128xi32, #tpu.memory_space<vmem>>, vector<16xi32>,
    %swap3A_48 = vector.shape_cast %swap3A_47 : vector<16xi32> to vector<16xi32>
    %swap3A_49 = vector.shape_cast %and3A_45 : vector<16xi32> to vector<16xi32>
    tpu.vector_store %arg9[%swap3A_46], %swap3A_49 {strides = array<i32>} : memref<128xi32, #tpu.memory_space<vmem>>, vector<16xi32>,
    %shift_right_logical3A_50 = arith.constant 16 : i32
    %shift_right_logical3A_51 = vector.broadcast %shift_right_logical3A_50 : i32 to vector<16xi32>
    %shift_right_logical3A_52 = arith.shrui %get3A_42, %shift_right_logical3A_51 : vector<16xi32>
    %swap3A_53 = arith.constant 16 : index
    %swap3A_54 = tpu.vector_load %arg12[%swap3A_53] {strides = array<i32>} : memref<128xi32, #tpu.memory_space<vmem>>, vector<16xi32>,
    %swap3A_55 = vector.shape_cast %swap3A_54 : vector<16xi32> to vector<16xi32>
    %swap3A_56 = vector.shape_cast %shift_right_logical3A_52 : vector<16xi32> to vector<16xi32>
    tpu.vector_store %arg12[%swap3A_53], %swap3A_56 {strides = array<i32>} : memref<128xi32, #tpu.memory_space<vmem>>, vector<16xi32>,
    %get3A_57 = arith.constant 32 : index
    %get3A_58 = tpu.vector_load %arg6[%get3A_57] {strides = array<i32>} : memref<128xi32, #tpu.memory_space<vmem>>, vector<16xi32>,
    %get3A_59 = vector.shape_cast %get3A_58 : vector<16xi32> to vector<16xi32>
    %and3A_60 = arith.constant 65535 : i32
    %and3A_61 = vector.broadcast %and3A_60 : i32 to vector<16xi32>
    %and3A_62 = arith.andi %get3A_59, %and3A_61 : vector<16xi32>
    %swap3A_63 = arith.constant 32 : index
    %swap3A_64 = tpu.vector_load %arg9[%swap3A_63] {strides = array<i32>} : memref<128xi32, #tpu.memory_space<vmem>>, vector<16xi32>,
    %swap3A_65 = vector.shape_cast %swap3A_64 : vector<16xi32> to vector<16xi32>
    %swap3A_66 = vector.shape_cast %and3A_62 : vector<16xi32> to vector<16xi32>
    tpu.vector_store %arg9[%swap3A_63], %swap3A_66 {strides = array<i32>} : memref<128xi32, #tpu.memory_space<vmem>>, vector<16xi32>,
    %shift_right_logical3A_67 = arith.constant 16 : i32
    %shift_right_logical3A_68 = vector.broadcast %shift_right_logical3A_67 : i32 to vector<16xi32>
    %shift_right_logical3A_69 = arith.shrui %get3A_59, %shift_right_logical3A_68 : vector<16xi32>
    %swap3A_70 = arith.constant 32 : index
    %swap3A_71 = tpu.vector_load %arg12[%swap3A_70] {strides = array<i32>} : memref<128xi32, #tpu.memory_space<vmem>>, vector<16xi32>,
    %swap3A_72 = vector.shape_cast %swap3A_71 : vector<16xi32> to vector<16xi32>
    %swap3A_73 = vector.shape_cast %shift_right_logical3A_69 : vector<16xi32> to vector<16xi32>
    tpu.vector_store %arg12[%swap3A_70], %swap3A_73 {strides = array<i32>} : memref<128xi32, #tpu.memory_space<vmem>>, vector<16xi32>,
    %get3A_74 = arith.constant 48 : index
    %get3A_75 = tpu.vector_load %arg6[%get3A_74] {strides = array<i32>} : memref<128xi32, #tpu.memory_space<vmem>>, vector<16xi32>,
    %get3A_76 = vector.shape_cast %get3A_75 : vector<16xi32> to vector<16xi32>
    %and3A_77 = arith.constant 65535 : i32
    %and3A_78 = vector.broadcast %and3A_77 : i32 to vector<16xi32>
    %and3A_79 = arith.andi %get3A_76, %and3A_78 : vector<16xi32>
    %swap3A_80 = arith.constant 48 : index
    %swap3A_81 = tpu.vector_load %arg9[%swap3A_80] {strides = array<i32>} : memref<128xi32, #tpu.memory_space<vmem>>, vector<16xi32>,
    %swap3A_82 = vector.shape_cast %swap3A_81 : vector<16xi32> to vector<16xi32>
    %swap3A_83 = vector.shape_cast %and3A_79 : vector<16xi32> to vector<16xi32>
    tpu.vector_store %arg9[%swap3A_80], %swap3A_83 {strides = array<i32>} : memref<128xi32, #tpu.memory_space<vmem>>, vector<16xi32>,
    %shift_right_logical3A_84 = arith.constant 16 : i32
    %shift_right_logical3A_85 = vector.broadcast %shift_right_logical3A_84 : i32 to vector<16xi32>
    %shift_right_logical3A_86 = arith.shrui %get3A_76, %shift_right_logical3A_85 : vector<16xi32>
    %swap3A_87 = arith.constant 48 : index
    %swap3A_88 = tpu.vector_load %arg12[%swap3A_87] {strides = array<i32>} : memref<128xi32, #tpu.memory_space<vmem>>, vector<16xi32>,
    %swap3A_89 = vector.shape_cast %swap3A_88 : vector<16xi32> to vector<16xi32>
    %swap3A_90 = vector.shape_cast %shift_right_logical3A_86 : vector<16xi32> to vector<16xi32>
    tpu.vector_store %arg12[%swap3A_87], %swap3A_90 {strides = array<i32>} : memref<128xi32, #tpu.memory_space<vmem>>, vector<16xi32>,
    %get3A_91 = arith.constant 64 : index
    %get3A_92 = tpu.vector_load %arg6[%get3A_91] {strides = array<i32>} : memref<128xi32, #tpu.memory_space<vmem>>, vector<16xi32>,
    %get3A_93 = vector.shape_cast %get3A_92 : vector<16xi32> to vector<16xi32>
    %and3A_94 = arith.constant 65535 : i32
    %and3A_95 = vector.broadcast %and3A_94 : i32 to vector<16xi32>
    %and3A_96 = arith.andi %get3A_93, %and3A_95 : vector<16xi32>
    %swap3A_97 = arith.constant 64 : index
    %swap3A_98 = tpu.vector_load %arg9[%swap3A_97] {strides = array<i32>} : memref<128xi32, #tpu.memory_space<vmem>>, vector<16xi32>,
    %swap3A_99 = vector.shape_cast %swap3A_98 : vector<16xi32> to vector<16xi32>
    %swap3A_100 = vector.shape_cast %and3A_96 : vector<16xi32> to vector<16xi32>
    tpu.vector_store %arg9[%swap3A_97], %swap3A_100 {strides = array<i32>} : memref<128xi32, #tpu.memory_space<vmem>>, vector<16xi32>,
    %shift_right_logical3A_101 = arith.constant 16 : i32
    %shift_right_logical3A_102 = vector.broadcast %shift_right_logical3A_101 : i32 to vector<16xi32>
    %shift_right_logical3A_103 = arith.shrui %get3A_93, %shift_right_logical3A_102 : vector<16xi32>
    %swap3A_104 = arith.constant 64 : index
    %swap3A_105 = tpu.vector_load %arg12[%swap3A_104] {strides = array<i32>} : memref<128xi32, #tpu.memory_space<vmem>>, vector<16xi32>,
    %swap3A_106 = vector.shape_cast %swap3A_105 : vector<16xi32> to vector<16xi32>
    %swap3A_107 = vector.shape_cast %shift_right_logical3A_103 : vector<16xi32> to vector<16xi32>
    tpu.vector_store %arg12[%swap3A_104], %swap3A_107 {strides = array<i32>} : memref<128xi32, #tpu.memory_space<vmem>>, vector<16xi32>,
    %get3A_108 = arith.constant 80 : index
    %get3A_109 = tpu.vector_load %arg6[%get3A_108] {strides = array<i32>} : memref<128xi32, #tpu.memory_space<vmem>>, vector<16xi32>,
    %get3A_110 = vector.shape_cast %get3A_109 : vector<16xi32> to vector<16xi32>
    %and3A_111 = arith.constant 65535 : i32
    %and3A_112 = vector.broadcast %and3A_111 : i32 to vector<16xi32>
    %and3A_113 = arith.andi %get3A_110, %and3A_112 : vector<16xi32>
    %swap3A_114 = arith.constant 80 : index
    %swap3A_115 = tpu.vector_load %arg9[%swap3A_114] {strides = array<i32>} : memref<128xi32, #tpu.memory_space<vmem>>, vector<16xi32>,
    %swap3A_116 = vector.shape_cast %swap3A_115 : vector<16xi32> to vector<16xi32>
    %swap3A_117 = vector.shape_cast %and3A_113 : vector<16xi32> to vector<16xi32>
    tpu.vector_store %arg9[%swap3A_114], %swap3A_117 {strides = array<i32>} : memref<128xi32, #tpu.memory_space<vmem>>, vector<16xi32>,
    %shift_right_logical3A_118 = arith.constant 16 : i32
    %shift_right_logical3A_119 = vector.broadcast %shift_right_logical3A_118 : i32 to vector<16xi32>
    %shift_right_logical3A_120 = arith.shrui %get3A_110, %shift_right_logical3A_119 : vector<16xi32>
    %swap3A_121 = arith.constant 80 : index
    %swap3A_122 = tpu.vector_load %arg12[%swap3A_121] {strides = array<i32>} : memref<128xi32, #tpu.memory_space<vmem>>, vector<16xi32>,
    %swap3A_123 = vector.shape_cast %swap3A_122 : vector<16xi32> to vector<16xi32>
    %swap3A_124 = vector.shape_cast %shift_right_logical3A_120 : vector<16xi32> to vector<16xi32>
    tpu.vector_store %arg12[%swap3A_121], %swap3A_124 {strides = array<i32>} : memref<128xi32, #tpu.memory_space<vmem>>, vector<16xi32>,
    %get3A_125 = arith.constant 96 : index
    %get3A_126 = tpu.vector_load %arg6[%get3A_125] {strides = array<i32>} : memref<128xi32, #tpu.memory_space<vmem>>, vector<16xi32>,
    %get3A_127 = vector.shape_cast %get3A_126 : vector<16xi32> to vector<16xi32>
    %and3A_128 = arith.constant 65535 : i32
    %and3A_129 = vector.broadcast %and3A_128 : i32 to vector<16xi32>
    %and3A_130 = arith.andi %get3A_127, %and3A_129 : vector<16xi32>
    %swap3A_131 = arith.constant 96 : index
    %swap3A_132 = tpu.vector_load %arg9[%swap3A_131] {strides = array<i32>} : memref<128xi32, #tpu.memory_space<vmem>>, vector<16xi32>,
    %swap3A_133 = vector.shape_cast %swap3A_132 : vector<16xi32> to vector<16xi32>
    %swap3A_134 = vector.shape_cast %and3A_130 : vector<16xi32> to vector<16xi32>
    tpu.vector_store %arg9[%swap3A_131], %swap3A_134 {strides = array<i32>} : memref<128xi32, #tpu.memory_space<vmem>>, vector<16xi32>,
    %shift_right_logical3A_135 = arith.constant 16 : i32
    %shift_right_logical3A_136 = vector.broadcast %shift_right_logical3A_135 : i32 to vector<16xi32>
    %shift_right_logical3A_137 = arith.shrui %get3A_127, %shift_right_logical3A_136 : vector<16xi32>
    %swap3A_138 = arith.constant 96 : index
    %swap3A_139 = tpu.vector_load %arg12[%swap3A_138] {strides = array<i32>} : memref<128xi32, #tpu.memory_space<vmem>>, vector<16xi32>,
    %swap3A_140 = vector.shape_cast %swap3A_139 : vector<16xi32> to vector<16xi32>
    %swap3A_141 = vector.shape_cast %shift_right_logical3A_137 : vector<16xi32> to vector<16xi32>
    tpu.vector_store %arg12[%swap3A_138], %swap3A_141 {strides = array<i32>} : memref<128xi32, #tpu.memory_space<vmem>>, vector<16xi32>,
    %get3A_142 = arith.constant 112 : index
    %get3A_143 = tpu.vector_load %arg6[%get3A_142] {strides = array<i32>} : memref<128xi32, #tpu.memory_space<vmem>>, vector<16xi32>,
    %get3A_144 = vector.shape_cast %get3A_143 : vector<16xi32> to vector<16xi32>
    %and3A_145 = arith.constant 65535 : i32
    %and3A_146 = vector.broadcast %and3A_145 : i32 to vector<16xi32>
    %and3A_147 = arith.andi %get3A_144, %and3A_146 : vector<16xi32>
    %swap3A_148 = arith.constant 112 : index
    %swap3A_149 = tpu.vector_load %arg9[%swap3A_148] {strides = array<i32>} : memref<128xi32, #tpu.memory_space<vmem>>, vector<16xi32>,
    %swap3A_150 = vector.shape_cast %swap3A_149 : vector<16xi32> to vector<16xi32>
    %swap3A_151 = vector.shape_cast %and3A_147 : vector<16xi32> to vector<16xi32>
    tpu.vector_store %arg9[%swap3A_148], %swap3A_151 {strides = array<i32>} : memref<128xi32, #tpu.memory_space<vmem>>, vector<16xi32>,
    %shift_right_logical3A_152 = arith.constant 16 : i32
    %shift_right_logical3A_153 = vector.broadcast %shift_right_logical3A_152 : i32 to vector<16xi32>
    %shift_right_logical3A_154 = arith.shrui %get3A_144, %shift_right_logical3A_153 : vector<16xi32>
    %swap3A_155 = arith.constant 112 : index
    %swap3A_156 = tpu.vector_load %arg12[%swap3A_155] {strides = array<i32>} : memref<128xi32, #tpu.memory_space<vmem>>, vector<16xi32>,
    %swap3A_157 = vector.shape_cast %swap3A_156 : vector<16xi32> to vector<16xi32>
    %swap3A_158 = vector.shape_cast %shift_right_logical3A_154 : vector<16xi32> to vector<16xi32>
    tpu.vector_store %arg12[%swap3A_155], %swap3A_158 {strides = array<i32>} : memref<128xi32, #tpu.memory_space<vmem>>, vector<16xi32>,
    %dma_start3A_159 = arith.constant 0 : i32
    %dma_start3A_160 = arith.constant 0 : i32
    %dma_start3A_161 = tpu.memref_slice %arg2[%dma_start3A_159, %dma_start3A_160] : memref<10016x128xf32, #tpu.memory_space<hbm>> -> memref<10016x128xf32, #tpu.memory_space<hbm>>
    tpu.enqueue_indirect_dma source(%dma_start3A_161 : memref<10016x128xf32, #tpu.memory_space<hbm>>) target(%arg15 : memref<128x128xf32, #tpu.memory_space<vmem>>) offsets(%arg9 : memref<128xi32, #tpu.memory_space<vmem>>) semaphore(%arg22 : memref<!tpu.dma_semaphore, #tpu.memory_space<semaphore_mem>>)
    %scan3A = arith.constant 0 : i32
    %scan3A_162 = arith.constant 0 : i32
    %scan3A_163 = arith.constant 27 : i32
    %scan3A_164 = arith.addi %scan3A_162, %scan3A_163 : i32
    %scan3A_165 = arith.constant 1 : i32
    scf.for %scan3A_177 = %scan3A_162 to %scan3A_164 step %scan3A_165  : i32 {
      %mul3A_178 = arith.constant 3 : i32
      %mul3A_179 = arith.muli %scan3A_177, %mul3A_178 : i32
      %add3A_180 = arith.constant 0 : i32
      %add3A_181 = arith.addi %mul3A_179, %add3A_180 : i32
      %add3A_182 = arith.constant 2 : i32
      %add3A_183 = arith.addi %add3A_181, %add3A_182 : i32
      %lt3A_184 = arith.constant 80 : i32
      %lt3A_185 = arith.cmpi slt, %add3A_183, %lt3A_184 : i32
      %convert_element_type3A_186 = arith.extui %lt3A_185 : i1 to i32
      %cond3A_187 = arith.constant 0 : i32
      %cond3A_188 = arith.cmpi ne, %convert_element_type3A_186, %cond3A_187 : i32
      scf.if %cond3A_188 {
        %add3A_243 = arith.constant 2 : i32
        %add3A_244 = arith.addi %add3A_181, %add3A_243 : i32
        %add3A_245 = arith.addi %mul3A_2, %add3A_244 : i32
        %mul3A_246 = arith.constant 128 : i32
        %mul3A_247 = arith.muli %add3A_245, %mul3A_246 : i32
        %dma_start3A_248 = tpu.memref_slice %arg3[%mul3A_247] : memref<327680xi32, #tpu.memory_space<hbm>> -> memref<128xi32, #tpu.memory_space<hbm>>
        %dma_start3A_249 = tpu.memref_slice %arg3[%mul3A_247] : memref<327680xi32, #tpu.memory_space<hbm>> -> memref<128xi32, #tpu.memory_space<hbm>>
        tpu.enqueue_dma source(%dma_start3A_249 : memref<128xi32, #tpu.memory_space<hbm>>) target(%arg8 : memref<128xi32, #tpu.memory_space<vmem>>) target_semaphore(%arg21 : memref<!tpu.dma_semaphore, #tpu.memory_space<semaphore_mem>>)
      } else {
      }
      %add3A_189 = arith.constant 1 : i32
      %add3A_190 = arith.addi %add3A_181, %add3A_189 : i32
      %lt3A_191 = arith.constant 80 : i32
      %lt3A_192 = arith.cmpi slt, %add3A_190, %lt3A_191 : i32
      %convert_element_type3A_193 = arith.extui %lt3A_192 : i1 to i32
      %cond3A_194 = arith.constant 0 : i32
      %cond3A_195 = arith.cmpi ne, %convert_element_type3A_193, %cond3A_194 : i32
      scf.if %cond3A_195 {
        %dma_wait3A_243 = arith.constant 0 : i32
        %dma_wait3A_244 = tpu.memref_slice %arg3[%dma_wait3A_243] : memref<327680xi32, #tpu.memory_space<hbm>> -> memref<128xi32, #tpu.memory_space<hbm>>
        %dma_wait3A_245 = arith.constant 0 : i32
        %dma_wait3A_246 = tpu.memref_slice %arg3[%dma_wait3A_245] : memref<327680xi32, #tpu.memory_space<hbm>> -> memref<128xi32, #tpu.memory_space<hbm>>
        tpu.wait_dma2 semaphore(%arg20 : memref<!tpu.dma_semaphore, #tpu.memory_space<semaphore_mem>>) src(%dma_wait3A_246 : memref<128xi32, #tpu.memory_space<hbm>>) dst(%arg7 : memref<128xi32, #tpu.memory_space<vmem>>)
        %get3A_247 = arith.constant 0 : index
        %get3A_248 = tpu.vector_load %arg7[%get3A_247] {strides = array<i32>} : memref<128xi32, #tpu.memory_space<vmem>>, vector<16xi32>,
        %get3A_249 = vector.shape_cast %get3A_248 : vector<16xi32> to vector<16xi32>
        %and3A_250 = arith.constant 65535 : i32
        %and3A_251 = vector.broadcast %and3A_250 : i32 to vector<16xi32>
        %and3A_252 = arith.andi %get3A_249, %and3A_251 : vector<16xi32>
        %swap3A_253 = arith.constant 0 : index
        %swap3A_254 = tpu.vector_load %arg10[%swap3A_253] {strides = array<i32>} : memref<128xi32, #tpu.memory_space<vmem>>, vector<16xi32>,
        %swap3A_255 = vector.shape_cast %swap3A_254 : vector<16xi32> to vector<16xi32>
        %swap3A_256 = vector.shape_cast %and3A_252 : vector<16xi32> to vector<16xi32>
        tpu.vector_store %arg10[%swap3A_253], %swap3A_256 {strides = array<i32>} : memref<128xi32, #tpu.memory_space<vmem>>, vector<16xi32>,
        %shift_right_logical3A_257 = arith.constant 16 : i32
        %shift_right_logical3A_258 = vector.broadcast %shift_right_logical3A_257 : i32 to vector<16xi32>
        %shift_right_logical3A_259 = arith.shrui %get3A_249, %shift_right_logical3A_258 : vector<16xi32>
        %swap3A_260 = arith.constant 0 : index
        %swap3A_261 = tpu.vector_load %arg13[%swap3A_260] {strides = array<i32>} : memref<128xi32, #tpu.memory_space<vmem>>, vector<16xi32>,
        %swap3A_262 = vector.shape_cast %swap3A_261 : vector<16xi32> to vector<16xi32>
        %swap3A_263 = vector.shape_cast %shift_right_logical3A_259 : vector<16xi32> to vector<16xi32>
        tpu.vector_store %arg13[%swap3A_260], %swap3A_263 {strides = array<i32>} : memref<128xi32, #tpu.memory_space<vmem>>, vector<16xi32>,
        %get3A_264 = arith.constant 16 : index
        %get3A_265 = tpu.vector_load %arg7[%get3A_264] {strides = array<i32>} : memref<128xi32, #tpu.memory_space<vmem>>, vector<16xi32>,
        %get3A_266 = vector.shape_cast %get3A_265 : vector<16xi32> to vector<16xi32>
        %and3A_267 = arith.constant 65535 : i32
        %and3A_268 = vector.broadcast %and3A_267 : i32 to vector<16xi32>
        %and3A_269 = arith.andi %get3A_266, %and3A_268 : vector<16xi32>
        %swap3A_270 = arith.constant 16 : index
        %swap3A_271 = tpu.vector_load %arg10[%swap3A_270] {strides = array<i32>} : memref<128xi32, #tpu.memory_space<vmem>>, vector<16xi32>,
        %swap3A_272 = vector.shape_cast %swap3A_271 : vector<16xi32> to vector<16xi32>
        %swap3A_273 = vector.shape_cast %and3A_269 : vector<16xi32> to vector<16xi32>
        tpu.vector_store %arg10[%swap3A_270], %swap3A_273 {strides = array<i32>} : memref<128xi32, #tpu.memory_space<vmem>>, vector<16xi32>,
        %shift_right_logical3A_274 = arith.constant 16 : i32
        %shift_right_logical3A_275 = vector.broadcast %shift_right_logical3A_274 : i32 to vector<16xi32>
        %shift_right_logical3A_276 = arith.shrui %get3A_266, %shift_right_logical3A_275 : vector<16xi32>
        %swap3A_277 = arith.constant 16 : index
        %swap3A_278 = tpu.vector_load %arg13[%swap3A_277] {strides = array<i32>} : memref<128xi32, #tpu.memory_space<vmem>>, vector<16xi32>,
        %swap3A_279 = vector.shape_cast %swap3A_278 : vector<16xi32> to vector<16xi32>
        %swap3A_280 = vector.shape_cast %shift_right_logical3A_276 : vector<16xi32> to vector<16xi32>
        tpu.vector_store %arg13[%swap3A_277], %swap3A_280 {strides = array<i32>} : memref<128xi32, #tpu.memory_space<vmem>>, vector<16xi32>,
        %get3A_281 = arith.constant 32 : index
        %get3A_282 = tpu.vector_load %arg7[%get3A_281] {strides = array<i32>} : memref<128xi32, #tpu.memory_space<vmem>>, vector<16xi32>,
        %get3A_283 = vector.shape_cast %get3A_282 : vector<16xi32> to vector<16xi32>
        %and3A_284 = arith.constant 65535 : i32
        %and3A_285 = vector.broadcast %and3A_284 : i32 to vector<16xi32>
        %and3A_286 = arith.andi %get3A_283, %and3A_285 : vector<16xi32>
        %swap3A_287 = arith.constant 32 : index
        %swap3A_288 = tpu.vector_load %arg10[%swap3A_287] {strides = array<i32>} : memref<128xi32, #tpu.memory_space<vmem>>, vector<16xi32>,
        %swap3A_289 = vector.shape_cast %swap3A_288 : vector<16xi32> to vector<16xi32>
        %swap3A_290 = vector.shape_cast %and3A_286 : vector<16xi32> to vector<16xi32>
        tpu.vector_store %arg10[%swap3A_287], %swap3A_290 {strides = array<i32>} : memref<128xi32, #tpu.memory_space<vmem>>, vector<16xi32>,
        %shift_right_logical3A_291 = arith.constant 16 : i32
        %shift_right_logical3A_292 = vector.broadcast %shift_right_logical3A_291 : i32 to vector<16xi32>
        %shift_right_logical3A_293 = arith.shrui %get3A_283, %shift_right_logical3A_292 : vector<16xi32>
        %swap3A_294 = arith.constant 32 : index
        %swap3A_295 = tpu.vector_load %arg13[%swap3A_294] {strides = array<i32>} : memref<128xi32, #tpu.memory_space<vmem>>, vector<16xi32>,
        %swap3A_296 = vector.shape_cast %swap3A_295 : vector<16xi32> to vector<16xi32>
        %swap3A_297 = vector.shape_cast %shift_right_logical3A_293 : vector<16xi32> to vector<16xi32>
        tpu.vector_store %arg13[%swap3A_294], %swap3A_297 {strides = array<i32>} : memref<128xi32, #tpu.memory_space<vmem>>, vector<16xi32>,
        %get3A_298 = arith.constant 48 : index
        %get3A_299 = tpu.vector_load %arg7[%get3A_298] {strides = array<i32>} : memref<128xi32, #tpu.memory_space<vmem>>, vector<16xi32>,
        %get3A_300 = vector.shape_cast %get3A_299 : vector<16xi32> to vector<16xi32>
        %and3A_301 = arith.constant 65535 : i32
        %and3A_302 = vector.broadcast %and3A_301 : i32 to vector<16xi32>
        %and3A_303 = arith.andi %get3A_300, %and3A_302 : vector<16xi32>
        %swap3A_304 = arith.constant 48 : index
        %swap3A_305 = tpu.vector_load %arg10[%swap3A_304] {strides = array<i32>} : memref<128xi32, #tpu.memory_space<vmem>>, vector<16xi32>,
        %swap3A_306 = vector.shape_cast %swap3A_305 : vector<16xi32> to vector<16xi32>
        %swap3A_307 = vector.shape_cast %and3A_303 : vector<16xi32> to vector<16xi32>
        tpu.vector_store %arg10[%swap3A_304], %swap3A_307 {strides = array<i32>} : memref<128xi32, #tpu.memory_space<vmem>>, vector<16xi32>,
        %shift_right_logical3A_308 = arith.constant 16 : i32
        %shift_right_logical3A_309 = vector.broadcast %shift_right_logical3A_308 : i32 to vector<16xi32>
        %shift_right_logical3A_310 = arith.shrui %get3A_300, %shift_right_logical3A_309 : vector<16xi32>
        %swap3A_311 = arith.constant 48 : index
        %swap3A_312 = tpu.vector_load %arg13[%swap3A_311] {strides = array<i32>} : memref<128xi32, #tpu.memory_space<vmem>>, vector<16xi32>,
        %swap3A_313 = vector.shape_cast %swap3A_312 : vector<16xi32> to vector<16xi32>
        %swap3A_314 = vector.shape_cast %shift_right_logical3A_310 : vector<16xi32> to vector<16xi32>
        tpu.vector_store %arg13[%swap3A_311], %swap3A_314 {strides = array<i32>} : memref<128xi32, #tpu.memory_space<vmem>>, vector<16xi32>,
        %get3A_315 = arith.constant 64 : index
        %get3A_316 = tpu.vector_load %arg7[%get3A_315] {strides = array<i32>} : memref<128xi32, #tpu.memory_space<vmem>>, vector<16xi32>,
        %get3A_317 = vector.shape_cast %get3A_316 : vector<16xi32> to vector<16xi32>
        %and3A_318 = arith.constant 65535 : i32
        %and3A_319 = vector.broadcast %and3A_318 : i32 to vector<16xi32>
        %and3A_320 = arith.andi %get3A_317, %and3A_319 : vector<16xi32>
        %swap3A_321 = arith.constant 64 : index
        %swap3A_322 = tpu.vector_load %arg10[%swap3A_321] {strides = array<i32>} : memref<128xi32, #tpu.memory_space<vmem>>, vector<16xi32>,
        %swap3A_323 = vector.shape_cast %swap3A_322 : vector<16xi32> to vector<16xi32>
        %swap3A_324 = vector.shape_cast %and3A_320 : vector<16xi32> to vector<16xi32>
        tpu.vector_store %arg10[%swap3A_321], %swap3A_324 {strides = array<i32>} : memref<128xi32, #tpu.memory_space<vmem>>, vector<16xi32>,
        %shift_right_logical3A_325 = arith.constant 16 : i32
        %shift_right_logical3A_326 = vector.broadcast %shift_right_logical3A_325 : i32 to vector<16xi32>
        %shift_right_logical3A_327 = arith.shrui %get3A_317, %shift_right_logical3A_326 : vector<16xi32>
        %swap3A_328 = arith.constant 64 : index
        %swap3A_329 = tpu.vector_load %arg13[%swap3A_328] {strides = array<i32>} : memref<128xi32, #tpu.memory_space<vmem>>, vector<16xi32>,
        %swap3A_330 = vector.shape_cast %swap3A_329 : vector<16xi32> to vector<16xi32>
        %swap3A_331 = vector.shape_cast %shift_right_logical3A_327 : vector<16xi32> to vector<16xi32>
        tpu.vector_store %arg13[%swap3A_328], %swap3A_331 {strides = array<i32>} : memref<128xi32, #tpu.memory_space<vmem>>, vector<16xi32>,
        %get3A_332 = arith.constant 80 : index
        %get3A_333 = tpu.vector_load %arg7[%get3A_332] {strides = array<i32>} : memref<128xi32, #tpu.memory_space<vmem>>, vector<16xi32>,
        %get3A_334 = vector.shape_cast %get3A_333 : vector<16xi32> to vector<16xi32>
        %and3A_335 = arith.constant 65535 : i32
        %and3A_336 = vector.broadcast %and3A_335 : i32 to vector<16xi32>
        %and3A_337 = arith.andi %get3A_334, %and3A_336 : vector<16xi32>
        %swap3A_338 = arith.constant 80 : index
        %swap3A_339 = tpu.vector_load %arg10[%swap3A_338] {strides = array<i32>} : memref<128xi32, #tpu.memory_space<vmem>>, vector<16xi32>,
        %swap3A_340 = vector.shape_cast %swap3A_339 : vector<16xi32> to vector<16xi32>
        %swap3A_341 = vector.shape_cast %and3A_337 : vector<16xi32> to vector<16xi32>
        tpu.vector_store %arg10[%swap3A_338], %swap3A_341 {strides = array<i32>} : memref<128xi32, #tpu.memory_space<vmem>>, vector<16xi32>,
        %shift_right_logical3A_342 = arith.constant 16 : i32
        %shift_right_logical3A_343 = vector.broadcast %shift_right_logical3A_342 : i32 to vector<16xi32>
        %shift_right_logical3A_344 = arith.shrui %get3A_334, %shift_right_logical3A_343 : vector<16xi32>
        %swap3A_345 = arith.constant 80 : index
        %swap3A_346 = tpu.vector_load %arg13[%swap3A_345] {strides = array<i32>} : memref<128xi32, #tpu.memory_space<vmem>>, vector<16xi32>,
        %swap3A_347 = vector.shape_cast %swap3A_346 : vector<16xi32> to vector<16xi32>
        %swap3A_348 = vector.shape_cast %shift_right_logical3A_344 : vector<16xi32> to vector<16xi32>
        tpu.vector_store %arg13[%swap3A_345], %swap3A_348 {strides = array<i32>} : memref<128xi32, #tpu.memory_space<vmem>>, vector<16xi32>,
        %get3A_349 = arith.constant 96 : index
        %get3A_350 = tpu.vector_load %arg7[%get3A_349] {strides = array<i32>} : memref<128xi32, #tpu.memory_space<vmem>>, vector<16xi32>,
        %get3A_351 = vector.shape_cast %get3A_350 : vector<16xi32> to vector<16xi32>
        %and3A_352 = arith.constant 65535 : i32
        %and3A_353 = vector.broadcast %and3A_352 : i32 to vector<16xi32>
        %and3A_354 = arith.andi %get3A_351, %and3A_353 : vector<16xi32>
        %swap3A_355 = arith.constant 96 : index
        %swap3A_356 = tpu.vector_load %arg10[%swap3A_355] {strides = array<i32>} : memref<128xi32, #tpu.memory_space<vmem>>, vector<16xi32>,
        %swap3A_357 = vector.shape_cast %swap3A_356 : vector<16xi32> to vector<16xi32>
        %swap3A_358 = vector.shape_cast %and3A_354 : vector<16xi32> to vector<16xi32>
        tpu.vector_store %arg10[%swap3A_355], %swap3A_358 {strides = array<i32>} : memref<128xi32, #tpu.memory_space<vmem>>, vector<16xi32>,
        %shift_right_logical3A_359 = arith.constant 16 : i32
        %shift_right_logical3A_360 = vector.broadcast %shift_right_logical3A_359 : i32 to vector<16xi32>
        %shift_right_logical3A_361 = arith.shrui %get3A_351, %shift_right_logical3A_360 : vector<16xi32>
        %swap3A_362 = arith.constant 96 : index
        %swap3A_363 = tpu.vector_load %arg13[%swap3A_362] {strides = array<i32>} : memref<128xi32, #tpu.memory_space<vmem>>, vector<16xi32>,
        %swap3A_364 = vector.shape_cast %swap3A_363 : vector<16xi32> to vector<16xi32>
        %swap3A_365 = vector.shape_cast %shift_right_logical3A_361 : vector<16xi32> to vector<16xi32>
        tpu.vector_store %arg13[%swap3A_362], %swap3A_365 {strides = array<i32>} : memref<128xi32, #tpu.memory_space<vmem>>, vector<16xi32>,
        %get3A_366 = arith.constant 112 : index
        %get3A_367 = tpu.vector_load %arg7[%get3A_366] {strides = array<i32>} : memref<128xi32, #tpu.memory_space<vmem>>, vector<16xi32>,
        %get3A_368 = vector.shape_cast %get3A_367 : vector<16xi32> to vector<16xi32>
        %and3A_369 = arith.constant 65535 : i32
        %and3A_370 = vector.broadcast %and3A_369 : i32 to vector<16xi32>
        %and3A_371 = arith.andi %get3A_368, %and3A_370 : vector<16xi32>
        %swap3A_372 = arith.constant 112 : index
        %swap3A_373 = tpu.vector_load %arg10[%swap3A_372] {strides = array<i32>} : memref<128xi32, #tpu.memory_space<vmem>>, vector<16xi32>,
        %swap3A_374 = vector.shape_cast %swap3A_373 : vector<16xi32> to vector<16xi32>
        %swap3A_375 = vector.shape_cast %and3A_371 : vector<16xi32> to vector<16xi32>
        tpu.vector_store %arg10[%swap3A_372], %swap3A_375 {strides = array<i32>} : memref<128xi32, #tpu.memory_space<vmem>>, vector<16xi32>,
        %shift_right_logical3A_376 = arith.constant 16 : i32
        %shift_right_logical3A_377 = vector.broadcast %shift_right_logical3A_376 : i32 to vector<16xi32>
        %shift_right_logical3A_378 = arith.shrui %get3A_368, %shift_right_logical3A_377 : vector<16xi32>
        %swap3A_379 = arith.constant 112 : index
        %swap3A_380 = tpu.vector_load %arg13[%swap3A_379] {strides = array<i32>} : memref<128xi32, #tpu.memory_space<vmem>>, vector<16xi32>,
        %swap3A_381 = vector.shape_cast %swap3A_380 : vector<16xi32> to vector<16xi32>
        %swap3A_382 = vector.shape_cast %shift_right_logical3A_378 : vector<16xi32> to vector<16xi32>
        tpu.vector_store %arg13[%swap3A_379], %swap3A_382 {strides = array<i32>} : memref<128xi32, #tpu.memory_space<vmem>>, vector<16xi32>,
        %dma_start3A_383 = arith.constant 0 : i32
        %dma_start3A_384 = arith.constant 0 : i32
        %dma_start3A_385 = tpu.memref_slice %arg2[%dma_start3A_383, %dma_start3A_384] : memref<10016x128xf32, #tpu.memory_space<hbm>> -> memref<10016x128xf32, #tpu.memory_space<hbm>>
        tpu.enqueue_indirect_dma source(%dma_start3A_385 : memref<10016x128xf32, #tpu.memory_space<hbm>>) target(%arg16 : memref<128x128xf32, #tpu.memory_space<vmem>>) offsets(%arg10 : memref<128xi32, #tpu.memory_space<vmem>>) semaphore(%arg23 : memref<!tpu.dma_semaphore, #tpu.memory_space<semaphore_mem>>)
      } else {
      }
      %lt3A_196 = arith.constant 80 : i32
      %lt3A_197 = arith.cmpi slt, %add3A_181, %lt3A_196 : i32
      %convert_element_type3A_198 = arith.extui %lt3A_197 : i1 to i32
      %cond3A_199 = arith.constant 0 : i32
      %cond3A_200 = arith.cmpi ne, %convert_element_type3A_198, %cond3A_199 : i32
      scf.if %cond3A_200 {
        %dma_wait3A_243 = arith.constant 0 : i32
        %dma_wait3A_244 = arith.constant 0 : i32
        %dma_wait3A_245 = tpu.memref_slice %arg4[%dma_wait3A_243, %dma_wait3A_244] : memref<208x128xf32, #tpu.memory_space<hbm>> -> memref<128x128xf32, #tpu.memory_space<hbm>>
        %dma_wait3A_246 = arith.constant 0 : i32
        %dma_wait3A_247 = arith.constant 0 : i32
        %dma_wait3A_248 = tpu.memref_slice %arg4[%dma_wait3A_246, %dma_wait3A_247] : memref<208x128xf32, #tpu.memory_space<hbm>> -> memref<128x128xf32, #tpu.memory_space<hbm>>
        tpu.wait_dma2 semaphore(%arg22 : memref<!tpu.dma_semaphore, #tpu.memory_space<semaphore_mem>>) src(%dma_wait3A_248 : memref<128x128xf32, #tpu.memory_space<hbm>>) dst(%arg15 : memref<128x128xf32, #tpu.memory_space<vmem>>)
        "tpu.region"() ({
          %run_scoped3A = tpu.sem_alloc : memref<!tpu.dma_semaphore, #tpu.memory_space<semaphore_mem>>
          %dma_start3A_249 = arith.constant 0 : i32
          %dma_start3A_250 = arith.constant 0 : i32
          %dma_start3A_251 = tpu.memref_slice %arg18[%dma_start3A_249, %dma_start3A_250] : memref<10000x128xf32, #tpu.memory_space<vmem_shared>> -> memref<10000x128xf32, #tpu.memory_space<vmem_shared>>
          tpu.enqueue_indirect_dma source(%arg15 : memref<128x128xf32, #tpu.memory_space<vmem>>) target(%dma_start3A_251 : memref<10000x128xf32, #tpu.memory_space<vmem_shared>>) offsets(%arg12 : memref<128xi32, #tpu.memory_space<vmem>>) semaphore(%run_scoped3A : memref<!tpu.dma_semaphore, #tpu.memory_space<semaphore_mem>>) {add = true}
          %dma_wait3A_252 = arith.constant 0 : i32
          %dma_wait3A_253 = arith.constant 0 : i32
          %dma_wait3A_254 = tpu.memref_slice %arg18[%dma_wait3A_252, %dma_wait3A_253] : memref<10000x128xf32, #tpu.memory_space<vmem_shared>> -> memref<10000x128xf32, #tpu.memory_space<vmem_shared>>
          tpu.wait_indirect_dma semaphore(%run_scoped3A : memref<!tpu.dma_semaphore, #tpu.memory_space<semaphore_mem>>) src(%arg15 : memref<128x128xf32, #tpu.memory_space<vmem>>) dst(%dma_wait3A_254 : memref<10000x128xf32, #tpu.memory_space<vmem_shared>>)
          tpu.yield
        }) : () -> ()
      } else {
      }
      %add3A_201 = arith.constant 1 : i32
      %add3A_202 = arith.addi %mul3A_179, %add3A_201 : i32
      %add3A_203 = arith.constant 2 : i32
      %add3A_204 = arith.addi %add3A_202, %add3A_203 : i32
      %lt3A_205 = arith.constant 80 : i32
      %lt3A_206 = arith.cmpi slt, %add3A_204, %lt3A_205 : i32
      %convert_element_type3A_207 = arith.extui %lt3A_206 : i1 to i32
      %cond3A_208 = arith.constant 0 : i32
      %cond3A_209 = arith.cmpi ne, %convert_element_type3A_207, %cond3A_208 : i32
      scf.if %cond3A_209 {
        %add3A_243 = arith.constant 2 : i32
        %add3A_244 = arith.addi %add3A_202, %add3A_243 : i32
        %add3A_245 = arith.addi %mul3A_2, %add3A_244 : i32
        %mul3A_246 = arith.constant 128 : i32
        %mul3A_247 = arith.muli %add3A_245, %mul3A_246 : i32
        %dma_start3A_248 = tpu.memref_slice %arg3[%mul3A_247] : memref<327680xi32, #tpu.memory_space<hbm>> -> memref<128xi32, #tpu.memory_space<hbm>>
        %dma_start3A_249 = tpu.memref_slice %arg3[%mul3A_247] : memref<327680xi32, #tpu.memory_space<hbm>> -> memref<128xi32, #tpu.memory_space<hbm>>
        tpu.enqueue_dma source(%dma_start3A_249 : memref<128xi32, #tpu.memory_space<hbm>>) target(%arg6 : memref<128xi32, #tpu.memory_space<vmem>>) target_semaphore(%arg19 : memref<!tpu.dma_semaphore, #tpu.memory_space<semaphore_mem>>)
      } else {
      }
      %add3A_210 = arith.constant 1 : i32
      %add3A_211 = arith.addi %add3A_202, %add3A_210 : i32
      %lt3A_212 = arith.constant 80 : i32
      %lt3A_213 = arith.cmpi slt, %add3A_211, %lt3A_212 : i32
      %convert_element_type3A_214 = arith.extui %lt3A_213 : i1 to i32
      %cond3A_215 = arith.constant 0 : i32
      %cond3A_216 = arith.cmpi ne, %convert_element_type3A_214, %cond3A_215 : i32
      scf.if %cond3A_216 {
        %dma_wait3A_243 = arith.constant 0 : i32
        %dma_wait3A_244 = tpu.memref_slice %arg3[%dma_wait3A_243] : memref<327680xi32, #tpu.memory_space<hbm>> -> memref<128xi32, #tpu.memory_space<hbm>>
        %dma_wait3A_245 = arith.constant 0 : i32
        %dma_wait3A_246 = tpu.memref_slice %arg3[%dma_wait3A_245] : memref<327680xi32, #tpu.memory_space<hbm>> -> memref<128xi32, #tpu.memory_space<hbm>>
        tpu.wait_dma2 semaphore(%arg21 : memref<!tpu.dma_semaphore, #tpu.memory_space<semaphore_mem>>) src(%dma_wait3A_246 : memref<128xi32, #tpu.memory_space<hbm>>) dst(%arg8 : memref<128xi32, #tpu.memory_space<vmem>>)
        %get3A_247 = arith.constant 0 : index
        %get3A_248 = tpu.vector_load %arg8[%get3A_247] {strides = array<i32>} : memref<128xi32, #tpu.memory_space<vmem>>, vector<16xi32>,
        %get3A_249 = vector.shape_cast %get3A_248 : vector<16xi32> to vector<16xi32>
        %and3A_250 = arith.constant 65535 : i32
        %and3A_251 = vector.broadcast %and3A_250 : i32 to vector<16xi32>
        %and3A_252 = arith.andi %get3A_249, %and3A_251 : vector<16xi32>
        %swap3A_253 = arith.constant 0 : index
        %swap3A_254 = tpu.vector_load %arg11[%swap3A_253] {strides = array<i32>} : memref<128xi32, #tpu.memory_space<vmem>>, vector<16xi32>,
        %swap3A_255 = vector.shape_cast %swap3A_254 : vector<16xi32> to vector<16xi32>
        %swap3A_256 = vector.shape_cast %and3A_252 : vector<16xi32> to vector<16xi32>
        tpu.vector_store %arg11[%swap3A_253], %swap3A_256 {strides = array<i32>} : memref<128xi32, #tpu.memory_space<vmem>>, vector<16xi32>,
        %shift_right_logical3A_257 = arith.constant 16 : i32
        %shift_right_logical3A_258 = vector.broadcast %shift_right_logical3A_257 : i32 to vector<16xi32>
        %shift_right_logical3A_259 = arith.shrui %get3A_249, %shift_right_logical3A_258 : vector<16xi32>
        %swap3A_260 = arith.constant 0 : index
        %swap3A_261 = tpu.vector_load %arg14[%swap3A_260] {strides = array<i32>} : memref<128xi32, #tpu.memory_space<vmem>>, vector<16xi32>,
        %swap3A_262 = vector.shape_cast %swap3A_261 : vector<16xi32> to vector<16xi32>
        %swap3A_263 = vector.shape_cast %shift_right_logical3A_259 : vector<16xi32> to vector<16xi32>
        tpu.vector_store %arg14[%swap3A_260], %swap3A_263 {strides = array<i32>} : memref<128xi32, #tpu.memory_space<vmem>>, vector<16xi32>,
        %get3A_264 = arith.constant 16 : index
        %get3A_265 = tpu.vector_load %arg8[%get3A_264] {strides = array<i32>} : memref<128xi32, #tpu.memory_space<vmem>>, vector<16xi32>,
        %get3A_266 = vector.shape_cast %get3A_265 : vector<16xi32> to vector<16xi32>
        %and3A_267 = arith.constant 65535 : i32
        %and3A_268 = vector.broadcast %and3A_267 : i32 to vector<16xi32>
        %and3A_269 = arith.andi %get3A_266, %and3A_268 : vector<16xi32>
        %swap3A_270 = arith.constant 16 : index
        %swap3A_271 = tpu.vector_load %arg11[%swap3A_270] {strides = array<i32>} : memref<128xi32, #tpu.memory_space<vmem>>, vector<16xi32>,
        %swap3A_272 = vector.shape_cast %swap3A_271 : vector<16xi32> to vector<16xi32>
        %swap3A_273 = vector.shape_cast %and3A_269 : vector<16xi32> to vector<16xi32>
        tpu.vector_store %arg11[%swap3A_270], %swap3A_273 {strides = array<i32>} : memref<128xi32, #tpu.memory_space<vmem>>, vector<16xi32>,
        %shift_right_logical3A_274 = arith.constant 16 : i32
        %shift_right_logical3A_275 = vector.broadcast %shift_right_logical3A_274 : i32 to vector<16xi32>
        %shift_right_logical3A_276 = arith.shrui %get3A_266, %shift_right_logical3A_275 : vector<16xi32>
        %swap3A_277 = arith.constant 16 : index
        %swap3A_278 = tpu.vector_load %arg14[%swap3A_277] {strides = array<i32>} : memref<128xi32, #tpu.memory_space<vmem>>, vector<16xi32>,
        %swap3A_279 = vector.shape_cast %swap3A_278 : vector<16xi32> to vector<16xi32>
        %swap3A_280 = vector.shape_cast %shift_right_logical3A_276 : vector<16xi32> to vector<16xi32>
        tpu.vector_store %arg14[%swap3A_277], %swap3A_280 {strides = array<i32>} : memref<128xi32, #tpu.memory_space<vmem>>, vector<16xi32>,
        %get3A_281 = arith.constant 32 : index
        %get3A_282 = tpu.vector_load %arg8[%get3A_281] {strides = array<i32>} : memref<128xi32, #tpu.memory_space<vmem>>, vector<16xi32>,
        %get3A_283 = vector.shape_cast %get3A_282 : vector<16xi32> to vector<16xi32>
        %and3A_284 = arith.constant 65535 : i32
        %and3A_285 = vector.broadcast %and3A_284 : i32 to vector<16xi32>
        %and3A_286 = arith.andi %get3A_283, %and3A_285 : vector<16xi32>
        %swap3A_287 = arith.constant 32 : index
        %swap3A_288 = tpu.vector_load %arg11[%swap3A_287] {strides = array<i32>} : memref<128xi32, #tpu.memory_space<vmem>>, vector<16xi32>,
        %swap3A_289 = vector.shape_cast %swap3A_288 : vector<16xi32> to vector<16xi32>
        %swap3A_290 = vector.shape_cast %and3A_286 : vector<16xi32> to vector<16xi32>
        tpu.vector_store %arg11[%swap3A_287], %swap3A_290 {strides = array<i32>} : memref<128xi32, #tpu.memory_space<vmem>>, vector<16xi32>,
        %shift_right_logical3A_291 = arith.constant 16 : i32
        %shift_right_logical3A_292 = vector.broadcast %shift_right_logical3A_291 : i32 to vector<16xi32>
        %shift_right_logical3A_293 = arith.shrui %get3A_283, %shift_right_logical3A_292 : vector<16xi32>
        %swap3A_294 = arith.constant 32 : index
        %swap3A_295 = tpu.vector_load %arg14[%swap3A_294] {strides = array<i32>} : memref<128xi32, #tpu.memory_space<vmem>>, vector<16xi32>,
        %swap3A_296 = vector.shape_cast %swap3A_295 : vector<16xi32> to vector<16xi32>
        %swap3A_297 = vector.shape_cast %shift_right_logical3A_293 : vector<16xi32> to vector<16xi32>
        tpu.vector_store %arg14[%swap3A_294], %swap3A_297 {strides = array<i32>} : memref<128xi32, #tpu.memory_space<vmem>>, vector<16xi32>,
        %get3A_298 = arith.constant 48 : index
        %get3A_299 = tpu.vector_load %arg8[%get3A_298] {strides = array<i32>} : memref<128xi32, #tpu.memory_space<vmem>>, vector<16xi32>,
        %get3A_300 = vector.shape_cast %get3A_299 : vector<16xi32> to vector<16xi32>
        %and3A_301 = arith.constant 65535 : i32
        %and3A_302 = vector.broadcast %and3A_301 : i32 to vector<16xi32>
        %and3A_303 = arith.andi %get3A_300, %and3A_302 : vector<16xi32>
        %swap3A_304 = arith.constant 48 : index
        %swap3A_305 = tpu.vector_load %arg11[%swap3A_304] {strides = array<i32>} : memref<128xi32, #tpu.memory_space<vmem>>, vector<16xi32>,
        %swap3A_306 = vector.shape_cast %swap3A_305 : vector<16xi32> to vector<16xi32>
        %swap3A_307 = vector.shape_cast %and3A_303 : vector<16xi32> to vector<16xi32>
        tpu.vector_store %arg11[%swap3A_304], %swap3A_307 {strides = array<i32>} : memref<128xi32, #tpu.memory_space<vmem>>, vector<16xi32>,
        %shift_right_logical3A_308 = arith.constant 16 : i32
        %shift_right_logical3A_309 = vector.broadcast %shift_right_logical3A_308 : i32 to vector<16xi32>
        %shift_right_logical3A_310 = arith.shrui %get3A_300, %shift_right_logical3A_309 : vector<16xi32>
        %swap3A_311 = arith.constant 48 : index
        %swap3A_312 = tpu.vector_load %arg14[%swap3A_311] {strides = array<i32>} : memref<128xi32, #tpu.memory_space<vmem>>, vector<16xi32>,
        %swap3A_313 = vector.shape_cast %swap3A_312 : vector<16xi32> to vector<16xi32>
        %swap3A_314 = vector.shape_cast %shift_right_logical3A_310 : vector<16xi32> to vector<16xi32>
        tpu.vector_store %arg14[%swap3A_311], %swap3A_314 {strides = array<i32>} : memref<128xi32, #tpu.memory_space<vmem>>, vector<16xi32>,
        %get3A_315 = arith.constant 64 : index
        %get3A_316 = tpu.vector_load %arg8[%get3A_315] {strides = array<i32>} : memref<128xi32, #tpu.memory_space<vmem>>, vector<16xi32>,
        %get3A_317 = vector.shape_cast %get3A_316 : vector<16xi32> to vector<16xi32>
        %and3A_318 = arith.constant 65535 : i32
        %and3A_319 = vector.broadcast %and3A_318 : i32 to vector<16xi32>
        %and3A_320 = arith.andi %get3A_317, %and3A_319 : vector<16xi32>
        %swap3A_321 = arith.constant 64 : index
        %swap3A_322 = tpu.vector_load %arg11[%swap3A_321] {strides = array<i32>} : memref<128xi32, #tpu.memory_space<vmem>>, vector<16xi32>,
        %swap3A_323 = vector.shape_cast %swap3A_322 : vector<16xi32> to vector<16xi32>
        %swap3A_324 = vector.shape_cast %and3A_320 : vector<16xi32> to vector<16xi32>
        tpu.vector_store %arg11[%swap3A_321], %swap3A_324 {strides = array<i32>} : memref<128xi32, #tpu.memory_space<vmem>>, vector<16xi32>,
        %shift_right_logical3A_325 = arith.constant 16 : i32
        %shift_right_logical3A_326 = vector.broadcast %shift_right_logical3A_325 : i32 to vector<16xi32>
        %shift_right_logical3A_327 = arith.shrui %get3A_317, %shift_right_logical3A_326 : vector<16xi32>
        %swap3A_328 = arith.constant 64 : index
        %swap3A_329 = tpu.vector_load %arg14[%swap3A_328] {strides = array<i32>} : memref<128xi32, #tpu.memory_space<vmem>>, vector<16xi32>,
        %swap3A_330 = vector.shape_cast %swap3A_329 : vector<16xi32> to vector<16xi32>
        %swap3A_331 = vector.shape_cast %shift_right_logical3A_327 : vector<16xi32> to vector<16xi32>
        tpu.vector_store %arg14[%swap3A_328], %swap3A_331 {strides = array<i32>} : memref<128xi32, #tpu.memory_space<vmem>>, vector<16xi32>,
        %get3A_332 = arith.constant 80 : index
        %get3A_333 = tpu.vector_load %arg8[%get3A_332] {strides = array<i32>} : memref<128xi32, #tpu.memory_space<vmem>>, vector<16xi32>,
        %get3A_334 = vector.shape_cast %get3A_333 : vector<16xi32> to vector<16xi32>
        %and3A_335 = arith.constant 65535 : i32
        %and3A_336 = vector.broadcast %and3A_335 : i32 to vector<16xi32>
        %and3A_337 = arith.andi %get3A_334, %and3A_336 : vector<16xi32>
        %swap3A_338 = arith.constant 80 : index
        %swap3A_339 = tpu.vector_load %arg11[%swap3A_338] {strides = array<i32>} : memref<128xi32, #tpu.memory_space<vmem>>, vector<16xi32>,
        %swap3A_340 = vector.shape_cast %swap3A_339 : vector<16xi32> to vector<16xi32>
        %swap3A_341 = vector.shape_cast %and3A_337 : vector<16xi32> to vector<16xi32>
        tpu.vector_store %arg11[%swap3A_338], %swap3A_341 {strides = array<i32>} : memref<128xi32, #tpu.memory_space<vmem>>, vector<16xi32>,
        %shift_right_logical3A_342 = arith.constant 16 : i32
        %shift_right_logical3A_343 = vector.broadcast %shift_right_logical3A_342 : i32 to vector<16xi32>
        %shift_right_logical3A_344 = arith.shrui %get3A_334, %shift_right_logical3A_343 : vector<16xi32>
        %swap3A_345 = arith.constant 80 : index
        %swap3A_346 = tpu.vector_load %arg14[%swap3A_345] {strides = array<i32>} : memref<128xi32, #tpu.memory_space<vmem>>, vector<16xi32>,
        %swap3A_347 = vector.shape_cast %swap3A_346 : vector<16xi32> to vector<16xi32>
        %swap3A_348 = vector.shape_cast %shift_right_logical3A_344 : vector<16xi32> to vector<16xi32>
        tpu.vector_store %arg14[%swap3A_345], %swap3A_348 {strides = array<i32>} : memref<128xi32, #tpu.memory_space<vmem>>, vector<16xi32>,
        %get3A_349 = arith.constant 96 : index
        %get3A_350 = tpu.vector_load %arg8[%get3A_349] {strides = array<i32>} : memref<128xi32, #tpu.memory_space<vmem>>, vector<16xi32>,
        %get3A_351 = vector.shape_cast %get3A_350 : vector<16xi32> to vector<16xi32>
        %and3A_352 = arith.constant 65535 : i32
        %and3A_353 = vector.broadcast %and3A_352 : i32 to vector<16xi32>
        %and3A_354 = arith.andi %get3A_351, %and3A_353 : vector<16xi32>
        %swap3A_355 = arith.constant 96 : index
        %swap3A_356 = tpu.vector_load %arg11[%swap3A_355] {strides = array<i32>} : memref<128xi32, #tpu.memory_space<vmem>>, vector<16xi32>,
        %swap3A_357 = vector.shape_cast %swap3A_356 : vector<16xi32> to vector<16xi32>
        %swap3A_358 = vector.shape_cast %and3A_354 : vector<16xi32> to vector<16xi32>
        tpu.vector_store %arg11[%swap3A_355], %swap3A_358 {strides = array<i32>} : memref<128xi32, #tpu.memory_space<vmem>>, vector<16xi32>,
        %shift_right_logical3A_359 = arith.constant 16 : i32
        %shift_right_logical3A_360 = vector.broadcast %shift_right_logical3A_359 : i32 to vector<16xi32>
        %shift_right_logical3A_361 = arith.shrui %get3A_351, %shift_right_logical3A_360 : vector<16xi32>
        %swap3A_362 = arith.constant 96 : index
        %swap3A_363 = tpu.vector_load %arg14[%swap3A_362] {strides = array<i32>} : memref<128xi32, #tpu.memory_space<vmem>>, vector<16xi32>,
        %swap3A_364 = vector.shape_cast %swap3A_363 : vector<16xi32> to vector<16xi32>
        %swap3A_365 = vector.shape_cast %shift_right_logical3A_361 : vector<16xi32> to vector<16xi32>
        tpu.vector_store %arg14[%swap3A_362], %swap3A_365 {strides = array<i32>} : memref<128xi32, #tpu.memory_space<vmem>>, vector<16xi32>,
        %get3A_366 = arith.constant 112 : index
        %get3A_367 = tpu.vector_load %arg8[%get3A_366] {strides = array<i32>} : memref<128xi32, #tpu.memory_space<vmem>>, vector<16xi32>,
        %get3A_368 = vector.shape_cast %get3A_367 : vector<16xi32> to vector<16xi32>
        %and3A_369 = arith.constant 65535 : i32
        %and3A_370 = vector.broadcast %and3A_369 : i32 to vector<16xi32>
        %and3A_371 = arith.andi %get3A_368, %and3A_370 : vector<16xi32>
        %swap3A_372 = arith.constant 112 : index
        %swap3A_373 = tpu.vector_load %arg11[%swap3A_372] {strides = array<i32>} : memref<128xi32, #tpu.memory_space<vmem>>, vector<16xi32>,
        %swap3A_374 = vector.shape_cast %swap3A_373 : vector<16xi32> to vector<16xi32>
        %swap3A_375 = vector.shape_cast %and3A_371 : vector<16xi32> to vector<16xi32>
        tpu.vector_store %arg11[%swap3A_372], %swap3A_375 {strides = array<i32>} : memref<128xi32, #tpu.memory_space<vmem>>, vector<16xi32>,
        %shift_right_logical3A_376 = arith.constant 16 : i32
        %shift_right_logical3A_377 = vector.broadcast %shift_right_logical3A_376 : i32 to vector<16xi32>
        %shift_right_logical3A_378 = arith.shrui %get3A_368, %shift_right_logical3A_377 : vector<16xi32>
        %swap3A_379 = arith.constant 112 : index
        %swap3A_380 = tpu.vector_load %arg14[%swap3A_379] {strides = array<i32>} : memref<128xi32, #tpu.memory_space<vmem>>, vector<16xi32>,
        %swap3A_381 = vector.shape_cast %swap3A_380 : vector<16xi32> to vector<16xi32>
        %swap3A_382 = vector.shape_cast %shift_right_logical3A_378 : vector<16xi32> to vector<16xi32>
        tpu.vector_store %arg14[%swap3A_379], %swap3A_382 {strides = array<i32>} : memref<128xi32, #tpu.memory_space<vmem>>, vector<16xi32>,
        %dma_start3A_383 = arith.constant 0 : i32
        %dma_start3A_384 = arith.constant 0 : i32
        %dma_start3A_385 = tpu.memref_slice %arg2[%dma_start3A_383, %dma_start3A_384] : memref<10016x128xf32, #tpu.memory_space<hbm>> -> memref<10016x128xf32, #tpu.memory_space<hbm>>
        tpu.enqueue_indirect_dma source(%dma_start3A_385 : memref<10016x128xf32, #tpu.memory_space<hbm>>) target(%arg17 : memref<128x128xf32, #tpu.memory_space<vmem>>) offsets(%arg11 : memref<128xi32, #tpu.memory_space<vmem>>) semaphore(%arg24 : memref<!tpu.dma_semaphore, #tpu.memory_space<semaphore_mem>>)
      } else {
      }
      %lt3A_217 = arith.constant 80 : i32
      %lt3A_218 = arith.cmpi slt, %add3A_202, %lt3A_217 : i32
      %convert_element_type3A_219 = arith.extui %lt3A_218 : i1 to i32
      %cond3A_220 = arith.constant 0 : i32
      %cond3A_221 = arith.cmpi ne, %convert_element_type3A_219, %cond3A_220 : i32
      scf.if %cond3A_221 {
        %dma_wait3A_243 = arith.constant 0 : i32
        %dma_wait3A_244 = arith.constant 0 : i32
        %dma_wait3A_245 = tpu.memref_slice %arg4[%dma_wait3A_243, %dma_wait3A_244] : memref<208x128xf32, #tpu.memory_space<hbm>> -> memref<128x128xf32, #tpu.memory_space<hbm>>
        %dma_wait3A_246 = arith.constant 0 : i32
        %dma_wait3A_247 = arith.constant 0 : i32
        %dma_wait3A_248 = tpu.memref_slice %arg4[%dma_wait3A_246, %dma_wait3A_247] : memref<208x128xf32, #tpu.memory_space<hbm>> -> memref<128x128xf32, #tpu.memory_space<hbm>>
        tpu.wait_dma2 semaphore(%arg23 : memref<!tpu.dma_semaphore, #tpu.memory_space<semaphore_mem>>) src(%dma_wait3A_248 : memref<128x128xf32, #tpu.memory_space<hbm>>) dst(%arg16 : memref<128x128xf32, #tpu.memory_space<vmem>>)
        "tpu.region"() ({
          %run_scoped3A = tpu.sem_alloc : memref<!tpu.dma_semaphore, #tpu.memory_space<semaphore_mem>>
          %dma_start3A_249 = arith.constant 0 : i32
          %dma_start3A_250 = arith.constant 0 : i32
          %dma_start3A_251 = tpu.memref_slice %arg18[%dma_start3A_249, %dma_start3A_250] : memref<10000x128xf32, #tpu.memory_space<vmem_shared>> -> memref<10000x128xf32, #tpu.memory_space<vmem_shared>>
          tpu.enqueue_indirect_dma source(%arg16 : memref<128x128xf32, #tpu.memory_space<vmem>>) target(%dma_start3A_251 : memref<10000x128xf32, #tpu.memory_space<vmem_shared>>) offsets(%arg13 : memref<128xi32, #tpu.memory_space<vmem>>) semaphore(%run_scoped3A : memref<!tpu.dma_semaphore, #tpu.memory_space<semaphore_mem>>) {add = true}
          %dma_wait3A_252 = arith.constant 0 : i32
          %dma_wait3A_253 = arith.constant 0 : i32
          %dma_wait3A_254 = tpu.memref_slice %arg18[%dma_wait3A_252, %dma_wait3A_253] : memref<10000x128xf32, #tpu.memory_space<vmem_shared>> -> memref<10000x128xf32, #tpu.memory_space<vmem_shared>>
          tpu.wait_indirect_dma semaphore(%run_scoped3A : memref<!tpu.dma_semaphore, #tpu.memory_space<semaphore_mem>>) src(%arg16 : memref<128x128xf32, #tpu.memory_space<vmem>>) dst(%dma_wait3A_254 : memref<10000x128xf32, #tpu.memory_space<vmem_shared>>)
          tpu.yield
        }) : () -> ()
      } else {
      }
      %add3A_222 = arith.constant 2 : i32
      %add3A_223 = arith.addi %mul3A_179, %add3A_222 : i32
      %add3A_224 = arith.constant 2 : i32
      %add3A_225 = arith.addi %add3A_223, %add3A_224 : i32
      %lt3A_226 = arith.constant 80 : i32
      %lt3A_227 = arith.cmpi slt, %add3A_225, %lt3A_226 : i32
      %convert_element_type3A_228 = arith.extui %lt3A_227 : i1 to i32
      %cond3A_229 = arith.constant 0 : i32
      %cond3A_230 = arith.cmpi ne, %convert_element_type3A_228, %cond3A_229 : i32
      scf.if %cond3A_230 {
        %add3A_243 = arith.constant 2 : i32
        %add3A_244 = arith.addi %add3A_223, %add3A_243 : i32
        %add3A_245 = arith.addi %mul3A_2, %add3A_244 : i32
        %mul3A_246 = arith.constant 128 : i32
        %mul3A_247 = arith.muli %add3A_245, %mul3A_246 : i32
        %dma_start3A_248 = tpu.memref_slice %arg3[%mul3A_247] : memref<327680xi32, #tpu.memory_space<hbm>> -> memref<128xi32, #tpu.memory_space<hbm>>
        %dma_start3A_249 = tpu.memref_slice %arg3[%mul3A_247] : memref<327680xi32, #tpu.memory_space<hbm>> -> memref<128xi32, #tpu.memory_space<hbm>>
        tpu.enqueue_dma source(%dma_start3A_249 : memref<128xi32, #tpu.memory_space<hbm>>) target(%arg7 : memref<128xi32, #tpu.memory_space<vmem>>) target_semaphore(%arg20 : memref<!tpu.dma_semaphore, #tpu.memory_space<semaphore_mem>>)
      } else {
      }
      %add3A_231 = arith.constant 1 : i32
      %add3A_232 = arith.addi %add3A_223, %add3A_231 : i32
      %lt3A_233 = arith.constant 80 : i32
      %lt3A_234 = arith.cmpi slt, %add3A_232, %lt3A_233 : i32
      %convert_element_type3A_235 = arith.extui %lt3A_234 : i1 to i32
      %cond3A_236 = arith.constant 0 : i32
      %cond3A_237 = arith.cmpi ne, %convert_element_type3A_235, %cond3A_236 : i32
      scf.if %cond3A_237 {
        %dma_wait3A_243 = arith.constant 0 : i32
        %dma_wait3A_244 = tpu.memref_slice %arg3[%dma_wait3A_243] : memref<327680xi32, #tpu.memory_space<hbm>> -> memref<128xi32, #tpu.memory_space<hbm>>
        %dma_wait3A_245 = arith.constant 0 : i32
        %dma_wait3A_246 = tpu.memref_slice %arg3[%dma_wait3A_245] : memref<327680xi32, #tpu.memory_space<hbm>> -> memref<128xi32, #tpu.memory_space<hbm>>
        tpu.wait_dma2 semaphore(%arg19 : memref<!tpu.dma_semaphore, #tpu.memory_space<semaphore_mem>>) src(%dma_wait3A_246 : memref<128xi32, #tpu.memory_space<hbm>>) dst(%arg6 : memref<128xi32, #tpu.memory_space<vmem>>)
        %get3A_247 = arith.constant 0 : index
        %get3A_248 = tpu.vector_load %arg6[%get3A_247] {strides = array<i32>} : memref<128xi32, #tpu.memory_space<vmem>>, vector<16xi32>,
        %get3A_249 = vector.shape_cast %get3A_248 : vector<16xi32> to vector<16xi32>
        %and3A_250 = arith.constant 65535 : i32
        %and3A_251 = vector.broadcast %and3A_250 : i32 to vector<16xi32>
        %and3A_252 = arith.andi %get3A_249, %and3A_251 : vector<16xi32>
        %swap3A_253 = arith.constant 0 : index
        %swap3A_254 = tpu.vector_load %arg9[%swap3A_253] {strides = array<i32>} : memref<128xi32, #tpu.memory_space<vmem>>, vector<16xi32>,
        %swap3A_255 = vector.shape_cast %swap3A_254 : vector<16xi32> to vector<16xi32>
        %swap3A_256 = vector.shape_cast %and3A_252 : vector<16xi32> to vector<16xi32>
        tpu.vector_store %arg9[%swap3A_253], %swap3A_256 {strides = array<i32>} : memref<128xi32, #tpu.memory_space<vmem>>, vector<16xi32>,
        %shift_right_logical3A_257 = arith.constant 16 : i32
        %shift_right_logical3A_258 = vector.broadcast %shift_right_logical3A_257 : i32 to vector<16xi32>
        %shift_right_logical3A_259 = arith.shrui %get3A_249, %shift_right_logical3A_258 : vector<16xi32>
        %swap3A_260 = arith.constant 0 : index
        %swap3A_261 = tpu.vector_load %arg12[%swap3A_260] {strides = array<i32>} : memref<128xi32, #tpu.memory_space<vmem>>, vector<16xi32>,
        %swap3A_262 = vector.shape_cast %swap3A_261 : vector<16xi32> to vector<16xi32>
        %swap3A_263 = vector.shape_cast %shift_right_logical3A_259 : vector<16xi32> to vector<16xi32>
        tpu.vector_store %arg12[%swap3A_260], %swap3A_263 {strides = array<i32>} : memref<128xi32, #tpu.memory_space<vmem>>, vector<16xi32>,
        %get3A_264 = arith.constant 16 : index
        %get3A_265 = tpu.vector_load %arg6[%get3A_264] {strides = array<i32>} : memref<128xi32, #tpu.memory_space<vmem>>, vector<16xi32>,
        %get3A_266 = vector.shape_cast %get3A_265 : vector<16xi32> to vector<16xi32>
        %and3A_267 = arith.constant 65535 : i32
        %and3A_268 = vector.broadcast %and3A_267 : i32 to vector<16xi32>
        %and3A_269 = arith.andi %get3A_266, %and3A_268 : vector<16xi32>
        %swap3A_270 = arith.constant 16 : index
        %swap3A_271 = tpu.vector_load %arg9[%swap3A_270] {strides = array<i32>} : memref<128xi32, #tpu.memory_space<vmem>>, vector<16xi32>,
        %swap3A_272 = vector.shape_cast %swap3A_271 : vector<16xi32> to vector<16xi32>
        %swap3A_273 = vector.shape_cast %and3A_269 : vector<16xi32> to vector<16xi32>
        tpu.vector_store %arg9[%swap3A_270], %swap3A_273 {strides = array<i32>} : memref<128xi32, #tpu.memory_space<vmem>>, vector<16xi32>,
        %shift_right_logical3A_274 = arith.constant 16 : i32
        %shift_right_logical3A_275 = vector.broadcast %shift_right_logical3A_274 : i32 to vector<16xi32>
        %shift_right_logical3A_276 = arith.shrui %get3A_266, %shift_right_logical3A_275 : vector<16xi32>
        %swap3A_277 = arith.constant 16 : index
        %swap3A_278 = tpu.vector_load %arg12[%swap3A_277] {strides = array<i32>} : memref<128xi32, #tpu.memory_space<vmem>>, vector<16xi32>,
        %swap3A_279 = vector.shape_cast %swap3A_278 : vector<16xi32> to vector<16xi32>
        %swap3A_280 = vector.shape_cast %shift_right_logical3A_276 : vector<16xi32> to vector<16xi32>
        tpu.vector_store %arg12[%swap3A_277], %swap3A_280 {strides = array<i32>} : memref<128xi32, #tpu.memory_space<vmem>>, vector<16xi32>,
        %get3A_281 = arith.constant 32 : index
        %get3A_282 = tpu.vector_load %arg6[%get3A_281] {strides = array<i32>} : memref<128xi32, #tpu.memory_space<vmem>>, vector<16xi32>,
        %get3A_283 = vector.shape_cast %get3A_282 : vector<16xi32> to vector<16xi32>
        %and3A_284 = arith.constant 65535 : i32
        %and3A_285 = vector.broadcast %and3A_284 : i32 to vector<16xi32>
        %and3A_286 = arith.andi %get3A_283, %and3A_285 : vector<16xi32>
        %swap3A_287 = arith.constant 32 : index
        %swap3A_288 = tpu.vector_load %arg9[%swap3A_287] {strides = array<i32>} : memref<128xi32, #tpu.memory_space<vmem>>, vector<16xi32>,
        %swap3A_289 = vector.shape_cast %swap3A_288 : vector<16xi32> to vector<16xi32>
        %swap3A_290 = vector.shape_cast %and3A_286 : vector<16xi32> to vector<16xi32>
        tpu.vector_store %arg9[%swap3A_287], %swap3A_290 {strides = array<i32>} : memref<128xi32, #tpu.memory_space<vmem>>, vector<16xi32>,
        %shift_right_logical3A_291 = arith.constant 16 : i32
        %shift_right_logical3A_292 = vector.broadcast %shift_right_logical3A_291 : i32 to vector<16xi32>
        %shift_right_logical3A_293 = arith.shrui %get3A_283, %shift_right_logical3A_292 : vector<16xi32>
        %swap3A_294 = arith.constant 32 : index
        %swap3A_295 = tpu.vector_load %arg12[%swap3A_294] {strides = array<i32>} : memref<128xi32, #tpu.memory_space<vmem>>, vector<16xi32>,
        %swap3A_296 = vector.shape_cast %swap3A_295 : vector<16xi32> to vector<16xi32>
        %swap3A_297 = vector.shape_cast %shift_right_logical3A_293 : vector<16xi32> to vector<16xi32>
        tpu.vector_store %arg12[%swap3A_294], %swap3A_297 {strides = array<i32>} : memref<128xi32, #tpu.memory_space<vmem>>, vector<16xi32>,
        %get3A_298 = arith.constant 48 : index
        %get3A_299 = tpu.vector_load %arg6[%get3A_298] {strides = array<i32>} : memref<128xi32, #tpu.memory_space<vmem>>, vector<16xi32>,
        %get3A_300 = vector.shape_cast %get3A_299 : vector<16xi32> to vector<16xi32>
        %and3A_301 = arith.constant 65535 : i32
        %and3A_302 = vector.broadcast %and3A_301 : i32 to vector<16xi32>
        %and3A_303 = arith.andi %get3A_300, %and3A_302 : vector<16xi32>
        %swap3A_304 = arith.constant 48 : index
        %swap3A_305 = tpu.vector_load %arg9[%swap3A_304] {strides = array<i32>} : memref<128xi32, #tpu.memory_space<vmem>>, vector<16xi32>,
        %swap3A_306 = vector.shape_cast %swap3A_305 : vector<16xi32> to vector<16xi32>
        %swap3A_307 = vector.shape_cast %and3A_303 : vector<16xi32> to vector<16xi32>
        tpu.vector_store %arg9[%swap3A_304], %swap3A_307 {strides = array<i32>} : memref<128xi32, #tpu.memory_space<vmem>>, vector<16xi32>,
        %shift_right_logical3A_308 = arith.constant 16 : i32
        %shift_right_logical3A_309 = vector.broadcast %shift_right_logical3A_308 : i32 to vector<16xi32>
        %shift_right_logical3A_310 = arith.shrui %get3A_300, %shift_right_logical3A_309 : vector<16xi32>
        %swap3A_311 = arith.constant 48 : index
        %swap3A_312 = tpu.vector_load %arg12[%swap3A_311] {strides = array<i32>} : memref<128xi32, #tpu.memory_space<vmem>>, vector<16xi32>,
        %swap3A_313 = vector.shape_cast %swap3A_312 : vector<16xi32> to vector<16xi32>
        %swap3A_314 = vector.shape_cast %shift_right_logical3A_310 : vector<16xi32> to vector<16xi32>
        tpu.vector_store %arg12[%swap3A_311], %swap3A_314 {strides = array<i32>} : memref<128xi32, #tpu.memory_space<vmem>>, vector<16xi32>,
        %get3A_315 = arith.constant 64 : index
        %get3A_316 = tpu.vector_load %arg6[%get3A_315] {strides = array<i32>} : memref<128xi32, #tpu.memory_space<vmem>>, vector<16xi32>,
        %get3A_317 = vector.shape_cast %get3A_316 : vector<16xi32> to vector<16xi32>
        %and3A_318 = arith.constant 65535 : i32
        %and3A_319 = vector.broadcast %and3A_318 : i32 to vector<16xi32>
        %and3A_320 = arith.andi %get3A_317, %and3A_319 : vector<16xi32>
        %swap3A_321 = arith.constant 64 : index
        %swap3A_322 = tpu.vector_load %arg9[%swap3A_321] {strides = array<i32>} : memref<128xi32, #tpu.memory_space<vmem>>, vector<16xi32>,
        %swap3A_323 = vector.shape_cast %swap3A_322 : vector<16xi32> to vector<16xi32>
        %swap3A_324 = vector.shape_cast %and3A_320 : vector<16xi32> to vector<16xi32>
        tpu.vector_store %arg9[%swap3A_321], %swap3A_324 {strides = array<i32>} : memref<128xi32, #tpu.memory_space<vmem>>, vector<16xi32>,
        %shift_right_logical3A_325 = arith.constant 16 : i32
        %shift_right_logical3A_326 = vector.broadcast %shift_right_logical3A_325 : i32 to vector<16xi32>
        %shift_right_logical3A_327 = arith.shrui %get3A_317, %shift_right_logical3A_326 : vector<16xi32>
        %swap3A_328 = arith.constant 64 : index
        %swap3A_329 = tpu.vector_load %arg12[%swap3A_328] {strides = array<i32>} : memref<128xi32, #tpu.memory_space<vmem>>, vector<16xi32>,
        %swap3A_330 = vector.shape_cast %swap3A_329 : vector<16xi32> to vector<16xi32>
        %swap3A_331 = vector.shape_cast %shift_right_logical3A_327 : vector<16xi32> to vector<16xi32>
        tpu.vector_store %arg12[%swap3A_328], %swap3A_331 {strides = array<i32>} : memref<128xi32, #tpu.memory_space<vmem>>, vector<16xi32>,
        %get3A_332 = arith.constant 80 : index
        %get3A_333 = tpu.vector_load %arg6[%get3A_332] {strides = array<i32>} : memref<128xi32, #tpu.memory_space<vmem>>, vector<16xi32>,
        %get3A_334 = vector.shape_cast %get3A_333 : vector<16xi32> to vector<16xi32>
        %and3A_335 = arith.constant 65535 : i32
        %and3A_336 = vector.broadcast %and3A_335 : i32 to vector<16xi32>
        %and3A_337 = arith.andi %get3A_334, %and3A_336 : vector<16xi32>
        %swap3A_338 = arith.constant 80 : index
        %swap3A_339 = tpu.vector_load %arg9[%swap3A_338] {strides = array<i32>} : memref<128xi32, #tpu.memory_space<vmem>>, vector<16xi32>,
        %swap3A_340 = vector.shape_cast %swap3A_339 : vector<16xi32> to vector<16xi32>
        %swap3A_341 = vector.shape_cast %and3A_337 : vector<16xi32> to vector<16xi32>
        tpu.vector_store %arg9[%swap3A_338], %swap3A_341 {strides = array<i32>} : memref<128xi32, #tpu.memory_space<vmem>>, vector<16xi32>,
        %shift_right_logical3A_342 = arith.constant 16 : i32
        %shift_right_logical3A_343 = vector.broadcast %shift_right_logical3A_342 : i32 to vector<16xi32>
        %shift_right_logical3A_344 = arith.shrui %get3A_334, %shift_right_logical3A_343 : vector<16xi32>
        %swap3A_345 = arith.constant 80 : index
        %swap3A_346 = tpu.vector_load %arg12[%swap3A_345] {strides = array<i32>} : memref<128xi32, #tpu.memory_space<vmem>>, vector<16xi32>,
        %swap3A_347 = vector.shape_cast %swap3A_346 : vector<16xi32> to vector<16xi32>
        %swap3A_348 = vector.shape_cast %shift_right_logical3A_344 : vector<16xi32> to vector<16xi32>
        tpu.vector_store %arg12[%swap3A_345], %swap3A_348 {strides = array<i32>} : memref<128xi32, #tpu.memory_space<vmem>>, vector<16xi32>,
        %get3A_349 = arith.constant 96 : index
        %get3A_350 = tpu.vector_load %arg6[%get3A_349] {strides = array<i32>} : memref<128xi32, #tpu.memory_space<vmem>>, vector<16xi32>,
        %get3A_351 = vector.shape_cast %get3A_350 : vector<16xi32> to vector<16xi32>
        %and3A_352 = arith.constant 65535 : i32
        %and3A_353 = vector.broadcast %and3A_352 : i32 to vector<16xi32>
        %and3A_354 = arith.andi %get3A_351, %and3A_353 : vector<16xi32>
        %swap3A_355 = arith.constant 96 : index
        %swap3A_356 = tpu.vector_load %arg9[%swap3A_355] {strides = array<i32>} : memref<128xi32, #tpu.memory_space<vmem>>, vector<16xi32>,
        %swap3A_357 = vector.shape_cast %swap3A_356 : vector<16xi32> to vector<16xi32>
        %swap3A_358 = vector.shape_cast %and3A_354 : vector<16xi32> to vector<16xi32>
        tpu.vector_store %arg9[%swap3A_355], %swap3A_358 {strides = array<i32>} : memref<128xi32, #tpu.memory_space<vmem>>, vector<16xi32>,
        %shift_right_logical3A_359 = arith.constant 16 : i32
        %shift_right_logical3A_360 = vector.broadcast %shift_right_logical3A_359 : i32 to vector<16xi32>
        %shift_right_logical3A_361 = arith.shrui %get3A_351, %shift_right_logical3A_360 : vector<16xi32>
        %swap3A_362 = arith.constant 96 : index
        %swap3A_363 = tpu.vector_load %arg12[%swap3A_362] {strides = array<i32>} : memref<128xi32, #tpu.memory_space<vmem>>, vector<16xi32>,
        %swap3A_364 = vector.shape_cast %swap3A_363 : vector<16xi32> to vector<16xi32>
        %swap3A_365 = vector.shape_cast %shift_right_logical3A_361 : vector<16xi32> to vector<16xi32>
        tpu.vector_store %arg12[%swap3A_362], %swap3A_365 {strides = array<i32>} : memref<128xi32, #tpu.memory_space<vmem>>, vector<16xi32>,
        %get3A_366 = arith.constant 112 : index
        %get3A_367 = tpu.vector_load %arg6[%get3A_366] {strides = array<i32>} : memref<128xi32, #tpu.memory_space<vmem>>, vector<16xi32>,
        %get3A_368 = vector.shape_cast %get3A_367 : vector<16xi32> to vector<16xi32>
        %and3A_369 = arith.constant 65535 : i32
        %and3A_370 = vector.broadcast %and3A_369 : i32 to vector<16xi32>
        %and3A_371 = arith.andi %get3A_368, %and3A_370 : vector<16xi32>
        %swap3A_372 = arith.constant 112 : index
        %swap3A_373 = tpu.vector_load %arg9[%swap3A_372] {strides = array<i32>} : memref<128xi32, #tpu.memory_space<vmem>>, vector<16xi32>,
        %swap3A_374 = vector.shape_cast %swap3A_373 : vector<16xi32> to vector<16xi32>
        %swap3A_375 = vector.shape_cast %and3A_371 : vector<16xi32> to vector<16xi32>
        tpu.vector_store %arg9[%swap3A_372], %swap3A_375 {strides = array<i32>} : memref<128xi32, #tpu.memory_space<vmem>>, vector<16xi32>,
        %shift_right_logical3A_376 = arith.constant 16 : i32
        %shift_right_logical3A_377 = vector.broadcast %shift_right_logical3A_376 : i32 to vector<16xi32>
        %shift_right_logical3A_378 = arith.shrui %get3A_368, %shift_right_logical3A_377 : vector<16xi32>
        %swap3A_379 = arith.constant 112 : index
        %swap3A_380 = tpu.vector_load %arg12[%swap3A_379] {strides = array<i32>} : memref<128xi32, #tpu.memory_space<vmem>>, vector<16xi32>,
        %swap3A_381 = vector.shape_cast %swap3A_380 : vector<16xi32> to vector<16xi32>
        %swap3A_382 = vector.shape_cast %shift_right_logical3A_378 : vector<16xi32> to vector<16xi32>
        tpu.vector_store %arg12[%swap3A_379], %swap3A_382 {strides = array<i32>} : memref<128xi32, #tpu.memory_space<vmem>>, vector<16xi32>,
        %dma_start3A_383 = arith.constant 0 : i32
        %dma_start3A_384 = arith.constant 0 : i32
        %dma_start3A_385 = tpu.memref_slice %arg2[%dma_start3A_383, %dma_start3A_384] : memref<10016x128xf32, #tpu.memory_space<hbm>> -> memref<10016x128xf32, #tpu.memory_space<hbm>>
        tpu.enqueue_indirect_dma source(%dma_start3A_385 : memref<10016x128xf32, #tpu.memory_space<hbm>>) target(%arg15 : memref<128x128xf32, #tpu.memory_space<vmem>>) offsets(%arg9 : memref<128xi32, #tpu.memory_space<vmem>>) semaphore(%arg22 : memref<!tpu.dma_semaphore, #tpu.memory_space<semaphore_mem>>)
      } else {
      }
      %lt3A_238 = arith.constant 80 : i32
      %lt3A_239 = arith.cmpi slt, %add3A_223, %lt3A_238 : i32
      %convert_element_type3A_240 = arith.extui %lt3A_239 : i1 to i32
      %cond3A_241 = arith.constant 0 : i32
      %cond3A_242 = arith.cmpi ne, %convert_element_type3A_240, %cond3A_241 : i32
      scf.if %cond3A_242 {
        %dma_wait3A_243 = arith.constant 0 : i32
        %dma_wait3A_244 = arith.constant 0 : i32
        %dma_wait3A_245 = tpu.memref_slice %arg4[%dma_wait3A_243, %dma_wait3A_244] : memref<208x128xf32, #tpu.memory_space<hbm>> -> memref<128x128xf32, #tpu.memory_space<hbm>>
        %dma_wait3A_246 = arith.constant 0 : i32
        %dma_wait3A_247 = arith.constant 0 : i32
        %dma_wait3A_248 = tpu.memref_slice %arg4[%dma_wait3A_246, %dma_wait3A_247] : memref<208x128xf32, #tpu.memory_space<hbm>> -> memref<128x128xf32, #tpu.memory_space<hbm>>
        tpu.wait_dma2 semaphore(%arg24 : memref<!tpu.dma_semaphore, #tpu.memory_space<semaphore_mem>>) src(%dma_wait3A_248 : memref<128x128xf32, #tpu.memory_space<hbm>>) dst(%arg17 : memref<128x128xf32, #tpu.memory_space<vmem>>)
        "tpu.region"() ({
          %run_scoped3A = tpu.sem_alloc : memref<!tpu.dma_semaphore, #tpu.memory_space<semaphore_mem>>
          %dma_start3A_249 = arith.constant 0 : i32
          %dma_start3A_250 = arith.constant 0 : i32
          %dma_start3A_251 = tpu.memref_slice %arg18[%dma_start3A_249, %dma_start3A_250] : memref<10000x128xf32, #tpu.memory_space<vmem_shared>> -> memref<10000x128xf32, #tpu.memory_space<vmem_shared>>
          tpu.enqueue_indirect_dma source(%arg17 : memref<128x128xf32, #tpu.memory_space<vmem>>) target(%dma_start3A_251 : memref<10000x128xf32, #tpu.memory_space<vmem_shared>>) offsets(%arg14 : memref<128xi32, #tpu.memory_space<vmem>>) semaphore(%run_scoped3A : memref<!tpu.dma_semaphore, #tpu.memory_space<semaphore_mem>>) {add = true}
          %dma_wait3A_252 = arith.constant 0 : i32
          %dma_wait3A_253 = arith.constant 0 : i32
          %dma_wait3A_254 = tpu.memref_slice %arg18[%dma_wait3A_252, %dma_wait3A_253] : memref<10000x128xf32, #tpu.memory_space<vmem_shared>> -> memref<10000x128xf32, #tpu.memory_space<vmem_shared>>
          tpu.wait_indirect_dma semaphore(%run_scoped3A : memref<!tpu.dma_semaphore, #tpu.memory_space<semaphore_mem>>) src(%arg17 : memref<128x128xf32, #tpu.memory_space<vmem>>) dst(%dma_wait3A_254 : memref<10000x128xf32, #tpu.memory_space<vmem_shared>>)
          tpu.yield
        }) : () -> ()
      } else {
      }
    }
    %scan3A_166 = arith.constant 27 : i32
    %barrier3A_167 = arith.constant 0 : index
    tpu.barrier barrier_id(%barrier3A_167)
    %lt3A = arith.constant 15 : i32
    %lt3A_168 = arith.cmpi slt, %arg1, %lt3A : i32
    %convert_element_type3A_169 = arith.extui %lt3A_168 : i1 to i32
    %cond3A_170 = arith.constant 0 : i32
    %cond3A_171 = arith.cmpi ne, %convert_element_type3A_169, %cond3A_170 : i32
    scf.if %cond3A_171 {
      %mul3A_177 = arith.constant 624 : i32
      %mul3A_178 = arith.muli %arg1, %mul3A_177 : i32
      %mul3A_179 = arith.constant 624 : i32
      %mul3A_180 = arith.muli %arg1, %mul3A_179 : i32
      "tpu.region"() ({
        %run_scoped3A = tpu.sem_alloc : memref<!tpu.dma_semaphore, #tpu.memory_space<semaphore_mem>>
        %dma_start3A_181 = arith.constant 0 : i32
        %dma_start3A_182 = tpu.memref_slice %arg5[%arg0, %mul3A_180, %dma_start3A_181] : memref<2x10000x128xf32, #tpu.memory_space<hbm>> -> memref<1x624x128xf32, #tpu.memory_space<hbm>>
        %dma_start3A_183 = tpu.memref_squeeze %dma_start3A_182 : memref<1x624x128xf32, #tpu.memory_space<hbm>> -> memref<624x128xf32, #tpu.memory_space<hbm>>
        %dma_start3A_184 = arith.constant 0 : i32
        %dma_start3A_185 = tpu.memref_slice %arg18[%mul3A_178, %dma_start3A_184] : memref<10000x128xf32, #tpu.memory_space<vmem_shared>> -> memref<624x128xf32, #tpu.memory_space<vmem_shared>>
        tpu.enqueue_dma source(%dma_start3A_185 : memref<624x128xf32, #tpu.memory_space<vmem_shared>>) target(%dma_start3A_183 : memref<624x128xf32, #tpu.memory_space<hbm>>) target_semaphore(%run_scoped3A : memref<!tpu.dma_semaphore, #tpu.memory_space<semaphore_mem>>)
        %dma_wait3A_186 = arith.constant 0 : i32
        %dma_wait3A_187 = tpu.memref_slice %arg5[%arg0, %mul3A_180, %dma_wait3A_186] : memref<2x10000x128xf32, #tpu.memory_space<hbm>> -> memref<1x624x128xf32, #tpu.memory_space<hbm>>
        %dma_wait3A_188 = tpu.memref_squeeze %dma_wait3A_187 : memref<1x624x128xf32, #tpu.memory_space<hbm>> -> memref<624x128xf32, #tpu.memory_space<hbm>>
        %dma_wait3A_189 = arith.constant 0 : i32
        %dma_wait3A_190 = tpu.memref_slice %arg18[%mul3A_178, %dma_wait3A_189] : memref<10000x128xf32, #tpu.memory_space<vmem_shared>> -> memref<624x128xf32, #tpu.memory_space<vmem_shared>>
        tpu.wait_dma2 semaphore(%run_scoped3A : memref<!tpu.dma_semaphore, #tpu.memory_space<semaphore_mem>>) src(%dma_wait3A_190 : memref<624x128xf32, #tpu.memory_space<vmem_shared>>) dst(%dma_wait3A_188 : memref<624x128xf32, #tpu.memory_space<hbm>>)
        tpu.yield
      }) : () -> ()
    } else {
    }
    %eq3A_172 = arith.constant 15 : i32
    %eq3A_173 = arith.cmpi eq, %arg1, %eq3A_172 : i32
    %convert_element_type3A_174 = arith.extui %eq3A_173 : i1 to i32
    %cond3A_175 = arith.constant 0 : i32
    %cond3A_176 = arith.cmpi ne, %convert_element_type3A_174, %cond3A_175 : i32
    scf.if %cond3A_176 {
      "tpu.region"() ({
        %run_scoped3A = tpu.sem_alloc : memref<!tpu.dma_semaphore, #tpu.memory_space<semaphore_mem>>
        %dma_start3A_177 = arith.constant 9360 : i32
        %dma_start3A_178 = arith.constant 0 : i32
        %dma_start3A_179 = tpu.memref_slice %arg5[%arg0, %dma_start3A_177, %dma_start3A_178] : memref<2x10000x128xf32, #tpu.memory_space<hbm>> -> memref<1x640x128xf32, #tpu.memory_space<hbm>>
        %dma_start3A_180 = tpu.memref_squeeze %dma_start3A_179 : memref<1x640x128xf32, #tpu.memory_space<hbm>> -> memref<640x128xf32, #tpu.memory_space<hbm>>
        %dma_start3A_181 = arith.constant 9360 : i32
        %dma_start3A_182 = arith.constant 0 : i32
        %dma_start3A_183 = tpu.memref_slice %arg18[%dma_start3A_181, %dma_start3A_182] : memref<10000x128xf32, #tpu.memory_space<vmem_shared>> -> memref<640x128xf32, #tpu.memory_space<vmem_shared>>
        tpu.enqueue_dma source(%dma_start3A_183 : memref<640x128xf32, #tpu.memory_space<vmem_shared>>) target(%dma_start3A_180 : memref<640x128xf32, #tpu.memory_space<hbm>>) target_semaphore(%run_scoped3A : memref<!tpu.dma_semaphore, #tpu.memory_space<semaphore_mem>>)
        %dma_wait3A_184 = arith.constant 9360 : i32
        %dma_wait3A_185 = arith.constant 0 : i32
        %dma_wait3A_186 = tpu.memref_slice %arg5[%arg0, %dma_wait3A_184, %dma_wait3A_185] : memref<2x10000x128xf32, #tpu.memory_space<hbm>> -> memref<1x640x128xf32, #tpu.memory_space<hbm>>
        %dma_wait3A_187 = tpu.memref_squeeze %dma_wait3A_186 : memref<1x640x128xf32, #tpu.memory_space<hbm>> -> memref<640x128xf32, #tpu.memory_space<hbm>>
        %dma_wait3A_188 = arith.constant 9360 : i32
        %dma_wait3A_189 = arith.constant 0 : i32
        %dma_wait3A_190 = tpu.memref_slice %arg18[%dma_wait3A_188, %dma_wait3A_189] : memref<10000x128xf32, #tpu.memory_space<vmem_shared>> -> memref<640x128xf32, #tpu.memory_space<vmem_shared>>
        tpu.wait_dma2 semaphore(%run_scoped3A : memref<!tpu.dma_semaphore, #tpu.memory_space<semaphore_mem>>) src(%dma_wait3A_190 : memref<640x128xf32, #tpu.memory_space<vmem_shared>>) dst(%dma_wait3A_187 : memref<640x128xf32, #tpu.memory_space<hbm>>)
        tpu.yield
      }) : () -> ()
    } else {
    }
    return
  }
}

#map = affine_map<(d0, d1) -> (0, 0)>
#map1 = affine_map<(d0, d1) -> (0)>
#map2 = affine_map<(d0, d1) -> (0, 0, 0)>
module attributes {stable_mosaic.version = 14 : i64} {
  func.func @_sc_message(%arg0: i32, %arg1: i32, %arg2: memref<10016x128xf32, #tpu.memory_space<hbm>>, %arg3: memref<327680xi32, #tpu.memory_space<hbm>>, %arg4: memref<208x128xf32, #tpu.memory_space<hbm>>, %arg5: memref<2x10000x128xf32, #tpu.memory_space<hbm>>, %arg6: memref<128xi32, #tpu.memory_space<vmem>>, %arg7: memref<128xi32, #tpu.memory_space<vmem>>, %arg8: memref<128xi32, #tpu.memory_space<vmem>>, %arg9: memref<128xi32, #tpu.memory_space<vmem>>, %arg10: memref<128xi32, #tpu.memory_space<vmem>>, %arg11: memref<128xi32, #tpu.memory_space<vmem>>, %arg12: memref<128xi32, #tpu.memory_space<vmem>>, %arg13: memref<128xi32, #tpu.memory_space<vmem>>, %arg14: memref<128xi32, #tpu.memory_space<vmem>>, %arg15: memref<128x128xf32, #tpu.memory_space<vmem>>, %arg16: memref<128x128xf32, #tpu.memory_space<vmem>>, %arg17: memref<128x128xf32, #tpu.memory_space<vmem>>, %arg18: memref<10000x128xf32, #tpu.memory_space<vmem_shared>>, %arg19: memref<!tpu.dma_semaphore, #tpu.memory_space<semaphore_mem>>, %arg20: memref<!tpu.dma_semaphore, #tpu.memory_space<semaphore_mem>>, %arg21: memref<!tpu.dma_semaphore, #tpu.memory_space<semaphore_mem>>, %arg22: memref<!tpu.dma_semaphore, #tpu.memory_space<semaphore_mem>>, %arg23: memref<!tpu.dma_semaphore, #tpu.memory_space<semaphore_mem>>, %arg24: memref<!tpu.dma_semaphore, #tpu.memory_space<semaphore_mem>>) attributes {dimension_semantics = [#tpu.dimension_semantics<core_parallel>, #tpu.dimension_semantics<subcore_parallel>], iteration_bounds = array<i64: 2, 16>, scalar_prefetch = 0 : i64, scratch_operands = 19 : i64, tpu.core_type = #tpu.core_type<sc_vector_subcore>, window_params = [{transform_indices = #map}, {transform_indices = #map1}, {transform_indices = #map}, {transform_indices = #map2}]} {
    %mul3A = arith.constant 2 : i32
    %mul3A_0 = arith.muli %arg1, %mul3A : i32
    %add3A = arith.addi %mul3A_0, %arg0 : i32
    %mul3A_1 = arith.constant 80 : i32
    %mul3A_2 = arith.muli %add3A, %mul3A_1 : i32
    %mul3A_3 = arith.constant 624 : i32
    %mul3A_4 = arith.muli %arg1, %mul3A_3 : i32
    %add3A_5 = arith.constant 0 : i32
    %add3A_6 = arith.addi %mul3A_4, %add3A_5 : i32
    "tpu.region"() ({
      %run_scoped3A = tpu.sem_alloc : memref<!tpu.dma_semaphore, #tpu.memory_space<semaphore_mem>>
      %dma_start3A_177 = arith.constant 0 : i32
      %dma_start3A_178 = tpu.memref_slice %arg18[%add3A_6, %dma_start3A_177] : memref<10000x128xf32, #tpu.memory_space<vmem_shared>> -> memref<208x128xf32, #tpu.memory_space<vmem_shared>>
      tpu.enqueue_dma source(%arg4 : memref<208x128xf32, #tpu.memory_space<hbm>>) target(%dma_start3A_178 : memref<208x128xf32, #tpu.memory_space<vmem_shared>>) target_semaphore(%run_scoped3A : memref<!tpu.dma_semaphore, #tpu.memory_space<semaphore_mem>>)
      %dma_wait3A_179 = arith.constant 0 : i32
      %dma_wait3A_180 = tpu.memref_slice %arg18[%add3A_6, %dma_wait3A_179] : memref<10000x128xf32, #tpu.memory_space<vmem_shared>> -> memref<208x128xf32, #tpu.memory_space<vmem_shared>>
      tpu.wait_dma2 semaphore(%run_scoped3A : memref<!tpu.dma_semaphore, #tpu.memory_space<semaphore_mem>>) src(%arg4 : memref<208x128xf32, #tpu.memory_space<hbm>>) dst(%dma_wait3A_180 : memref<208x128xf32, #tpu.memory_space<vmem_shared>>)
      tpu.yield
    }) : () -> ()
    %add3A_7 = arith.constant 208 : i32
    %add3A_8 = arith.addi %mul3A_4, %add3A_7 : i32
    "tpu.region"() ({
      %run_scoped3A = tpu.sem_alloc : memref<!tpu.dma_semaphore, #tpu.memory_space<semaphore_mem>>
      %dma_start3A_177 = arith.constant 0 : i32
      %dma_start3A_178 = tpu.memref_slice %arg18[%add3A_8, %dma_start3A_177] : memref<10000x128xf32, #tpu.memory_space<vmem_shared>> -> memref<208x128xf32, #tpu.memory_space<vmem_shared>>
      tpu.enqueue_dma source(%arg4 : memref<208x128xf32, #tpu.memory_space<hbm>>) target(%dma_start3A_178 : memref<208x128xf32, #tpu.memory_space<vmem_shared>>) target_semaphore(%run_scoped3A : memref<!tpu.dma_semaphore, #tpu.memory_space<semaphore_mem>>)
      %dma_wait3A_179 = arith.constant 0 : i32
      %dma_wait3A_180 = tpu.memref_slice %arg18[%add3A_8, %dma_wait3A_179] : memref<10000x128xf32, #tpu.memory_space<vmem_shared>> -> memref<208x128xf32, #tpu.memory_space<vmem_shared>>
      tpu.wait_dma2 semaphore(%run_scoped3A : memref<!tpu.dma_semaphore, #tpu.memory_space<semaphore_mem>>) src(%arg4 : memref<208x128xf32, #tpu.memory_space<hbm>>) dst(%dma_wait3A_180 : memref<208x128xf32, #tpu.memory_space<vmem_shared>>)
      tpu.yield
    }) : () -> ()
    %add3A_9 = arith.constant 416 : i32
    %add3A_10 = arith.addi %mul3A_4, %add3A_9 : i32
    "tpu.region"() ({
      %run_scoped3A = tpu.sem_alloc : memref<!tpu.dma_semaphore, #tpu.memory_space<semaphore_mem>>
      %dma_start3A_177 = arith.constant 0 : i32
      %dma_start3A_178 = tpu.memref_slice %arg18[%add3A_10, %dma_start3A_177] : memref<10000x128xf32, #tpu.memory_space<vmem_shared>> -> memref<208x128xf32, #tpu.memory_space<vmem_shared>>
      tpu.enqueue_dma source(%arg4 : memref<208x128xf32, #tpu.memory_space<hbm>>) target(%dma_start3A_178 : memref<208x128xf32, #tpu.memory_space<vmem_shared>>) target_semaphore(%run_scoped3A : memref<!tpu.dma_semaphore, #tpu.memory_space<semaphore_mem>>)
      %dma_wait3A_179 = arith.constant 0 : i32
      %dma_wait3A_180 = tpu.memref_slice %arg18[%add3A_10, %dma_wait3A_179] : memref<10000x128xf32, #tpu.memory_space<vmem_shared>> -> memref<208x128xf32, #tpu.memory_space<vmem_shared>>
      tpu.wait_dma2 semaphore(%run_scoped3A : memref<!tpu.dma_semaphore, #tpu.memory_space<semaphore_mem>>) src(%arg4 : memref<208x128xf32, #tpu.memory_space<hbm>>) dst(%dma_wait3A_180 : memref<208x128xf32, #tpu.memory_space<vmem_shared>>)
      tpu.yield
    }) : () -> ()
    %eq3A = arith.constant 15 : i32
    %eq3A_11 = arith.cmpi eq, %arg1, %eq3A : i32
    %convert_element_type3A = arith.extui %eq3A_11 : i1 to i32
    %cond3A = arith.constant 0 : i32
    %cond3A_12 = arith.cmpi ne, %convert_element_type3A, %cond3A : i32
    scf.if %cond3A_12 {
      "tpu.region"() ({
        %run_scoped3A = tpu.sem_alloc : memref<!tpu.dma_semaphore, #tpu.memory_space<semaphore_mem>>
        %dma_start3A_177 = arith.constant 9984 : i32
        %dma_start3A_178 = arith.constant 0 : i32
        %dma_start3A_179 = tpu.memref_slice %arg18[%dma_start3A_177, %dma_start3A_178] : memref<10000x128xf32, #tpu.memory_space<vmem_shared>> -> memref<16x128xf32, #tpu.memory_space<vmem_shared>>
        %dma_start3A_180 = arith.constant 0 : i32
        %dma_start3A_181 = arith.constant 0 : i32
        %dma_start3A_182 = tpu.memref_slice %arg4[%dma_start3A_180, %dma_start3A_181] : memref<208x128xf32, #tpu.memory_space<hbm>> -> memref<16x128xf32, #tpu.memory_space<hbm>>
        tpu.enqueue_dma source(%dma_start3A_182 : memref<16x128xf32, #tpu.memory_space<hbm>>) target(%dma_start3A_179 : memref<16x128xf32, #tpu.memory_space<vmem_shared>>) target_semaphore(%run_scoped3A : memref<!tpu.dma_semaphore, #tpu.memory_space<semaphore_mem>>)
        %dma_wait3A_183 = arith.constant 9984 : i32
        %dma_wait3A_184 = arith.constant 0 : i32
        %dma_wait3A_185 = tpu.memref_slice %arg18[%dma_wait3A_183, %dma_wait3A_184] : memref<10000x128xf32, #tpu.memory_space<vmem_shared>> -> memref<16x128xf32, #tpu.memory_space<vmem_shared>>
        %dma_wait3A_186 = arith.constant 0 : i32
        %dma_wait3A_187 = arith.constant 0 : i32
        %dma_wait3A_188 = tpu.memref_slice %arg4[%dma_wait3A_186, %dma_wait3A_187] : memref<208x128xf32, #tpu.memory_space<hbm>> -> memref<16x128xf32, #tpu.memory_space<hbm>>
        tpu.wait_dma2 semaphore(%run_scoped3A : memref<!tpu.dma_semaphore, #tpu.memory_space<semaphore_mem>>) src(%dma_wait3A_188 : memref<16x128xf32, #tpu.memory_space<hbm>>) dst(%dma_wait3A_185 : memref<16x128xf32, #tpu.memory_space<vmem_shared>>)
        tpu.yield
      }) : () -> ()
    } else {
    }
    %barrier3A = arith.constant 0 : index
    tpu.barrier barrier_id(%barrier3A)
    %add3A_13 = arith.constant 0 : i32
    %add3A_14 = arith.addi %mul3A_2, %add3A_13 : i32
    %mul3A_15 = arith.constant 128 : i32
    %mul3A_16 = arith.muli %add3A_14, %mul3A_15 : i32
    %dma_start3A = tpu.memref_slice %arg3[%mul3A_16] : memref<327680xi32, #tpu.memory_space<hbm>> -> memref<128xi32, #tpu.memory_space<hbm>>
    %dma_start3A_17 = tpu.memref_slice %arg3[%mul3A_16] : memref<327680xi32, #tpu.memory_space<hbm>> -> memref<128xi32, #tpu.memory_space<hbm>>
    tpu.enqueue_dma source(%dma_start3A_17 : memref<128xi32, #tpu.memory_space<hbm>>) target(%arg6 : memref<128xi32, #tpu.memory_space<vmem>>) target_semaphore(%arg19 : memref<!tpu.dma_semaphore, #tpu.memory_space<semaphore_mem>>)
    %add3A_18 = arith.constant 1 : i32
    %add3A_19 = arith.addi %mul3A_2, %add3A_18 : i32
    %mul3A_20 = arith.constant 128 : i32
    %mul3A_21 = arith.muli %add3A_19, %mul3A_20 : i32
    %dma_start3A_22 = tpu.memref_slice %arg3[%mul3A_21] : memref<327680xi32, #tpu.memory_space<hbm>> -> memref<128xi32, #tpu.memory_space<hbm>>
    %dma_start3A_23 = tpu.memref_slice %arg3[%mul3A_21] : memref<327680xi32, #tpu.memory_space<hbm>> -> memref<128xi32, #tpu.memory_space<hbm>>
    tpu.enqueue_dma source(%dma_start3A_23 : memref<128xi32, #tpu.memory_space<hbm>>) target(%arg7 : memref<128xi32, #tpu.memory_space<vmem>>) target_semaphore(%arg20 : memref<!tpu.dma_semaphore, #tpu.memory_space<semaphore_mem>>)
    %dma_wait3A = arith.constant 0 : i32
    %dma_wait3A_24 = tpu.memref_slice %arg3[%dma_wait3A] : memref<327680xi32, #tpu.memory_space<hbm>> -> memref<128xi32, #tpu.memory_space<hbm>>
    %dma_wait3A_25 = arith.constant 0 : i32
    %dma_wait3A_26 = tpu.memref_slice %arg3[%dma_wait3A_25] : memref<327680xi32, #tpu.memory_space<hbm>> -> memref<128xi32, #tpu.memory_space<hbm>>
    tpu.wait_dma2 semaphore(%arg19 : memref<!tpu.dma_semaphore, #tpu.memory_space<semaphore_mem>>) src(%dma_wait3A_26 : memref<128xi32, #tpu.memory_space<hbm>>) dst(%arg6 : memref<128xi32, #tpu.memory_space<vmem>>)
    %get3A = arith.constant 0 : index
    %get3A_27 = tpu.vector_load %arg6[%get3A] {strides = array<i32>} : memref<128xi32, #tpu.memory_space<vmem>>, vector<16xi32>,
    %get3A_28 = vector.shape_cast %get3A_27 : vector<16xi32> to vector<16xi32>
    %and3A = arith.constant 65535 : i32
    %and3A_29 = vector.broadcast %and3A : i32 to vector<16xi32>
    %and3A_30 = arith.andi %get3A_28, %and3A_29 : vector<16xi32>
    %swap3A = arith.constant 0 : index
    %swap3A_31 = tpu.vector_load %arg9[%swap3A] {strides = array<i32>} : memref<128xi32, #tpu.memory_space<vmem>>, vector<16xi32>,
    %swap3A_32 = vector.shape_cast %swap3A_31 : vector<16xi32> to vector<16xi32>
    %swap3A_33 = vector.shape_cast %and3A_30 : vector<16xi32> to vector<16xi32>
    tpu.vector_store %arg9[%swap3A], %swap3A_33 {strides = array<i32>} : memref<128xi32, #tpu.memory_space<vmem>>, vector<16xi32>,
    %shift_right_logical3A = arith.constant 16 : i32
    %shift_right_logical3A_34 = vector.broadcast %shift_right_logical3A : i32 to vector<16xi32>
    %shift_right_logical3A_35 = arith.shrui %get3A_28, %shift_right_logical3A_34 : vector<16xi32>
    %swap3A_36 = arith.constant 0 : index
    %swap3A_37 = tpu.vector_load %arg12[%swap3A_36] {strides = array<i32>} : memref<128xi32, #tpu.memory_space<vmem>>, vector<16xi32>,
    %swap3A_38 = vector.shape_cast %swap3A_37 : vector<16xi32> to vector<16xi32>
    %swap3A_39 = vector.shape_cast %shift_right_logical3A_35 : vector<16xi32> to vector<16xi32>
    tpu.vector_store %arg12[%swap3A_36], %swap3A_39 {strides = array<i32>} : memref<128xi32, #tpu.memory_space<vmem>>, vector<16xi32>,
    %get3A_40 = arith.constant 16 : index
    %get3A_41 = tpu.vector_load %arg6[%get3A_40] {strides = array<i32>} : memref<128xi32, #tpu.memory_space<vmem>>, vector<16xi32>,
    %get3A_42 = vector.shape_cast %get3A_41 : vector<16xi32> to vector<16xi32>
    %and3A_43 = arith.constant 65535 : i32
    %and3A_44 = vector.broadcast %and3A_43 : i32 to vector<16xi32>
    %and3A_45 = arith.andi %get3A_42, %and3A_44 : vector<16xi32>
    %swap3A_46 = arith.constant 16 : index
    %swap3A_47 = tpu.vector_load %arg9[%swap3A_46] {strides = array<i32>} : memref<128xi32, #tpu.memory_space<vmem>>, vector<16xi32>,
    %swap3A_48 = vector.shape_cast %swap3A_47 : vector<16xi32> to vector<16xi32>
    %swap3A_49 = vector.shape_cast %and3A_45 : vector<16xi32> to vector<16xi32>
    tpu.vector_store %arg9[%swap3A_46], %swap3A_49 {strides = array<i32>} : memref<128xi32, #tpu.memory_space<vmem>>, vector<16xi32>,
    %shift_right_logical3A_50 = arith.constant 16 : i32
    %shift_right_logical3A_51 = vector.broadcast %shift_right_logical3A_50 : i32 to vector<16xi32>
    %shift_right_logical3A_52 = arith.shrui %get3A_42, %shift_right_logical3A_51 : vector<16xi32>
    %swap3A_53 = arith.constant 16 : index
    %swap3A_54 = tpu.vector_load %arg12[%swap3A_53] {strides = array<i32>} : memref<128xi32, #tpu.memory_space<vmem>>, vector<16xi32>,
    %swap3A_55 = vector.shape_cast %swap3A_54 : vector<16xi32> to vector<16xi32>
    %swap3A_56 = vector.shape_cast %shift_right_logical3A_52 : vector<16xi32> to vector<16xi32>
    tpu.vector_store %arg12[%swap3A_53], %swap3A_56 {strides = array<i32>} : memref<128xi32, #tpu.memory_space<vmem>>, vector<16xi32>,
    %get3A_57 = arith.constant 32 : index
    %get3A_58 = tpu.vector_load %arg6[%get3A_57] {strides = array<i32>} : memref<128xi32, #tpu.memory_space<vmem>>, vector<16xi32>,
    %get3A_59 = vector.shape_cast %get3A_58 : vector<16xi32> to vector<16xi32>
    %and3A_60 = arith.constant 65535 : i32
    %and3A_61 = vector.broadcast %and3A_60 : i32 to vector<16xi32>
    %and3A_62 = arith.andi %get3A_59, %and3A_61 : vector<16xi32>
    %swap3A_63 = arith.constant 32 : index
    %swap3A_64 = tpu.vector_load %arg9[%swap3A_63] {strides = array<i32>} : memref<128xi32, #tpu.memory_space<vmem>>, vector<16xi32>,
    %swap3A_65 = vector.shape_cast %swap3A_64 : vector<16xi32> to vector<16xi32>
    %swap3A_66 = vector.shape_cast %and3A_62 : vector<16xi32> to vector<16xi32>
    tpu.vector_store %arg9[%swap3A_63], %swap3A_66 {strides = array<i32>} : memref<128xi32, #tpu.memory_space<vmem>>, vector<16xi32>,
    %shift_right_logical3A_67 = arith.constant 16 : i32
    %shift_right_logical3A_68 = vector.broadcast %shift_right_logical3A_67 : i32 to vector<16xi32>
    %shift_right_logical3A_69 = arith.shrui %get3A_59, %shift_right_logical3A_68 : vector<16xi32>
    %swap3A_70 = arith.constant 32 : index
    %swap3A_71 = tpu.vector_load %arg12[%swap3A_70] {strides = array<i32>} : memref<128xi32, #tpu.memory_space<vmem>>, vector<16xi32>,
    %swap3A_72 = vector.shape_cast %swap3A_71 : vector<16xi32> to vector<16xi32>
    %swap3A_73 = vector.shape_cast %shift_right_logical3A_69 : vector<16xi32> to vector<16xi32>
    tpu.vector_store %arg12[%swap3A_70], %swap3A_73 {strides = array<i32>} : memref<128xi32, #tpu.memory_space<vmem>>, vector<16xi32>,
    %get3A_74 = arith.constant 48 : index
    %get3A_75 = tpu.vector_load %arg6[%get3A_74] {strides = array<i32>} : memref<128xi32, #tpu.memory_space<vmem>>, vector<16xi32>,
    %get3A_76 = vector.shape_cast %get3A_75 : vector<16xi32> to vector<16xi32>
    %and3A_77 = arith.constant 65535 : i32
    %and3A_78 = vector.broadcast %and3A_77 : i32 to vector<16xi32>
    %and3A_79 = arith.andi %get3A_76, %and3A_78 : vector<16xi32>
    %swap3A_80 = arith.constant 48 : index
    %swap3A_81 = tpu.vector_load %arg9[%swap3A_80] {strides = array<i32>} : memref<128xi32, #tpu.memory_space<vmem>>, vector<16xi32>,
    %swap3A_82 = vector.shape_cast %swap3A_81 : vector<16xi32> to vector<16xi32>
    %swap3A_83 = vector.shape_cast %and3A_79 : vector<16xi32> to vector<16xi32>
    tpu.vector_store %arg9[%swap3A_80], %swap3A_83 {strides = array<i32>} : memref<128xi32, #tpu.memory_space<vmem>>, vector<16xi32>,
    %shift_right_logical3A_84 = arith.constant 16 : i32
    %shift_right_logical3A_85 = vector.broadcast %shift_right_logical3A_84 : i32 to vector<16xi32>
    %shift_right_logical3A_86 = arith.shrui %get3A_76, %shift_right_logical3A_85 : vector<16xi32>
    %swap3A_87 = arith.constant 48 : index
    %swap3A_88 = tpu.vector_load %arg12[%swap3A_87] {strides = array<i32>} : memref<128xi32, #tpu.memory_space<vmem>>, vector<16xi32>,
    %swap3A_89 = vector.shape_cast %swap3A_88 : vector<16xi32> to vector<16xi32>
    %swap3A_90 = vector.shape_cast %shift_right_logical3A_86 : vector<16xi32> to vector<16xi32>
    tpu.vector_store %arg12[%swap3A_87], %swap3A_90 {strides = array<i32>} : memref<128xi32, #tpu.memory_space<vmem>>, vector<16xi32>,
    %get3A_91 = arith.constant 64 : index
    %get3A_92 = tpu.vector_load %arg6[%get3A_91] {strides = array<i32>} : memref<128xi32, #tpu.memory_space<vmem>>, vector<16xi32>,
    %get3A_93 = vector.shape_cast %get3A_92 : vector<16xi32> to vector<16xi32>
    %and3A_94 = arith.constant 65535 : i32
    %and3A_95 = vector.broadcast %and3A_94 : i32 to vector<16xi32>
    %and3A_96 = arith.andi %get3A_93, %and3A_95 : vector<16xi32>
    %swap3A_97 = arith.constant 64 : index
    %swap3A_98 = tpu.vector_load %arg9[%swap3A_97] {strides = array<i32>} : memref<128xi32, #tpu.memory_space<vmem>>, vector<16xi32>,
    %swap3A_99 = vector.shape_cast %swap3A_98 : vector<16xi32> to vector<16xi32>
    %swap3A_100 = vector.shape_cast %and3A_96 : vector<16xi32> to vector<16xi32>
    tpu.vector_store %arg9[%swap3A_97], %swap3A_100 {strides = array<i32>} : memref<128xi32, #tpu.memory_space<vmem>>, vector<16xi32>,
    %shift_right_logical3A_101 = arith.constant 16 : i32
    %shift_right_logical3A_102 = vector.broadcast %shift_right_logical3A_101 : i32 to vector<16xi32>
    %shift_right_logical3A_103 = arith.shrui %get3A_93, %shift_right_logical3A_102 : vector<16xi32>
    %swap3A_104 = arith.constant 64 : index
    %swap3A_105 = tpu.vector_load %arg12[%swap3A_104] {strides = array<i32>} : memref<128xi32, #tpu.memory_space<vmem>>, vector<16xi32>,
    %swap3A_106 = vector.shape_cast %swap3A_105 : vector<16xi32> to vector<16xi32>
    %swap3A_107 = vector.shape_cast %shift_right_logical3A_103 : vector<16xi32> to vector<16xi32>
    tpu.vector_store %arg12[%swap3A_104], %swap3A_107 {strides = array<i32>} : memref<128xi32, #tpu.memory_space<vmem>>, vector<16xi32>,
    %get3A_108 = arith.constant 80 : index
    %get3A_109 = tpu.vector_load %arg6[%get3A_108] {strides = array<i32>} : memref<128xi32, #tpu.memory_space<vmem>>, vector<16xi32>,
    %get3A_110 = vector.shape_cast %get3A_109 : vector<16xi32> to vector<16xi32>
    %and3A_111 = arith.constant 65535 : i32
    %and3A_112 = vector.broadcast %and3A_111 : i32 to vector<16xi32>
    %and3A_113 = arith.andi %get3A_110, %and3A_112 : vector<16xi32>
    %swap3A_114 = arith.constant 80 : index
    %swap3A_115 = tpu.vector_load %arg9[%swap3A_114] {strides = array<i32>} : memref<128xi32, #tpu.memory_space<vmem>>, vector<16xi32>,
    %swap3A_116 = vector.shape_cast %swap3A_115 : vector<16xi32> to vector<16xi32>
    %swap3A_117 = vector.shape_cast %and3A_113 : vector<16xi32> to vector<16xi32>
    tpu.vector_store %arg9[%swap3A_114], %swap3A_117 {strides = array<i32>} : memref<128xi32, #tpu.memory_space<vmem>>, vector<16xi32>,
    %shift_right_logical3A_118 = arith.constant 16 : i32
    %shift_right_logical3A_119 = vector.broadcast %shift_right_logical3A_118 : i32 to vector<16xi32>
    %shift_right_logical3A_120 = arith.shrui %get3A_110, %shift_right_logical3A_119 : vector<16xi32>
    %swap3A_121 = arith.constant 80 : index
    %swap3A_122 = tpu.vector_load %arg12[%swap3A_121] {strides = array<i32>} : memref<128xi32, #tpu.memory_space<vmem>>, vector<16xi32>,
    %swap3A_123 = vector.shape_cast %swap3A_122 : vector<16xi32> to vector<16xi32>
    %swap3A_124 = vector.shape_cast %shift_right_logical3A_120 : vector<16xi32> to vector<16xi32>
    tpu.vector_store %arg12[%swap3A_121], %swap3A_124 {strides = array<i32>} : memref<128xi32, #tpu.memory_space<vmem>>, vector<16xi32>,
    %get3A_125 = arith.constant 96 : index
    %get3A_126 = tpu.vector_load %arg6[%get3A_125] {strides = array<i32>} : memref<128xi32, #tpu.memory_space<vmem>>, vector<16xi32>,
    %get3A_127 = vector.shape_cast %get3A_126 : vector<16xi32> to vector<16xi32>
    %and3A_128 = arith.constant 65535 : i32
    %and3A_129 = vector.broadcast %and3A_128 : i32 to vector<16xi32>
    %and3A_130 = arith.andi %get3A_127, %and3A_129 : vector<16xi32>
    %swap3A_131 = arith.constant 96 : index
    %swap3A_132 = tpu.vector_load %arg9[%swap3A_131] {strides = array<i32>} : memref<128xi32, #tpu.memory_space<vmem>>, vector<16xi32>,
    %swap3A_133 = vector.shape_cast %swap3A_132 : vector<16xi32> to vector<16xi32>
    %swap3A_134 = vector.shape_cast %and3A_130 : vector<16xi32> to vector<16xi32>
    tpu.vector_store %arg9[%swap3A_131], %swap3A_134 {strides = array<i32>} : memref<128xi32, #tpu.memory_space<vmem>>, vector<16xi32>,
    %shift_right_logical3A_135 = arith.constant 16 : i32
    %shift_right_logical3A_136 = vector.broadcast %shift_right_logical3A_135 : i32 to vector<16xi32>
    %shift_right_logical3A_137 = arith.shrui %get3A_127, %shift_right_logical3A_136 : vector<16xi32>
    %swap3A_138 = arith.constant 96 : index
    %swap3A_139 = tpu.vector_load %arg12[%swap3A_138] {strides = array<i32>} : memref<128xi32, #tpu.memory_space<vmem>>, vector<16xi32>,
    %swap3A_140 = vector.shape_cast %swap3A_139 : vector<16xi32> to vector<16xi32>
    %swap3A_141 = vector.shape_cast %shift_right_logical3A_137 : vector<16xi32> to vector<16xi32>
    tpu.vector_store %arg12[%swap3A_138], %swap3A_141 {strides = array<i32>} : memref<128xi32, #tpu.memory_space<vmem>>, vector<16xi32>,
    %get3A_142 = arith.constant 112 : index
    %get3A_143 = tpu.vector_load %arg6[%get3A_142] {strides = array<i32>} : memref<128xi32, #tpu.memory_space<vmem>>, vector<16xi32>,
    %get3A_144 = vector.shape_cast %get3A_143 : vector<16xi32> to vector<16xi32>
    %and3A_145 = arith.constant 65535 : i32
    %and3A_146 = vector.broadcast %and3A_145 : i32 to vector<16xi32>
    %and3A_147 = arith.andi %get3A_144, %and3A_146 : vector<16xi32>
    %swap3A_148 = arith.constant 112 : index
    %swap3A_149 = tpu.vector_load %arg9[%swap3A_148] {strides = array<i32>} : memref<128xi32, #tpu.memory_space<vmem>>, vector<16xi32>,
    %swap3A_150 = vector.shape_cast %swap3A_149 : vector<16xi32> to vector<16xi32>
    %swap3A_151 = vector.shape_cast %and3A_147 : vector<16xi32> to vector<16xi32>
    tpu.vector_store %arg9[%swap3A_148], %swap3A_151 {strides = array<i32>} : memref<128xi32, #tpu.memory_space<vmem>>, vector<16xi32>,
    %shift_right_logical3A_152 = arith.constant 16 : i32
    %shift_right_logical3A_153 = vector.broadcast %shift_right_logical3A_152 : i32 to vector<16xi32>
    %shift_right_logical3A_154 = arith.shrui %get3A_144, %shift_right_logical3A_153 : vector<16xi32>
    %swap3A_155 = arith.constant 112 : index
    %swap3A_156 = tpu.vector_load %arg12[%swap3A_155] {strides = array<i32>} : memref<128xi32, #tpu.memory_space<vmem>>, vector<16xi32>,
    %swap3A_157 = vector.shape_cast %swap3A_156 : vector<16xi32> to vector<16xi32>
    %swap3A_158 = vector.shape_cast %shift_right_logical3A_154 : vector<16xi32> to vector<16xi32>
    tpu.vector_store %arg12[%swap3A_155], %swap3A_158 {strides = array<i32>} : memref<128xi32, #tpu.memory_space<vmem>>, vector<16xi32>,
    %dma_start3A_159 = arith.constant 0 : i32
    %dma_start3A_160 = arith.constant 0 : i32
    %dma_start3A_161 = tpu.memref_slice %arg2[%dma_start3A_159, %dma_start3A_160] : memref<10016x128xf32, #tpu.memory_space<hbm>> -> memref<10016x128xf32, #tpu.memory_space<hbm>>
    tpu.enqueue_indirect_dma source(%dma_start3A_161 : memref<10016x128xf32, #tpu.memory_space<hbm>>) target(%arg15 : memref<128x128xf32, #tpu.memory_space<vmem>>) offsets(%arg9 : memref<128xi32, #tpu.memory_space<vmem>>) semaphore(%arg22 : memref<!tpu.dma_semaphore, #tpu.memory_space<semaphore_mem>>)
    %scan3A = arith.constant 0 : i32
    %scan3A_162 = arith.constant 0 : i32
    %scan3A_163 = arith.constant 27 : i32
    %scan3A_164 = arith.addi %scan3A_162, %scan3A_163 : i32
    %scan3A_165 = arith.constant 1 : i32
    scf.for %scan3A_177 = %scan3A_162 to %scan3A_164 step %scan3A_165  : i32 {
      %mul3A_178 = arith.constant 3 : i32
      %mul3A_179 = arith.muli %scan3A_177, %mul3A_178 : i32
      %add3A_180 = arith.constant 0 : i32
      %add3A_181 = arith.addi %mul3A_179, %add3A_180 : i32
      %add3A_182 = arith.constant 2 : i32
      %add3A_183 = arith.addi %add3A_181, %add3A_182 : i32
      %lt3A_184 = arith.constant 80 : i32
      %lt3A_185 = arith.cmpi slt, %add3A_183, %lt3A_184 : i32
      %convert_element_type3A_186 = arith.extui %lt3A_185 : i1 to i32
      %cond3A_187 = arith.constant 0 : i32
      %cond3A_188 = arith.cmpi ne, %convert_element_type3A_186, %cond3A_187 : i32
      scf.if %cond3A_188 {
        %add3A_243 = arith.constant 2 : i32
        %add3A_244 = arith.addi %add3A_181, %add3A_243 : i32
        %add3A_245 = arith.addi %mul3A_2, %add3A_244 : i32
        %mul3A_246 = arith.constant 128 : i32
        %mul3A_247 = arith.muli %add3A_245, %mul3A_246 : i32
        %dma_start3A_248 = tpu.memref_slice %arg3[%mul3A_247] : memref<327680xi32, #tpu.memory_space<hbm>> -> memref<128xi32, #tpu.memory_space<hbm>>
        %dma_start3A_249 = tpu.memref_slice %arg3[%mul3A_247] : memref<327680xi32, #tpu.memory_space<hbm>> -> memref<128xi32, #tpu.memory_space<hbm>>
        tpu.enqueue_dma source(%dma_start3A_249 : memref<128xi32, #tpu.memory_space<hbm>>) target(%arg8 : memref<128xi32, #tpu.memory_space<vmem>>) target_semaphore(%arg21 : memref<!tpu.dma_semaphore, #tpu.memory_space<semaphore_mem>>)
      } else {
      }
      %add3A_189 = arith.constant 1 : i32
      %add3A_190 = arith.addi %add3A_181, %add3A_189 : i32
      %lt3A_191 = arith.constant 80 : i32
      %lt3A_192 = arith.cmpi slt, %add3A_190, %lt3A_191 : i32
      %convert_element_type3A_193 = arith.extui %lt3A_192 : i1 to i32
      %cond3A_194 = arith.constant 0 : i32
      %cond3A_195 = arith.cmpi ne, %convert_element_type3A_193, %cond3A_194 : i32
      scf.if %cond3A_195 {
        %dma_wait3A_243 = arith.constant 0 : i32
        %dma_wait3A_244 = tpu.memref_slice %arg3[%dma_wait3A_243] : memref<327680xi32, #tpu.memory_space<hbm>> -> memref<128xi32, #tpu.memory_space<hbm>>
        %dma_wait3A_245 = arith.constant 0 : i32
        %dma_wait3A_246 = tpu.memref_slice %arg3[%dma_wait3A_245] : memref<327680xi32, #tpu.memory_space<hbm>> -> memref<128xi32, #tpu.memory_space<hbm>>
        tpu.wait_dma2 semaphore(%arg20 : memref<!tpu.dma_semaphore, #tpu.memory_space<semaphore_mem>>) src(%dma_wait3A_246 : memref<128xi32, #tpu.memory_space<hbm>>) dst(%arg7 : memref<128xi32, #tpu.memory_space<vmem>>)
        %get3A_247 = arith.constant 0 : index
        %get3A_248 = tpu.vector_load %arg7[%get3A_247] {strides = array<i32>} : memref<128xi32, #tpu.memory_space<vmem>>, vector<16xi32>,
        %get3A_249 = vector.shape_cast %get3A_248 : vector<16xi32> to vector<16xi32>
        %and3A_250 = arith.constant 65535 : i32
        %and3A_251 = vector.broadcast %and3A_250 : i32 to vector<16xi32>
        %and3A_252 = arith.andi %get3A_249, %and3A_251 : vector<16xi32>
        %swap3A_253 = arith.constant 0 : index
        %swap3A_254 = tpu.vector_load %arg10[%swap3A_253] {strides = array<i32>} : memref<128xi32, #tpu.memory_space<vmem>>, vector<16xi32>,
        %swap3A_255 = vector.shape_cast %swap3A_254 : vector<16xi32> to vector<16xi32>
        %swap3A_256 = vector.shape_cast %and3A_252 : vector<16xi32> to vector<16xi32>
        tpu.vector_store %arg10[%swap3A_253], %swap3A_256 {strides = array<i32>} : memref<128xi32, #tpu.memory_space<vmem>>, vector<16xi32>,
        %shift_right_logical3A_257 = arith.constant 16 : i32
        %shift_right_logical3A_258 = vector.broadcast %shift_right_logical3A_257 : i32 to vector<16xi32>
        %shift_right_logical3A_259 = arith.shrui %get3A_249, %shift_right_logical3A_258 : vector<16xi32>
        %swap3A_260 = arith.constant 0 : index
        %swap3A_261 = tpu.vector_load %arg13[%swap3A_260] {strides = array<i32>} : memref<128xi32, #tpu.memory_space<vmem>>, vector<16xi32>,
        %swap3A_262 = vector.shape_cast %swap3A_261 : vector<16xi32> to vector<16xi32>
        %swap3A_263 = vector.shape_cast %shift_right_logical3A_259 : vector<16xi32> to vector<16xi32>
        tpu.vector_store %arg13[%swap3A_260], %swap3A_263 {strides = array<i32>} : memref<128xi32, #tpu.memory_space<vmem>>, vector<16xi32>,
        %get3A_264 = arith.constant 16 : index
        %get3A_265 = tpu.vector_load %arg7[%get3A_264] {strides = array<i32>} : memref<128xi32, #tpu.memory_space<vmem>>, vector<16xi32>,
        %get3A_266 = vector.shape_cast %get3A_265 : vector<16xi32> to vector<16xi32>
        %and3A_267 = arith.constant 65535 : i32
        %and3A_268 = vector.broadcast %and3A_267 : i32 to vector<16xi32>
        %and3A_269 = arith.andi %get3A_266, %and3A_268 : vector<16xi32>
        %swap3A_270 = arith.constant 16 : index
        %swap3A_271 = tpu.vector_load %arg10[%swap3A_270] {strides = array<i32>} : memref<128xi32, #tpu.memory_space<vmem>>, vector<16xi32>,
        %swap3A_272 = vector.shape_cast %swap3A_271 : vector<16xi32> to vector<16xi32>
        %swap3A_273 = vector.shape_cast %and3A_269 : vector<16xi32> to vector<16xi32>
        tpu.vector_store %arg10[%swap3A_270], %swap3A_273 {strides = array<i32>} : memref<128xi32, #tpu.memory_space<vmem>>, vector<16xi32>,
        %shift_right_logical3A_274 = arith.constant 16 : i32
        %shift_right_logical3A_275 = vector.broadcast %shift_right_logical3A_274 : i32 to vector<16xi32>
        %shift_right_logical3A_276 = arith.shrui %get3A_266, %shift_right_logical3A_275 : vector<16xi32>
        %swap3A_277 = arith.constant 16 : index
        %swap3A_278 = tpu.vector_load %arg13[%swap3A_277] {strides = array<i32>} : memref<128xi32, #tpu.memory_space<vmem>>, vector<16xi32>,
        %swap3A_279 = vector.shape_cast %swap3A_278 : vector<16xi32> to vector<16xi32>
        %swap3A_280 = vector.shape_cast %shift_right_logical3A_276 : vector<16xi32> to vector<16xi32>
        tpu.vector_store %arg13[%swap3A_277], %swap3A_280 {strides = array<i32>} : memref<128xi32, #tpu.memory_space<vmem>>, vector<16xi32>,
        %get3A_281 = arith.constant 32 : index
        %get3A_282 = tpu.vector_load %arg7[%get3A_281] {strides = array<i32>} : memref<128xi32, #tpu.memory_space<vmem>>, vector<16xi32>,
        %get3A_283 = vector.shape_cast %get3A_282 : vector<16xi32> to vector<16xi32>
        %and3A_284 = arith.constant 65535 : i32
        %and3A_285 = vector.broadcast %and3A_284 : i32 to vector<16xi32>
        %and3A_286 = arith.andi %get3A_283, %and3A_285 : vector<16xi32>
        %swap3A_287 = arith.constant 32 : index
        %swap3A_288 = tpu.vector_load %arg10[%swap3A_287] {strides = array<i32>} : memref<128xi32, #tpu.memory_space<vmem>>, vector<16xi32>,
        %swap3A_289 = vector.shape_cast %swap3A_288 : vector<16xi32> to vector<16xi32>
        %swap3A_290 = vector.shape_cast %and3A_286 : vector<16xi32> to vector<16xi32>
        tpu.vector_store %arg10[%swap3A_287], %swap3A_290 {strides = array<i32>} : memref<128xi32, #tpu.memory_space<vmem>>, vector<16xi32>,
        %shift_right_logical3A_291 = arith.constant 16 : i32
        %shift_right_logical3A_292 = vector.broadcast %shift_right_logical3A_291 : i32 to vector<16xi32>
        %shift_right_logical3A_293 = arith.shrui %get3A_283, %shift_right_logical3A_292 : vector<16xi32>
        %swap3A_294 = arith.constant 32 : index
        %swap3A_295 = tpu.vector_load %arg13[%swap3A_294] {strides = array<i32>} : memref<128xi32, #tpu.memory_space<vmem>>, vector<16xi32>,
        %swap3A_296 = vector.shape_cast %swap3A_295 : vector<16xi32> to vector<16xi32>
        %swap3A_297 = vector.shape_cast %shift_right_logical3A_293 : vector<16xi32> to vector<16xi32>
        tpu.vector_store %arg13[%swap3A_294], %swap3A_297 {strides = array<i32>} : memref<128xi32, #tpu.memory_space<vmem>>, vector<16xi32>,
        %get3A_298 = arith.constant 48 : index
        %get3A_299 = tpu.vector_load %arg7[%get3A_298] {strides = array<i32>} : memref<128xi32, #tpu.memory_space<vmem>>, vector<16xi32>,
        %get3A_300 = vector.shape_cast %get3A_299 : vector<16xi32> to vector<16xi32>
        %and3A_301 = arith.constant 65535 : i32
        %and3A_302 = vector.broadcast %and3A_301 : i32 to vector<16xi32>
        %and3A_303 = arith.andi %get3A_300, %and3A_302 : vector<16xi32>
        %swap3A_304 = arith.constant 48 : index
        %swap3A_305 = tpu.vector_load %arg10[%swap3A_304] {strides = array<i32>} : memref<128xi32, #tpu.memory_space<vmem>>, vector<16xi32>,
        %swap3A_306 = vector.shape_cast %swap3A_305 : vector<16xi32> to vector<16xi32>
        %swap3A_307 = vector.shape_cast %and3A_303 : vector<16xi32> to vector<16xi32>
        tpu.vector_store %arg10[%swap3A_304], %swap3A_307 {strides = array<i32>} : memref<128xi32, #tpu.memory_space<vmem>>, vector<16xi32>,
        %shift_right_logical3A_308 = arith.constant 16 : i32
        %shift_right_logical3A_309 = vector.broadcast %shift_right_logical3A_308 : i32 to vector<16xi32>
        %shift_right_logical3A_310 = arith.shrui %get3A_300, %shift_right_logical3A_309 : vector<16xi32>
        %swap3A_311 = arith.constant 48 : index
        %swap3A_312 = tpu.vector_load %arg13[%swap3A_311] {strides = array<i32>} : memref<128xi32, #tpu.memory_space<vmem>>, vector<16xi32>,
        %swap3A_313 = vector.shape_cast %swap3A_312 : vector<16xi32> to vector<16xi32>
        %swap3A_314 = vector.shape_cast %shift_right_logical3A_310 : vector<16xi32> to vector<16xi32>
        tpu.vector_store %arg13[%swap3A_311], %swap3A_314 {strides = array<i32>} : memref<128xi32, #tpu.memory_space<vmem>>, vector<16xi32>,
        %get3A_315 = arith.constant 64 : index
        %get3A_316 = tpu.vector_load %arg7[%get3A_315] {strides = array<i32>} : memref<128xi32, #tpu.memory_space<vmem>>, vector<16xi32>,
        %get3A_317 = vector.shape_cast %get3A_316 : vector<16xi32> to vector<16xi32>
        %and3A_318 = arith.constant 65535 : i32
        %and3A_319 = vector.broadcast %and3A_318 : i32 to vector<16xi32>
        %and3A_320 = arith.andi %get3A_317, %and3A_319 : vector<16xi32>
        %swap3A_321 = arith.constant 64 : index
        %swap3A_322 = tpu.vector_load %arg10[%swap3A_321] {strides = array<i32>} : memref<128xi32, #tpu.memory_space<vmem>>, vector<16xi32>,
        %swap3A_323 = vector.shape_cast %swap3A_322 : vector<16xi32> to vector<16xi32>
        %swap3A_324 = vector.shape_cast %and3A_320 : vector<16xi32> to vector<16xi32>
        tpu.vector_store %arg10[%swap3A_321], %swap3A_324 {strides = array<i32>} : memref<128xi32, #tpu.memory_space<vmem>>, vector<16xi32>,
        %shift_right_logical3A_325 = arith.constant 16 : i32
        %shift_right_logical3A_326 = vector.broadcast %shift_right_logical3A_325 : i32 to vector<16xi32>
        %shift_right_logical3A_327 = arith.shrui %get3A_317, %shift_right_logical3A_326 : vector<16xi32>
        %swap3A_328 = arith.constant 64 : index
        %swap3A_329 = tpu.vector_load %arg13[%swap3A_328] {strides = array<i32>} : memref<128xi32, #tpu.memory_space<vmem>>, vector<16xi32>,
        %swap3A_330 = vector.shape_cast %swap3A_329 : vector<16xi32> to vector<16xi32>
        %swap3A_331 = vector.shape_cast %shift_right_logical3A_327 : vector<16xi32> to vector<16xi32>
        tpu.vector_store %arg13[%swap3A_328], %swap3A_331 {strides = array<i32>} : memref<128xi32, #tpu.memory_space<vmem>>, vector<16xi32>,
        %get3A_332 = arith.constant 80 : index
        %get3A_333 = tpu.vector_load %arg7[%get3A_332] {strides = array<i32>} : memref<128xi32, #tpu.memory_space<vmem>>, vector<16xi32>,
        %get3A_334 = vector.shape_cast %get3A_333 : vector<16xi32> to vector<16xi32>
        %and3A_335 = arith.constant 65535 : i32
        %and3A_336 = vector.broadcast %and3A_335 : i32 to vector<16xi32>
        %and3A_337 = arith.andi %get3A_334, %and3A_336 : vector<16xi32>
        %swap3A_338 = arith.constant 80 : index
        %swap3A_339 = tpu.vector_load %arg10[%swap3A_338] {strides = array<i32>} : memref<128xi32, #tpu.memory_space<vmem>>, vector<16xi32>,
        %swap3A_340 = vector.shape_cast %swap3A_339 : vector<16xi32> to vector<16xi32>
        %swap3A_341 = vector.shape_cast %and3A_337 : vector<16xi32> to vector<16xi32>
        tpu.vector_store %arg10[%swap3A_338], %swap3A_341 {strides = array<i32>} : memref<128xi32, #tpu.memory_space<vmem>>, vector<16xi32>,
        %shift_right_logical3A_342 = arith.constant 16 : i32
        %shift_right_logical3A_343 = vector.broadcast %shift_right_logical3A_342 : i32 to vector<16xi32>
        %shift_right_logical3A_344 = arith.shrui %get3A_334, %shift_right_logical3A_343 : vector<16xi32>
        %swap3A_345 = arith.constant 80 : index
        %swap3A_346 = tpu.vector_load %arg13[%swap3A_345] {strides = array<i32>} : memref<128xi32, #tpu.memory_space<vmem>>, vector<16xi32>,
        %swap3A_347 = vector.shape_cast %swap3A_346 : vector<16xi32> to vector<16xi32>
        %swap3A_348 = vector.shape_cast %shift_right_logical3A_344 : vector<16xi32> to vector<16xi32>
        tpu.vector_store %arg13[%swap3A_345], %swap3A_348 {strides = array<i32>} : memref<128xi32, #tpu.memory_space<vmem>>, vector<16xi32>,
        %get3A_349 = arith.constant 96 : index
        %get3A_350 = tpu.vector_load %arg7[%get3A_349] {strides = array<i32>} : memref<128xi32, #tpu.memory_space<vmem>>, vector<16xi32>,
        %get3A_351 = vector.shape_cast %get3A_350 : vector<16xi32> to vector<16xi32>
        %and3A_352 = arith.constant 65535 : i32
        %and3A_353 = vector.broadcast %and3A_352 : i32 to vector<16xi32>
        %and3A_354 = arith.andi %get3A_351, %and3A_353 : vector<16xi32>
        %swap3A_355 = arith.constant 96 : index
        %swap3A_356 = tpu.vector_load %arg10[%swap3A_355] {strides = array<i32>} : memref<128xi32, #tpu.memory_space<vmem>>, vector<16xi32>,
        %swap3A_357 = vector.shape_cast %swap3A_356 : vector<16xi32> to vector<16xi32>
        %swap3A_358 = vector.shape_cast %and3A_354 : vector<16xi32> to vector<16xi32>
        tpu.vector_store %arg10[%swap3A_355], %swap3A_358 {strides = array<i32>} : memref<128xi32, #tpu.memory_space<vmem>>, vector<16xi32>,
        %shift_right_logical3A_359 = arith.constant 16 : i32
        %shift_right_logical3A_360 = vector.broadcast %shift_right_logical3A_359 : i32 to vector<16xi32>
        %shift_right_logical3A_361 = arith.shrui %get3A_351, %shift_right_logical3A_360 : vector<16xi32>
        %swap3A_362 = arith.constant 96 : index
        %swap3A_363 = tpu.vector_load %arg13[%swap3A_362] {strides = array<i32>} : memref<128xi32, #tpu.memory_space<vmem>>, vector<16xi32>,
        %swap3A_364 = vector.shape_cast %swap3A_363 : vector<16xi32> to vector<16xi32>
        %swap3A_365 = vector.shape_cast %shift_right_logical3A_361 : vector<16xi32> to vector<16xi32>
        tpu.vector_store %arg13[%swap3A_362], %swap3A_365 {strides = array<i32>} : memref<128xi32, #tpu.memory_space<vmem>>, vector<16xi32>,
        %get3A_366 = arith.constant 112 : index
        %get3A_367 = tpu.vector_load %arg7[%get3A_366] {strides = array<i32>} : memref<128xi32, #tpu.memory_space<vmem>>, vector<16xi32>,
        %get3A_368 = vector.shape_cast %get3A_367 : vector<16xi32> to vector<16xi32>
        %and3A_369 = arith.constant 65535 : i32
        %and3A_370 = vector.broadcast %and3A_369 : i32 to vector<16xi32>
        %and3A_371 = arith.andi %get3A_368, %and3A_370 : vector<16xi32>
        %swap3A_372 = arith.constant 112 : index
        %swap3A_373 = tpu.vector_load %arg10[%swap3A_372] {strides = array<i32>} : memref<128xi32, #tpu.memory_space<vmem>>, vector<16xi32>,
        %swap3A_374 = vector.shape_cast %swap3A_373 : vector<16xi32> to vector<16xi32>
        %swap3A_375 = vector.shape_cast %and3A_371 : vector<16xi32> to vector<16xi32>
        tpu.vector_store %arg10[%swap3A_372], %swap3A_375 {strides = array<i32>} : memref<128xi32, #tpu.memory_space<vmem>>, vector<16xi32>,
        %shift_right_logical3A_376 = arith.constant 16 : i32
        %shift_right_logical3A_377 = vector.broadcast %shift_right_logical3A_376 : i32 to vector<16xi32>
        %shift_right_logical3A_378 = arith.shrui %get3A_368, %shift_right_logical3A_377 : vector<16xi32>
        %swap3A_379 = arith.constant 112 : index
        %swap3A_380 = tpu.vector_load %arg13[%swap3A_379] {strides = array<i32>} : memref<128xi32, #tpu.memory_space<vmem>>, vector<16xi32>,
        %swap3A_381 = vector.shape_cast %swap3A_380 : vector<16xi32> to vector<16xi32>
        %swap3A_382 = vector.shape_cast %shift_right_logical3A_378 : vector<16xi32> to vector<16xi32>
        tpu.vector_store %arg13[%swap3A_379], %swap3A_382 {strides = array<i32>} : memref<128xi32, #tpu.memory_space<vmem>>, vector<16xi32>,
        %dma_start3A_383 = arith.constant 0 : i32
        %dma_start3A_384 = arith.constant 0 : i32
        %dma_start3A_385 = tpu.memref_slice %arg2[%dma_start3A_383, %dma_start3A_384] : memref<10016x128xf32, #tpu.memory_space<hbm>> -> memref<10016x128xf32, #tpu.memory_space<hbm>>
        tpu.enqueue_indirect_dma source(%dma_start3A_385 : memref<10016x128xf32, #tpu.memory_space<hbm>>) target(%arg16 : memref<128x128xf32, #tpu.memory_space<vmem>>) offsets(%arg10 : memref<128xi32, #tpu.memory_space<vmem>>) semaphore(%arg23 : memref<!tpu.dma_semaphore, #tpu.memory_space<semaphore_mem>>)
      } else {
      }
      %lt3A_196 = arith.constant 80 : i32
      %lt3A_197 = arith.cmpi slt, %add3A_181, %lt3A_196 : i32
      %convert_element_type3A_198 = arith.extui %lt3A_197 : i1 to i32
      %cond3A_199 = arith.constant 0 : i32
      %cond3A_200 = arith.cmpi ne, %convert_element_type3A_198, %cond3A_199 : i32
      scf.if %cond3A_200 {
        %dma_wait3A_243 = arith.constant 0 : i32
        %dma_wait3A_244 = arith.constant 0 : i32
        %dma_wait3A_245 = tpu.memref_slice %arg4[%dma_wait3A_243, %dma_wait3A_244] : memref<208x128xf32, #tpu.memory_space<hbm>> -> memref<128x128xf32, #tpu.memory_space<hbm>>
        %dma_wait3A_246 = arith.constant 0 : i32
        %dma_wait3A_247 = arith.constant 0 : i32
        %dma_wait3A_248 = tpu.memref_slice %arg4[%dma_wait3A_246, %dma_wait3A_247] : memref<208x128xf32, #tpu.memory_space<hbm>> -> memref<128x128xf32, #tpu.memory_space<hbm>>
        tpu.wait_dma2 semaphore(%arg22 : memref<!tpu.dma_semaphore, #tpu.memory_space<semaphore_mem>>) src(%dma_wait3A_248 : memref<128x128xf32, #tpu.memory_space<hbm>>) dst(%arg15 : memref<128x128xf32, #tpu.memory_space<vmem>>)
        "tpu.region"() ({
          %run_scoped3A = tpu.sem_alloc : memref<!tpu.dma_semaphore, #tpu.memory_space<semaphore_mem>>
          %dma_start3A_249 = arith.constant 0 : i32
          %dma_start3A_250 = arith.constant 0 : i32
          %dma_start3A_251 = tpu.memref_slice %arg18[%dma_start3A_249, %dma_start3A_250] : memref<10000x128xf32, #tpu.memory_space<vmem_shared>> -> memref<10000x128xf32, #tpu.memory_space<vmem_shared>>
          tpu.enqueue_indirect_dma source(%arg15 : memref<128x128xf32, #tpu.memory_space<vmem>>) target(%dma_start3A_251 : memref<10000x128xf32, #tpu.memory_space<vmem_shared>>) offsets(%arg12 : memref<128xi32, #tpu.memory_space<vmem>>) semaphore(%run_scoped3A : memref<!tpu.dma_semaphore, #tpu.memory_space<semaphore_mem>>) {add = true}
          %dma_wait3A_252 = arith.constant 0 : i32
          %dma_wait3A_253 = arith.constant 0 : i32
          %dma_wait3A_254 = tpu.memref_slice %arg18[%dma_wait3A_252, %dma_wait3A_253] : memref<10000x128xf32, #tpu.memory_space<vmem_shared>> -> memref<10000x128xf32, #tpu.memory_space<vmem_shared>>
          tpu.wait_indirect_dma semaphore(%run_scoped3A : memref<!tpu.dma_semaphore, #tpu.memory_space<semaphore_mem>>) src(%arg15 : memref<128x128xf32, #tpu.memory_space<vmem>>) dst(%dma_wait3A_254 : memref<10000x128xf32, #tpu.memory_space<vmem_shared>>)
          tpu.yield
        }) : () -> ()
      } else {
      }
      %add3A_201 = arith.constant 1 : i32
      %add3A_202 = arith.addi %mul3A_179, %add3A_201 : i32
      %add3A_203 = arith.constant 2 : i32
      %add3A_204 = arith.addi %add3A_202, %add3A_203 : i32
      %lt3A_205 = arith.constant 80 : i32
      %lt3A_206 = arith.cmpi slt, %add3A_204, %lt3A_205 : i32
      %convert_element_type3A_207 = arith.extui %lt3A_206 : i1 to i32
      %cond3A_208 = arith.constant 0 : i32
      %cond3A_209 = arith.cmpi ne, %convert_element_type3A_207, %cond3A_208 : i32
      scf.if %cond3A_209 {
        %add3A_243 = arith.constant 2 : i32
        %add3A_244 = arith.addi %add3A_202, %add3A_243 : i32
        %add3A_245 = arith.addi %mul3A_2, %add3A_244 : i32
        %mul3A_246 = arith.constant 128 : i32
        %mul3A_247 = arith.muli %add3A_245, %mul3A_246 : i32
        %dma_start3A_248 = tpu.memref_slice %arg3[%mul3A_247] : memref<327680xi32, #tpu.memory_space<hbm>> -> memref<128xi32, #tpu.memory_space<hbm>>
        %dma_start3A_249 = tpu.memref_slice %arg3[%mul3A_247] : memref<327680xi32, #tpu.memory_space<hbm>> -> memref<128xi32, #tpu.memory_space<hbm>>
        tpu.enqueue_dma source(%dma_start3A_249 : memref<128xi32, #tpu.memory_space<hbm>>) target(%arg6 : memref<128xi32, #tpu.memory_space<vmem>>) target_semaphore(%arg19 : memref<!tpu.dma_semaphore, #tpu.memory_space<semaphore_mem>>)
      } else {
      }
      %add3A_210 = arith.constant 1 : i32
      %add3A_211 = arith.addi %add3A_202, %add3A_210 : i32
      %lt3A_212 = arith.constant 80 : i32
      %lt3A_213 = arith.cmpi slt, %add3A_211, %lt3A_212 : i32
      %convert_element_type3A_214 = arith.extui %lt3A_213 : i1 to i32
      %cond3A_215 = arith.constant 0 : i32
      %cond3A_216 = arith.cmpi ne, %convert_element_type3A_214, %cond3A_215 : i32
      scf.if %cond3A_216 {
        %dma_wait3A_243 = arith.constant 0 : i32
        %dma_wait3A_244 = tpu.memref_slice %arg3[%dma_wait3A_243] : memref<327680xi32, #tpu.memory_space<hbm>> -> memref<128xi32, #tpu.memory_space<hbm>>
        %dma_wait3A_245 = arith.constant 0 : i32
        %dma_wait3A_246 = tpu.memref_slice %arg3[%dma_wait3A_245] : memref<327680xi32, #tpu.memory_space<hbm>> -> memref<128xi32, #tpu.memory_space<hbm>>
        tpu.wait_dma2 semaphore(%arg21 : memref<!tpu.dma_semaphore, #tpu.memory_space<semaphore_mem>>) src(%dma_wait3A_246 : memref<128xi32, #tpu.memory_space<hbm>>) dst(%arg8 : memref<128xi32, #tpu.memory_space<vmem>>)
        %get3A_247 = arith.constant 0 : index
        %get3A_248 = tpu.vector_load %arg8[%get3A_247] {strides = array<i32>} : memref<128xi32, #tpu.memory_space<vmem>>, vector<16xi32>,
        %get3A_249 = vector.shape_cast %get3A_248 : vector<16xi32> to vector<16xi32>
        %and3A_250 = arith.constant 65535 : i32
        %and3A_251 = vector.broadcast %and3A_250 : i32 to vector<16xi32>
        %and3A_252 = arith.andi %get3A_249, %and3A_251 : vector<16xi32>
        %swap3A_253 = arith.constant 0 : index
        %swap3A_254 = tpu.vector_load %arg11[%swap3A_253] {strides = array<i32>} : memref<128xi32, #tpu.memory_space<vmem>>, vector<16xi32>,
        %swap3A_255 = vector.shape_cast %swap3A_254 : vector<16xi32> to vector<16xi32>
        %swap3A_256 = vector.shape_cast %and3A_252 : vector<16xi32> to vector<16xi32>
        tpu.vector_store %arg11[%swap3A_253], %swap3A_256 {strides = array<i32>} : memref<128xi32, #tpu.memory_space<vmem>>, vector<16xi32>,
        %shift_right_logical3A_257 = arith.constant 16 : i32
        %shift_right_logical3A_258 = vector.broadcast %shift_right_logical3A_257 : i32 to vector<16xi32>
        %shift_right_logical3A_259 = arith.shrui %get3A_249, %shift_right_logical3A_258 : vector<16xi32>
        %swap3A_260 = arith.constant 0 : index
        %swap3A_261 = tpu.vector_load %arg14[%swap3A_260] {strides = array<i32>} : memref<128xi32, #tpu.memory_space<vmem>>, vector<16xi32>,
        %swap3A_262 = vector.shape_cast %swap3A_261 : vector<16xi32> to vector<16xi32>
        %swap3A_263 = vector.shape_cast %shift_right_logical3A_259 : vector<16xi32> to vector<16xi32>
        tpu.vector_store %arg14[%swap3A_260], %swap3A_263 {strides = array<i32>} : memref<128xi32, #tpu.memory_space<vmem>>, vector<16xi32>,
        %get3A_264 = arith.constant 16 : index
        %get3A_265 = tpu.vector_load %arg8[%get3A_264] {strides = array<i32>} : memref<128xi32, #tpu.memory_space<vmem>>, vector<16xi32>,
        %get3A_266 = vector.shape_cast %get3A_265 : vector<16xi32> to vector<16xi32>
        %and3A_267 = arith.constant 65535 : i32
        %and3A_268 = vector.broadcast %and3A_267 : i32 to vector<16xi32>
        %and3A_269 = arith.andi %get3A_266, %and3A_268 : vector<16xi32>
        %swap3A_270 = arith.constant 16 : index
        %swap3A_271 = tpu.vector_load %arg11[%swap3A_270] {strides = array<i32>} : memref<128xi32, #tpu.memory_space<vmem>>, vector<16xi32>,
        %swap3A_272 = vector.shape_cast %swap3A_271 : vector<16xi32> to vector<16xi32>
        %swap3A_273 = vector.shape_cast %and3A_269 : vector<16xi32> to vector<16xi32>
        tpu.vector_store %arg11[%swap3A_270], %swap3A_273 {strides = array<i32>} : memref<128xi32, #tpu.memory_space<vmem>>, vector<16xi32>,
        %shift_right_logical3A_274 = arith.constant 16 : i32
        %shift_right_logical3A_275 = vector.broadcast %shift_right_logical3A_274 : i32 to vector<16xi32>
        %shift_right_logical3A_276 = arith.shrui %get3A_266, %shift_right_logical3A_275 : vector<16xi32>
        %swap3A_277 = arith.constant 16 : index
        %swap3A_278 = tpu.vector_load %arg14[%swap3A_277] {strides = array<i32>} : memref<128xi32, #tpu.memory_space<vmem>>, vector<16xi32>,
        %swap3A_279 = vector.shape_cast %swap3A_278 : vector<16xi32> to vector<16xi32>
        %swap3A_280 = vector.shape_cast %shift_right_logical3A_276 : vector<16xi32> to vector<16xi32>
        tpu.vector_store %arg14[%swap3A_277], %swap3A_280 {strides = array<i32>} : memref<128xi32, #tpu.memory_space<vmem>>, vector<16xi32>,
        %get3A_281 = arith.constant 32 : index
        %get3A_282 = tpu.vector_load %arg8[%get3A_281] {strides = array<i32>} : memref<128xi32, #tpu.memory_space<vmem>>, vector<16xi32>,
        %get3A_283 = vector.shape_cast %get3A_282 : vector<16xi32> to vector<16xi32>
        %and3A_284 = arith.constant 65535 : i32
        %and3A_285 = vector.broadcast %and3A_284 : i32 to vector<16xi32>
        %and3A_286 = arith.andi %get3A_283, %and3A_285 : vector<16xi32>
        %swap3A_287 = arith.constant 32 : index
        %swap3A_288 = tpu.vector_load %arg11[%swap3A_287] {strides = array<i32>} : memref<128xi32, #tpu.memory_space<vmem>>, vector<16xi32>,
        %swap3A_289 = vector.shape_cast %swap3A_288 : vector<16xi32> to vector<16xi32>
        %swap3A_290 = vector.shape_cast %and3A_286 : vector<16xi32> to vector<16xi32>
        tpu.vector_store %arg11[%swap3A_287], %swap3A_290 {strides = array<i32>} : memref<128xi32, #tpu.memory_space<vmem>>, vector<16xi32>,
        %shift_right_logical3A_291 = arith.constant 16 : i32
        %shift_right_logical3A_292 = vector.broadcast %shift_right_logical3A_291 : i32 to vector<16xi32>
        %shift_right_logical3A_293 = arith.shrui %get3A_283, %shift_right_logical3A_292 : vector<16xi32>
        %swap3A_294 = arith.constant 32 : index
        %swap3A_295 = tpu.vector_load %arg14[%swap3A_294] {strides = array<i32>} : memref<128xi32, #tpu.memory_space<vmem>>, vector<16xi32>,
        %swap3A_296 = vector.shape_cast %swap3A_295 : vector<16xi32> to vector<16xi32>
        %swap3A_297 = vector.shape_cast %shift_right_logical3A_293 : vector<16xi32> to vector<16xi32>
        tpu.vector_store %arg14[%swap3A_294], %swap3A_297 {strides = array<i32>} : memref<128xi32, #tpu.memory_space<vmem>>, vector<16xi32>,
        %get3A_298 = arith.constant 48 : index
        %get3A_299 = tpu.vector_load %arg8[%get3A_298] {strides = array<i32>} : memref<128xi32, #tpu.memory_space<vmem>>, vector<16xi32>,
        %get3A_300 = vector.shape_cast %get3A_299 : vector<16xi32> to vector<16xi32>
        %and3A_301 = arith.constant 65535 : i32
        %and3A_302 = vector.broadcast %and3A_301 : i32 to vector<16xi32>
        %and3A_303 = arith.andi %get3A_300, %and3A_302 : vector<16xi32>
        %swap3A_304 = arith.constant 48 : index
        %swap3A_305 = tpu.vector_load %arg11[%swap3A_304] {strides = array<i32>} : memref<128xi32, #tpu.memory_space<vmem>>, vector<16xi32>,
        %swap3A_306 = vector.shape_cast %swap3A_305 : vector<16xi32> to vector<16xi32>
        %swap3A_307 = vector.shape_cast %and3A_303 : vector<16xi32> to vector<16xi32>
        tpu.vector_store %arg11[%swap3A_304], %swap3A_307 {strides = array<i32>} : memref<128xi32, #tpu.memory_space<vmem>>, vector<16xi32>,
        %shift_right_logical3A_308 = arith.constant 16 : i32
        %shift_right_logical3A_309 = vector.broadcast %shift_right_logical3A_308 : i32 to vector<16xi32>
        %shift_right_logical3A_310 = arith.shrui %get3A_300, %shift_right_logical3A_309 : vector<16xi32>
        %swap3A_311 = arith.constant 48 : index
        %swap3A_312 = tpu.vector_load %arg14[%swap3A_311] {strides = array<i32>} : memref<128xi32, #tpu.memory_space<vmem>>, vector<16xi32>,
        %swap3A_313 = vector.shape_cast %swap3A_312 : vector<16xi32> to vector<16xi32>
        %swap3A_314 = vector.shape_cast %shift_right_logical3A_310 : vector<16xi32> to vector<16xi32>
        tpu.vector_store %arg14[%swap3A_311], %swap3A_314 {strides = array<i32>} : memref<128xi32, #tpu.memory_space<vmem>>, vector<16xi32>,
        %get3A_315 = arith.constant 64 : index
        %get3A_316 = tpu.vector_load %arg8[%get3A_315] {strides = array<i32>} : memref<128xi32, #tpu.memory_space<vmem>>, vector<16xi32>,
        %get3A_317 = vector.shape_cast %get3A_316 : vector<16xi32> to vector<16xi32>
        %and3A_318 = arith.constant 65535 : i32
        %and3A_319 = vector.broadcast %and3A_318 : i32 to vector<16xi32>
        %and3A_320 = arith.andi %get3A_317, %and3A_319 : vector<16xi32>
        %swap3A_321 = arith.constant 64 : index
        %swap3A_322 = tpu.vector_load %arg11[%swap3A_321] {strides = array<i32>} : memref<128xi32, #tpu.memory_space<vmem>>, vector<16xi32>,
        %swap3A_323 = vector.shape_cast %swap3A_322 : vector<16xi32> to vector<16xi32>
        %swap3A_324 = vector.shape_cast %and3A_320 : vector<16xi32> to vector<16xi32>
        tpu.vector_store %arg11[%swap3A_321], %swap3A_324 {strides = array<i32>} : memref<128xi32, #tpu.memory_space<vmem>>, vector<16xi32>,
        %shift_right_logical3A_325 = arith.constant 16 : i32
        %shift_right_logical3A_326 = vector.broadcast %shift_right_logical3A_325 : i32 to vector<16xi32>
        %shift_right_logical3A_327 = arith.shrui %get3A_317, %shift_right_logical3A_326 : vector<16xi32>
        %swap3A_328 = arith.constant 64 : index
        %swap3A_329 = tpu.vector_load %arg14[%swap3A_328] {strides = array<i32>} : memref<128xi32, #tpu.memory_space<vmem>>, vector<16xi32>,
        %swap3A_330 = vector.shape_cast %swap3A_329 : vector<16xi32> to vector<16xi32>
        %swap3A_331 = vector.shape_cast %shift_right_logical3A_327 : vector<16xi32> to vector<16xi32>
        tpu.vector_store %arg14[%swap3A_328], %swap3A_331 {strides = array<i32>} : memref<128xi32, #tpu.memory_space<vmem>>, vector<16xi32>,
        %get3A_332 = arith.constant 80 : index
        %get3A_333 = tpu.vector_load %arg8[%get3A_332] {strides = array<i32>} : memref<128xi32, #tpu.memory_space<vmem>>, vector<16xi32>,
        %get3A_334 = vector.shape_cast %get3A_333 : vector<16xi32> to vector<16xi32>
        %and3A_335 = arith.constant 65535 : i32
        %and3A_336 = vector.broadcast %and3A_335 : i32 to vector<16xi32>
        %and3A_337 = arith.andi %get3A_334, %and3A_336 : vector<16xi32>
        %swap3A_338 = arith.constant 80 : index
        %swap3A_339 = tpu.vector_load %arg11[%swap3A_338] {strides = array<i32>} : memref<128xi32, #tpu.memory_space<vmem>>, vector<16xi32>,
        %swap3A_340 = vector.shape_cast %swap3A_339 : vector<16xi32> to vector<16xi32>
        %swap3A_341 = vector.shape_cast %and3A_337 : vector<16xi32> to vector<16xi32>
        tpu.vector_store %arg11[%swap3A_338], %swap3A_341 {strides = array<i32>} : memref<128xi32, #tpu.memory_space<vmem>>, vector<16xi32>,
        %shift_right_logical3A_342 = arith.constant 16 : i32
        %shift_right_logical3A_343 = vector.broadcast %shift_right_logical3A_342 : i32 to vector<16xi32>
        %shift_right_logical3A_344 = arith.shrui %get3A_334, %shift_right_logical3A_343 : vector<16xi32>
        %swap3A_345 = arith.constant 80 : index
        %swap3A_346 = tpu.vector_load %arg14[%swap3A_345] {strides = array<i32>} : memref<128xi32, #tpu.memory_space<vmem>>, vector<16xi32>,
        %swap3A_347 = vector.shape_cast %swap3A_346 : vector<16xi32> to vector<16xi32>
        %swap3A_348 = vector.shape_cast %shift_right_logical3A_344 : vector<16xi32> to vector<16xi32>
        tpu.vector_store %arg14[%swap3A_345], %swap3A_348 {strides = array<i32>} : memref<128xi32, #tpu.memory_space<vmem>>, vector<16xi32>,
        %get3A_349 = arith.constant 96 : index
        %get3A_350 = tpu.vector_load %arg8[%get3A_349] {strides = array<i32>} : memref<128xi32, #tpu.memory_space<vmem>>, vector<16xi32>,
        %get3A_351 = vector.shape_cast %get3A_350 : vector<16xi32> to vector<16xi32>
        %and3A_352 = arith.constant 65535 : i32
        %and3A_353 = vector.broadcast %and3A_352 : i32 to vector<16xi32>
        %and3A_354 = arith.andi %get3A_351, %and3A_353 : vector<16xi32>
        %swap3A_355 = arith.constant 96 : index
        %swap3A_356 = tpu.vector_load %arg11[%swap3A_355] {strides = array<i32>} : memref<128xi32, #tpu.memory_space<vmem>>, vector<16xi32>,
        %swap3A_357 = vector.shape_cast %swap3A_356 : vector<16xi32> to vector<16xi32>
        %swap3A_358 = vector.shape_cast %and3A_354 : vector<16xi32> to vector<16xi32>
        tpu.vector_store %arg11[%swap3A_355], %swap3A_358 {strides = array<i32>} : memref<128xi32, #tpu.memory_space<vmem>>, vector<16xi32>,
        %shift_right_logical3A_359 = arith.constant 16 : i32
        %shift_right_logical3A_360 = vector.broadcast %shift_right_logical3A_359 : i32 to vector<16xi32>
        %shift_right_logical3A_361 = arith.shrui %get3A_351, %shift_right_logical3A_360 : vector<16xi32>
        %swap3A_362 = arith.constant 96 : index
        %swap3A_363 = tpu.vector_load %arg14[%swap3A_362] {strides = array<i32>} : memref<128xi32, #tpu.memory_space<vmem>>, vector<16xi32>,
        %swap3A_364 = vector.shape_cast %swap3A_363 : vector<16xi32> to vector<16xi32>
        %swap3A_365 = vector.shape_cast %shift_right_logical3A_361 : vector<16xi32> to vector<16xi32>
        tpu.vector_store %arg14[%swap3A_362], %swap3A_365 {strides = array<i32>} : memref<128xi32, #tpu.memory_space<vmem>>, vector<16xi32>,
        %get3A_366 = arith.constant 112 : index
        %get3A_367 = tpu.vector_load %arg8[%get3A_366] {strides = array<i32>} : memref<128xi32, #tpu.memory_space<vmem>>, vector<16xi32>,
        %get3A_368 = vector.shape_cast %get3A_367 : vector<16xi32> to vector<16xi32>
        %and3A_369 = arith.constant 65535 : i32
        %and3A_370 = vector.broadcast %and3A_369 : i32 to vector<16xi32>
        %and3A_371 = arith.andi %get3A_368, %and3A_370 : vector<16xi32>
        %swap3A_372 = arith.constant 112 : index
        %swap3A_373 = tpu.vector_load %arg11[%swap3A_372] {strides = array<i32>} : memref<128xi32, #tpu.memory_space<vmem>>, vector<16xi32>,
        %swap3A_374 = vector.shape_cast %swap3A_373 : vector<16xi32> to vector<16xi32>
        %swap3A_375 = vector.shape_cast %and3A_371 : vector<16xi32> to vector<16xi32>
        tpu.vector_store %arg11[%swap3A_372], %swap3A_375 {strides = array<i32>} : memref<128xi32, #tpu.memory_space<vmem>>, vector<16xi32>,
        %shift_right_logical3A_376 = arith.constant 16 : i32
        %shift_right_logical3A_377 = vector.broadcast %shift_right_logical3A_376 : i32 to vector<16xi32>
        %shift_right_logical3A_378 = arith.shrui %get3A_368, %shift_right_logical3A_377 : vector<16xi32>
        %swap3A_379 = arith.constant 112 : index
        %swap3A_380 = tpu.vector_load %arg14[%swap3A_379] {strides = array<i32>} : memref<128xi32, #tpu.memory_space<vmem>>, vector<16xi32>,
        %swap3A_381 = vector.shape_cast %swap3A_380 : vector<16xi32> to vector<16xi32>
        %swap3A_382 = vector.shape_cast %shift_right_logical3A_378 : vector<16xi32> to vector<16xi32>
        tpu.vector_store %arg14[%swap3A_379], %swap3A_382 {strides = array<i32>} : memref<128xi32, #tpu.memory_space<vmem>>, vector<16xi32>,
        %dma_start3A_383 = arith.constant 0 : i32
        %dma_start3A_384 = arith.constant 0 : i32
        %dma_start3A_385 = tpu.memref_slice %arg2[%dma_start3A_383, %dma_start3A_384] : memref<10016x128xf32, #tpu.memory_space<hbm>> -> memref<10016x128xf32, #tpu.memory_space<hbm>>
        tpu.enqueue_indirect_dma source(%dma_start3A_385 : memref<10016x128xf32, #tpu.memory_space<hbm>>) target(%arg17 : memref<128x128xf32, #tpu.memory_space<vmem>>) offsets(%arg11 : memref<128xi32, #tpu.memory_space<vmem>>) semaphore(%arg24 : memref<!tpu.dma_semaphore, #tpu.memory_space<semaphore_mem>>)
      } else {
      }
      %lt3A_217 = arith.constant 80 : i32
      %lt3A_218 = arith.cmpi slt, %add3A_202, %lt3A_217 : i32
      %convert_element_type3A_219 = arith.extui %lt3A_218 : i1 to i32
      %cond3A_220 = arith.constant 0 : i32
      %cond3A_221 = arith.cmpi ne, %convert_element_type3A_219, %cond3A_220 : i32
      scf.if %cond3A_221 {
        %dma_wait3A_243 = arith.constant 0 : i32
        %dma_wait3A_244 = arith.constant 0 : i32
        %dma_wait3A_245 = tpu.memref_slice %arg4[%dma_wait3A_243, %dma_wait3A_244] : memref<208x128xf32, #tpu.memory_space<hbm>> -> memref<128x128xf32, #tpu.memory_space<hbm>>
        %dma_wait3A_246 = arith.constant 0 : i32
        %dma_wait3A_247 = arith.constant 0 : i32
        %dma_wait3A_248 = tpu.memref_slice %arg4[%dma_wait3A_246, %dma_wait3A_247] : memref<208x128xf32, #tpu.memory_space<hbm>> -> memref<128x128xf32, #tpu.memory_space<hbm>>
        tpu.wait_dma2 semaphore(%arg23 : memref<!tpu.dma_semaphore, #tpu.memory_space<semaphore_mem>>) src(%dma_wait3A_248 : memref<128x128xf32, #tpu.memory_space<hbm>>) dst(%arg16 : memref<128x128xf32, #tpu.memory_space<vmem>>)
        "tpu.region"() ({
          %run_scoped3A = tpu.sem_alloc : memref<!tpu.dma_semaphore, #tpu.memory_space<semaphore_mem>>
          %dma_start3A_249 = arith.constant 0 : i32
          %dma_start3A_250 = arith.constant 0 : i32
          %dma_start3A_251 = tpu.memref_slice %arg18[%dma_start3A_249, %dma_start3A_250] : memref<10000x128xf32, #tpu.memory_space<vmem_shared>> -> memref<10000x128xf32, #tpu.memory_space<vmem_shared>>
          tpu.enqueue_indirect_dma source(%arg16 : memref<128x128xf32, #tpu.memory_space<vmem>>) target(%dma_start3A_251 : memref<10000x128xf32, #tpu.memory_space<vmem_shared>>) offsets(%arg13 : memref<128xi32, #tpu.memory_space<vmem>>) semaphore(%run_scoped3A : memref<!tpu.dma_semaphore, #tpu.memory_space<semaphore_mem>>) {add = true}
          %dma_wait3A_252 = arith.constant 0 : i32
          %dma_wait3A_253 = arith.constant 0 : i32
          %dma_wait3A_254 = tpu.memref_slice %arg18[%dma_wait3A_252, %dma_wait3A_253] : memref<10000x128xf32, #tpu.memory_space<vmem_shared>> -> memref<10000x128xf32, #tpu.memory_space<vmem_shared>>
          tpu.wait_indirect_dma semaphore(%run_scoped3A : memref<!tpu.dma_semaphore, #tpu.memory_space<semaphore_mem>>) src(%arg16 : memref<128x128xf32, #tpu.memory_space<vmem>>) dst(%dma_wait3A_254 : memref<10000x128xf32, #tpu.memory_space<vmem_shared>>)
          tpu.yield
        }) : () -> ()
      } else {
      }
      %add3A_222 = arith.constant 2 : i32
      %add3A_223 = arith.addi %mul3A_179, %add3A_222 : i32
      %add3A_224 = arith.constant 2 : i32
      %add3A_225 = arith.addi %add3A_223, %add3A_224 : i32
      %lt3A_226 = arith.constant 80 : i32
      %lt3A_227 = arith.cmpi slt, %add3A_225, %lt3A_226 : i32
      %convert_element_type3A_228 = arith.extui %lt3A_227 : i1 to i32
      %cond3A_229 = arith.constant 0 : i32
      %cond3A_230 = arith.cmpi ne, %convert_element_type3A_228, %cond3A_229 : i32
      scf.if %cond3A_230 {
        %add3A_243 = arith.constant 2 : i32
        %add3A_244 = arith.addi %add3A_223, %add3A_243 : i32
        %add3A_245 = arith.addi %mul3A_2, %add3A_244 : i32
        %mul3A_246 = arith.constant 128 : i32
        %mul3A_247 = arith.muli %add3A_245, %mul3A_246 : i32
        %dma_start3A_248 = tpu.memref_slice %arg3[%mul3A_247] : memref<327680xi32, #tpu.memory_space<hbm>> -> memref<128xi32, #tpu.memory_space<hbm>>
        %dma_start3A_249 = tpu.memref_slice %arg3[%mul3A_247] : memref<327680xi32, #tpu.memory_space<hbm>> -> memref<128xi32, #tpu.memory_space<hbm>>
        tpu.enqueue_dma source(%dma_start3A_249 : memref<128xi32, #tpu.memory_space<hbm>>) target(%arg7 : memref<128xi32, #tpu.memory_space<vmem>>) target_semaphore(%arg20 : memref<!tpu.dma_semaphore, #tpu.memory_space<semaphore_mem>>)
      } else {
      }
      %add3A_231 = arith.constant 1 : i32
      %add3A_232 = arith.addi %add3A_223, %add3A_231 : i32
      %lt3A_233 = arith.constant 80 : i32
      %lt3A_234 = arith.cmpi slt, %add3A_232, %lt3A_233 : i32
      %convert_element_type3A_235 = arith.extui %lt3A_234 : i1 to i32
      %cond3A_236 = arith.constant 0 : i32
      %cond3A_237 = arith.cmpi ne, %convert_element_type3A_235, %cond3A_236 : i32
      scf.if %cond3A_237 {
        %dma_wait3A_243 = arith.constant 0 : i32
        %dma_wait3A_244 = tpu.memref_slice %arg3[%dma_wait3A_243] : memref<327680xi32, #tpu.memory_space<hbm>> -> memref<128xi32, #tpu.memory_space<hbm>>
        %dma_wait3A_245 = arith.constant 0 : i32
        %dma_wait3A_246 = tpu.memref_slice %arg3[%dma_wait3A_245] : memref<327680xi32, #tpu.memory_space<hbm>> -> memref<128xi32, #tpu.memory_space<hbm>>
        tpu.wait_dma2 semaphore(%arg19 : memref<!tpu.dma_semaphore, #tpu.memory_space<semaphore_mem>>) src(%dma_wait3A_246 : memref<128xi32, #tpu.memory_space<hbm>>) dst(%arg6 : memref<128xi32, #tpu.memory_space<vmem>>)
        %get3A_247 = arith.constant 0 : index
        %get3A_248 = tpu.vector_load %arg6[%get3A_247] {strides = array<i32>} : memref<128xi32, #tpu.memory_space<vmem>>, vector<16xi32>,
        %get3A_249 = vector.shape_cast %get3A_248 : vector<16xi32> to vector<16xi32>
        %and3A_250 = arith.constant 65535 : i32
        %and3A_251 = vector.broadcast %and3A_250 : i32 to vector<16xi32>
        %and3A_252 = arith.andi %get3A_249, %and3A_251 : vector<16xi32>
        %swap3A_253 = arith.constant 0 : index
        %swap3A_254 = tpu.vector_load %arg9[%swap3A_253] {strides = array<i32>} : memref<128xi32, #tpu.memory_space<vmem>>, vector<16xi32>,
        %swap3A_255 = vector.shape_cast %swap3A_254 : vector<16xi32> to vector<16xi32>
        %swap3A_256 = vector.shape_cast %and3A_252 : vector<16xi32> to vector<16xi32>
        tpu.vector_store %arg9[%swap3A_253], %swap3A_256 {strides = array<i32>} : memref<128xi32, #tpu.memory_space<vmem>>, vector<16xi32>,
        %shift_right_logical3A_257 = arith.constant 16 : i32
        %shift_right_logical3A_258 = vector.broadcast %shift_right_logical3A_257 : i32 to vector<16xi32>
        %shift_right_logical3A_259 = arith.shrui %get3A_249, %shift_right_logical3A_258 : vector<16xi32>
        %swap3A_260 = arith.constant 0 : index
        %swap3A_261 = tpu.vector_load %arg12[%swap3A_260] {strides = array<i32>} : memref<128xi32, #tpu.memory_space<vmem>>, vector<16xi32>,
        %swap3A_262 = vector.shape_cast %swap3A_261 : vector<16xi32> to vector<16xi32>
        %swap3A_263 = vector.shape_cast %shift_right_logical3A_259 : vector<16xi32> to vector<16xi32>
        tpu.vector_store %arg12[%swap3A_260], %swap3A_263 {strides = array<i32>} : memref<128xi32, #tpu.memory_space<vmem>>, vector<16xi32>,
        %get3A_264 = arith.constant 16 : index
        %get3A_265 = tpu.vector_load %arg6[%get3A_264] {strides = array<i32>} : memref<128xi32, #tpu.memory_space<vmem>>, vector<16xi32>,
        %get3A_266 = vector.shape_cast %get3A_265 : vector<16xi32> to vector<16xi32>
        %and3A_267 = arith.constant 65535 : i32
        %and3A_268 = vector.broadcast %and3A_267 : i32 to vector<16xi32>
        %and3A_269 = arith.andi %get3A_266, %and3A_268 : vector<16xi32>
        %swap3A_270 = arith.constant 16 : index
        %swap3A_271 = tpu.vector_load %arg9[%swap3A_270] {strides = array<i32>} : memref<128xi32, #tpu.memory_space<vmem>>, vector<16xi32>,
        %swap3A_272 = vector.shape_cast %swap3A_271 : vector<16xi32> to vector<16xi32>
        %swap3A_273 = vector.shape_cast %and3A_269 : vector<16xi32> to vector<16xi32>
        tpu.vector_store %arg9[%swap3A_270], %swap3A_273 {strides = array<i32>} : memref<128xi32, #tpu.memory_space<vmem>>, vector<16xi32>,
        %shift_right_logical3A_274 = arith.constant 16 : i32
        %shift_right_logical3A_275 = vector.broadcast %shift_right_logical3A_274 : i32 to vector<16xi32>
        %shift_right_logical3A_276 = arith.shrui %get3A_266, %shift_right_logical3A_275 : vector<16xi32>
        %swap3A_277 = arith.constant 16 : index
        %swap3A_278 = tpu.vector_load %arg12[%swap3A_277] {strides = array<i32>} : memref<128xi32, #tpu.memory_space<vmem>>, vector<16xi32>,
        %swap3A_279 = vector.shape_cast %swap3A_278 : vector<16xi32> to vector<16xi32>
        %swap3A_280 = vector.shape_cast %shift_right_logical3A_276 : vector<16xi32> to vector<16xi32>
        tpu.vector_store %arg12[%swap3A_277], %swap3A_280 {strides = array<i32>} : memref<128xi32, #tpu.memory_space<vmem>>, vector<16xi32>,
        %get3A_281 = arith.constant 32 : index
        %get3A_282 = tpu.vector_load %arg6[%get3A_281] {strides = array<i32>} : memref<128xi32, #tpu.memory_space<vmem>>, vector<16xi32>,
        %get3A_283 = vector.shape_cast %get3A_282 : vector<16xi32> to vector<16xi32>
        %and3A_284 = arith.constant 65535 : i32
        %and3A_285 = vector.broadcast %and3A_284 : i32 to vector<16xi32>
        %and3A_286 = arith.andi %get3A_283, %and3A_285 : vector<16xi32>
        %swap3A_287 = arith.constant 32 : index
        %swap3A_288 = tpu.vector_load %arg9[%swap3A_287] {strides = array<i32>} : memref<128xi32, #tpu.memory_space<vmem>>, vector<16xi32>,
        %swap3A_289 = vector.shape_cast %swap3A_288 : vector<16xi32> to vector<16xi32>
        %swap3A_290 = vector.shape_cast %and3A_286 : vector<16xi32> to vector<16xi32>
        tpu.vector_store %arg9[%swap3A_287], %swap3A_290 {strides = array<i32>} : memref<128xi32, #tpu.memory_space<vmem>>, vector<16xi32>,
        %shift_right_logical3A_291 = arith.constant 16 : i32
        %shift_right_logical3A_292 = vector.broadcast %shift_right_logical3A_291 : i32 to vector<16xi32>
        %shift_right_logical3A_293 = arith.shrui %get3A_283, %shift_right_logical3A_292 : vector<16xi32>
        %swap3A_294 = arith.constant 32 : index
        %swap3A_295 = tpu.vector_load %arg12[%swap3A_294] {strides = array<i32>} : memref<128xi32, #tpu.memory_space<vmem>>, vector<16xi32>,
        %swap3A_296 = vector.shape_cast %swap3A_295 : vector<16xi32> to vector<16xi32>
        %swap3A_297 = vector.shape_cast %shift_right_logical3A_293 : vector<16xi32> to vector<16xi32>
        tpu.vector_store %arg12[%swap3A_294], %swap3A_297 {strides = array<i32>} : memref<128xi32, #tpu.memory_space<vmem>>, vector<16xi32>,
        %get3A_298 = arith.constant 48 : index
        %get3A_299 = tpu.vector_load %arg6[%get3A_298] {strides = array<i32>} : memref<128xi32, #tpu.memory_space<vmem>>, vector<16xi32>,
        %get3A_300 = vector.shape_cast %get3A_299 : vector<16xi32> to vector<16xi32>
        %and3A_301 = arith.constant 65535 : i32
        %and3A_302 = vector.broadcast %and3A_301 : i32 to vector<16xi32>
        %and3A_303 = arith.andi %get3A_300, %and3A_302 : vector<16xi32>
        %swap3A_304 = arith.constant 48 : index
        %swap3A_305 = tpu.vector_load %arg9[%swap3A_304] {strides = array<i32>} : memref<128xi32, #tpu.memory_space<vmem>>, vector<16xi32>,
        %swap3A_306 = vector.shape_cast %swap3A_305 : vector<16xi32> to vector<16xi32>
        %swap3A_307 = vector.shape_cast %and3A_303 : vector<16xi32> to vector<16xi32>
        tpu.vector_store %arg9[%swap3A_304], %swap3A_307 {strides = array<i32>} : memref<128xi32, #tpu.memory_space<vmem>>, vector<16xi32>,
        %shift_right_logical3A_308 = arith.constant 16 : i32
        %shift_right_logical3A_309 = vector.broadcast %shift_right_logical3A_308 : i32 to vector<16xi32>
        %shift_right_logical3A_310 = arith.shrui %get3A_300, %shift_right_logical3A_309 : vector<16xi32>
        %swap3A_311 = arith.constant 48 : index
        %swap3A_312 = tpu.vector_load %arg12[%swap3A_311] {strides = array<i32>} : memref<128xi32, #tpu.memory_space<vmem>>, vector<16xi32>,
        %swap3A_313 = vector.shape_cast %swap3A_312 : vector<16xi32> to vector<16xi32>
        %swap3A_314 = vector.shape_cast %shift_right_logical3A_310 : vector<16xi32> to vector<16xi32>
        tpu.vector_store %arg12[%swap3A_311], %swap3A_314 {strides = array<i32>} : memref<128xi32, #tpu.memory_space<vmem>>, vector<16xi32>,
        %get3A_315 = arith.constant 64 : index
        %get3A_316 = tpu.vector_load %arg6[%get3A_315] {strides = array<i32>} : memref<128xi32, #tpu.memory_space<vmem>>, vector<16xi32>,
        %get3A_317 = vector.shape_cast %get3A_316 : vector<16xi32> to vector<16xi32>
        %and3A_318 = arith.constant 65535 : i32
        %and3A_319 = vector.broadcast %and3A_318 : i32 to vector<16xi32>
        %and3A_320 = arith.andi %get3A_317, %and3A_319 : vector<16xi32>
        %swap3A_321 = arith.constant 64 : index
        %swap3A_322 = tpu.vector_load %arg9[%swap3A_321] {strides = array<i32>} : memref<128xi32, #tpu.memory_space<vmem>>, vector<16xi32>,
        %swap3A_323 = vector.shape_cast %swap3A_322 : vector<16xi32> to vector<16xi32>
        %swap3A_324 = vector.shape_cast %and3A_320 : vector<16xi32> to vector<16xi32>
        tpu.vector_store %arg9[%swap3A_321], %swap3A_324 {strides = array<i32>} : memref<128xi32, #tpu.memory_space<vmem>>, vector<16xi32>,
        %shift_right_logical3A_325 = arith.constant 16 : i32
        %shift_right_logical3A_326 = vector.broadcast %shift_right_logical3A_325 : i32 to vector<16xi32>
        %shift_right_logical3A_327 = arith.shrui %get3A_317, %shift_right_logical3A_326 : vector<16xi32>
        %swap3A_328 = arith.constant 64 : index
        %swap3A_329 = tpu.vector_load %arg12[%swap3A_328] {strides = array<i32>} : memref<128xi32, #tpu.memory_space<vmem>>, vector<16xi32>,
        %swap3A_330 = vector.shape_cast %swap3A_329 : vector<16xi32> to vector<16xi32>
        %swap3A_331 = vector.shape_cast %shift_right_logical3A_327 : vector<16xi32> to vector<16xi32>
        tpu.vector_store %arg12[%swap3A_328], %swap3A_331 {strides = array<i32>} : memref<128xi32, #tpu.memory_space<vmem>>, vector<16xi32>,
        %get3A_332 = arith.constant 80 : index
        %get3A_333 = tpu.vector_load %arg6[%get3A_332] {strides = array<i32>} : memref<128xi32, #tpu.memory_space<vmem>>, vector<16xi32>,
        %get3A_334 = vector.shape_cast %get3A_333 : vector<16xi32> to vector<16xi32>
        %and3A_335 = arith.constant 65535 : i32
        %and3A_336 = vector.broadcast %and3A_335 : i32 to vector<16xi32>
        %and3A_337 = arith.andi %get3A_334, %and3A_336 : vector<16xi32>
        %swap3A_338 = arith.constant 80 : index
        %swap3A_339 = tpu.vector_load %arg9[%swap3A_338] {strides = array<i32>} : memref<128xi32, #tpu.memory_space<vmem>>, vector<16xi32>,
        %swap3A_340 = vector.shape_cast %swap3A_339 : vector<16xi32> to vector<16xi32>
        %swap3A_341 = vector.shape_cast %and3A_337 : vector<16xi32> to vector<16xi32>
        tpu.vector_store %arg9[%swap3A_338], %swap3A_341 {strides = array<i32>} : memref<128xi32, #tpu.memory_space<vmem>>, vector<16xi32>,
        %shift_right_logical3A_342 = arith.constant 16 : i32
        %shift_right_logical3A_343 = vector.broadcast %shift_right_logical3A_342 : i32 to vector<16xi32>
        %shift_right_logical3A_344 = arith.shrui %get3A_334, %shift_right_logical3A_343 : vector<16xi32>
        %swap3A_345 = arith.constant 80 : index
        %swap3A_346 = tpu.vector_load %arg12[%swap3A_345] {strides = array<i32>} : memref<128xi32, #tpu.memory_space<vmem>>, vector<16xi32>,
        %swap3A_347 = vector.shape_cast %swap3A_346 : vector<16xi32> to vector<16xi32>
        %swap3A_348 = vector.shape_cast %shift_right_logical3A_344 : vector<16xi32> to vector<16xi32>
        tpu.vector_store %arg12[%swap3A_345], %swap3A_348 {strides = array<i32>} : memref<128xi32, #tpu.memory_space<vmem>>, vector<16xi32>,
        %get3A_349 = arith.constant 96 : index
        %get3A_350 = tpu.vector_load %arg6[%get3A_349] {strides = array<i32>} : memref<128xi32, #tpu.memory_space<vmem>>, vector<16xi32>,
        %get3A_351 = vector.shape_cast %get3A_350 : vector<16xi32> to vector<16xi32>
        %and3A_352 = arith.constant 65535 : i32
        %and3A_353 = vector.broadcast %and3A_352 : i32 to vector<16xi32>
        %and3A_354 = arith.andi %get3A_351, %and3A_353 : vector<16xi32>
        %swap3A_355 = arith.constant 96 : index
        %swap3A_356 = tpu.vector_load %arg9[%swap3A_355] {strides = array<i32>} : memref<128xi32, #tpu.memory_space<vmem>>, vector<16xi32>,
        %swap3A_357 = vector.shape_cast %swap3A_356 : vector<16xi32> to vector<16xi32>
        %swap3A_358 = vector.shape_cast %and3A_354 : vector<16xi32> to vector<16xi32>
        tpu.vector_store %arg9[%swap3A_355], %swap3A_358 {strides = array<i32>} : memref<128xi32, #tpu.memory_space<vmem>>, vector<16xi32>,
        %shift_right_logical3A_359 = arith.constant 16 : i32
        %shift_right_logical3A_360 = vector.broadcast %shift_right_logical3A_359 : i32 to vector<16xi32>
        %shift_right_logical3A_361 = arith.shrui %get3A_351, %shift_right_logical3A_360 : vector<16xi32>
        %swap3A_362 = arith.constant 96 : index
        %swap3A_363 = tpu.vector_load %arg12[%swap3A_362] {strides = array<i32>} : memref<128xi32, #tpu.memory_space<vmem>>, vector<16xi32>,
        %swap3A_364 = vector.shape_cast %swap3A_363 : vector<16xi32> to vector<16xi32>
        %swap3A_365 = vector.shape_cast %shift_right_logical3A_361 : vector<16xi32> to vector<16xi32>
        tpu.vector_store %arg12[%swap3A_362], %swap3A_365 {strides = array<i32>} : memref<128xi32, #tpu.memory_space<vmem>>, vector<16xi32>,
        %get3A_366 = arith.constant 112 : index
        %get3A_367 = tpu.vector_load %arg6[%get3A_366] {strides = array<i32>} : memref<128xi32, #tpu.memory_space<vmem>>, vector<16xi32>,
        %get3A_368 = vector.shape_cast %get3A_367 : vector<16xi32> to vector<16xi32>
        %and3A_369 = arith.constant 65535 : i32
        %and3A_370 = vector.broadcast %and3A_369 : i32 to vector<16xi32>
        %and3A_371 = arith.andi %get3A_368, %and3A_370 : vector<16xi32>
        %swap3A_372 = arith.constant 112 : index
        %swap3A_373 = tpu.vector_load %arg9[%swap3A_372] {strides = array<i32>} : memref<128xi32, #tpu.memory_space<vmem>>, vector<16xi32>,
        %swap3A_374 = vector.shape_cast %swap3A_373 : vector<16xi32> to vector<16xi32>
        %swap3A_375 = vector.shape_cast %and3A_371 : vector<16xi32> to vector<16xi32>
        tpu.vector_store %arg9[%swap3A_372], %swap3A_375 {strides = array<i32>} : memref<128xi32, #tpu.memory_space<vmem>>, vector<16xi32>,
        %shift_right_logical3A_376 = arith.constant 16 : i32
        %shift_right_logical3A_377 = vector.broadcast %shift_right_logical3A_376 : i32 to vector<16xi32>
        %shift_right_logical3A_378 = arith.shrui %get3A_368, %shift_right_logical3A_377 : vector<16xi32>
        %swap3A_379 = arith.constant 112 : index
        %swap3A_380 = tpu.vector_load %arg12[%swap3A_379] {strides = array<i32>} : memref<128xi32, #tpu.memory_space<vmem>>, vector<16xi32>,
        %swap3A_381 = vector.shape_cast %swap3A_380 : vector<16xi32> to vector<16xi32>
        %swap3A_382 = vector.shape_cast %shift_right_logical3A_378 : vector<16xi32> to vector<16xi32>
        tpu.vector_store %arg12[%swap3A_379], %swap3A_382 {strides = array<i32>} : memref<128xi32, #tpu.memory_space<vmem>>, vector<16xi32>,
        %dma_start3A_383 = arith.constant 0 : i32
        %dma_start3A_384 = arith.constant 0 : i32
        %dma_start3A_385 = tpu.memref_slice %arg2[%dma_start3A_383, %dma_start3A_384] : memref<10016x128xf32, #tpu.memory_space<hbm>> -> memref<10016x128xf32, #tpu.memory_space<hbm>>
        tpu.enqueue_indirect_dma source(%dma_start3A_385 : memref<10016x128xf32, #tpu.memory_space<hbm>>) target(%arg15 : memref<128x128xf32, #tpu.memory_space<vmem>>) offsets(%arg9 : memref<128xi32, #tpu.memory_space<vmem>>) semaphore(%arg22 : memref<!tpu.dma_semaphore, #tpu.memory_space<semaphore_mem>>)
      } else {
      }
      %lt3A_238 = arith.constant 80 : i32
      %lt3A_239 = arith.cmpi slt, %add3A_223, %lt3A_238 : i32
      %convert_element_type3A_240 = arith.extui %lt3A_239 : i1 to i32
      %cond3A_241 = arith.constant 0 : i32
      %cond3A_242 = arith.cmpi ne, %convert_element_type3A_240, %cond3A_241 : i32
      scf.if %cond3A_242 {
        %dma_wait3A_243 = arith.constant 0 : i32
        %dma_wait3A_244 = arith.constant 0 : i32
        %dma_wait3A_245 = tpu.memref_slice %arg4[%dma_wait3A_243, %dma_wait3A_244] : memref<208x128xf32, #tpu.memory_space<hbm>> -> memref<128x128xf32, #tpu.memory_space<hbm>>
        %dma_wait3A_246 = arith.constant 0 : i32
        %dma_wait3A_247 = arith.constant 0 : i32
        %dma_wait3A_248 = tpu.memref_slice %arg4[%dma_wait3A_246, %dma_wait3A_247] : memref<208x128xf32, #tpu.memory_space<hbm>> -> memref<128x128xf32, #tpu.memory_space<hbm>>
        tpu.wait_dma2 semaphore(%arg24 : memref<!tpu.dma_semaphore, #tpu.memory_space<semaphore_mem>>) src(%dma_wait3A_248 : memref<128x128xf32, #tpu.memory_space<hbm>>) dst(%arg17 : memref<128x128xf32, #tpu.memory_space<vmem>>)
        "tpu.region"() ({
          %run_scoped3A = tpu.sem_alloc : memref<!tpu.dma_semaphore, #tpu.memory_space<semaphore_mem>>
          %dma_start3A_249 = arith.constant 0 : i32
          %dma_start3A_250 = arith.constant 0 : i32
          %dma_start3A_251 = tpu.memref_slice %arg18[%dma_start3A_249, %dma_start3A_250] : memref<10000x128xf32, #tpu.memory_space<vmem_shared>> -> memref<10000x128xf32, #tpu.memory_space<vmem_shared>>
          tpu.enqueue_indirect_dma source(%arg17 : memref<128x128xf32, #tpu.memory_space<vmem>>) target(%dma_start3A_251 : memref<10000x128xf32, #tpu.memory_space<vmem_shared>>) offsets(%arg14 : memref<128xi32, #tpu.memory_space<vmem>>) semaphore(%run_scoped3A : memref<!tpu.dma_semaphore, #tpu.memory_space<semaphore_mem>>) {add = true}
          %dma_wait3A_252 = arith.constant 0 : i32
          %dma_wait3A_253 = arith.constant 0 : i32
          %dma_wait3A_254 = tpu.memref_slice %arg18[%dma_wait3A_252, %dma_wait3A_253] : memref<10000x128xf32, #tpu.memory_space<vmem_shared>> -> memref<10000x128xf32, #tpu.memory_space<vmem_shared>>
          tpu.wait_indirect_dma semaphore(%run_scoped3A : memref<!tpu.dma_semaphore, #tpu.memory_space<semaphore_mem>>) src(%arg17 : memref<128x128xf32, #tpu.memory_space<vmem>>) dst(%dma_wait3A_254 : memref<10000x128xf32, #tpu.memory_space<vmem_shared>>)
          tpu.yield
        }) : () -> ()
      } else {
      }
    }
    %scan3A_166 = arith.constant 27 : i32
    %barrier3A_167 = arith.constant 0 : index
    tpu.barrier barrier_id(%barrier3A_167)
    %lt3A = arith.constant 15 : i32
    %lt3A_168 = arith.cmpi slt, %arg1, %lt3A : i32
    %convert_element_type3A_169 = arith.extui %lt3A_168 : i1 to i32
    %cond3A_170 = arith.constant 0 : i32
    %cond3A_171 = arith.cmpi ne, %convert_element_type3A_169, %cond3A_170 : i32
    scf.if %cond3A_171 {
      %mul3A_177 = arith.constant 624 : i32
      %mul3A_178 = arith.muli %arg1, %mul3A_177 : i32
      %mul3A_179 = arith.constant 624 : i32
      %mul3A_180 = arith.muli %arg1, %mul3A_179 : i32
      "tpu.region"() ({
        %run_scoped3A = tpu.sem_alloc : memref<!tpu.dma_semaphore, #tpu.memory_space<semaphore_mem>>
        %dma_start3A_181 = arith.constant 0 : i32
        %dma_start3A_182 = tpu.memref_slice %arg5[%arg0, %mul3A_180, %dma_start3A_181] : memref<2x10000x128xf32, #tpu.memory_space<hbm>> -> memref<1x624x128xf32, #tpu.memory_space<hbm>>
        %dma_start3A_183 = tpu.memref_squeeze %dma_start3A_182 : memref<1x624x128xf32, #tpu.memory_space<hbm>> -> memref<624x128xf32, #tpu.memory_space<hbm>>
        %dma_start3A_184 = arith.constant 0 : i32
        %dma_start3A_185 = tpu.memref_slice %arg18[%mul3A_178, %dma_start3A_184] : memref<10000x128xf32, #tpu.memory_space<vmem_shared>> -> memref<624x128xf32, #tpu.memory_space<vmem_shared>>
        tpu.enqueue_dma source(%dma_start3A_185 : memref<624x128xf32, #tpu.memory_space<vmem_shared>>) target(%dma_start3A_183 : memref<624x128xf32, #tpu.memory_space<hbm>>) target_semaphore(%run_scoped3A : memref<!tpu.dma_semaphore, #tpu.memory_space<semaphore_mem>>)
        %dma_wait3A_186 = arith.constant 0 : i32
        %dma_wait3A_187 = tpu.memref_slice %arg5[%arg0, %mul3A_180, %dma_wait3A_186] : memref<2x10000x128xf32, #tpu.memory_space<hbm>> -> memref<1x624x128xf32, #tpu.memory_space<hbm>>
        %dma_wait3A_188 = tpu.memref_squeeze %dma_wait3A_187 : memref<1x624x128xf32, #tpu.memory_space<hbm>> -> memref<624x128xf32, #tpu.memory_space<hbm>>
        %dma_wait3A_189 = arith.constant 0 : i32
        %dma_wait3A_190 = tpu.memref_slice %arg18[%mul3A_178, %dma_wait3A_189] : memref<10000x128xf32, #tpu.memory_space<vmem_shared>> -> memref<624x128xf32, #tpu.memory_space<vmem_shared>>
        tpu.wait_dma2 semaphore(%run_scoped3A : memref<!tpu.dma_semaphore, #tpu.memory_space<semaphore_mem>>) src(%dma_wait3A_190 : memref<624x128xf32, #tpu.memory_space<vmem_shared>>) dst(%dma_wait3A_188 : memref<624x128xf32, #tpu.memory_space<hbm>>)
        tpu.yield
      }) : () -> ()
    } else {
    }
    %eq3A_172 = arith.constant 15 : i32
    %eq3A_173 = arith.cmpi eq, %arg1, %eq3A_172 : i32
    %convert_element_type3A_174 = arith.extui %eq3A_173 : i1 to i32
    %cond3A_175 = arith.constant 0 : i32
    %cond3A_176 = arith.cmpi ne, %convert_element_type3A_174, %cond3A_175 : i32
    scf.if %cond3A_176 {
      "tpu.region"() ({
        %run_scoped3A = tpu.sem_alloc : memref<!tpu.dma_semaphore, #tpu.memory_space<semaphore_mem>>
        %dma_start3A_177 = arith.constant 9360 : i32
        %dma_start3A_178 = arith.constant 0 : i32
        %dma_start3A_179 = tpu.memref_slice %arg5[%arg0, %dma_start3A_177, %dma_start3A_178] : memref<2x10000x128xf32, #tpu.memory_space<hbm>> -> memref<1x640x128xf32, #tpu.memory_space<hbm>>
        %dma_start3A_180 = tpu.memref_squeeze %dma_start3A_179 : memref<1x640x128xf32, #tpu.memory_space<hbm>> -> memref<640x128xf32, #tpu.memory_space<hbm>>
        %dma_start3A_181 = arith.constant 9360 : i32
        %dma_start3A_182 = arith.constant 0 : i32
        %dma_start3A_183 = tpu.memref_slice %arg18[%dma_start3A_181, %dma_start3A_182] : memref<10000x128xf32, #tpu.memory_space<vmem_shared>> -> memref<640x128xf32, #tpu.memory_space<vmem_shared>>
        tpu.enqueue_dma source(%dma_start3A_183 : memref<640x128xf32, #tpu.memory_space<vmem_shared>>) target(%dma_start3A_180 : memref<640x128xf32, #tpu.memory_space<hbm>>) target_semaphore(%run_scoped3A : memref<!tpu.dma_semaphore, #tpu.memory_space<semaphore_mem>>)
        %dma_wait3A_184 = arith.constant 9360 : i32
        %dma_wait3A_185 = arith.constant 0 : i32
        %dma_wait3A_186 = tpu.memref_slice %arg5[%arg0, %dma_wait3A_184, %dma_wait3A_185] : memref<2x10000x128xf32, #tpu.memory_space<hbm>> -> memref<1x640x128xf32, #tpu.memory_space<hbm>>
        %dma_wait3A_187 = tpu.memref_squeeze %dma_wait3A_186 : memref<1x640x128xf32, #tpu.memory_space<hbm>> -> memref<640x128xf32, #tpu.memory_space<hbm>>
        %dma_wait3A_188 = arith.constant 9360 : i32
        %dma_wait3A_189 = arith.constant 0 : i32
        %dma_wait3A_190 = tpu.memref_slice %arg18[%dma_wait3A_188, %dma_wait3A_189] : memref<10000x128xf32, #tpu.memory_space<vmem_shared>> -> memref<640x128xf32, #tpu.memory_space<vmem_shared>>
        tpu.wait_dma2 semaphore(%run_scoped3A : memref<!tpu.dma_semaphore, #tpu.memory_space<semaphore_mem>>) src(%dma_wait3A_190 : memref<640x128xf32, #tpu.memory_space<vmem_shared>>) dst(%dma_wait3A_187 : memref<640x128xf32, #tpu.memory_space<hbm>>)
        tpu.yield
      }) : () -> ()
    } else {
    }
    return
  }
}

#map = affine_map<(d0, d1) -> (0)>
#map1 = affine_map<(d0, d1) -> (0, 0)>
#map2 = affine_map<(d0, d1) -> (0, 0, 0)>
module attributes {stable_mosaic.version = 14 : i64} {
  func.func @_sc_degree(%arg0: i32, %arg1: i32, %arg2: memref<327680xi32, #tpu.memory_space<hbm>>, %arg3: memref<128x128xf32, #tpu.memory_space<hbm>>, %arg4: memref<208x128xf32, #tpu.memory_space<hbm>>, %arg5: memref<2x10000x128xf32, #tpu.memory_space<hbm>>, %arg6: memref<10240xi32, #tpu.memory_space<vmem>>, %arg7: memref<128xi32, #tpu.memory_space<vmem>>, %arg8: memref<128x128xf32, #tpu.memory_space<vmem>>, %arg9: memref<10000x128xf32, #tpu.memory_space<vmem_shared>>) attributes {dimension_semantics = [#tpu.dimension_semantics<core_parallel>, #tpu.dimension_semantics<subcore_parallel>], iteration_bounds = array<i64: 2, 16>, scalar_prefetch = 0 : i64, scratch_operands = 4 : i64, tpu.core_type = #tpu.core_type<sc_vector_subcore>, window_params = [{transform_indices = #map}, {transform_indices = #map1}, {transform_indices = #map1}, {transform_indices = #map2}]} {
    %mul3A = arith.constant 2 : i32
    %mul3A_0 = arith.muli %arg1, %mul3A : i32
    %add3A = arith.addi %mul3A_0, %arg0 : i32
    "tpu.region"() ({
      %run_scoped3A = tpu.sem_alloc : memref<!tpu.dma_semaphore, #tpu.memory_space<semaphore_mem>>
      tpu.enqueue_dma source(%arg3 : memref<128x128xf32, #tpu.memory_space<hbm>>) target(%arg8 : memref<128x128xf32, #tpu.memory_space<vmem>>) target_semaphore(%run_scoped3A : memref<!tpu.dma_semaphore, #tpu.memory_space<semaphore_mem>>)
      tpu.wait_dma2 semaphore(%run_scoped3A : memref<!tpu.dma_semaphore, #tpu.memory_space<semaphore_mem>>) src(%arg3 : memref<128x128xf32, #tpu.memory_space<hbm>>) dst(%arg8 : memref<128x128xf32, #tpu.memory_space<vmem>>)
      tpu.yield
    }) : () -> ()
    %mul3A_1 = arith.constant 624 : i32
    %mul3A_2 = arith.muli %arg1, %mul3A_1 : i32
    %add3A_3 = arith.constant 0 : i32
    %add3A_4 = arith.addi %mul3A_2, %add3A_3 : i32
    "tpu.region"() ({
      %run_scoped3A = tpu.sem_alloc : memref<!tpu.dma_semaphore, #tpu.memory_space<semaphore_mem>>
      %dma_start3A = arith.constant 0 : i32
      %dma_start3A_28 = tpu.memref_slice %arg9[%add3A_4, %dma_start3A] : memref<10000x128xf32, #tpu.memory_space<vmem_shared>> -> memref<208x128xf32, #tpu.memory_space<vmem_shared>>
      tpu.enqueue_dma source(%arg4 : memref<208x128xf32, #tpu.memory_space<hbm>>) target(%dma_start3A_28 : memref<208x128xf32, #tpu.memory_space<vmem_shared>>) target_semaphore(%run_scoped3A : memref<!tpu.dma_semaphore, #tpu.memory_space<semaphore_mem>>)
      %dma_wait3A = arith.constant 0 : i32
      %dma_wait3A_29 = tpu.memref_slice %arg9[%add3A_4, %dma_wait3A] : memref<10000x128xf32, #tpu.memory_space<vmem_shared>> -> memref<208x128xf32, #tpu.memory_space<vmem_shared>>
      tpu.wait_dma2 semaphore(%run_scoped3A : memref<!tpu.dma_semaphore, #tpu.memory_space<semaphore_mem>>) src(%arg4 : memref<208x128xf32, #tpu.memory_space<hbm>>) dst(%dma_wait3A_29 : memref<208x128xf32, #tpu.memory_space<vmem_shared>>)
      tpu.yield
    }) : () -> ()
    %add3A_5 = arith.constant 208 : i32
    %add3A_6 = arith.addi %mul3A_2, %add3A_5 : i32
    "tpu.region"() ({
      %run_scoped3A = tpu.sem_alloc : memref<!tpu.dma_semaphore, #tpu.memory_space<semaphore_mem>>
      %dma_start3A = arith.constant 0 : i32
      %dma_start3A_28 = tpu.memref_slice %arg9[%add3A_6, %dma_start3A] : memref<10000x128xf32, #tpu.memory_space<vmem_shared>> -> memref<208x128xf32, #tpu.memory_space<vmem_shared>>
      tpu.enqueue_dma source(%arg4 : memref<208x128xf32, #tpu.memory_space<hbm>>) target(%dma_start3A_28 : memref<208x128xf32, #tpu.memory_space<vmem_shared>>) target_semaphore(%run_scoped3A : memref<!tpu.dma_semaphore, #tpu.memory_space<semaphore_mem>>)
      %dma_wait3A = arith.constant 0 : i32
      %dma_wait3A_29 = tpu.memref_slice %arg9[%add3A_6, %dma_wait3A] : memref<10000x128xf32, #tpu.memory_space<vmem_shared>> -> memref<208x128xf32, #tpu.memory_space<vmem_shared>>
      tpu.wait_dma2 semaphore(%run_scoped3A : memref<!tpu.dma_semaphore, #tpu.memory_space<semaphore_mem>>) src(%arg4 : memref<208x128xf32, #tpu.memory_space<hbm>>) dst(%dma_wait3A_29 : memref<208x128xf32, #tpu.memory_space<vmem_shared>>)
      tpu.yield
    }) : () -> ()
    %add3A_7 = arith.constant 416 : i32
    %add3A_8 = arith.addi %mul3A_2, %add3A_7 : i32
    "tpu.region"() ({
      %run_scoped3A = tpu.sem_alloc : memref<!tpu.dma_semaphore, #tpu.memory_space<semaphore_mem>>
      %dma_start3A = arith.constant 0 : i32
      %dma_start3A_28 = tpu.memref_slice %arg9[%add3A_8, %dma_start3A] : memref<10000x128xf32, #tpu.memory_space<vmem_shared>> -> memref<208x128xf32, #tpu.memory_space<vmem_shared>>
      tpu.enqueue_dma source(%arg4 : memref<208x128xf32, #tpu.memory_space<hbm>>) target(%dma_start3A_28 : memref<208x128xf32, #tpu.memory_space<vmem_shared>>) target_semaphore(%run_scoped3A : memref<!tpu.dma_semaphore, #tpu.memory_space<semaphore_mem>>)
      %dma_wait3A = arith.constant 0 : i32
      %dma_wait3A_29 = tpu.memref_slice %arg9[%add3A_8, %dma_wait3A] : memref<10000x128xf32, #tpu.memory_space<vmem_shared>> -> memref<208x128xf32, #tpu.memory_space<vmem_shared>>
      tpu.wait_dma2 semaphore(%run_scoped3A : memref<!tpu.dma_semaphore, #tpu.memory_space<semaphore_mem>>) src(%arg4 : memref<208x128xf32, #tpu.memory_space<hbm>>) dst(%dma_wait3A_29 : memref<208x128xf32, #tpu.memory_space<vmem_shared>>)
      tpu.yield
    }) : () -> ()
    %eq3A = arith.constant 15 : i32
    %eq3A_9 = arith.cmpi eq, %arg1, %eq3A : i32
    %convert_element_type3A = arith.extui %eq3A_9 : i1 to i32
    %cond3A = arith.constant 0 : i32
    %cond3A_10 = arith.cmpi ne, %convert_element_type3A, %cond3A : i32
    scf.if %cond3A_10 {
      "tpu.region"() ({
        %run_scoped3A = tpu.sem_alloc : memref<!tpu.dma_semaphore, #tpu.memory_space<semaphore_mem>>
        %dma_start3A = arith.constant 9984 : i32
        %dma_start3A_28 = arith.constant 0 : i32
        %dma_start3A_29 = tpu.memref_slice %arg9[%dma_start3A, %dma_start3A_28] : memref<10000x128xf32, #tpu.memory_space<vmem_shared>> -> memref<16x128xf32, #tpu.memory_space<vmem_shared>>
        %dma_start3A_30 = arith.constant 0 : i32
        %dma_start3A_31 = arith.constant 0 : i32
        %dma_start3A_32 = tpu.memref_slice %arg4[%dma_start3A_30, %dma_start3A_31] : memref<208x128xf32, #tpu.memory_space<hbm>> -> memref<16x128xf32, #tpu.memory_space<hbm>>
        tpu.enqueue_dma source(%dma_start3A_32 : memref<16x128xf32, #tpu.memory_space<hbm>>) target(%dma_start3A_29 : memref<16x128xf32, #tpu.memory_space<vmem_shared>>) target_semaphore(%run_scoped3A : memref<!tpu.dma_semaphore, #tpu.memory_space<semaphore_mem>>)
        %dma_wait3A = arith.constant 9984 : i32
        %dma_wait3A_33 = arith.constant 0 : i32
        %dma_wait3A_34 = tpu.memref_slice %arg9[%dma_wait3A, %dma_wait3A_33] : memref<10000x128xf32, #tpu.memory_space<vmem_shared>> -> memref<16x128xf32, #tpu.memory_space<vmem_shared>>
        %dma_wait3A_35 = arith.constant 0 : i32
        %dma_wait3A_36 = arith.constant 0 : i32
        %dma_wait3A_37 = tpu.memref_slice %arg4[%dma_wait3A_35, %dma_wait3A_36] : memref<208x128xf32, #tpu.memory_space<hbm>> -> memref<16x128xf32, #tpu.memory_space<hbm>>
        tpu.wait_dma2 semaphore(%run_scoped3A : memref<!tpu.dma_semaphore, #tpu.memory_space<semaphore_mem>>) src(%dma_wait3A_37 : memref<16x128xf32, #tpu.memory_space<hbm>>) dst(%dma_wait3A_34 : memref<16x128xf32, #tpu.memory_space<vmem_shared>>)
        tpu.yield
      }) : () -> ()
    } else {
    }
    %mul3A_11 = arith.constant 10240 : i32
    %mul3A_12 = arith.muli %add3A, %mul3A_11 : i32
    "tpu.region"() ({
      %run_scoped3A = tpu.sem_alloc : memref<!tpu.dma_semaphore, #tpu.memory_space<semaphore_mem>>
      %dma_start3A = tpu.memref_slice %arg2[%mul3A_12] : memref<327680xi32, #tpu.memory_space<hbm>> -> memref<10240xi32, #tpu.memory_space<hbm>>
      %dma_start3A_28 = tpu.memref_slice %arg2[%mul3A_12] : memref<327680xi32, #tpu.memory_space<hbm>> -> memref<10240xi32, #tpu.memory_space<hbm>>
      tpu.enqueue_dma source(%dma_start3A_28 : memref<10240xi32, #tpu.memory_space<hbm>>) target(%arg6 : memref<10240xi32, #tpu.memory_space<vmem>>) target_semaphore(%run_scoped3A : memref<!tpu.dma_semaphore, #tpu.memory_space<semaphore_mem>>)
      %dma_wait3A = tpu.memref_slice %arg2[%mul3A_12] : memref<327680xi32, #tpu.memory_space<hbm>> -> memref<10240xi32, #tpu.memory_space<hbm>>
      %dma_wait3A_29 = tpu.memref_slice %arg2[%mul3A_12] : memref<327680xi32, #tpu.memory_space<hbm>> -> memref<10240xi32, #tpu.memory_space<hbm>>
      tpu.wait_dma2 semaphore(%run_scoped3A : memref<!tpu.dma_semaphore, #tpu.memory_space<semaphore_mem>>) src(%dma_wait3A_29 : memref<10240xi32, #tpu.memory_space<hbm>>) dst(%arg6 : memref<10240xi32, #tpu.memory_space<vmem>>)
      tpu.yield
    }) : () -> ()
    %barrier3A = arith.constant 0 : index
    tpu.barrier barrier_id(%barrier3A)
    %scan3A = arith.constant 0 : i32
    %scan3A_13 = arith.constant 0 : i32
    %scan3A_14 = arith.constant 80 : i32
    %scan3A_15 = arith.addi %scan3A_13, %scan3A_14 : i32
    %scan3A_16 = arith.constant 1 : i32
    scf.for %scan3A_28 = %scan3A_13 to %scan3A_15 step %scan3A_16  : i32 {
      %mul3A_29 = arith.constant 128 : i32
      %mul3A_30 = arith.muli %scan3A_28, %mul3A_29 : i32
      %add3A_31 = arith.constant 0 : i32
      %add3A_32 = arith.addi %mul3A_30, %add3A_31 : i32
      %get3A = arith.index_cast %add3A_32 : i32 to index
      %get3A_33 = tpu.vector_load %arg6[%get3A] {strides = array<i32>} : memref<10240xi32, #tpu.memory_space<vmem>>, vector<16xi32>,
      %get3A_34 = vector.shape_cast %get3A_33 : vector<16xi32> to vector<16xi32>
      %shift_right_logical3A = arith.constant 16 : i32
      %shift_right_logical3A_35 = vector.broadcast %shift_right_logical3A : i32 to vector<16xi32>
      %shift_right_logical3A_36 = arith.shrui %get3A_34, %shift_right_logical3A_35 : vector<16xi32>
      %swap3A = arith.constant 0 : index
      %swap3A_37 = tpu.vector_load %arg7[%swap3A] {strides = array<i32>} : memref<128xi32, #tpu.memory_space<vmem>>, vector<16xi32>,
      %swap3A_38 = vector.shape_cast %swap3A_37 : vector<16xi32> to vector<16xi32>
      %swap3A_39 = vector.shape_cast %shift_right_logical3A_36 : vector<16xi32> to vector<16xi32>
      tpu.vector_store %arg7[%swap3A], %swap3A_39 {strides = array<i32>} : memref<128xi32, #tpu.memory_space<vmem>>, vector<16xi32>,
      %mul3A_40 = arith.constant 128 : i32
      %mul3A_41 = arith.muli %scan3A_28, %mul3A_40 : i32
      %add3A_42 = arith.constant 16 : i32
      %add3A_43 = arith.addi %mul3A_41, %add3A_42 : i32
      %get3A_44 = arith.index_cast %add3A_43 : i32 to index
      %get3A_45 = tpu.vector_load %arg6[%get3A_44] {strides = array<i32>} : memref<10240xi32, #tpu.memory_space<vmem>>, vector<16xi32>,
      %get3A_46 = vector.shape_cast %get3A_45 : vector<16xi32> to vector<16xi32>
      %shift_right_logical3A_47 = arith.constant 16 : i32
      %shift_right_logical3A_48 = vector.broadcast %shift_right_logical3A_47 : i32 to vector<16xi32>
      %shift_right_logical3A_49 = arith.shrui %get3A_46, %shift_right_logical3A_48 : vector<16xi32>
      %swap3A_50 = arith.constant 16 : index
      %swap3A_51 = tpu.vector_load %arg7[%swap3A_50] {strides = array<i32>} : memref<128xi32, #tpu.memory_space<vmem>>, vector<16xi32>,
      %swap3A_52 = vector.shape_cast %swap3A_51 : vector<16xi32> to vector<16xi32>
      %swap3A_53 = vector.shape_cast %shift_right_logical3A_49 : vector<16xi32> to vector<16xi32>
      tpu.vector_store %arg7[%swap3A_50], %swap3A_53 {strides = array<i32>} : memref<128xi32, #tpu.memory_space<vmem>>, vector<16xi32>,
      %mul3A_54 = arith.constant 128 : i32
      %mul3A_55 = arith.muli %scan3A_28, %mul3A_54 : i32
      %add3A_56 = arith.constant 32 : i32
      %add3A_57 = arith.addi %mul3A_55, %add3A_56 : i32
      %get3A_58 = arith.index_cast %add3A_57 : i32 to index
      %get3A_59 = tpu.vector_load %arg6[%get3A_58] {strides = array<i32>} : memref<10240xi32, #tpu.memory_space<vmem>>, vector<16xi32>,
      %get3A_60 = vector.shape_cast %get3A_59 : vector<16xi32> to vector<16xi32>
      %shift_right_logical3A_61 = arith.constant 16 : i32
      %shift_right_logical3A_62 = vector.broadcast %shift_right_logical3A_61 : i32 to vector<16xi32>
      %shift_right_logical3A_63 = arith.shrui %get3A_60, %shift_right_logical3A_62 : vector<16xi32>
      %swap3A_64 = arith.constant 32 : index
      %swap3A_65 = tpu.vector_load %arg7[%swap3A_64] {strides = array<i32>} : memref<128xi32, #tpu.memory_space<vmem>>, vector<16xi32>,
      %swap3A_66 = vector.shape_cast %swap3A_65 : vector<16xi32> to vector<16xi32>
      %swap3A_67 = vector.shape_cast %shift_right_logical3A_63 : vector<16xi32> to vector<16xi32>
      tpu.vector_store %arg7[%swap3A_64], %swap3A_67 {strides = array<i32>} : memref<128xi32, #tpu.memory_space<vmem>>, vector<16xi32>,
      %mul3A_68 = arith.constant 128 : i32
      %mul3A_69 = arith.muli %scan3A_28, %mul3A_68 : i32
      %add3A_70 = arith.constant 48 : i32
      %add3A_71 = arith.addi %mul3A_69, %add3A_70 : i32
      %get3A_72 = arith.index_cast %add3A_71 : i32 to index
      %get3A_73 = tpu.vector_load %arg6[%get3A_72] {strides = array<i32>} : memref<10240xi32, #tpu.memory_space<vmem>>, vector<16xi32>,
      %get3A_74 = vector.shape_cast %get3A_73 : vector<16xi32> to vector<16xi32>
      %shift_right_logical3A_75 = arith.constant 16 : i32
      %shift_right_logical3A_76 = vector.broadcast %shift_right_logical3A_75 : i32 to vector<16xi32>
      %shift_right_logical3A_77 = arith.shrui %get3A_74, %shift_right_logical3A_76 : vector<16xi32>
      %swap3A_78 = arith.constant 48 : index
      %swap3A_79 = tpu.vector_load %arg7[%swap3A_78] {strides = array<i32>} : memref<128xi32, #tpu.memory_space<vmem>>, vector<16xi32>,
      %swap3A_80 = vector.shape_cast %swap3A_79 : vector<16xi32> to vector<16xi32>
      %swap3A_81 = vector.shape_cast %shift_right_logical3A_77 : vector<16xi32> to vector<16xi32>
      tpu.vector_store %arg7[%swap3A_78], %swap3A_81 {strides = array<i32>} : memref<128xi32, #tpu.memory_space<vmem>>, vector<16xi32>,
      %mul3A_82 = arith.constant 128 : i32
      %mul3A_83 = arith.muli %scan3A_28, %mul3A_82 : i32
      %add3A_84 = arith.constant 64 : i32
      %add3A_85 = arith.addi %mul3A_83, %add3A_84 : i32
      %get3A_86 = arith.index_cast %add3A_85 : i32 to index
      %get3A_87 = tpu.vector_load %arg6[%get3A_86] {strides = array<i32>} : memref<10240xi32, #tpu.memory_space<vmem>>, vector<16xi32>,
      %get3A_88 = vector.shape_cast %get3A_87 : vector<16xi32> to vector<16xi32>
      %shift_right_logical3A_89 = arith.constant 16 : i32
      %shift_right_logical3A_90 = vector.broadcast %shift_right_logical3A_89 : i32 to vector<16xi32>
      %shift_right_logical3A_91 = arith.shrui %get3A_88, %shift_right_logical3A_90 : vector<16xi32>
      %swap3A_92 = arith.constant 64 : index
      %swap3A_93 = tpu.vector_load %arg7[%swap3A_92] {strides = array<i32>} : memref<128xi32, #tpu.memory_space<vmem>>, vector<16xi32>,
      %swap3A_94 = vector.shape_cast %swap3A_93 : vector<16xi32> to vector<16xi32>
      %swap3A_95 = vector.shape_cast %shift_right_logical3A_91 : vector<16xi32> to vector<16xi32>
      tpu.vector_store %arg7[%swap3A_92], %swap3A_95 {strides = array<i32>} : memref<128xi32, #tpu.memory_space<vmem>>, vector<16xi32>,
      %mul3A_96 = arith.constant 128 : i32
      %mul3A_97 = arith.muli %scan3A_28, %mul3A_96 : i32
      %add3A_98 = arith.constant 80 : i32
      %add3A_99 = arith.addi %mul3A_97, %add3A_98 : i32
      %get3A_100 = arith.index_cast %add3A_99 : i32 to index
      %get3A_101 = tpu.vector_load %arg6[%get3A_100] {strides = array<i32>} : memref<10240xi32, #tpu.memory_space<vmem>>, vector<16xi32>,
      %get3A_102 = vector.shape_cast %get3A_101 : vector<16xi32> to vector<16xi32>
      %shift_right_logical3A_103 = arith.constant 16 : i32
      %shift_right_logical3A_104 = vector.broadcast %shift_right_logical3A_103 : i32 to vector<16xi32>
      %shift_right_logical3A_105 = arith.shrui %get3A_102, %shift_right_logical3A_104 : vector<16xi32>
      %swap3A_106 = arith.constant 80 : index
      %swap3A_107 = tpu.vector_load %arg7[%swap3A_106] {strides = array<i32>} : memref<128xi32, #tpu.memory_space<vmem>>, vector<16xi32>,
      %swap3A_108 = vector.shape_cast %swap3A_107 : vector<16xi32> to vector<16xi32>
      %swap3A_109 = vector.shape_cast %shift_right_logical3A_105 : vector<16xi32> to vector<16xi32>
      tpu.vector_store %arg7[%swap3A_106], %swap3A_109 {strides = array<i32>} : memref<128xi32, #tpu.memory_space<vmem>>, vector<16xi32>,
      %mul3A_110 = arith.constant 128 : i32
      %mul3A_111 = arith.muli %scan3A_28, %mul3A_110 : i32
      %add3A_112 = arith.constant 96 : i32
      %add3A_113 = arith.addi %mul3A_111, %add3A_112 : i32
      %get3A_114 = arith.index_cast %add3A_113 : i32 to index
      %get3A_115 = tpu.vector_load %arg6[%get3A_114] {strides = array<i32>} : memref<10240xi32, #tpu.memory_space<vmem>>, vector<16xi32>,
      %get3A_116 = vector.shape_cast %get3A_115 : vector<16xi32> to vector<16xi32>
      %shift_right_logical3A_117 = arith.constant 16 : i32
      %shift_right_logical3A_118 = vector.broadcast %shift_right_logical3A_117 : i32 to vector<16xi32>
      %shift_right_logical3A_119 = arith.shrui %get3A_116, %shift_right_logical3A_118 : vector<16xi32>
      %swap3A_120 = arith.constant 96 : index
      %swap3A_121 = tpu.vector_load %arg7[%swap3A_120] {strides = array<i32>} : memref<128xi32, #tpu.memory_space<vmem>>, vector<16xi32>,
      %swap3A_122 = vector.shape_cast %swap3A_121 : vector<16xi32> to vector<16xi32>
      %swap3A_123 = vector.shape_cast %shift_right_logical3A_119 : vector<16xi32> to vector<16xi32>
      tpu.vector_store %arg7[%swap3A_120], %swap3A_123 {strides = array<i32>} : memref<128xi32, #tpu.memory_space<vmem>>, vector<16xi32>,
      %mul3A_124 = arith.constant 128 : i32
      %mul3A_125 = arith.muli %scan3A_28, %mul3A_124 : i32
      %add3A_126 = arith.constant 112 : i32
      %add3A_127 = arith.addi %mul3A_125, %add3A_126 : i32
      %get3A_128 = arith.index_cast %add3A_127 : i32 to index
      %get3A_129 = tpu.vector_load %arg6[%get3A_128] {strides = array<i32>} : memref<10240xi32, #tpu.memory_space<vmem>>, vector<16xi32>,
      %get3A_130 = vector.shape_cast %get3A_129 : vector<16xi32> to vector<16xi32>
      %shift_right_logical3A_131 = arith.constant 16 : i32
      %shift_right_logical3A_132 = vector.broadcast %shift_right_logical3A_131 : i32 to vector<16xi32>
      %shift_right_logical3A_133 = arith.shrui %get3A_130, %shift_right_logical3A_132 : vector<16xi32>
      %swap3A_134 = arith.constant 112 : index
      %swap3A_135 = tpu.vector_load %arg7[%swap3A_134] {strides = array<i32>} : memref<128xi32, #tpu.memory_space<vmem>>, vector<16xi32>,
      %swap3A_136 = vector.shape_cast %swap3A_135 : vector<16xi32> to vector<16xi32>
      %swap3A_137 = vector.shape_cast %shift_right_logical3A_133 : vector<16xi32> to vector<16xi32>
      tpu.vector_store %arg7[%swap3A_134], %swap3A_137 {strides = array<i32>} : memref<128xi32, #tpu.memory_space<vmem>>, vector<16xi32>,
      "tpu.region"() ({
        %run_scoped3A = tpu.sem_alloc : memref<!tpu.dma_semaphore, #tpu.memory_space<semaphore_mem>>
        %dma_start3A = arith.constant 0 : i32
        %dma_start3A_138 = arith.constant 0 : i32
        %dma_start3A_139 = tpu.memref_slice %arg9[%dma_start3A, %dma_start3A_138] : memref<10000x128xf32, #tpu.memory_space<vmem_shared>> -> memref<10000x128xf32, #tpu.memory_space<vmem_shared>>
        tpu.enqueue_indirect_dma source(%arg8 : memref<128x128xf32, #tpu.memory_space<vmem>>) target(%dma_start3A_139 : memref<10000x128xf32, #tpu.memory_space<vmem_shared>>) offsets(%arg7 : memref<128xi32, #tpu.memory_space<vmem>>) semaphore(%run_scoped3A : memref<!tpu.dma_semaphore, #tpu.memory_space<semaphore_mem>>) {add = true}
        %dma_wait3A = arith.constant 0 : i32
        %dma_wait3A_140 = arith.constant 0 : i32
        %dma_wait3A_141 = tpu.memref_slice %arg9[%dma_wait3A, %dma_wait3A_140] : memref<10000x128xf32, #tpu.memory_space<vmem_shared>> -> memref<10000x128xf32, #tpu.memory_space<vmem_shared>>
        tpu.wait_indirect_dma semaphore(%run_scoped3A : memref<!tpu.dma_semaphore, #tpu.memory_space<semaphore_mem>>) src(%arg8 : memref<128x128xf32, #tpu.memory_space<vmem>>) dst(%dma_wait3A_141 : memref<10000x128xf32, #tpu.memory_space<vmem_shared>>)
        tpu.yield
      }) : () -> ()
    }
    %scan3A_17 = arith.constant 80 : i32
    %barrier3A_18 = arith.constant 0 : index
    tpu.barrier barrier_id(%barrier3A_18)
    %lt3A = arith.constant 15 : i32
    %lt3A_19 = arith.cmpi slt, %arg1, %lt3A : i32
    %convert_element_type3A_20 = arith.extui %lt3A_19 : i1 to i32
    %cond3A_21 = arith.constant 0 : i32
    %cond3A_22 = arith.cmpi ne, %convert_element_type3A_20, %cond3A_21 : i32
    scf.if %cond3A_22 {
      %mul3A_28 = arith.constant 624 : i32
      %mul3A_29 = arith.muli %arg1, %mul3A_28 : i32
      %mul3A_30 = arith.constant 624 : i32
      %mul3A_31 = arith.muli %arg1, %mul3A_30 : i32
      "tpu.region"() ({
        %run_scoped3A = tpu.sem_alloc : memref<!tpu.dma_semaphore, #tpu.memory_space<semaphore_mem>>
        %dma_start3A = arith.constant 0 : i32
        %dma_start3A_32 = tpu.memref_slice %arg5[%arg0, %mul3A_31, %dma_start3A] : memref<2x10000x128xf32, #tpu.memory_space<hbm>> -> memref<1x624x128xf32, #tpu.memory_space<hbm>>
        %dma_start3A_33 = tpu.memref_squeeze %dma_start3A_32 : memref<1x624x128xf32, #tpu.memory_space<hbm>> -> memref<624x128xf32, #tpu.memory_space<hbm>>
        %dma_start3A_34 = arith.constant 0 : i32
        %dma_start3A_35 = tpu.memref_slice %arg9[%mul3A_29, %dma_start3A_34] : memref<10000x128xf32, #tpu.memory_space<vmem_shared>> -> memref<624x128xf32, #tpu.memory_space<vmem_shared>>
        tpu.enqueue_dma source(%dma_start3A_35 : memref<624x128xf32, #tpu.memory_space<vmem_shared>>) target(%dma_start3A_33 : memref<624x128xf32, #tpu.memory_space<hbm>>) target_semaphore(%run_scoped3A : memref<!tpu.dma_semaphore, #tpu.memory_space<semaphore_mem>>)
        %dma_wait3A = arith.constant 0 : i32
        %dma_wait3A_36 = tpu.memref_slice %arg5[%arg0, %mul3A_31, %dma_wait3A] : memref<2x10000x128xf32, #tpu.memory_space<hbm>> -> memref<1x624x128xf32, #tpu.memory_space<hbm>>
        %dma_wait3A_37 = tpu.memref_squeeze %dma_wait3A_36 : memref<1x624x128xf32, #tpu.memory_space<hbm>> -> memref<624x128xf32, #tpu.memory_space<hbm>>
        %dma_wait3A_38 = arith.constant 0 : i32
        %dma_wait3A_39 = tpu.memref_slice %arg9[%mul3A_29, %dma_wait3A_38] : memref<10000x128xf32, #tpu.memory_space<vmem_shared>> -> memref<624x128xf32, #tpu.memory_space<vmem_shared>>
        tpu.wait_dma2 semaphore(%run_scoped3A : memref<!tpu.dma_semaphore, #tpu.memory_space<semaphore_mem>>) src(%dma_wait3A_39 : memref<624x128xf32, #tpu.memory_space<vmem_shared>>) dst(%dma_wait3A_37 : memref<624x128xf32, #tpu.memory_space<hbm>>)
        tpu.yield
      }) : () -> ()
    } else {
    }
    %eq3A_23 = arith.constant 15 : i32
    %eq3A_24 = arith.cmpi eq, %arg1, %eq3A_23 : i32
    %convert_element_type3A_25 = arith.extui %eq3A_24 : i1 to i32
    %cond3A_26 = arith.constant 0 : i32
    %cond3A_27 = arith.cmpi ne, %convert_element_type3A_25, %cond3A_26 : i32
    scf.if %cond3A_27 {
      "tpu.region"() ({
        %run_scoped3A = tpu.sem_alloc : memref<!tpu.dma_semaphore, #tpu.memory_space<semaphore_mem>>
        %dma_start3A = arith.constant 9360 : i32
        %dma_start3A_28 = arith.constant 0 : i32
        %dma_start3A_29 = tpu.memref_slice %arg5[%arg0, %dma_start3A, %dma_start3A_28] : memref<2x10000x128xf32, #tpu.memory_space<hbm>> -> memref<1x640x128xf32, #tpu.memory_space<hbm>>
        %dma_start3A_30 = tpu.memref_squeeze %dma_start3A_29 : memref<1x640x128xf32, #tpu.memory_space<hbm>> -> memref<640x128xf32, #tpu.memory_space<hbm>>
        %dma_start3A_31 = arith.constant 9360 : i32
        %dma_start3A_32 = arith.constant 0 : i32
        %dma_start3A_33 = tpu.memref_slice %arg9[%dma_start3A_31, %dma_start3A_32] : memref<10000x128xf32, #tpu.memory_space<vmem_shared>> -> memref<640x128xf32, #tpu.memory_space<vmem_shared>>
        tpu.enqueue_dma source(%dma_start3A_33 : memref<640x128xf32, #tpu.memory_space<vmem_shared>>) target(%dma_start3A_30 : memref<640x128xf32, #tpu.memory_space<hbm>>) target_semaphore(%run_scoped3A : memref<!tpu.dma_semaphore, #tpu.memory_space<semaphore_mem>>)
        %dma_wait3A = arith.constant 9360 : i32
        %dma_wait3A_34 = arith.constant 0 : i32
        %dma_wait3A_35 = tpu.memref_slice %arg5[%arg0, %dma_wait3A, %dma_wait3A_34] : memref<2x10000x128xf32, #tpu.memory_space<hbm>> -> memref<1x640x128xf32, #tpu.memory_space<hbm>>
        %dma_wait3A_36 = tpu.memref_squeeze %dma_wait3A_35 : memref<1x640x128xf32, #tpu.memory_space<hbm>> -> memref<640x128xf32, #tpu.memory_space<hbm>>
        %dma_wait3A_37 = arith.constant 9360 : i32
        %dma_wait3A_38 = arith.constant 0 : i32
        %dma_wait3A_39 = tpu.memref_slice %arg9[%dma_wait3A_37, %dma_wait3A_38] : memref<10000x128xf32, #tpu.memory_space<vmem_shared>> -> memref<640x128xf32, #tpu.memory_space<vmem_shared>>
        tpu.wait_dma2 semaphore(%run_scoped3A : memref<!tpu.dma_semaphore, #tpu.memory_space<semaphore_mem>>) src(%dma_wait3A_39 : memref<640x128xf32, #tpu.memory_space<vmem_shared>>) dst(%dma_wait3A_36 : memref<640x128xf32, #tpu.memory_space<hbm>>)
        tpu.yield
      }) : () -> ()
    } else {
    }
    return
  }
}

#map = affine_map<(d0, d1) -> (0, 0)>
#map1 = affine_map<(d0, d1) -> (0)>
#map2 = affine_map<(d0, d1) -> (0, 0, 0)>
module attributes {stable_mosaic.version = 14 : i64} {
  func.func @_sc_message(%arg0: i32, %arg1: i32, %arg2: memref<10016x128xf32, #tpu.memory_space<hbm>>, %arg3: memref<327680xi32, #tpu.memory_space<hbm>>, %arg4: memref<208x128xf32, #tpu.memory_space<hbm>>, %arg5: memref<2x10000x128xf32, #tpu.memory_space<hbm>>, %arg6: memref<128xi32, #tpu.memory_space<vmem>>, %arg7: memref<128xi32, #tpu.memory_space<vmem>>, %arg8: memref<128xi32, #tpu.memory_space<vmem>>, %arg9: memref<128xi32, #tpu.memory_space<vmem>>, %arg10: memref<128xi32, #tpu.memory_space<vmem>>, %arg11: memref<128xi32, #tpu.memory_space<vmem>>, %arg12: memref<128xi32, #tpu.memory_space<vmem>>, %arg13: memref<128xi32, #tpu.memory_space<vmem>>, %arg14: memref<128xi32, #tpu.memory_space<vmem>>, %arg15: memref<128x128xf32, #tpu.memory_space<vmem>>, %arg16: memref<128x128xf32, #tpu.memory_space<vmem>>, %arg17: memref<128x128xf32, #tpu.memory_space<vmem>>, %arg18: memref<10000x128xf32, #tpu.memory_space<vmem_shared>>, %arg19: memref<!tpu.dma_semaphore, #tpu.memory_space<semaphore_mem>>, %arg20: memref<!tpu.dma_semaphore, #tpu.memory_space<semaphore_mem>>, %arg21: memref<!tpu.dma_semaphore, #tpu.memory_space<semaphore_mem>>, %arg22: memref<!tpu.dma_semaphore, #tpu.memory_space<semaphore_mem>>, %arg23: memref<!tpu.dma_semaphore, #tpu.memory_space<semaphore_mem>>, %arg24: memref<!tpu.dma_semaphore, #tpu.memory_space<semaphore_mem>>) attributes {dimension_semantics = [#tpu.dimension_semantics<core_parallel>, #tpu.dimension_semantics<subcore_parallel>], iteration_bounds = array<i64: 2, 16>, scalar_prefetch = 0 : i64, scratch_operands = 19 : i64, tpu.core_type = #tpu.core_type<sc_vector_subcore>, window_params = [{transform_indices = #map}, {transform_indices = #map1}, {transform_indices = #map}, {transform_indices = #map2}]} {
    %mul3A = arith.constant 2 : i32
    %mul3A_0 = arith.muli %arg1, %mul3A : i32
    %add3A = arith.addi %mul3A_0, %arg0 : i32
    %mul3A_1 = arith.constant 80 : i32
    %mul3A_2 = arith.muli %add3A, %mul3A_1 : i32
    %mul3A_3 = arith.constant 624 : i32
    %mul3A_4 = arith.muli %arg1, %mul3A_3 : i32
    %add3A_5 = arith.constant 0 : i32
    %add3A_6 = arith.addi %mul3A_4, %add3A_5 : i32
    "tpu.region"() ({
      %run_scoped3A = tpu.sem_alloc : memref<!tpu.dma_semaphore, #tpu.memory_space<semaphore_mem>>
      %dma_start3A_177 = arith.constant 0 : i32
      %dma_start3A_178 = tpu.memref_slice %arg18[%add3A_6, %dma_start3A_177] : memref<10000x128xf32, #tpu.memory_space<vmem_shared>> -> memref<208x128xf32, #tpu.memory_space<vmem_shared>>
      tpu.enqueue_dma source(%arg4 : memref<208x128xf32, #tpu.memory_space<hbm>>) target(%dma_start3A_178 : memref<208x128xf32, #tpu.memory_space<vmem_shared>>) target_semaphore(%run_scoped3A : memref<!tpu.dma_semaphore, #tpu.memory_space<semaphore_mem>>)
      %dma_wait3A_179 = arith.constant 0 : i32
      %dma_wait3A_180 = tpu.memref_slice %arg18[%add3A_6, %dma_wait3A_179] : memref<10000x128xf32, #tpu.memory_space<vmem_shared>> -> memref<208x128xf32, #tpu.memory_space<vmem_shared>>
      tpu.wait_dma2 semaphore(%run_scoped3A : memref<!tpu.dma_semaphore, #tpu.memory_space<semaphore_mem>>) src(%arg4 : memref<208x128xf32, #tpu.memory_space<hbm>>) dst(%dma_wait3A_180 : memref<208x128xf32, #tpu.memory_space<vmem_shared>>)
      tpu.yield
    }) : () -> ()
    %add3A_7 = arith.constant 208 : i32
    %add3A_8 = arith.addi %mul3A_4, %add3A_7 : i32
    "tpu.region"() ({
      %run_scoped3A = tpu.sem_alloc : memref<!tpu.dma_semaphore, #tpu.memory_space<semaphore_mem>>
      %dma_start3A_177 = arith.constant 0 : i32
      %dma_start3A_178 = tpu.memref_slice %arg18[%add3A_8, %dma_start3A_177] : memref<10000x128xf32, #tpu.memory_space<vmem_shared>> -> memref<208x128xf32, #tpu.memory_space<vmem_shared>>
      tpu.enqueue_dma source(%arg4 : memref<208x128xf32, #tpu.memory_space<hbm>>) target(%dma_start3A_178 : memref<208x128xf32, #tpu.memory_space<vmem_shared>>) target_semaphore(%run_scoped3A : memref<!tpu.dma_semaphore, #tpu.memory_space<semaphore_mem>>)
      %dma_wait3A_179 = arith.constant 0 : i32
      %dma_wait3A_180 = tpu.memref_slice %arg18[%add3A_8, %dma_wait3A_179] : memref<10000x128xf32, #tpu.memory_space<vmem_shared>> -> memref<208x128xf32, #tpu.memory_space<vmem_shared>>
      tpu.wait_dma2 semaphore(%run_scoped3A : memref<!tpu.dma_semaphore, #tpu.memory_space<semaphore_mem>>) src(%arg4 : memref<208x128xf32, #tpu.memory_space<hbm>>) dst(%dma_wait3A_180 : memref<208x128xf32, #tpu.memory_space<vmem_shared>>)
      tpu.yield
    }) : () -> ()
    %add3A_9 = arith.constant 416 : i32
    %add3A_10 = arith.addi %mul3A_4, %add3A_9 : i32
    "tpu.region"() ({
      %run_scoped3A = tpu.sem_alloc : memref<!tpu.dma_semaphore, #tpu.memory_space<semaphore_mem>>
      %dma_start3A_177 = arith.constant 0 : i32
      %dma_start3A_178 = tpu.memref_slice %arg18[%add3A_10, %dma_start3A_177] : memref<10000x128xf32, #tpu.memory_space<vmem_shared>> -> memref<208x128xf32, #tpu.memory_space<vmem_shared>>
      tpu.enqueue_dma source(%arg4 : memref<208x128xf32, #tpu.memory_space<hbm>>) target(%dma_start3A_178 : memref<208x128xf32, #tpu.memory_space<vmem_shared>>) target_semaphore(%run_scoped3A : memref<!tpu.dma_semaphore, #tpu.memory_space<semaphore_mem>>)
      %dma_wait3A_179 = arith.constant 0 : i32
      %dma_wait3A_180 = tpu.memref_slice %arg18[%add3A_10, %dma_wait3A_179] : memref<10000x128xf32, #tpu.memory_space<vmem_shared>> -> memref<208x128xf32, #tpu.memory_space<vmem_shared>>
      tpu.wait_dma2 semaphore(%run_scoped3A : memref<!tpu.dma_semaphore, #tpu.memory_space<semaphore_mem>>) src(%arg4 : memref<208x128xf32, #tpu.memory_space<hbm>>) dst(%dma_wait3A_180 : memref<208x128xf32, #tpu.memory_space<vmem_shared>>)
      tpu.yield
    }) : () -> ()
    %eq3A = arith.constant 15 : i32
    %eq3A_11 = arith.cmpi eq, %arg1, %eq3A : i32
    %convert_element_type3A = arith.extui %eq3A_11 : i1 to i32
    %cond3A = arith.constant 0 : i32
    %cond3A_12 = arith.cmpi ne, %convert_element_type3A, %cond3A : i32
    scf.if %cond3A_12 {
      "tpu.region"() ({
        %run_scoped3A = tpu.sem_alloc : memref<!tpu.dma_semaphore, #tpu.memory_space<semaphore_mem>>
        %dma_start3A_177 = arith.constant 9984 : i32
        %dma_start3A_178 = arith.constant 0 : i32
        %dma_start3A_179 = tpu.memref_slice %arg18[%dma_start3A_177, %dma_start3A_178] : memref<10000x128xf32, #tpu.memory_space<vmem_shared>> -> memref<16x128xf32, #tpu.memory_space<vmem_shared>>
        %dma_start3A_180 = arith.constant 0 : i32
        %dma_start3A_181 = arith.constant 0 : i32
        %dma_start3A_182 = tpu.memref_slice %arg4[%dma_start3A_180, %dma_start3A_181] : memref<208x128xf32, #tpu.memory_space<hbm>> -> memref<16x128xf32, #tpu.memory_space<hbm>>
        tpu.enqueue_dma source(%dma_start3A_182 : memref<16x128xf32, #tpu.memory_space<hbm>>) target(%dma_start3A_179 : memref<16x128xf32, #tpu.memory_space<vmem_shared>>) target_semaphore(%run_scoped3A : memref<!tpu.dma_semaphore, #tpu.memory_space<semaphore_mem>>)
        %dma_wait3A_183 = arith.constant 9984 : i32
        %dma_wait3A_184 = arith.constant 0 : i32
        %dma_wait3A_185 = tpu.memref_slice %arg18[%dma_wait3A_183, %dma_wait3A_184] : memref<10000x128xf32, #tpu.memory_space<vmem_shared>> -> memref<16x128xf32, #tpu.memory_space<vmem_shared>>
        %dma_wait3A_186 = arith.constant 0 : i32
        %dma_wait3A_187 = arith.constant 0 : i32
        %dma_wait3A_188 = tpu.memref_slice %arg4[%dma_wait3A_186, %dma_wait3A_187] : memref<208x128xf32, #tpu.memory_space<hbm>> -> memref<16x128xf32, #tpu.memory_space<hbm>>
        tpu.wait_dma2 semaphore(%run_scoped3A : memref<!tpu.dma_semaphore, #tpu.memory_space<semaphore_mem>>) src(%dma_wait3A_188 : memref<16x128xf32, #tpu.memory_space<hbm>>) dst(%dma_wait3A_185 : memref<16x128xf32, #tpu.memory_space<vmem_shared>>)
        tpu.yield
      }) : () -> ()
    } else {
    }
    %barrier3A = arith.constant 0 : index
    tpu.barrier barrier_id(%barrier3A)
    %add3A_13 = arith.constant 0 : i32
    %add3A_14 = arith.addi %mul3A_2, %add3A_13 : i32
    %mul3A_15 = arith.constant 128 : i32
    %mul3A_16 = arith.muli %add3A_14, %mul3A_15 : i32
    %dma_start3A = tpu.memref_slice %arg3[%mul3A_16] : memref<327680xi32, #tpu.memory_space<hbm>> -> memref<128xi32, #tpu.memory_space<hbm>>
    %dma_start3A_17 = tpu.memref_slice %arg3[%mul3A_16] : memref<327680xi32, #tpu.memory_space<hbm>> -> memref<128xi32, #tpu.memory_space<hbm>>
    tpu.enqueue_dma source(%dma_start3A_17 : memref<128xi32, #tpu.memory_space<hbm>>) target(%arg6 : memref<128xi32, #tpu.memory_space<vmem>>) target_semaphore(%arg19 : memref<!tpu.dma_semaphore, #tpu.memory_space<semaphore_mem>>)
    %add3A_18 = arith.constant 1 : i32
    %add3A_19 = arith.addi %mul3A_2, %add3A_18 : i32
    %mul3A_20 = arith.constant 128 : i32
    %mul3A_21 = arith.muli %add3A_19, %mul3A_20 : i32
    %dma_start3A_22 = tpu.memref_slice %arg3[%mul3A_21] : memref<327680xi32, #tpu.memory_space<hbm>> -> memref<128xi32, #tpu.memory_space<hbm>>
    %dma_start3A_23 = tpu.memref_slice %arg3[%mul3A_21] : memref<327680xi32, #tpu.memory_space<hbm>> -> memref<128xi32, #tpu.memory_space<hbm>>
    tpu.enqueue_dma source(%dma_start3A_23 : memref<128xi32, #tpu.memory_space<hbm>>) target(%arg7 : memref<128xi32, #tpu.memory_space<vmem>>) target_semaphore(%arg20 : memref<!tpu.dma_semaphore, #tpu.memory_space<semaphore_mem>>)
    %dma_wait3A = arith.constant 0 : i32
    %dma_wait3A_24 = tpu.memref_slice %arg3[%dma_wait3A] : memref<327680xi32, #tpu.memory_space<hbm>> -> memref<128xi32, #tpu.memory_space<hbm>>
    %dma_wait3A_25 = arith.constant 0 : i32
    %dma_wait3A_26 = tpu.memref_slice %arg3[%dma_wait3A_25] : memref<327680xi32, #tpu.memory_space<hbm>> -> memref<128xi32, #tpu.memory_space<hbm>>
    tpu.wait_dma2 semaphore(%arg19 : memref<!tpu.dma_semaphore, #tpu.memory_space<semaphore_mem>>) src(%dma_wait3A_26 : memref<128xi32, #tpu.memory_space<hbm>>) dst(%arg6 : memref<128xi32, #tpu.memory_space<vmem>>)
    %get3A = arith.constant 0 : index
    %get3A_27 = tpu.vector_load %arg6[%get3A] {strides = array<i32>} : memref<128xi32, #tpu.memory_space<vmem>>, vector<16xi32>,
    %get3A_28 = vector.shape_cast %get3A_27 : vector<16xi32> to vector<16xi32>
    %and3A = arith.constant 65535 : i32
    %and3A_29 = vector.broadcast %and3A : i32 to vector<16xi32>
    %and3A_30 = arith.andi %get3A_28, %and3A_29 : vector<16xi32>
    %swap3A = arith.constant 0 : index
    %swap3A_31 = tpu.vector_load %arg9[%swap3A] {strides = array<i32>} : memref<128xi32, #tpu.memory_space<vmem>>, vector<16xi32>,
    %swap3A_32 = vector.shape_cast %swap3A_31 : vector<16xi32> to vector<16xi32>
    %swap3A_33 = vector.shape_cast %and3A_30 : vector<16xi32> to vector<16xi32>
    tpu.vector_store %arg9[%swap3A], %swap3A_33 {strides = array<i32>} : memref<128xi32, #tpu.memory_space<vmem>>, vector<16xi32>,
    %shift_right_logical3A = arith.constant 16 : i32
    %shift_right_logical3A_34 = vector.broadcast %shift_right_logical3A : i32 to vector<16xi32>
    %shift_right_logical3A_35 = arith.shrui %get3A_28, %shift_right_logical3A_34 : vector<16xi32>
    %swap3A_36 = arith.constant 0 : index
    %swap3A_37 = tpu.vector_load %arg12[%swap3A_36] {strides = array<i32>} : memref<128xi32, #tpu.memory_space<vmem>>, vector<16xi32>,
    %swap3A_38 = vector.shape_cast %swap3A_37 : vector<16xi32> to vector<16xi32>
    %swap3A_39 = vector.shape_cast %shift_right_logical3A_35 : vector<16xi32> to vector<16xi32>
    tpu.vector_store %arg12[%swap3A_36], %swap3A_39 {strides = array<i32>} : memref<128xi32, #tpu.memory_space<vmem>>, vector<16xi32>,
    %get3A_40 = arith.constant 16 : index
    %get3A_41 = tpu.vector_load %arg6[%get3A_40] {strides = array<i32>} : memref<128xi32, #tpu.memory_space<vmem>>, vector<16xi32>,
    %get3A_42 = vector.shape_cast %get3A_41 : vector<16xi32> to vector<16xi32>
    %and3A_43 = arith.constant 65535 : i32
    %and3A_44 = vector.broadcast %and3A_43 : i32 to vector<16xi32>
    %and3A_45 = arith.andi %get3A_42, %and3A_44 : vector<16xi32>
    %swap3A_46 = arith.constant 16 : index
    %swap3A_47 = tpu.vector_load %arg9[%swap3A_46] {strides = array<i32>} : memref<128xi32, #tpu.memory_space<vmem>>, vector<16xi32>,
    %swap3A_48 = vector.shape_cast %swap3A_47 : vector<16xi32> to vector<16xi32>
    %swap3A_49 = vector.shape_cast %and3A_45 : vector<16xi32> to vector<16xi32>
    tpu.vector_store %arg9[%swap3A_46], %swap3A_49 {strides = array<i32>} : memref<128xi32, #tpu.memory_space<vmem>>, vector<16xi32>,
    %shift_right_logical3A_50 = arith.constant 16 : i32
    %shift_right_logical3A_51 = vector.broadcast %shift_right_logical3A_50 : i32 to vector<16xi32>
    %shift_right_logical3A_52 = arith.shrui %get3A_42, %shift_right_logical3A_51 : vector<16xi32>
    %swap3A_53 = arith.constant 16 : index
    %swap3A_54 = tpu.vector_load %arg12[%swap3A_53] {strides = array<i32>} : memref<128xi32, #tpu.memory_space<vmem>>, vector<16xi32>,
    %swap3A_55 = vector.shape_cast %swap3A_54 : vector<16xi32> to vector<16xi32>
    %swap3A_56 = vector.shape_cast %shift_right_logical3A_52 : vector<16xi32> to vector<16xi32>
    tpu.vector_store %arg12[%swap3A_53], %swap3A_56 {strides = array<i32>} : memref<128xi32, #tpu.memory_space<vmem>>, vector<16xi32>,
    %get3A_57 = arith.constant 32 : index
    %get3A_58 = tpu.vector_load %arg6[%get3A_57] {strides = array<i32>} : memref<128xi32, #tpu.memory_space<vmem>>, vector<16xi32>,
    %get3A_59 = vector.shape_cast %get3A_58 : vector<16xi32> to vector<16xi32>
    %and3A_60 = arith.constant 65535 : i32
    %and3A_61 = vector.broadcast %and3A_60 : i32 to vector<16xi32>
    %and3A_62 = arith.andi %get3A_59, %and3A_61 : vector<16xi32>
    %swap3A_63 = arith.constant 32 : index
    %swap3A_64 = tpu.vector_load %arg9[%swap3A_63] {strides = array<i32>} : memref<128xi32, #tpu.memory_space<vmem>>, vector<16xi32>,
    %swap3A_65 = vector.shape_cast %swap3A_64 : vector<16xi32> to vector<16xi32>
    %swap3A_66 = vector.shape_cast %and3A_62 : vector<16xi32> to vector<16xi32>
    tpu.vector_store %arg9[%swap3A_63], %swap3A_66 {strides = array<i32>} : memref<128xi32, #tpu.memory_space<vmem>>, vector<16xi32>,
    %shift_right_logical3A_67 = arith.constant 16 : i32
    %shift_right_logical3A_68 = vector.broadcast %shift_right_logical3A_67 : i32 to vector<16xi32>
    %shift_right_logical3A_69 = arith.shrui %get3A_59, %shift_right_logical3A_68 : vector<16xi32>
    %swap3A_70 = arith.constant 32 : index
    %swap3A_71 = tpu.vector_load %arg12[%swap3A_70] {strides = array<i32>} : memref<128xi32, #tpu.memory_space<vmem>>, vector<16xi32>,
    %swap3A_72 = vector.shape_cast %swap3A_71 : vector<16xi32> to vector<16xi32>
    %swap3A_73 = vector.shape_cast %shift_right_logical3A_69 : vector<16xi32> to vector<16xi32>
    tpu.vector_store %arg12[%swap3A_70], %swap3A_73 {strides = array<i32>} : memref<128xi32, #tpu.memory_space<vmem>>, vector<16xi32>,
    %get3A_74 = arith.constant 48 : index
    %get3A_75 = tpu.vector_load %arg6[%get3A_74] {strides = array<i32>} : memref<128xi32, #tpu.memory_space<vmem>>, vector<16xi32>,
    %get3A_76 = vector.shape_cast %get3A_75 : vector<16xi32> to vector<16xi32>
    %and3A_77 = arith.constant 65535 : i32
    %and3A_78 = vector.broadcast %and3A_77 : i32 to vector<16xi32>
    %and3A_79 = arith.andi %get3A_76, %and3A_78 : vector<16xi32>
    %swap3A_80 = arith.constant 48 : index
    %swap3A_81 = tpu.vector_load %arg9[%swap3A_80] {strides = array<i32>} : memref<128xi32, #tpu.memory_space<vmem>>, vector<16xi32>,
    %swap3A_82 = vector.shape_cast %swap3A_81 : vector<16xi32> to vector<16xi32>
    %swap3A_83 = vector.shape_cast %and3A_79 : vector<16xi32> to vector<16xi32>
    tpu.vector_store %arg9[%swap3A_80], %swap3A_83 {strides = array<i32>} : memref<128xi32, #tpu.memory_space<vmem>>, vector<16xi32>,
    %shift_right_logical3A_84 = arith.constant 16 : i32
    %shift_right_logical3A_85 = vector.broadcast %shift_right_logical3A_84 : i32 to vector<16xi32>
    %shift_right_logical3A_86 = arith.shrui %get3A_76, %shift_right_logical3A_85 : vector<16xi32>
    %swap3A_87 = arith.constant 48 : index
    %swap3A_88 = tpu.vector_load %arg12[%swap3A_87] {strides = array<i32>} : memref<128xi32, #tpu.memory_space<vmem>>, vector<16xi32>,
    %swap3A_89 = vector.shape_cast %swap3A_88 : vector<16xi32> to vector<16xi32>
    %swap3A_90 = vector.shape_cast %shift_right_logical3A_86 : vector<16xi32> to vector<16xi32>
    tpu.vector_store %arg12[%swap3A_87], %swap3A_90 {strides = array<i32>} : memref<128xi32, #tpu.memory_space<vmem>>, vector<16xi32>,
    %get3A_91 = arith.constant 64 : index
    %get3A_92 = tpu.vector_load %arg6[%get3A_91] {strides = array<i32>} : memref<128xi32, #tpu.memory_space<vmem>>, vector<16xi32>,
    %get3A_93 = vector.shape_cast %get3A_92 : vector<16xi32> to vector<16xi32>
    %and3A_94 = arith.constant 65535 : i32
    %and3A_95 = vector.broadcast %and3A_94 : i32 to vector<16xi32>
    %and3A_96 = arith.andi %get3A_93, %and3A_95 : vector<16xi32>
    %swap3A_97 = arith.constant 64 : index
    %swap3A_98 = tpu.vector_load %arg9[%swap3A_97] {strides = array<i32>} : memref<128xi32, #tpu.memory_space<vmem>>, vector<16xi32>,
    %swap3A_99 = vector.shape_cast %swap3A_98 : vector<16xi32> to vector<16xi32>
    %swap3A_100 = vector.shape_cast %and3A_96 : vector<16xi32> to vector<16xi32>
    tpu.vector_store %arg9[%swap3A_97], %swap3A_100 {strides = array<i32>} : memref<128xi32, #tpu.memory_space<vmem>>, vector<16xi32>,
    %shift_right_logical3A_101 = arith.constant 16 : i32
    %shift_right_logical3A_102 = vector.broadcast %shift_right_logical3A_101 : i32 to vector<16xi32>
    %shift_right_logical3A_103 = arith.shrui %get3A_93, %shift_right_logical3A_102 : vector<16xi32>
    %swap3A_104 = arith.constant 64 : index
    %swap3A_105 = tpu.vector_load %arg12[%swap3A_104] {strides = array<i32>} : memref<128xi32, #tpu.memory_space<vmem>>, vector<16xi32>,
    %swap3A_106 = vector.shape_cast %swap3A_105 : vector<16xi32> to vector<16xi32>
    %swap3A_107 = vector.shape_cast %shift_right_logical3A_103 : vector<16xi32> to vector<16xi32>
    tpu.vector_store %arg12[%swap3A_104], %swap3A_107 {strides = array<i32>} : memref<128xi32, #tpu.memory_space<vmem>>, vector<16xi32>,
    %get3A_108 = arith.constant 80 : index
    %get3A_109 = tpu.vector_load %arg6[%get3A_108] {strides = array<i32>} : memref<128xi32, #tpu.memory_space<vmem>>, vector<16xi32>,
    %get3A_110 = vector.shape_cast %get3A_109 : vector<16xi32> to vector<16xi32>
    %and3A_111 = arith.constant 65535 : i32
    %and3A_112 = vector.broadcast %and3A_111 : i32 to vector<16xi32>
    %and3A_113 = arith.andi %get3A_110, %and3A_112 : vector<16xi32>
    %swap3A_114 = arith.constant 80 : index
    %swap3A_115 = tpu.vector_load %arg9[%swap3A_114] {strides = array<i32>} : memref<128xi32, #tpu.memory_space<vmem>>, vector<16xi32>,
    %swap3A_116 = vector.shape_cast %swap3A_115 : vector<16xi32> to vector<16xi32>
    %swap3A_117 = vector.shape_cast %and3A_113 : vector<16xi32> to vector<16xi32>
    tpu.vector_store %arg9[%swap3A_114], %swap3A_117 {strides = array<i32>} : memref<128xi32, #tpu.memory_space<vmem>>, vector<16xi32>,
    %shift_right_logical3A_118 = arith.constant 16 : i32
    %shift_right_logical3A_119 = vector.broadcast %shift_right_logical3A_118 : i32 to vector<16xi32>
    %shift_right_logical3A_120 = arith.shrui %get3A_110, %shift_right_logical3A_119 : vector<16xi32>
    %swap3A_121 = arith.constant 80 : index
    %swap3A_122 = tpu.vector_load %arg12[%swap3A_121] {strides = array<i32>} : memref<128xi32, #tpu.memory_space<vmem>>, vector<16xi32>,
    %swap3A_123 = vector.shape_cast %swap3A_122 : vector<16xi32> to vector<16xi32>
    %swap3A_124 = vector.shape_cast %shift_right_logical3A_120 : vector<16xi32> to vector<16xi32>
    tpu.vector_store %arg12[%swap3A_121], %swap3A_124 {strides = array<i32>} : memref<128xi32, #tpu.memory_space<vmem>>, vector<16xi32>,
    %get3A_125 = arith.constant 96 : index
    %get3A_126 = tpu.vector_load %arg6[%get3A_125] {strides = array<i32>} : memref<128xi32, #tpu.memory_space<vmem>>, vector<16xi32>,
    %get3A_127 = vector.shape_cast %get3A_126 : vector<16xi32> to vector<16xi32>
    %and3A_128 = arith.constant 65535 : i32
    %and3A_129 = vector.broadcast %and3A_128 : i32 to vector<16xi32>
    %and3A_130 = arith.andi %get3A_127, %and3A_129 : vector<16xi32>
    %swap3A_131 = arith.constant 96 : index
    %swap3A_132 = tpu.vector_load %arg9[%swap3A_131] {strides = array<i32>} : memref<128xi32, #tpu.memory_space<vmem>>, vector<16xi32>,
    %swap3A_133 = vector.shape_cast %swap3A_132 : vector<16xi32> to vector<16xi32>
    %swap3A_134 = vector.shape_cast %and3A_130 : vector<16xi32> to vector<16xi32>
    tpu.vector_store %arg9[%swap3A_131], %swap3A_134 {strides = array<i32>} : memref<128xi32, #tpu.memory_space<vmem>>, vector<16xi32>,
    %shift_right_logical3A_135 = arith.constant 16 : i32
    %shift_right_logical3A_136 = vector.broadcast %shift_right_logical3A_135 : i32 to vector<16xi32>
    %shift_right_logical3A_137 = arith.shrui %get3A_127, %shift_right_logical3A_136 : vector<16xi32>
    %swap3A_138 = arith.constant 96 : index
    %swap3A_139 = tpu.vector_load %arg12[%swap3A_138] {strides = array<i32>} : memref<128xi32, #tpu.memory_space<vmem>>, vector<16xi32>,
    %swap3A_140 = vector.shape_cast %swap3A_139 : vector<16xi32> to vector<16xi32>
    %swap3A_141 = vector.shape_cast %shift_right_logical3A_137 : vector<16xi32> to vector<16xi32>
    tpu.vector_store %arg12[%swap3A_138], %swap3A_141 {strides = array<i32>} : memref<128xi32, #tpu.memory_space<vmem>>, vector<16xi32>,
    %get3A_142 = arith.constant 112 : index
    %get3A_143 = tpu.vector_load %arg6[%get3A_142] {strides = array<i32>} : memref<128xi32, #tpu.memory_space<vmem>>, vector<16xi32>,
    %get3A_144 = vector.shape_cast %get3A_143 : vector<16xi32> to vector<16xi32>
    %and3A_145 = arith.constant 65535 : i32
    %and3A_146 = vector.broadcast %and3A_145 : i32 to vector<16xi32>
    %and3A_147 = arith.andi %get3A_144, %and3A_146 : vector<16xi32>
    %swap3A_148 = arith.constant 112 : index
    %swap3A_149 = tpu.vector_load %arg9[%swap3A_148] {strides = array<i32>} : memref<128xi32, #tpu.memory_space<vmem>>, vector<16xi32>,
    %swap3A_150 = vector.shape_cast %swap3A_149 : vector<16xi32> to vector<16xi32>
    %swap3A_151 = vector.shape_cast %and3A_147 : vector<16xi32> to vector<16xi32>
    tpu.vector_store %arg9[%swap3A_148], %swap3A_151 {strides = array<i32>} : memref<128xi32, #tpu.memory_space<vmem>>, vector<16xi32>,
    %shift_right_logical3A_152 = arith.constant 16 : i32
    %shift_right_logical3A_153 = vector.broadcast %shift_right_logical3A_152 : i32 to vector<16xi32>
    %shift_right_logical3A_154 = arith.shrui %get3A_144, %shift_right_logical3A_153 : vector<16xi32>
    %swap3A_155 = arith.constant 112 : index
    %swap3A_156 = tpu.vector_load %arg12[%swap3A_155] {strides = array<i32>} : memref<128xi32, #tpu.memory_space<vmem>>, vector<16xi32>,
    %swap3A_157 = vector.shape_cast %swap3A_156 : vector<16xi32> to vector<16xi32>
    %swap3A_158 = vector.shape_cast %shift_right_logical3A_154 : vector<16xi32> to vector<16xi32>
    tpu.vector_store %arg12[%swap3A_155], %swap3A_158 {strides = array<i32>} : memref<128xi32, #tpu.memory_space<vmem>>, vector<16xi32>,
    %dma_start3A_159 = arith.constant 0 : i32
    %dma_start3A_160 = arith.constant 0 : i32
    %dma_start3A_161 = tpu.memref_slice %arg2[%dma_start3A_159, %dma_start3A_160] : memref<10016x128xf32, #tpu.memory_space<hbm>> -> memref<10016x128xf32, #tpu.memory_space<hbm>>
    tpu.enqueue_indirect_dma source(%dma_start3A_161 : memref<10016x128xf32, #tpu.memory_space<hbm>>) target(%arg15 : memref<128x128xf32, #tpu.memory_space<vmem>>) offsets(%arg9 : memref<128xi32, #tpu.memory_space<vmem>>) semaphore(%arg22 : memref<!tpu.dma_semaphore, #tpu.memory_space<semaphore_mem>>)
    %scan3A = arith.constant 0 : i32
    %scan3A_162 = arith.constant 0 : i32
    %scan3A_163 = arith.constant 27 : i32
    %scan3A_164 = arith.addi %scan3A_162, %scan3A_163 : i32
    %scan3A_165 = arith.constant 1 : i32
    scf.for %scan3A_177 = %scan3A_162 to %scan3A_164 step %scan3A_165  : i32 {
      %mul3A_178 = arith.constant 3 : i32
      %mul3A_179 = arith.muli %scan3A_177, %mul3A_178 : i32
      %add3A_180 = arith.constant 0 : i32
      %add3A_181 = arith.addi %mul3A_179, %add3A_180 : i32
      %add3A_182 = arith.constant 2 : i32
      %add3A_183 = arith.addi %add3A_181, %add3A_182 : i32
      %lt3A_184 = arith.constant 80 : i32
      %lt3A_185 = arith.cmpi slt, %add3A_183, %lt3A_184 : i32
      %convert_element_type3A_186 = arith.extui %lt3A_185 : i1 to i32
      %cond3A_187 = arith.constant 0 : i32
      %cond3A_188 = arith.cmpi ne, %convert_element_type3A_186, %cond3A_187 : i32
      scf.if %cond3A_188 {
        %add3A_243 = arith.constant 2 : i32
        %add3A_244 = arith.addi %add3A_181, %add3A_243 : i32
        %add3A_245 = arith.addi %mul3A_2, %add3A_244 : i32
        %mul3A_246 = arith.constant 128 : i32
        %mul3A_247 = arith.muli %add3A_245, %mul3A_246 : i32
        %dma_start3A_248 = tpu.memref_slice %arg3[%mul3A_247] : memref<327680xi32, #tpu.memory_space<hbm>> -> memref<128xi32, #tpu.memory_space<hbm>>
        %dma_start3A_249 = tpu.memref_slice %arg3[%mul3A_247] : memref<327680xi32, #tpu.memory_space<hbm>> -> memref<128xi32, #tpu.memory_space<hbm>>
        tpu.enqueue_dma source(%dma_start3A_249 : memref<128xi32, #tpu.memory_space<hbm>>) target(%arg8 : memref<128xi32, #tpu.memory_space<vmem>>) target_semaphore(%arg21 : memref<!tpu.dma_semaphore, #tpu.memory_space<semaphore_mem>>)
      } else {
      }
      %add3A_189 = arith.constant 1 : i32
      %add3A_190 = arith.addi %add3A_181, %add3A_189 : i32
      %lt3A_191 = arith.constant 80 : i32
      %lt3A_192 = arith.cmpi slt, %add3A_190, %lt3A_191 : i32
      %convert_element_type3A_193 = arith.extui %lt3A_192 : i1 to i32
      %cond3A_194 = arith.constant 0 : i32
      %cond3A_195 = arith.cmpi ne, %convert_element_type3A_193, %cond3A_194 : i32
      scf.if %cond3A_195 {
        %dma_wait3A_243 = arith.constant 0 : i32
        %dma_wait3A_244 = tpu.memref_slice %arg3[%dma_wait3A_243] : memref<327680xi32, #tpu.memory_space<hbm>> -> memref<128xi32, #tpu.memory_space<hbm>>
        %dma_wait3A_245 = arith.constant 0 : i32
        %dma_wait3A_246 = tpu.memref_slice %arg3[%dma_wait3A_245] : memref<327680xi32, #tpu.memory_space<hbm>> -> memref<128xi32, #tpu.memory_space<hbm>>
        tpu.wait_dma2 semaphore(%arg20 : memref<!tpu.dma_semaphore, #tpu.memory_space<semaphore_mem>>) src(%dma_wait3A_246 : memref<128xi32, #tpu.memory_space<hbm>>) dst(%arg7 : memref<128xi32, #tpu.memory_space<vmem>>)
        %get3A_247 = arith.constant 0 : index
        %get3A_248 = tpu.vector_load %arg7[%get3A_247] {strides = array<i32>} : memref<128xi32, #tpu.memory_space<vmem>>, vector<16xi32>,
        %get3A_249 = vector.shape_cast %get3A_248 : vector<16xi32> to vector<16xi32>
        %and3A_250 = arith.constant 65535 : i32
        %and3A_251 = vector.broadcast %and3A_250 : i32 to vector<16xi32>
        %and3A_252 = arith.andi %get3A_249, %and3A_251 : vector<16xi32>
        %swap3A_253 = arith.constant 0 : index
        %swap3A_254 = tpu.vector_load %arg10[%swap3A_253] {strides = array<i32>} : memref<128xi32, #tpu.memory_space<vmem>>, vector<16xi32>,
        %swap3A_255 = vector.shape_cast %swap3A_254 : vector<16xi32> to vector<16xi32>
        %swap3A_256 = vector.shape_cast %and3A_252 : vector<16xi32> to vector<16xi32>
        tpu.vector_store %arg10[%swap3A_253], %swap3A_256 {strides = array<i32>} : memref<128xi32, #tpu.memory_space<vmem>>, vector<16xi32>,
        %shift_right_logical3A_257 = arith.constant 16 : i32
        %shift_right_logical3A_258 = vector.broadcast %shift_right_logical3A_257 : i32 to vector<16xi32>
        %shift_right_logical3A_259 = arith.shrui %get3A_249, %shift_right_logical3A_258 : vector<16xi32>
        %swap3A_260 = arith.constant 0 : index
        %swap3A_261 = tpu.vector_load %arg13[%swap3A_260] {strides = array<i32>} : memref<128xi32, #tpu.memory_space<vmem>>, vector<16xi32>,
        %swap3A_262 = vector.shape_cast %swap3A_261 : vector<16xi32> to vector<16xi32>
        %swap3A_263 = vector.shape_cast %shift_right_logical3A_259 : vector<16xi32> to vector<16xi32>
        tpu.vector_store %arg13[%swap3A_260], %swap3A_263 {strides = array<i32>} : memref<128xi32, #tpu.memory_space<vmem>>, vector<16xi32>,
        %get3A_264 = arith.constant 16 : index
        %get3A_265 = tpu.vector_load %arg7[%get3A_264] {strides = array<i32>} : memref<128xi32, #tpu.memory_space<vmem>>, vector<16xi32>,
        %get3A_266 = vector.shape_cast %get3A_265 : vector<16xi32> to vector<16xi32>
        %and3A_267 = arith.constant 65535 : i32
        %and3A_268 = vector.broadcast %and3A_267 : i32 to vector<16xi32>
        %and3A_269 = arith.andi %get3A_266, %and3A_268 : vector<16xi32>
        %swap3A_270 = arith.constant 16 : index
        %swap3A_271 = tpu.vector_load %arg10[%swap3A_270] {strides = array<i32>} : memref<128xi32, #tpu.memory_space<vmem>>, vector<16xi32>,
        %swap3A_272 = vector.shape_cast %swap3A_271 : vector<16xi32> to vector<16xi32>
        %swap3A_273 = vector.shape_cast %and3A_269 : vector<16xi32> to vector<16xi32>
        tpu.vector_store %arg10[%swap3A_270], %swap3A_273 {strides = array<i32>} : memref<128xi32, #tpu.memory_space<vmem>>, vector<16xi32>,
        %shift_right_logical3A_274 = arith.constant 16 : i32
        %shift_right_logical3A_275 = vector.broadcast %shift_right_logical3A_274 : i32 to vector<16xi32>
        %shift_right_logical3A_276 = arith.shrui %get3A_266, %shift_right_logical3A_275 : vector<16xi32>
        %swap3A_277 = arith.constant 16 : index
        %swap3A_278 = tpu.vector_load %arg13[%swap3A_277] {strides = array<i32>} : memref<128xi32, #tpu.memory_space<vmem>>, vector<16xi32>,
        %swap3A_279 = vector.shape_cast %swap3A_278 : vector<16xi32> to vector<16xi32>
        %swap3A_280 = vector.shape_cast %shift_right_logical3A_276 : vector<16xi32> to vector<16xi32>
        tpu.vector_store %arg13[%swap3A_277], %swap3A_280 {strides = array<i32>} : memref<128xi32, #tpu.memory_space<vmem>>, vector<16xi32>,
        %get3A_281 = arith.constant 32 : index
        %get3A_282 = tpu.vector_load %arg7[%get3A_281] {strides = array<i32>} : memref<128xi32, #tpu.memory_space<vmem>>, vector<16xi32>,
        %get3A_283 = vector.shape_cast %get3A_282 : vector<16xi32> to vector<16xi32>
        %and3A_284 = arith.constant 65535 : i32
        %and3A_285 = vector.broadcast %and3A_284 : i32 to vector<16xi32>
        %and3A_286 = arith.andi %get3A_283, %and3A_285 : vector<16xi32>
        %swap3A_287 = arith.constant 32 : index
        %swap3A_288 = tpu.vector_load %arg10[%swap3A_287] {strides = array<i32>} : memref<128xi32, #tpu.memory_space<vmem>>, vector<16xi32>,
        %swap3A_289 = vector.shape_cast %swap3A_288 : vector<16xi32> to vector<16xi32>
        %swap3A_290 = vector.shape_cast %and3A_286 : vector<16xi32> to vector<16xi32>
        tpu.vector_store %arg10[%swap3A_287], %swap3A_290 {strides = array<i32>} : memref<128xi32, #tpu.memory_space<vmem>>, vector<16xi32>,
        %shift_right_logical3A_291 = arith.constant 16 : i32
        %shift_right_logical3A_292 = vector.broadcast %shift_right_logical3A_291 : i32 to vector<16xi32>
        %shift_right_logical3A_293 = arith.shrui %get3A_283, %shift_right_logical3A_292 : vector<16xi32>
        %swap3A_294 = arith.constant 32 : index
        %swap3A_295 = tpu.vector_load %arg13[%swap3A_294] {strides = array<i32>} : memref<128xi32, #tpu.memory_space<vmem>>, vector<16xi32>,
        %swap3A_296 = vector.shape_cast %swap3A_295 : vector<16xi32> to vector<16xi32>
        %swap3A_297 = vector.shape_cast %shift_right_logical3A_293 : vector<16xi32> to vector<16xi32>
        tpu.vector_store %arg13[%swap3A_294], %swap3A_297 {strides = array<i32>} : memref<128xi32, #tpu.memory_space<vmem>>, vector<16xi32>,
        %get3A_298 = arith.constant 48 : index
        %get3A_299 = tpu.vector_load %arg7[%get3A_298] {strides = array<i32>} : memref<128xi32, #tpu.memory_space<vmem>>, vector<16xi32>,
        %get3A_300 = vector.shape_cast %get3A_299 : vector<16xi32> to vector<16xi32>
        %and3A_301 = arith.constant 65535 : i32
        %and3A_302 = vector.broadcast %and3A_301 : i32 to vector<16xi32>
        %and3A_303 = arith.andi %get3A_300, %and3A_302 : vector<16xi32>
        %swap3A_304 = arith.constant 48 : index
        %swap3A_305 = tpu.vector_load %arg10[%swap3A_304] {strides = array<i32>} : memref<128xi32, #tpu.memory_space<vmem>>, vector<16xi32>,
        %swap3A_306 = vector.shape_cast %swap3A_305 : vector<16xi32> to vector<16xi32>
        %swap3A_307 = vector.shape_cast %and3A_303 : vector<16xi32> to vector<16xi32>
        tpu.vector_store %arg10[%swap3A_304], %swap3A_307 {strides = array<i32>} : memref<128xi32, #tpu.memory_space<vmem>>, vector<16xi32>,
        %shift_right_logical3A_308 = arith.constant 16 : i32
        %shift_right_logical3A_309 = vector.broadcast %shift_right_logical3A_308 : i32 to vector<16xi32>
        %shift_right_logical3A_310 = arith.shrui %get3A_300, %shift_right_logical3A_309 : vector<16xi32>
        %swap3A_311 = arith.constant 48 : index
        %swap3A_312 = tpu.vector_load %arg13[%swap3A_311] {strides = array<i32>} : memref<128xi32, #tpu.memory_space<vmem>>, vector<16xi32>,
        %swap3A_313 = vector.shape_cast %swap3A_312 : vector<16xi32> to vector<16xi32>
        %swap3A_314 = vector.shape_cast %shift_right_logical3A_310 : vector<16xi32> to vector<16xi32>
        tpu.vector_store %arg13[%swap3A_311], %swap3A_314 {strides = array<i32>} : memref<128xi32, #tpu.memory_space<vmem>>, vector<16xi32>,
        %get3A_315 = arith.constant 64 : index
        %get3A_316 = tpu.vector_load %arg7[%get3A_315] {strides = array<i32>} : memref<128xi32, #tpu.memory_space<vmem>>, vector<16xi32>,
        %get3A_317 = vector.shape_cast %get3A_316 : vector<16xi32> to vector<16xi32>
        %and3A_318 = arith.constant 65535 : i32
        %and3A_319 = vector.broadcast %and3A_318 : i32 to vector<16xi32>
        %and3A_320 = arith.andi %get3A_317, %and3A_319 : vector<16xi32>
        %swap3A_321 = arith.constant 64 : index
        %swap3A_322 = tpu.vector_load %arg10[%swap3A_321] {strides = array<i32>} : memref<128xi32, #tpu.memory_space<vmem>>, vector<16xi32>,
        %swap3A_323 = vector.shape_cast %swap3A_322 : vector<16xi32> to vector<16xi32>
        %swap3A_324 = vector.shape_cast %and3A_320 : vector<16xi32> to vector<16xi32>
        tpu.vector_store %arg10[%swap3A_321], %swap3A_324 {strides = array<i32>} : memref<128xi32, #tpu.memory_space<vmem>>, vector<16xi32>,
        %shift_right_logical3A_325 = arith.constant 16 : i32
        %shift_right_logical3A_326 = vector.broadcast %shift_right_logical3A_325 : i32 to vector<16xi32>
        %shift_right_logical3A_327 = arith.shrui %get3A_317, %shift_right_logical3A_326 : vector<16xi32>
        %swap3A_328 = arith.constant 64 : index
        %swap3A_329 = tpu.vector_load %arg13[%swap3A_328] {strides = array<i32>} : memref<128xi32, #tpu.memory_space<vmem>>, vector<16xi32>,
        %swap3A_330 = vector.shape_cast %swap3A_329 : vector<16xi32> to vector<16xi32>
        %swap3A_331 = vector.shape_cast %shift_right_logical3A_327 : vector<16xi32> to vector<16xi32>
        tpu.vector_store %arg13[%swap3A_328], %swap3A_331 {strides = array<i32>} : memref<128xi32, #tpu.memory_space<vmem>>, vector<16xi32>,
        %get3A_332 = arith.constant 80 : index
        %get3A_333 = tpu.vector_load %arg7[%get3A_332] {strides = array<i32>} : memref<128xi32, #tpu.memory_space<vmem>>, vector<16xi32>,
        %get3A_334 = vector.shape_cast %get3A_333 : vector<16xi32> to vector<16xi32>
        %and3A_335 = arith.constant 65535 : i32
        %and3A_336 = vector.broadcast %and3A_335 : i32 to vector<16xi32>
        %and3A_337 = arith.andi %get3A_334, %and3A_336 : vector<16xi32>
        %swap3A_338 = arith.constant 80 : index
        %swap3A_339 = tpu.vector_load %arg10[%swap3A_338] {strides = array<i32>} : memref<128xi32, #tpu.memory_space<vmem>>, vector<16xi32>,
        %swap3A_340 = vector.shape_cast %swap3A_339 : vector<16xi32> to vector<16xi32>
        %swap3A_341 = vector.shape_cast %and3A_337 : vector<16xi32> to vector<16xi32>
        tpu.vector_store %arg10[%swap3A_338], %swap3A_341 {strides = array<i32>} : memref<128xi32, #tpu.memory_space<vmem>>, vector<16xi32>,
        %shift_right_logical3A_342 = arith.constant 16 : i32
        %shift_right_logical3A_343 = vector.broadcast %shift_right_logical3A_342 : i32 to vector<16xi32>
        %shift_right_logical3A_344 = arith.shrui %get3A_334, %shift_right_logical3A_343 : vector<16xi32>
        %swap3A_345 = arith.constant 80 : index
        %swap3A_346 = tpu.vector_load %arg13[%swap3A_345] {strides = array<i32>} : memref<128xi32, #tpu.memory_space<vmem>>, vector<16xi32>,
        %swap3A_347 = vector.shape_cast %swap3A_346 : vector<16xi32> to vector<16xi32>
        %swap3A_348 = vector.shape_cast %shift_right_logical3A_344 : vector<16xi32> to vector<16xi32>
        tpu.vector_store %arg13[%swap3A_345], %swap3A_348 {strides = array<i32>} : memref<128xi32, #tpu.memory_space<vmem>>, vector<16xi32>,
        %get3A_349 = arith.constant 96 : index
        %get3A_350 = tpu.vector_load %arg7[%get3A_349] {strides = array<i32>} : memref<128xi32, #tpu.memory_space<vmem>>, vector<16xi32>,
        %get3A_351 = vector.shape_cast %get3A_350 : vector<16xi32> to vector<16xi32>
        %and3A_352 = arith.constant 65535 : i32
        %and3A_353 = vector.broadcast %and3A_352 : i32 to vector<16xi32>
        %and3A_354 = arith.andi %get3A_351, %and3A_353 : vector<16xi32>
        %swap3A_355 = arith.constant 96 : index
        %swap3A_356 = tpu.vector_load %arg10[%swap3A_355] {strides = array<i32>} : memref<128xi32, #tpu.memory_space<vmem>>, vector<16xi32>,
        %swap3A_357 = vector.shape_cast %swap3A_356 : vector<16xi32> to vector<16xi32>
        %swap3A_358 = vector.shape_cast %and3A_354 : vector<16xi32> to vector<16xi32>
        tpu.vector_store %arg10[%swap3A_355], %swap3A_358 {strides = array<i32>} : memref<128xi32, #tpu.memory_space<vmem>>, vector<16xi32>,
        %shift_right_logical3A_359 = arith.constant 16 : i32
        %shift_right_logical3A_360 = vector.broadcast %shift_right_logical3A_359 : i32 to vector<16xi32>
        %shift_right_logical3A_361 = arith.shrui %get3A_351, %shift_right_logical3A_360 : vector<16xi32>
        %swap3A_362 = arith.constant 96 : index
        %swap3A_363 = tpu.vector_load %arg13[%swap3A_362] {strides = array<i32>} : memref<128xi32, #tpu.memory_space<vmem>>, vector<16xi32>,
        %swap3A_364 = vector.shape_cast %swap3A_363 : vector<16xi32> to vector<16xi32>
        %swap3A_365 = vector.shape_cast %shift_right_logical3A_361 : vector<16xi32> to vector<16xi32>
        tpu.vector_store %arg13[%swap3A_362], %swap3A_365 {strides = array<i32>} : memref<128xi32, #tpu.memory_space<vmem>>, vector<16xi32>,
        %get3A_366 = arith.constant 112 : index
        %get3A_367 = tpu.vector_load %arg7[%get3A_366] {strides = array<i32>} : memref<128xi32, #tpu.memory_space<vmem>>, vector<16xi32>,
        %get3A_368 = vector.shape_cast %get3A_367 : vector<16xi32> to vector<16xi32>
        %and3A_369 = arith.constant 65535 : i32
        %and3A_370 = vector.broadcast %and3A_369 : i32 to vector<16xi32>
        %and3A_371 = arith.andi %get3A_368, %and3A_370 : vector<16xi32>
        %swap3A_372 = arith.constant 112 : index
        %swap3A_373 = tpu.vector_load %arg10[%swap3A_372] {strides = array<i32>} : memref<128xi32, #tpu.memory_space<vmem>>, vector<16xi32>,
        %swap3A_374 = vector.shape_cast %swap3A_373 : vector<16xi32> to vector<16xi32>
        %swap3A_375 = vector.shape_cast %and3A_371 : vector<16xi32> to vector<16xi32>
        tpu.vector_store %arg10[%swap3A_372], %swap3A_375 {strides = array<i32>} : memref<128xi32, #tpu.memory_space<vmem>>, vector<16xi32>,
        %shift_right_logical3A_376 = arith.constant 16 : i32
        %shift_right_logical3A_377 = vector.broadcast %shift_right_logical3A_376 : i32 to vector<16xi32>
        %shift_right_logical3A_378 = arith.shrui %get3A_368, %shift_right_logical3A_377 : vector<16xi32>
        %swap3A_379 = arith.constant 112 : index
        %swap3A_380 = tpu.vector_load %arg13[%swap3A_379] {strides = array<i32>} : memref<128xi32, #tpu.memory_space<vmem>>, vector<16xi32>,
        %swap3A_381 = vector.shape_cast %swap3A_380 : vector<16xi32> to vector<16xi32>
        %swap3A_382 = vector.shape_cast %shift_right_logical3A_378 : vector<16xi32> to vector<16xi32>
        tpu.vector_store %arg13[%swap3A_379], %swap3A_382 {strides = array<i32>} : memref<128xi32, #tpu.memory_space<vmem>>, vector<16xi32>,
        %dma_start3A_383 = arith.constant 0 : i32
        %dma_start3A_384 = arith.constant 0 : i32
        %dma_start3A_385 = tpu.memref_slice %arg2[%dma_start3A_383, %dma_start3A_384] : memref<10016x128xf32, #tpu.memory_space<hbm>> -> memref<10016x128xf32, #tpu.memory_space<hbm>>
        tpu.enqueue_indirect_dma source(%dma_start3A_385 : memref<10016x128xf32, #tpu.memory_space<hbm>>) target(%arg16 : memref<128x128xf32, #tpu.memory_space<vmem>>) offsets(%arg10 : memref<128xi32, #tpu.memory_space<vmem>>) semaphore(%arg23 : memref<!tpu.dma_semaphore, #tpu.memory_space<semaphore_mem>>)
      } else {
      }
      %lt3A_196 = arith.constant 80 : i32
      %lt3A_197 = arith.cmpi slt, %add3A_181, %lt3A_196 : i32
      %convert_element_type3A_198 = arith.extui %lt3A_197 : i1 to i32
      %cond3A_199 = arith.constant 0 : i32
      %cond3A_200 = arith.cmpi ne, %convert_element_type3A_198, %cond3A_199 : i32
      scf.if %cond3A_200 {
        %dma_wait3A_243 = arith.constant 0 : i32
        %dma_wait3A_244 = arith.constant 0 : i32
        %dma_wait3A_245 = tpu.memref_slice %arg4[%dma_wait3A_243, %dma_wait3A_244] : memref<208x128xf32, #tpu.memory_space<hbm>> -> memref<128x128xf32, #tpu.memory_space<hbm>>
        %dma_wait3A_246 = arith.constant 0 : i32
        %dma_wait3A_247 = arith.constant 0 : i32
        %dma_wait3A_248 = tpu.memref_slice %arg4[%dma_wait3A_246, %dma_wait3A_247] : memref<208x128xf32, #tpu.memory_space<hbm>> -> memref<128x128xf32, #tpu.memory_space<hbm>>
        tpu.wait_dma2 semaphore(%arg22 : memref<!tpu.dma_semaphore, #tpu.memory_space<semaphore_mem>>) src(%dma_wait3A_248 : memref<128x128xf32, #tpu.memory_space<hbm>>) dst(%arg15 : memref<128x128xf32, #tpu.memory_space<vmem>>)
        "tpu.region"() ({
          %run_scoped3A = tpu.sem_alloc : memref<!tpu.dma_semaphore, #tpu.memory_space<semaphore_mem>>
          %dma_start3A_249 = arith.constant 0 : i32
          %dma_start3A_250 = arith.constant 0 : i32
          %dma_start3A_251 = tpu.memref_slice %arg18[%dma_start3A_249, %dma_start3A_250] : memref<10000x128xf32, #tpu.memory_space<vmem_shared>> -> memref<10000x128xf32, #tpu.memory_space<vmem_shared>>
          tpu.enqueue_indirect_dma source(%arg15 : memref<128x128xf32, #tpu.memory_space<vmem>>) target(%dma_start3A_251 : memref<10000x128xf32, #tpu.memory_space<vmem_shared>>) offsets(%arg12 : memref<128xi32, #tpu.memory_space<vmem>>) semaphore(%run_scoped3A : memref<!tpu.dma_semaphore, #tpu.memory_space<semaphore_mem>>) {add = true}
          %dma_wait3A_252 = arith.constant 0 : i32
          %dma_wait3A_253 = arith.constant 0 : i32
          %dma_wait3A_254 = tpu.memref_slice %arg18[%dma_wait3A_252, %dma_wait3A_253] : memref<10000x128xf32, #tpu.memory_space<vmem_shared>> -> memref<10000x128xf32, #tpu.memory_space<vmem_shared>>
          tpu.wait_indirect_dma semaphore(%run_scoped3A : memref<!tpu.dma_semaphore, #tpu.memory_space<semaphore_mem>>) src(%arg15 : memref<128x128xf32, #tpu.memory_space<vmem>>) dst(%dma_wait3A_254 : memref<10000x128xf32, #tpu.memory_space<vmem_shared>>)
          tpu.yield
        }) : () -> ()
      } else {
      }
      %add3A_201 = arith.constant 1 : i32
      %add3A_202 = arith.addi %mul3A_179, %add3A_201 : i32
      %add3A_203 = arith.constant 2 : i32
      %add3A_204 = arith.addi %add3A_202, %add3A_203 : i32
      %lt3A_205 = arith.constant 80 : i32
      %lt3A_206 = arith.cmpi slt, %add3A_204, %lt3A_205 : i32
      %convert_element_type3A_207 = arith.extui %lt3A_206 : i1 to i32
      %cond3A_208 = arith.constant 0 : i32
      %cond3A_209 = arith.cmpi ne, %convert_element_type3A_207, %cond3A_208 : i32
      scf.if %cond3A_209 {
        %add3A_243 = arith.constant 2 : i32
        %add3A_244 = arith.addi %add3A_202, %add3A_243 : i32
        %add3A_245 = arith.addi %mul3A_2, %add3A_244 : i32
        %mul3A_246 = arith.constant 128 : i32
        %mul3A_247 = arith.muli %add3A_245, %mul3A_246 : i32
        %dma_start3A_248 = tpu.memref_slice %arg3[%mul3A_247] : memref<327680xi32, #tpu.memory_space<hbm>> -> memref<128xi32, #tpu.memory_space<hbm>>
        %dma_start3A_249 = tpu.memref_slice %arg3[%mul3A_247] : memref<327680xi32, #tpu.memory_space<hbm>> -> memref<128xi32, #tpu.memory_space<hbm>>
        tpu.enqueue_dma source(%dma_start3A_249 : memref<128xi32, #tpu.memory_space<hbm>>) target(%arg6 : memref<128xi32, #tpu.memory_space<vmem>>) target_semaphore(%arg19 : memref<!tpu.dma_semaphore, #tpu.memory_space<semaphore_mem>>)
      } else {
      }
      %add3A_210 = arith.constant 1 : i32
      %add3A_211 = arith.addi %add3A_202, %add3A_210 : i32
      %lt3A_212 = arith.constant 80 : i32
      %lt3A_213 = arith.cmpi slt, %add3A_211, %lt3A_212 : i32
      %convert_element_type3A_214 = arith.extui %lt3A_213 : i1 to i32
      %cond3A_215 = arith.constant 0 : i32
      %cond3A_216 = arith.cmpi ne, %convert_element_type3A_214, %cond3A_215 : i32
      scf.if %cond3A_216 {
        %dma_wait3A_243 = arith.constant 0 : i32
        %dma_wait3A_244 = tpu.memref_slice %arg3[%dma_wait3A_243] : memref<327680xi32, #tpu.memory_space<hbm>> -> memref<128xi32, #tpu.memory_space<hbm>>
        %dma_wait3A_245 = arith.constant 0 : i32
        %dma_wait3A_246 = tpu.memref_slice %arg3[%dma_wait3A_245] : memref<327680xi32, #tpu.memory_space<hbm>> -> memref<128xi32, #tpu.memory_space<hbm>>
        tpu.wait_dma2 semaphore(%arg21 : memref<!tpu.dma_semaphore, #tpu.memory_space<semaphore_mem>>) src(%dma_wait3A_246 : memref<128xi32, #tpu.memory_space<hbm>>) dst(%arg8 : memref<128xi32, #tpu.memory_space<vmem>>)
        %get3A_247 = arith.constant 0 : index
        %get3A_248 = tpu.vector_load %arg8[%get3A_247] {strides = array<i32>} : memref<128xi32, #tpu.memory_space<vmem>>, vector<16xi32>,
        %get3A_249 = vector.shape_cast %get3A_248 : vector<16xi32> to vector<16xi32>
        %and3A_250 = arith.constant 65535 : i32
        %and3A_251 = vector.broadcast %and3A_250 : i32 to vector<16xi32>
        %and3A_252 = arith.andi %get3A_249, %and3A_251 : vector<16xi32>
        %swap3A_253 = arith.constant 0 : index
        %swap3A_254 = tpu.vector_load %arg11[%swap3A_253] {strides = array<i32>} : memref<128xi32, #tpu.memory_space<vmem>>, vector<16xi32>,
        %swap3A_255 = vector.shape_cast %swap3A_254 : vector<16xi32> to vector<16xi32>
        %swap3A_256 = vector.shape_cast %and3A_252 : vector<16xi32> to vector<16xi32>
        tpu.vector_store %arg11[%swap3A_253], %swap3A_256 {strides = array<i32>} : memref<128xi32, #tpu.memory_space<vmem>>, vector<16xi32>,
        %shift_right_logical3A_257 = arith.constant 16 : i32
        %shift_right_logical3A_258 = vector.broadcast %shift_right_logical3A_257 : i32 to vector<16xi32>
        %shift_right_logical3A_259 = arith.shrui %get3A_249, %shift_right_logical3A_258 : vector<16xi32>
        %swap3A_260 = arith.constant 0 : index
        %swap3A_261 = tpu.vector_load %arg14[%swap3A_260] {strides = array<i32>} : memref<128xi32, #tpu.memory_space<vmem>>, vector<16xi32>,
        %swap3A_262 = vector.shape_cast %swap3A_261 : vector<16xi32> to vector<16xi32>
        %swap3A_263 = vector.shape_cast %shift_right_logical3A_259 : vector<16xi32> to vector<16xi32>
        tpu.vector_store %arg14[%swap3A_260], %swap3A_263 {strides = array<i32>} : memref<128xi32, #tpu.memory_space<vmem>>, vector<16xi32>,
        %get3A_264 = arith.constant 16 : index
        %get3A_265 = tpu.vector_load %arg8[%get3A_264] {strides = array<i32>} : memref<128xi32, #tpu.memory_space<vmem>>, vector<16xi32>,
        %get3A_266 = vector.shape_cast %get3A_265 : vector<16xi32> to vector<16xi32>
        %and3A_267 = arith.constant 65535 : i32
        %and3A_268 = vector.broadcast %and3A_267 : i32 to vector<16xi32>
        %and3A_269 = arith.andi %get3A_266, %and3A_268 : vector<16xi32>
        %swap3A_270 = arith.constant 16 : index
        %swap3A_271 = tpu.vector_load %arg11[%swap3A_270] {strides = array<i32>} : memref<128xi32, #tpu.memory_space<vmem>>, vector<16xi32>,
        %swap3A_272 = vector.shape_cast %swap3A_271 : vector<16xi32> to vector<16xi32>
        %swap3A_273 = vector.shape_cast %and3A_269 : vector<16xi32> to vector<16xi32>
        tpu.vector_store %arg11[%swap3A_270], %swap3A_273 {strides = array<i32>} : memref<128xi32, #tpu.memory_space<vmem>>, vector<16xi32>,
        %shift_right_logical3A_274 = arith.constant 16 : i32
        %shift_right_logical3A_275 = vector.broadcast %shift_right_logical3A_274 : i32 to vector<16xi32>
        %shift_right_logical3A_276 = arith.shrui %get3A_266, %shift_right_logical3A_275 : vector<16xi32>
        %swap3A_277 = arith.constant 16 : index
        %swap3A_278 = tpu.vector_load %arg14[%swap3A_277] {strides = array<i32>} : memref<128xi32, #tpu.memory_space<vmem>>, vector<16xi32>,
        %swap3A_279 = vector.shape_cast %swap3A_278 : vector<16xi32> to vector<16xi32>
        %swap3A_280 = vector.shape_cast %shift_right_logical3A_276 : vector<16xi32> to vector<16xi32>
        tpu.vector_store %arg14[%swap3A_277], %swap3A_280 {strides = array<i32>} : memref<128xi32, #tpu.memory_space<vmem>>, vector<16xi32>,
        %get3A_281 = arith.constant 32 : index
        %get3A_282 = tpu.vector_load %arg8[%get3A_281] {strides = array<i32>} : memref<128xi32, #tpu.memory_space<vmem>>, vector<16xi32>,
        %get3A_283 = vector.shape_cast %get3A_282 : vector<16xi32> to vector<16xi32>
        %and3A_284 = arith.constant 65535 : i32
        %and3A_285 = vector.broadcast %and3A_284 : i32 to vector<16xi32>
        %and3A_286 = arith.andi %get3A_283, %and3A_285 : vector<16xi32>
        %swap3A_287 = arith.constant 32 : index
        %swap3A_288 = tpu.vector_load %arg11[%swap3A_287] {strides = array<i32>} : memref<128xi32, #tpu.memory_space<vmem>>, vector<16xi32>,
        %swap3A_289 = vector.shape_cast %swap3A_288 : vector<16xi32> to vector<16xi32>
        %swap3A_290 = vector.shape_cast %and3A_286 : vector<16xi32> to vector<16xi32>
        tpu.vector_store %arg11[%swap3A_287], %swap3A_290 {strides = array<i32>} : memref<128xi32, #tpu.memory_space<vmem>>, vector<16xi32>,
        %shift_right_logical3A_291 = arith.constant 16 : i32
        %shift_right_logical3A_292 = vector.broadcast %shift_right_logical3A_291 : i32 to vector<16xi32>
        %shift_right_logical3A_293 = arith.shrui %get3A_283, %shift_right_logical3A_292 : vector<16xi32>
        %swap3A_294 = arith.constant 32 : index
        %swap3A_295 = tpu.vector_load %arg14[%swap3A_294] {strides = array<i32>} : memref<128xi32, #tpu.memory_space<vmem>>, vector<16xi32>,
        %swap3A_296 = vector.shape_cast %swap3A_295 : vector<16xi32> to vector<16xi32>
        %swap3A_297 = vector.shape_cast %shift_right_logical3A_293 : vector<16xi32> to vector<16xi32>
        tpu.vector_store %arg14[%swap3A_294], %swap3A_297 {strides = array<i32>} : memref<128xi32, #tpu.memory_space<vmem>>, vector<16xi32>,
        %get3A_298 = arith.constant 48 : index
        %get3A_299 = tpu.vector_load %arg8[%get3A_298] {strides = array<i32>} : memref<128xi32, #tpu.memory_space<vmem>>, vector<16xi32>,
        %get3A_300 = vector.shape_cast %get3A_299 : vector<16xi32> to vector<16xi32>
        %and3A_301 = arith.constant 65535 : i32
        %and3A_302 = vector.broadcast %and3A_301 : i32 to vector<16xi32>
        %and3A_303 = arith.andi %get3A_300, %and3A_302 : vector<16xi32>
        %swap3A_304 = arith.constant 48 : index
        %swap3A_305 = tpu.vector_load %arg11[%swap3A_304] {strides = array<i32>} : memref<128xi32, #tpu.memory_space<vmem>>, vector<16xi32>,
        %swap3A_306 = vector.shape_cast %swap3A_305 : vector<16xi32> to vector<16xi32>
        %swap3A_307 = vector.shape_cast %and3A_303 : vector<16xi32> to vector<16xi32>
        tpu.vector_store %arg11[%swap3A_304], %swap3A_307 {strides = array<i32>} : memref<128xi32, #tpu.memory_space<vmem>>, vector<16xi32>,
        %shift_right_logical3A_308 = arith.constant 16 : i32
        %shift_right_logical3A_309 = vector.broadcast %shift_right_logical3A_308 : i32 to vector<16xi32>
        %shift_right_logical3A_310 = arith.shrui %get3A_300, %shift_right_logical3A_309 : vector<16xi32>
        %swap3A_311 = arith.constant 48 : index
        %swap3A_312 = tpu.vector_load %arg14[%swap3A_311] {strides = array<i32>} : memref<128xi32, #tpu.memory_space<vmem>>, vector<16xi32>,
        %swap3A_313 = vector.shape_cast %swap3A_312 : vector<16xi32> to vector<16xi32>
        %swap3A_314 = vector.shape_cast %shift_right_logical3A_310 : vector<16xi32> to vector<16xi32>
        tpu.vector_store %arg14[%swap3A_311], %swap3A_314 {strides = array<i32>} : memref<128xi32, #tpu.memory_space<vmem>>, vector<16xi32>,
        %get3A_315 = arith.constant 64 : index
        %get3A_316 = tpu.vector_load %arg8[%get3A_315] {strides = array<i32>} : memref<128xi32, #tpu.memory_space<vmem>>, vector<16xi32>,
        %get3A_317 = vector.shape_cast %get3A_316 : vector<16xi32> to vector<16xi32>
        %and3A_318 = arith.constant 65535 : i32
        %and3A_319 = vector.broadcast %and3A_318 : i32 to vector<16xi32>
        %and3A_320 = arith.andi %get3A_317, %and3A_319 : vector<16xi32>
        %swap3A_321 = arith.constant 64 : index
        %swap3A_322 = tpu.vector_load %arg11[%swap3A_321] {strides = array<i32>} : memref<128xi32, #tpu.memory_space<vmem>>, vector<16xi32>,
        %swap3A_323 = vector.shape_cast %swap3A_322 : vector<16xi32> to vector<16xi32>
        %swap3A_324 = vector.shape_cast %and3A_320 : vector<16xi32> to vector<16xi32>
        tpu.vector_store %arg11[%swap3A_321], %swap3A_324 {strides = array<i32>} : memref<128xi32, #tpu.memory_space<vmem>>, vector<16xi32>,
        %shift_right_logical3A_325 = arith.constant 16 : i32
        %shift_right_logical3A_326 = vector.broadcast %shift_right_logical3A_325 : i32 to vector<16xi32>
        %shift_right_logical3A_327 = arith.shrui %get3A_317, %shift_right_logical3A_326 : vector<16xi32>
        %swap3A_328 = arith.constant 64 : index
        %swap3A_329 = tpu.vector_load %arg14[%swap3A_328] {strides = array<i32>} : memref<128xi32, #tpu.memory_space<vmem>>, vector<16xi32>,
        %swap3A_330 = vector.shape_cast %swap3A_329 : vector<16xi32> to vector<16xi32>
        %swap3A_331 = vector.shape_cast %shift_right_logical3A_327 : vector<16xi32> to vector<16xi32>
        tpu.vector_store %arg14[%swap3A_328], %swap3A_331 {strides = array<i32>} : memref<128xi32, #tpu.memory_space<vmem>>, vector<16xi32>,
        %get3A_332 = arith.constant 80 : index
        %get3A_333 = tpu.vector_load %arg8[%get3A_332] {strides = array<i32>} : memref<128xi32, #tpu.memory_space<vmem>>, vector<16xi32>,
        %get3A_334 = vector.shape_cast %get3A_333 : vector<16xi32> to vector<16xi32>
        %and3A_335 = arith.constant 65535 : i32
        %and3A_336 = vector.broadcast %and3A_335 : i32 to vector<16xi32>
        %and3A_337 = arith.andi %get3A_334, %and3A_336 : vector<16xi32>
        %swap3A_338 = arith.constant 80 : index
        %swap3A_339 = tpu.vector_load %arg11[%swap3A_338] {strides = array<i32>} : memref<128xi32, #tpu.memory_space<vmem>>, vector<16xi32>,
        %swap3A_340 = vector.shape_cast %swap3A_339 : vector<16xi32> to vector<16xi32>
        %swap3A_341 = vector.shape_cast %and3A_337 : vector<16xi32> to vector<16xi32>
        tpu.vector_store %arg11[%swap3A_338], %swap3A_341 {strides = array<i32>} : memref<128xi32, #tpu.memory_space<vmem>>, vector<16xi32>,
        %shift_right_logical3A_342 = arith.constant 16 : i32
        %shift_right_logical3A_343 = vector.broadcast %shift_right_logical3A_342 : i32 to vector<16xi32>
        %shift_right_logical3A_344 = arith.shrui %get3A_334, %shift_right_logical3A_343 : vector<16xi32>
        %swap3A_345 = arith.constant 80 : index
        %swap3A_346 = tpu.vector_load %arg14[%swap3A_345] {strides = array<i32>} : memref<128xi32, #tpu.memory_space<vmem>>, vector<16xi32>,
        %swap3A_347 = vector.shape_cast %swap3A_346 : vector<16xi32> to vector<16xi32>
        %swap3A_348 = vector.shape_cast %shift_right_logical3A_344 : vector<16xi32> to vector<16xi32>
        tpu.vector_store %arg14[%swap3A_345], %swap3A_348 {strides = array<i32>} : memref<128xi32, #tpu.memory_space<vmem>>, vector<16xi32>,
        %get3A_349 = arith.constant 96 : index
        %get3A_350 = tpu.vector_load %arg8[%get3A_349] {strides = array<i32>} : memref<128xi32, #tpu.memory_space<vmem>>, vector<16xi32>,
        %get3A_351 = vector.shape_cast %get3A_350 : vector<16xi32> to vector<16xi32>
        %and3A_352 = arith.constant 65535 : i32
        %and3A_353 = vector.broadcast %and3A_352 : i32 to vector<16xi32>
        %and3A_354 = arith.andi %get3A_351, %and3A_353 : vector<16xi32>
        %swap3A_355 = arith.constant 96 : index
        %swap3A_356 = tpu.vector_load %arg11[%swap3A_355] {strides = array<i32>} : memref<128xi32, #tpu.memory_space<vmem>>, vector<16xi32>,
        %swap3A_357 = vector.shape_cast %swap3A_356 : vector<16xi32> to vector<16xi32>
        %swap3A_358 = vector.shape_cast %and3A_354 : vector<16xi32> to vector<16xi32>
        tpu.vector_store %arg11[%swap3A_355], %swap3A_358 {strides = array<i32>} : memref<128xi32, #tpu.memory_space<vmem>>, vector<16xi32>,
        %shift_right_logical3A_359 = arith.constant 16 : i32
        %shift_right_logical3A_360 = vector.broadcast %shift_right_logical3A_359 : i32 to vector<16xi32>
        %shift_right_logical3A_361 = arith.shrui %get3A_351, %shift_right_logical3A_360 : vector<16xi32>
        %swap3A_362 = arith.constant 96 : index
        %swap3A_363 = tpu.vector_load %arg14[%swap3A_362] {strides = array<i32>} : memref<128xi32, #tpu.memory_space<vmem>>, vector<16xi32>,
        %swap3A_364 = vector.shape_cast %swap3A_363 : vector<16xi32> to vector<16xi32>
        %swap3A_365 = vector.shape_cast %shift_right_logical3A_361 : vector<16xi32> to vector<16xi32>
        tpu.vector_store %arg14[%swap3A_362], %swap3A_365 {strides = array<i32>} : memref<128xi32, #tpu.memory_space<vmem>>, vector<16xi32>,
        %get3A_366 = arith.constant 112 : index
        %get3A_367 = tpu.vector_load %arg8[%get3A_366] {strides = array<i32>} : memref<128xi32, #tpu.memory_space<vmem>>, vector<16xi32>,
        %get3A_368 = vector.shape_cast %get3A_367 : vector<16xi32> to vector<16xi32>
        %and3A_369 = arith.constant 65535 : i32
        %and3A_370 = vector.broadcast %and3A_369 : i32 to vector<16xi32>
        %and3A_371 = arith.andi %get3A_368, %and3A_370 : vector<16xi32>
        %swap3A_372 = arith.constant 112 : index
        %swap3A_373 = tpu.vector_load %arg11[%swap3A_372] {strides = array<i32>} : memref<128xi32, #tpu.memory_space<vmem>>, vector<16xi32>,
        %swap3A_374 = vector.shape_cast %swap3A_373 : vector<16xi32> to vector<16xi32>
        %swap3A_375 = vector.shape_cast %and3A_371 : vector<16xi32> to vector<16xi32>
        tpu.vector_store %arg11[%swap3A_372], %swap3A_375 {strides = array<i32>} : memref<128xi32, #tpu.memory_space<vmem>>, vector<16xi32>,
        %shift_right_logical3A_376 = arith.constant 16 : i32
        %shift_right_logical3A_377 = vector.broadcast %shift_right_logical3A_376 : i32 to vector<16xi32>
        %shift_right_logical3A_378 = arith.shrui %get3A_368, %shift_right_logical3A_377 : vector<16xi32>
        %swap3A_379 = arith.constant 112 : index
        %swap3A_380 = tpu.vector_load %arg14[%swap3A_379] {strides = array<i32>} : memref<128xi32, #tpu.memory_space<vmem>>, vector<16xi32>,
        %swap3A_381 = vector.shape_cast %swap3A_380 : vector<16xi32> to vector<16xi32>
        %swap3A_382 = vector.shape_cast %shift_right_logical3A_378 : vector<16xi32> to vector<16xi32>
        tpu.vector_store %arg14[%swap3A_379], %swap3A_382 {strides = array<i32>} : memref<128xi32, #tpu.memory_space<vmem>>, vector<16xi32>,
        %dma_start3A_383 = arith.constant 0 : i32
        %dma_start3A_384 = arith.constant 0 : i32
        %dma_start3A_385 = tpu.memref_slice %arg2[%dma_start3A_383, %dma_start3A_384] : memref<10016x128xf32, #tpu.memory_space<hbm>> -> memref<10016x128xf32, #tpu.memory_space<hbm>>
        tpu.enqueue_indirect_dma source(%dma_start3A_385 : memref<10016x128xf32, #tpu.memory_space<hbm>>) target(%arg17 : memref<128x128xf32, #tpu.memory_space<vmem>>) offsets(%arg11 : memref<128xi32, #tpu.memory_space<vmem>>) semaphore(%arg24 : memref<!tpu.dma_semaphore, #tpu.memory_space<semaphore_mem>>)
      } else {
      }
      %lt3A_217 = arith.constant 80 : i32
      %lt3A_218 = arith.cmpi slt, %add3A_202, %lt3A_217 : i32
      %convert_element_type3A_219 = arith.extui %lt3A_218 : i1 to i32
      %cond3A_220 = arith.constant 0 : i32
      %cond3A_221 = arith.cmpi ne, %convert_element_type3A_219, %cond3A_220 : i32
      scf.if %cond3A_221 {
        %dma_wait3A_243 = arith.constant 0 : i32
        %dma_wait3A_244 = arith.constant 0 : i32
        %dma_wait3A_245 = tpu.memref_slice %arg4[%dma_wait3A_243, %dma_wait3A_244] : memref<208x128xf32, #tpu.memory_space<hbm>> -> memref<128x128xf32, #tpu.memory_space<hbm>>
        %dma_wait3A_246 = arith.constant 0 : i32
        %dma_wait3A_247 = arith.constant 0 : i32
        %dma_wait3A_248 = tpu.memref_slice %arg4[%dma_wait3A_246, %dma_wait3A_247] : memref<208x128xf32, #tpu.memory_space<hbm>> -> memref<128x128xf32, #tpu.memory_space<hbm>>
        tpu.wait_dma2 semaphore(%arg23 : memref<!tpu.dma_semaphore, #tpu.memory_space<semaphore_mem>>) src(%dma_wait3A_248 : memref<128x128xf32, #tpu.memory_space<hbm>>) dst(%arg16 : memref<128x128xf32, #tpu.memory_space<vmem>>)
        "tpu.region"() ({
          %run_scoped3A = tpu.sem_alloc : memref<!tpu.dma_semaphore, #tpu.memory_space<semaphore_mem>>
          %dma_start3A_249 = arith.constant 0 : i32
          %dma_start3A_250 = arith.constant 0 : i32
          %dma_start3A_251 = tpu.memref_slice %arg18[%dma_start3A_249, %dma_start3A_250] : memref<10000x128xf32, #tpu.memory_space<vmem_shared>> -> memref<10000x128xf32, #tpu.memory_space<vmem_shared>>
          tpu.enqueue_indirect_dma source(%arg16 : memref<128x128xf32, #tpu.memory_space<vmem>>) target(%dma_start3A_251 : memref<10000x128xf32, #tpu.memory_space<vmem_shared>>) offsets(%arg13 : memref<128xi32, #tpu.memory_space<vmem>>) semaphore(%run_scoped3A : memref<!tpu.dma_semaphore, #tpu.memory_space<semaphore_mem>>) {add = true}
          %dma_wait3A_252 = arith.constant 0 : i32
          %dma_wait3A_253 = arith.constant 0 : i32
          %dma_wait3A_254 = tpu.memref_slice %arg18[%dma_wait3A_252, %dma_wait3A_253] : memref<10000x128xf32, #tpu.memory_space<vmem_shared>> -> memref<10000x128xf32, #tpu.memory_space<vmem_shared>>
          tpu.wait_indirect_dma semaphore(%run_scoped3A : memref<!tpu.dma_semaphore, #tpu.memory_space<semaphore_mem>>) src(%arg16 : memref<128x128xf32, #tpu.memory_space<vmem>>) dst(%dma_wait3A_254 : memref<10000x128xf32, #tpu.memory_space<vmem_shared>>)
          tpu.yield
        }) : () -> ()
      } else {
      }
      %add3A_222 = arith.constant 2 : i32
      %add3A_223 = arith.addi %mul3A_179, %add3A_222 : i32
      %add3A_224 = arith.constant 2 : i32
      %add3A_225 = arith.addi %add3A_223, %add3A_224 : i32
      %lt3A_226 = arith.constant 80 : i32
      %lt3A_227 = arith.cmpi slt, %add3A_225, %lt3A_226 : i32
      %convert_element_type3A_228 = arith.extui %lt3A_227 : i1 to i32
      %cond3A_229 = arith.constant 0 : i32
      %cond3A_230 = arith.cmpi ne, %convert_element_type3A_228, %cond3A_229 : i32
      scf.if %cond3A_230 {
        %add3A_243 = arith.constant 2 : i32
        %add3A_244 = arith.addi %add3A_223, %add3A_243 : i32
        %add3A_245 = arith.addi %mul3A_2, %add3A_244 : i32
        %mul3A_246 = arith.constant 128 : i32
        %mul3A_247 = arith.muli %add3A_245, %mul3A_246 : i32
        %dma_start3A_248 = tpu.memref_slice %arg3[%mul3A_247] : memref<327680xi32, #tpu.memory_space<hbm>> -> memref<128xi32, #tpu.memory_space<hbm>>
        %dma_start3A_249 = tpu.memref_slice %arg3[%mul3A_247] : memref<327680xi32, #tpu.memory_space<hbm>> -> memref<128xi32, #tpu.memory_space<hbm>>
        tpu.enqueue_dma source(%dma_start3A_249 : memref<128xi32, #tpu.memory_space<hbm>>) target(%arg7 : memref<128xi32, #tpu.memory_space<vmem>>) target_semaphore(%arg20 : memref<!tpu.dma_semaphore, #tpu.memory_space<semaphore_mem>>)
      } else {
      }
      %add3A_231 = arith.constant 1 : i32
      %add3A_232 = arith.addi %add3A_223, %add3A_231 : i32
      %lt3A_233 = arith.constant 80 : i32
      %lt3A_234 = arith.cmpi slt, %add3A_232, %lt3A_233 : i32
      %convert_element_type3A_235 = arith.extui %lt3A_234 : i1 to i32
      %cond3A_236 = arith.constant 0 : i32
      %cond3A_237 = arith.cmpi ne, %convert_element_type3A_235, %cond3A_236 : i32
      scf.if %cond3A_237 {
        %dma_wait3A_243 = arith.constant 0 : i32
        %dma_wait3A_244 = tpu.memref_slice %arg3[%dma_wait3A_243] : memref<327680xi32, #tpu.memory_space<hbm>> -> memref<128xi32, #tpu.memory_space<hbm>>
        %dma_wait3A_245 = arith.constant 0 : i32
        %dma_wait3A_246 = tpu.memref_slice %arg3[%dma_wait3A_245] : memref<327680xi32, #tpu.memory_space<hbm>> -> memref<128xi32, #tpu.memory_space<hbm>>
        tpu.wait_dma2 semaphore(%arg19 : memref<!tpu.dma_semaphore, #tpu.memory_space<semaphore_mem>>) src(%dma_wait3A_246 : memref<128xi32, #tpu.memory_space<hbm>>) dst(%arg6 : memref<128xi32, #tpu.memory_space<vmem>>)
        %get3A_247 = arith.constant 0 : index
        %get3A_248 = tpu.vector_load %arg6[%get3A_247] {strides = array<i32>} : memref<128xi32, #tpu.memory_space<vmem>>, vector<16xi32>,
        %get3A_249 = vector.shape_cast %get3A_248 : vector<16xi32> to vector<16xi32>
        %and3A_250 = arith.constant 65535 : i32
        %and3A_251 = vector.broadcast %and3A_250 : i32 to vector<16xi32>
        %and3A_252 = arith.andi %get3A_249, %and3A_251 : vector<16xi32>
        %swap3A_253 = arith.constant 0 : index
        %swap3A_254 = tpu.vector_load %arg9[%swap3A_253] {strides = array<i32>} : memref<128xi32, #tpu.memory_space<vmem>>, vector<16xi32>,
        %swap3A_255 = vector.shape_cast %swap3A_254 : vector<16xi32> to vector<16xi32>
        %swap3A_256 = vector.shape_cast %and3A_252 : vector<16xi32> to vector<16xi32>
        tpu.vector_store %arg9[%swap3A_253], %swap3A_256 {strides = array<i32>} : memref<128xi32, #tpu.memory_space<vmem>>, vector<16xi32>,
        %shift_right_logical3A_257 = arith.constant 16 : i32
        %shift_right_logical3A_258 = vector.broadcast %shift_right_logical3A_257 : i32 to vector<16xi32>
        %shift_right_logical3A_259 = arith.shrui %get3A_249, %shift_right_logical3A_258 : vector<16xi32>
        %swap3A_260 = arith.constant 0 : index
        %swap3A_261 = tpu.vector_load %arg12[%swap3A_260] {strides = array<i32>} : memref<128xi32, #tpu.memory_space<vmem>>, vector<16xi32>,
        %swap3A_262 = vector.shape_cast %swap3A_261 : vector<16xi32> to vector<16xi32>
        %swap3A_263 = vector.shape_cast %shift_right_logical3A_259 : vector<16xi32> to vector<16xi32>
        tpu.vector_store %arg12[%swap3A_260], %swap3A_263 {strides = array<i32>} : memref<128xi32, #tpu.memory_space<vmem>>, vector<16xi32>,
        %get3A_264 = arith.constant 16 : index
        %get3A_265 = tpu.vector_load %arg6[%get3A_264] {strides = array<i32>} : memref<128xi32, #tpu.memory_space<vmem>>, vector<16xi32>,
        %get3A_266 = vector.shape_cast %get3A_265 : vector<16xi32> to vector<16xi32>
        %and3A_267 = arith.constant 65535 : i32
        %and3A_268 = vector.broadcast %and3A_267 : i32 to vector<16xi32>
        %and3A_269 = arith.andi %get3A_266, %and3A_268 : vector<16xi32>
        %swap3A_270 = arith.constant 16 : index
        %swap3A_271 = tpu.vector_load %arg9[%swap3A_270] {strides = array<i32>} : memref<128xi32, #tpu.memory_space<vmem>>, vector<16xi32>,
        %swap3A_272 = vector.shape_cast %swap3A_271 : vector<16xi32> to vector<16xi32>
        %swap3A_273 = vector.shape_cast %and3A_269 : vector<16xi32> to vector<16xi32>
        tpu.vector_store %arg9[%swap3A_270], %swap3A_273 {strides = array<i32>} : memref<128xi32, #tpu.memory_space<vmem>>, vector<16xi32>,
        %shift_right_logical3A_274 = arith.constant 16 : i32
        %shift_right_logical3A_275 = vector.broadcast %shift_right_logical3A_274 : i32 to vector<16xi32>
        %shift_right_logical3A_276 = arith.shrui %get3A_266, %shift_right_logical3A_275 : vector<16xi32>
        %swap3A_277 = arith.constant 16 : index
        %swap3A_278 = tpu.vector_load %arg12[%swap3A_277] {strides = array<i32>} : memref<128xi32, #tpu.memory_space<vmem>>, vector<16xi32>,
        %swap3A_279 = vector.shape_cast %swap3A_278 : vector<16xi32> to vector<16xi32>
        %swap3A_280 = vector.shape_cast %shift_right_logical3A_276 : vector<16xi32> to vector<16xi32>
        tpu.vector_store %arg12[%swap3A_277], %swap3A_280 {strides = array<i32>} : memref<128xi32, #tpu.memory_space<vmem>>, vector<16xi32>,
        %get3A_281 = arith.constant 32 : index
        %get3A_282 = tpu.vector_load %arg6[%get3A_281] {strides = array<i32>} : memref<128xi32, #tpu.memory_space<vmem>>, vector<16xi32>,
        %get3A_283 = vector.shape_cast %get3A_282 : vector<16xi32> to vector<16xi32>
        %and3A_284 = arith.constant 65535 : i32
        %and3A_285 = vector.broadcast %and3A_284 : i32 to vector<16xi32>
        %and3A_286 = arith.andi %get3A_283, %and3A_285 : vector<16xi32>
        %swap3A_287 = arith.constant 32 : index
        %swap3A_288 = tpu.vector_load %arg9[%swap3A_287] {strides = array<i32>} : memref<128xi32, #tpu.memory_space<vmem>>, vector<16xi32>,
        %swap3A_289 = vector.shape_cast %swap3A_288 : vector<16xi32> to vector<16xi32>
        %swap3A_290 = vector.shape_cast %and3A_286 : vector<16xi32> to vector<16xi32>
        tpu.vector_store %arg9[%swap3A_287], %swap3A_290 {strides = array<i32>} : memref<128xi32, #tpu.memory_space<vmem>>, vector<16xi32>,
        %shift_right_logical3A_291 = arith.constant 16 : i32
        %shift_right_logical3A_292 = vector.broadcast %shift_right_logical3A_291 : i32 to vector<16xi32>
        %shift_right_logical3A_293 = arith.shrui %get3A_283, %shift_right_logical3A_292 : vector<16xi32>
        %swap3A_294 = arith.constant 32 : index
        %swap3A_295 = tpu.vector_load %arg12[%swap3A_294] {strides = array<i32>} : memref<128xi32, #tpu.memory_space<vmem>>, vector<16xi32>,
        %swap3A_296 = vector.shape_cast %swap3A_295 : vector<16xi32> to vector<16xi32>
        %swap3A_297 = vector.shape_cast %shift_right_logical3A_293 : vector<16xi32> to vector<16xi32>
        tpu.vector_store %arg12[%swap3A_294], %swap3A_297 {strides = array<i32>} : memref<128xi32, #tpu.memory_space<vmem>>, vector<16xi32>,
        %get3A_298 = arith.constant 48 : index
        %get3A_299 = tpu.vector_load %arg6[%get3A_298] {strides = array<i32>} : memref<128xi32, #tpu.memory_space<vmem>>, vector<16xi32>,
        %get3A_300 = vector.shape_cast %get3A_299 : vector<16xi32> to vector<16xi32>
        %and3A_301 = arith.constant 65535 : i32
        %and3A_302 = vector.broadcast %and3A_301 : i32 to vector<16xi32>
        %and3A_303 = arith.andi %get3A_300, %and3A_302 : vector<16xi32>
        %swap3A_304 = arith.constant 48 : index
        %swap3A_305 = tpu.vector_load %arg9[%swap3A_304] {strides = array<i32>} : memref<128xi32, #tpu.memory_space<vmem>>, vector<16xi32>,
        %swap3A_306 = vector.shape_cast %swap3A_305 : vector<16xi32> to vector<16xi32>
        %swap3A_307 = vector.shape_cast %and3A_303 : vector<16xi32> to vector<16xi32>
        tpu.vector_store %arg9[%swap3A_304], %swap3A_307 {strides = array<i32>} : memref<128xi32, #tpu.memory_space<vmem>>, vector<16xi32>,
        %shift_right_logical3A_308 = arith.constant 16 : i32
        %shift_right_logical3A_309 = vector.broadcast %shift_right_logical3A_308 : i32 to vector<16xi32>
        %shift_right_logical3A_310 = arith.shrui %get3A_300, %shift_right_logical3A_309 : vector<16xi32>
        %swap3A_311 = arith.constant 48 : index
        %swap3A_312 = tpu.vector_load %arg12[%swap3A_311] {strides = array<i32>} : memref<128xi32, #tpu.memory_space<vmem>>, vector<16xi32>,
        %swap3A_313 = vector.shape_cast %swap3A_312 : vector<16xi32> to vector<16xi32>
        %swap3A_314 = vector.shape_cast %shift_right_logical3A_310 : vector<16xi32> to vector<16xi32>
        tpu.vector_store %arg12[%swap3A_311], %swap3A_314 {strides = array<i32>} : memref<128xi32, #tpu.memory_space<vmem>>, vector<16xi32>,
        %get3A_315 = arith.constant 64 : index
        %get3A_316 = tpu.vector_load %arg6[%get3A_315] {strides = array<i32>} : memref<128xi32, #tpu.memory_space<vmem>>, vector<16xi32>,
        %get3A_317 = vector.shape_cast %get3A_316 : vector<16xi32> to vector<16xi32>
        %and3A_318 = arith.constant 65535 : i32
        %and3A_319 = vector.broadcast %and3A_318 : i32 to vector<16xi32>
        %and3A_320 = arith.andi %get3A_317, %and3A_319 : vector<16xi32>
        %swap3A_321 = arith.constant 64 : index
        %swap3A_322 = tpu.vector_load %arg9[%swap3A_321] {strides = array<i32>} : memref<128xi32, #tpu.memory_space<vmem>>, vector<16xi32>,
        %swap3A_323 = vector.shape_cast %swap3A_322 : vector<16xi32> to vector<16xi32>
        %swap3A_324 = vector.shape_cast %and3A_320 : vector<16xi32> to vector<16xi32>
        tpu.vector_store %arg9[%swap3A_321], %swap3A_324 {strides = array<i32>} : memref<128xi32, #tpu.memory_space<vmem>>, vector<16xi32>,
        %shift_right_logical3A_325 = arith.constant 16 : i32
        %shift_right_logical3A_326 = vector.broadcast %shift_right_logical3A_325 : i32 to vector<16xi32>
        %shift_right_logical3A_327 = arith.shrui %get3A_317, %shift_right_logical3A_326 : vector<16xi32>
        %swap3A_328 = arith.constant 64 : index
        %swap3A_329 = tpu.vector_load %arg12[%swap3A_328] {strides = array<i32>} : memref<128xi32, #tpu.memory_space<vmem>>, vector<16xi32>,
        %swap3A_330 = vector.shape_cast %swap3A_329 : vector<16xi32> to vector<16xi32>
        %swap3A_331 = vector.shape_cast %shift_right_logical3A_327 : vector<16xi32> to vector<16xi32>
        tpu.vector_store %arg12[%swap3A_328], %swap3A_331 {strides = array<i32>} : memref<128xi32, #tpu.memory_space<vmem>>, vector<16xi32>,
        %get3A_332 = arith.constant 80 : index
        %get3A_333 = tpu.vector_load %arg6[%get3A_332] {strides = array<i32>} : memref<128xi32, #tpu.memory_space<vmem>>, vector<16xi32>,
        %get3A_334 = vector.shape_cast %get3A_333 : vector<16xi32> to vector<16xi32>
        %and3A_335 = arith.constant 65535 : i32
        %and3A_336 = vector.broadcast %and3A_335 : i32 to vector<16xi32>
        %and3A_337 = arith.andi %get3A_334, %and3A_336 : vector<16xi32>
        %swap3A_338 = arith.constant 80 : index
        %swap3A_339 = tpu.vector_load %arg9[%swap3A_338] {strides = array<i32>} : memref<128xi32, #tpu.memory_space<vmem>>, vector<16xi32>,
        %swap3A_340 = vector.shape_cast %swap3A_339 : vector<16xi32> to vector<16xi32>
        %swap3A_341 = vector.shape_cast %and3A_337 : vector<16xi32> to vector<16xi32>
        tpu.vector_store %arg9[%swap3A_338], %swap3A_341 {strides = array<i32>} : memref<128xi32, #tpu.memory_space<vmem>>, vector<16xi32>,
        %shift_right_logical3A_342 = arith.constant 16 : i32
        %shift_right_logical3A_343 = vector.broadcast %shift_right_logical3A_342 : i32 to vector<16xi32>
        %shift_right_logical3A_344 = arith.shrui %get3A_334, %shift_right_logical3A_343 : vector<16xi32>
        %swap3A_345 = arith.constant 80 : index
        %swap3A_346 = tpu.vector_load %arg12[%swap3A_345] {strides = array<i32>} : memref<128xi32, #tpu.memory_space<vmem>>, vector<16xi32>,
        %swap3A_347 = vector.shape_cast %swap3A_346 : vector<16xi32> to vector<16xi32>
        %swap3A_348 = vector.shape_cast %shift_right_logical3A_344 : vector<16xi32> to vector<16xi32>
        tpu.vector_store %arg12[%swap3A_345], %swap3A_348 {strides = array<i32>} : memref<128xi32, #tpu.memory_space<vmem>>, vector<16xi32>,
        %get3A_349 = arith.constant 96 : index
        %get3A_350 = tpu.vector_load %arg6[%get3A_349] {strides = array<i32>} : memref<128xi32, #tpu.memory_space<vmem>>, vector<16xi32>,
        %get3A_351 = vector.shape_cast %get3A_350 : vector<16xi32> to vector<16xi32>
        %and3A_352 = arith.constant 65535 : i32
        %and3A_353 = vector.broadcast %and3A_352 : i32 to vector<16xi32>
        %and3A_354 = arith.andi %get3A_351, %and3A_353 : vector<16xi32>
        %swap3A_355 = arith.constant 96 : index
        %swap3A_356 = tpu.vector_load %arg9[%swap3A_355] {strides = array<i32>} : memref<128xi32, #tpu.memory_space<vmem>>, vector<16xi32>,
        %swap3A_357 = vector.shape_cast %swap3A_356 : vector<16xi32> to vector<16xi32>
        %swap3A_358 = vector.shape_cast %and3A_354 : vector<16xi32> to vector<16xi32>
        tpu.vector_store %arg9[%swap3A_355], %swap3A_358 {strides = array<i32>} : memref<128xi32, #tpu.memory_space<vmem>>, vector<16xi32>,
        %shift_right_logical3A_359 = arith.constant 16 : i32
        %shift_right_logical3A_360 = vector.broadcast %shift_right_logical3A_359 : i32 to vector<16xi32>
        %shift_right_logical3A_361 = arith.shrui %get3A_351, %shift_right_logical3A_360 : vector<16xi32>
        %swap3A_362 = arith.constant 96 : index
        %swap3A_363 = tpu.vector_load %arg12[%swap3A_362] {strides = array<i32>} : memref<128xi32, #tpu.memory_space<vmem>>, vector<16xi32>,
        %swap3A_364 = vector.shape_cast %swap3A_363 : vector<16xi32> to vector<16xi32>
        %swap3A_365 = vector.shape_cast %shift_right_logical3A_361 : vector<16xi32> to vector<16xi32>
        tpu.vector_store %arg12[%swap3A_362], %swap3A_365 {strides = array<i32>} : memref<128xi32, #tpu.memory_space<vmem>>, vector<16xi32>,
        %get3A_366 = arith.constant 112 : index
        %get3A_367 = tpu.vector_load %arg6[%get3A_366] {strides = array<i32>} : memref<128xi32, #tpu.memory_space<vmem>>, vector<16xi32>,
        %get3A_368 = vector.shape_cast %get3A_367 : vector<16xi32> to vector<16xi32>
        %and3A_369 = arith.constant 65535 : i32
        %and3A_370 = vector.broadcast %and3A_369 : i32 to vector<16xi32>
        %and3A_371 = arith.andi %get3A_368, %and3A_370 : vector<16xi32>
        %swap3A_372 = arith.constant 112 : index
        %swap3A_373 = tpu.vector_load %arg9[%swap3A_372] {strides = array<i32>} : memref<128xi32, #tpu.memory_space<vmem>>, vector<16xi32>,
        %swap3A_374 = vector.shape_cast %swap3A_373 : vector<16xi32> to vector<16xi32>
        %swap3A_375 = vector.shape_cast %and3A_371 : vector<16xi32> to vector<16xi32>
        tpu.vector_store %arg9[%swap3A_372], %swap3A_375 {strides = array<i32>} : memref<128xi32, #tpu.memory_space<vmem>>, vector<16xi32>,
        %shift_right_logical3A_376 = arith.constant 16 : i32
        %shift_right_logical3A_377 = vector.broadcast %shift_right_logical3A_376 : i32 to vector<16xi32>
        %shift_right_logical3A_378 = arith.shrui %get3A_368, %shift_right_logical3A_377 : vector<16xi32>
        %swap3A_379 = arith.constant 112 : index
        %swap3A_380 = tpu.vector_load %arg12[%swap3A_379] {strides = array<i32>} : memref<128xi32, #tpu.memory_space<vmem>>, vector<16xi32>,
        %swap3A_381 = vector.shape_cast %swap3A_380 : vector<16xi32> to vector<16xi32>
        %swap3A_382 = vector.shape_cast %shift_right_logical3A_378 : vector<16xi32> to vector<16xi32>
        tpu.vector_store %arg12[%swap3A_379], %swap3A_382 {strides = array<i32>} : memref<128xi32, #tpu.memory_space<vmem>>, vector<16xi32>,
        %dma_start3A_383 = arith.constant 0 : i32
        %dma_start3A_384 = arith.constant 0 : i32
        %dma_start3A_385 = tpu.memref_slice %arg2[%dma_start3A_383, %dma_start3A_384] : memref<10016x128xf32, #tpu.memory_space<hbm>> -> memref<10016x128xf32, #tpu.memory_space<hbm>>
        tpu.enqueue_indirect_dma source(%dma_start3A_385 : memref<10016x128xf32, #tpu.memory_space<hbm>>) target(%arg15 : memref<128x128xf32, #tpu.memory_space<vmem>>) offsets(%arg9 : memref<128xi32, #tpu.memory_space<vmem>>) semaphore(%arg22 : memref<!tpu.dma_semaphore, #tpu.memory_space<semaphore_mem>>)
      } else {
      }
      %lt3A_238 = arith.constant 80 : i32
      %lt3A_239 = arith.cmpi slt, %add3A_223, %lt3A_238 : i32
      %convert_element_type3A_240 = arith.extui %lt3A_239 : i1 to i32
      %cond3A_241 = arith.constant 0 : i32
      %cond3A_242 = arith.cmpi ne, %convert_element_type3A_240, %cond3A_241 : i32
      scf.if %cond3A_242 {
        %dma_wait3A_243 = arith.constant 0 : i32
        %dma_wait3A_244 = arith.constant 0 : i32
        %dma_wait3A_245 = tpu.memref_slice %arg4[%dma_wait3A_243, %dma_wait3A_244] : memref<208x128xf32, #tpu.memory_space<hbm>> -> memref<128x128xf32, #tpu.memory_space<hbm>>
        %dma_wait3A_246 = arith.constant 0 : i32
        %dma_wait3A_247 = arith.constant 0 : i32
        %dma_wait3A_248 = tpu.memref_slice %arg4[%dma_wait3A_246, %dma_wait3A_247] : memref<208x128xf32, #tpu.memory_space<hbm>> -> memref<128x128xf32, #tpu.memory_space<hbm>>
        tpu.wait_dma2 semaphore(%arg24 : memref<!tpu.dma_semaphore, #tpu.memory_space<semaphore_mem>>) src(%dma_wait3A_248 : memref<128x128xf32, #tpu.memory_space<hbm>>) dst(%arg17 : memref<128x128xf32, #tpu.memory_space<vmem>>)
        "tpu.region"() ({
          %run_scoped3A = tpu.sem_alloc : memref<!tpu.dma_semaphore, #tpu.memory_space<semaphore_mem>>
          %dma_start3A_249 = arith.constant 0 : i32
          %dma_start3A_250 = arith.constant 0 : i32
          %dma_start3A_251 = tpu.memref_slice %arg18[%dma_start3A_249, %dma_start3A_250] : memref<10000x128xf32, #tpu.memory_space<vmem_shared>> -> memref<10000x128xf32, #tpu.memory_space<vmem_shared>>
          tpu.enqueue_indirect_dma source(%arg17 : memref<128x128xf32, #tpu.memory_space<vmem>>) target(%dma_start3A_251 : memref<10000x128xf32, #tpu.memory_space<vmem_shared>>) offsets(%arg14 : memref<128xi32, #tpu.memory_space<vmem>>) semaphore(%run_scoped3A : memref<!tpu.dma_semaphore, #tpu.memory_space<semaphore_mem>>) {add = true}
          %dma_wait3A_252 = arith.constant 0 : i32
          %dma_wait3A_253 = arith.constant 0 : i32
          %dma_wait3A_254 = tpu.memref_slice %arg18[%dma_wait3A_252, %dma_wait3A_253] : memref<10000x128xf32, #tpu.memory_space<vmem_shared>> -> memref<10000x128xf32, #tpu.memory_space<vmem_shared>>
          tpu.wait_indirect_dma semaphore(%run_scoped3A : memref<!tpu.dma_semaphore, #tpu.memory_space<semaphore_mem>>) src(%arg17 : memref<128x128xf32, #tpu.memory_space<vmem>>) dst(%dma_wait3A_254 : memref<10000x128xf32, #tpu.memory_space<vmem_shared>>)
          tpu.yield
        }) : () -> ()
      } else {
      }
    }
    %scan3A_166 = arith.constant 27 : i32
    %barrier3A_167 = arith.constant 0 : index
    tpu.barrier barrier_id(%barrier3A_167)
    %lt3A = arith.constant 15 : i32
    %lt3A_168 = arith.cmpi slt, %arg1, %lt3A : i32
    %convert_element_type3A_169 = arith.extui %lt3A_168 : i1 to i32
    %cond3A_170 = arith.constant 0 : i32
    %cond3A_171 = arith.cmpi ne, %convert_element_type3A_169, %cond3A_170 : i32
    scf.if %cond3A_171 {
      %mul3A_177 = arith.constant 624 : i32
      %mul3A_178 = arith.muli %arg1, %mul3A_177 : i32
      %mul3A_179 = arith.constant 624 : i32
      %mul3A_180 = arith.muli %arg1, %mul3A_179 : i32
      "tpu.region"() ({
        %run_scoped3A = tpu.sem_alloc : memref<!tpu.dma_semaphore, #tpu.memory_space<semaphore_mem>>
        %dma_start3A_181 = arith.constant 0 : i32
        %dma_start3A_182 = tpu.memref_slice %arg5[%arg0, %mul3A_180, %dma_start3A_181] : memref<2x10000x128xf32, #tpu.memory_space<hbm>> -> memref<1x624x128xf32, #tpu.memory_space<hbm>>
        %dma_start3A_183 = tpu.memref_squeeze %dma_start3A_182 : memref<1x624x128xf32, #tpu.memory_space<hbm>> -> memref<624x128xf32, #tpu.memory_space<hbm>>
        %dma_start3A_184 = arith.constant 0 : i32
        %dma_start3A_185 = tpu.memref_slice %arg18[%mul3A_178, %dma_start3A_184] : memref<10000x128xf32, #tpu.memory_space<vmem_shared>> -> memref<624x128xf32, #tpu.memory_space<vmem_shared>>
        tpu.enqueue_dma source(%dma_start3A_185 : memref<624x128xf32, #tpu.memory_space<vmem_shared>>) target(%dma_start3A_183 : memref<624x128xf32, #tpu.memory_space<hbm>>) target_semaphore(%run_scoped3A : memref<!tpu.dma_semaphore, #tpu.memory_space<semaphore_mem>>)
        %dma_wait3A_186 = arith.constant 0 : i32
        %dma_wait3A_187 = tpu.memref_slice %arg5[%arg0, %mul3A_180, %dma_wait3A_186] : memref<2x10000x128xf32, #tpu.memory_space<hbm>> -> memref<1x624x128xf32, #tpu.memory_space<hbm>>
        %dma_wait3A_188 = tpu.memref_squeeze %dma_wait3A_187 : memref<1x624x128xf32, #tpu.memory_space<hbm>> -> memref<624x128xf32, #tpu.memory_space<hbm>>
        %dma_wait3A_189 = arith.constant 0 : i32
        %dma_wait3A_190 = tpu.memref_slice %arg18[%mul3A_178, %dma_wait3A_189] : memref<10000x128xf32, #tpu.memory_space<vmem_shared>> -> memref<624x128xf32, #tpu.memory_space<vmem_shared>>
        tpu.wait_dma2 semaphore(%run_scoped3A : memref<!tpu.dma_semaphore, #tpu.memory_space<semaphore_mem>>) src(%dma_wait3A_190 : memref<624x128xf32, #tpu.memory_space<vmem_shared>>) dst(%dma_wait3A_188 : memref<624x128xf32, #tpu.memory_space<hbm>>)
        tpu.yield
      }) : () -> ()
    } else {
    }
    %eq3A_172 = arith.constant 15 : i32
    %eq3A_173 = arith.cmpi eq, %arg1, %eq3A_172 : i32
    %convert_element_type3A_174 = arith.extui %eq3A_173 : i1 to i32
    %cond3A_175 = arith.constant 0 : i32
    %cond3A_176 = arith.cmpi ne, %convert_element_type3A_174, %cond3A_175 : i32
    scf.if %cond3A_176 {
      "tpu.region"() ({
        %run_scoped3A = tpu.sem_alloc : memref<!tpu.dma_semaphore, #tpu.memory_space<semaphore_mem>>
        %dma_start3A_177 = arith.constant 9360 : i32
        %dma_start3A_178 = arith.constant 0 : i32
        %dma_start3A_179 = tpu.memref_slice %arg5[%arg0, %dma_start3A_177, %dma_start3A_178] : memref<2x10000x128xf32, #tpu.memory_space<hbm>> -> memref<1x640x128xf32, #tpu.memory_space<hbm>>
        %dma_start3A_180 = tpu.memref_squeeze %dma_start3A_179 : memref<1x640x128xf32, #tpu.memory_space<hbm>> -> memref<640x128xf32, #tpu.memory_space<hbm>>
        %dma_start3A_181 = arith.constant 9360 : i32
        %dma_start3A_182 = arith.constant 0 : i32
        %dma_start3A_183 = tpu.memref_slice %arg18[%dma_start3A_181, %dma_start3A_182] : memref<10000x128xf32, #tpu.memory_space<vmem_shared>> -> memref<640x128xf32, #tpu.memory_space<vmem_shared>>
        tpu.enqueue_dma source(%dma_start3A_183 : memref<640x128xf32, #tpu.memory_space<vmem_shared>>) target(%dma_start3A_180 : memref<640x128xf32, #tpu.memory_space<hbm>>) target_semaphore(%run_scoped3A : memref<!tpu.dma_semaphore, #tpu.memory_space<semaphore_mem>>)
        %dma_wait3A_184 = arith.constant 9360 : i32
        %dma_wait3A_185 = arith.constant 0 : i32
        %dma_wait3A_186 = tpu.memref_slice %arg5[%arg0, %dma_wait3A_184, %dma_wait3A_185] : memref<2x10000x128xf32, #tpu.memory_space<hbm>> -> memref<1x640x128xf32, #tpu.memory_space<hbm>>
        %dma_wait3A_187 = tpu.memref_squeeze %dma_wait3A_186 : memref<1x640x128xf32, #tpu.memory_space<hbm>> -> memref<640x128xf32, #tpu.memory_space<hbm>>
        %dma_wait3A_188 = arith.constant 9360 : i32
        %dma_wait3A_189 = arith.constant 0 : i32
        %dma_wait3A_190 = tpu.memref_slice %arg18[%dma_wait3A_188, %dma_wait3A_189] : memref<10000x128xf32, #tpu.memory_space<vmem_shared>> -> memref<640x128xf32, #tpu.memory_space<vmem_shared>>
        tpu.wait_dma2 semaphore(%run_scoped3A : memref<!tpu.dma_semaphore, #tpu.memory_space<semaphore_mem>>) src(%dma_wait3A_190 : memref<640x128xf32, #tpu.memory_space<vmem_shared>>) dst(%dma_wait3A_187 : memref<640x128xf32, #tpu.memory_space<hbm>>)
        tpu.yield
      }) : () -> ()
    } else {
    }
    return
  }
}

module attributes {stable_mosaic.version = 14 : i64} {
  func.func @_mm_body(%arg0: i32, %arg1: memref<1000x128xf32, #tpu.memory_space<vmem>>, %arg2: memref<128x128xf32, #tpu.memory_space<vmem>>, %arg3: memref<1000x128xf32, #tpu.memory_space<vmem>>) attributes {dimension_semantics = [#tpu.dimension_semantics<arbitrary>], iteration_bounds = array<i64: 11>, scalar_prefetch = 0 : i64, scratch_operands = 0 : i64, tpu.core_type = #tpu.core_type<tc>, window_params = [{transform_indices = @transform_0, window_bounds = array<i64: 1000, 128>}, {pipeline_mode = #tpu.pipeline_mode<synchronous>, transform_indices = @transform_1, window_bounds = array<i64: 128, 128>}, {transform_indices = @transform_2, window_bounds = array<i64: 1000, 128>}]} {
    %get3A = arith.constant 0 : index
    %get3A_0 = arith.constant 0 : index
    %get3A_1 = vector.load %arg1[%get3A, %get3A_0] : memref<1000x128xf32, #tpu.memory_space<vmem>>, vector<1000x128xf32>
    %get3A_2 = arith.constant 0 : index
    %get3A_3 = arith.constant 0 : index
    %get3A_4 = vector.load %arg2[%get3A_2, %get3A_3] : memref<128x128xf32, #tpu.memory_space<vmem>>, vector<128x128xf32>
    %dot_general3A = arith.constant dense<0.000000e+00> : vector<1000x128xf32>
    %dot_general3A_5 = tpu.matmul %get3A_1, %get3A_4, %dot_general3A {dimension_numbers = #tpu.dot_dimension_numbers<[1], [0], [0], [1], [0, 0, 1, 1], [], []>, transpose_lhs_hint = false} : vector<1000x128xf32>, vector<128x128xf32>, vector<1000x128xf32> -> vector<1000x128xf32>
    %swap3A = arith.constant 0 : index
    %swap3A_6 = arith.constant 0 : index
    %swap3A_7 = vector.load %arg3[%swap3A, %swap3A_6] : memref<1000x128xf32, #tpu.memory_space<vmem>>, vector<1000x128xf32>
    tpu.vector_store %arg3[%swap3A, %swap3A_6], %dot_general3A_5 {strides = array<i32>} : memref<1000x128xf32, #tpu.memory_space<vmem>>, vector<1000x128xf32>,
    return
  }
  func.func @transform_0(%arg0: i32) -> (i32, i32) {
    %c0_i32 = arith.constant 0 : i32
    %c0_i32_0 = arith.constant 0 : i32
    return %arg0, %c0_i32 : i32, i32
  }
  func.func @transform_1(%arg0: i32) -> (i32, i32) {
    %c0_i32 = arith.constant 0 : i32
    %c0_i32_0 = arith.constant 0 : i32
    %c0_i32_1 = arith.constant 0 : i32
    return %c0_i32, %c0_i32_0 : i32, i32
  }
  func.func @transform_2(%arg0: i32) -> (i32, i32) {
    %c0_i32 = arith.constant 0 : i32
    %c0_i32_0 = arith.constant 0 : i32
    return %arg0, %c0_i32 : i32, i32
  }
}

module attributes {stable_mosaic.version = 14 : i64} {
  func.func @_t0_body(%arg0: i32, %arg1: memref<2x1000x128xf32, #tpu.memory_space<vmem>>, %arg2: memref<1000x128xf32, #tpu.memory_space<vmem>>, %arg3: memref<1000x1xf32, #tpu.memory_space<vmem>>, %arg4: memref<1000x128xf32, #tpu.memory_space<vmem>>) attributes {dimension_semantics = [#tpu.dimension_semantics<arbitrary>], iteration_bounds = array<i64: 11>, scalar_prefetch = 0 : i64, scratch_operands = 0 : i64, tpu.core_type = #tpu.core_type<tc>, window_params = [{transform_indices = @transform_0, window_bounds = array<i64: 2, 1000, 128>}, {transform_indices = @transform_1, window_bounds = array<i64: 1000, 128>}, {transform_indices = @transform_2, window_bounds = array<i64: 1000, 1>}, {transform_indices = @transform_3, window_bounds = array<i64: 1000, 128>}]} {
    %mul3A = arith.constant 1000 : i32
    %mul3A_0 = arith.muli %arg0, %mul3A : i32
    %iota3A = tpu.iota {dimensions = array<i32: 0>} : vector<1000x1xi32>
    %add3A = vector.broadcast %mul3A_0 : i32 to vector<1000x1xi32>
    %add3A_1 = arith.addi %add3A, %iota3A : vector<1000x1xi32>
    %lt3A = arith.constant 10000 : i32
    %lt3A_2 = vector.broadcast %lt3A : i32 to vector<1000x1xi32>
    %lt3A_3 = arith.cmpi slt, %add3A_1, %lt3A_2 : vector<1000x1xi32>
    %get3A = arith.constant 0 : index
    %get3A_4 = arith.constant 0 : index
    %get3A_5 = arith.constant 0 : index
    %get3A_6 = vector.load %arg1[%get3A, %get3A_4, %get3A_5] : memref<2x1000x128xf32, #tpu.memory_space<vmem>>, vector<1x1000x1xf32>
    %get3A_7 = vector.shape_cast %get3A_6 : vector<1x1000x1xf32> to vector<1000x1xf32>
    %get3A_8 = arith.constant 1 : index
    %get3A_9 = arith.constant 0 : index
    %get3A_10 = arith.constant 0 : index
    %get3A_11 = vector.load %arg1[%get3A_8, %get3A_9, %get3A_10] : memref<2x1000x128xf32, #tpu.memory_space<vmem>>, vector<1x1000x1xf32>
    %get3A_12 = vector.shape_cast %get3A_11 : vector<1x1000x1xf32> to vector<1000x1xf32>
    %add3A_13 = arith.addf %get3A_7, %get3A_12 : vector<1000x1xf32>
    %add3A_14 = arith.constant 1.000000e+00 : f32
    %add3A_15 = vector.broadcast %add3A_14 : f32 to vector<1000x1xf32>
    %add3A_16 = arith.addf %add3A_13, %add3A_15 : vector<1000x1xf32>
    %lt3A_17 = arith.constant 7680 : i32
    %lt3A_18 = vector.broadcast %lt3A_17 : i32 to vector<1000x1xi32>
    %lt3A_19 = arith.cmpi slt, %add3A_1, %lt3A_18 : vector<1000x1xi32>
    %jit3A = arith.constant 1.000000e+00 : f32
    %jit3A_20 = arith.constant 0.000000e+00 : f32
    %broadcast_in_dim3A = vector.broadcast %jit3A : f32 to vector<1000x1xf32>
    %broadcast_in_dim3A_21 = vector.broadcast %jit3A_20 : f32 to vector<1000x1xf32>
    %select_n3A = arith.select %lt3A_19, %broadcast_in_dim3A, %broadcast_in_dim3A_21 : vector<1000x1xi1>, vector<1000x1xf32>
    %sub3A = arith.subf %add3A_16, %select_n3A : vector<1000x1xf32>
    %rsqrt3A = math.rsqrt %sub3A : vector<1000x1xf32>
    %jit3A_22 = arith.constant 0.000000e+00 : f32
    %broadcast_in_dim3A_23 = vector.broadcast %jit3A_22 : f32 to vector<1000x1xf32>
    %select_n3A_24 = arith.select %lt3A_3, %rsqrt3A, %broadcast_in_dim3A_23 : vector<1000x1xi1>, vector<1000x1xf32>
    %swap3A = arith.constant 0 : index
    %swap3A_25 = arith.constant 0 : index
    %swap3A_26 = vector.load %arg3[%swap3A, %swap3A_25] : memref<1000x1xf32, #tpu.memory_space<vmem>>, vector<1000x1xf32>
    tpu.vector_store %arg3[%swap3A, %swap3A_25], %select_n3A_24 {strides = array<i32>} : memref<1000x1xf32, #tpu.memory_space<vmem>>, vector<1000x1xf32>,
    %get3A_27 = arith.constant 0 : index
    %get3A_28 = arith.constant 0 : index
    %get3A_29 = vector.load %arg2[%get3A_27, %get3A_28] : memref<1000x128xf32, #tpu.memory_space<vmem>>, vector<1000x128xf32>
    %mul3A_30 = vector.broadcast %select_n3A_24 : vector<1000x1xf32> to vector<1000x128xf32>
    %mul3A_31 = arith.mulf %mul3A_30, %get3A_29 : vector<1000x128xf32>
    %jit3A_32 = arith.constant 0.000000e+00 : f32
    %broadcast_in_dim3A_33 = vector.shape_cast %lt3A_3 : vector<1000x1xi1> to vector<1000x1xi1>
    %broadcast_in_dim3A_34 = vector.broadcast %broadcast_in_dim3A_33 : vector<1000x1xi1> to vector<1000x128xi1>
    %broadcast_in_dim3A_35 = vector.broadcast %jit3A_32 : f32 to vector<1000x128xf32>
    %select_n3A_36 = arith.select %broadcast_in_dim3A_34, %mul3A_31, %broadcast_in_dim3A_35 : vector<1000x128xi1>, vector<1000x128xf32>
    %swap3A_37 = arith.constant 0 : index
    %swap3A_38 = arith.constant 0 : index
    %swap3A_39 = vector.load %arg4[%swap3A_37, %swap3A_38] : memref<1000x128xf32, #tpu.memory_space<vmem>>, vector<1000x128xf32>
    tpu.vector_store %arg4[%swap3A_37, %swap3A_38], %select_n3A_36 {strides = array<i32>} : memref<1000x128xf32, #tpu.memory_space<vmem>>, vector<1000x128xf32>,
    return
  }
  func.func @transform_0(%arg0: i32) -> (i32, i32, i32) {
    %c0_i32 = arith.constant 0 : i32
    %c0_i32_0 = arith.constant 0 : i32
    %c0_i32_1 = arith.constant 0 : i32
    return %c0_i32, %arg0, %c0_i32_0 : i32, i32, i32
  }
  func.func @transform_1(%arg0: i32) -> (i32, i32) {
    %c0_i32 = arith.constant 0 : i32
    %c0_i32_0 = arith.constant 0 : i32
    return %arg0, %c0_i32 : i32, i32
  }
  func.func @transform_2(%arg0: i32) -> (i32, i32) {
    %c0_i32 = arith.constant 0 : i32
    %c0_i32_0 = arith.constant 0 : i32
    return %arg0, %c0_i32 : i32, i32
  }
  func.func @transform_3(%arg0: i32) -> (i32, i32) {
    %c0_i32 = arith.constant 0 : i32
    %c0_i32_0 = arith.constant 0 : i32
    return %arg0, %c0_i32 : i32, i32
  }
}

module attributes {stable_mosaic.version = 14 : i64} {
  func.func @_tl_body(%arg0: i32, %arg1: memref<2x1000x128xf32, #tpu.memory_space<vmem>>, %arg2: memref<1000x128xf32, #tpu.memory_space<vmem>>, %arg3: memref<1000x1xf32, #tpu.memory_space<vmem>>, %arg4: memref<1x128xf32, #tpu.memory_space<vmem>>, %arg5: memref<128x128xf32, #tpu.memory_space<vmem>>, %arg6: memref<1000x128xf32, #tpu.memory_space<vmem>>) attributes {dimension_semantics = [#tpu.dimension_semantics<arbitrary>], iteration_bounds = array<i64: 11>, scalar_prefetch = 0 : i64, scratch_operands = 0 : i64, tpu.core_type = #tpu.core_type<tc>, window_params = [{transform_indices = @transform_0, window_bounds = array<i64: 2, 1000, 128>}, {transform_indices = @transform_1, window_bounds = array<i64: 1000, 128>}, {transform_indices = @transform_2, window_bounds = array<i64: 1000, 1>}, {pipeline_mode = #tpu.pipeline_mode<synchronous>, transform_indices = @transform_3, window_bounds = array<i64: 1, 128>}, {pipeline_mode = #tpu.pipeline_mode<synchronous>, transform_indices = @transform_4, window_bounds = array<i64: 128, 128>}, {transform_indices = @transform_5, window_bounds = array<i64: 1000, 128>}]} {
    %mul3A = arith.constant 1000 : i32
    %mul3A_0 = arith.muli %arg0, %mul3A : i32
    %iota3A = tpu.iota {dimensions = array<i32: 0>} : vector<1000x1xi32>
    %add3A = vector.broadcast %mul3A_0 : i32 to vector<1000x1xi32>
    %add3A_1 = arith.addi %add3A, %iota3A : vector<1000x1xi32>
    %lt3A = arith.constant 10000 : i32
    %lt3A_2 = vector.broadcast %lt3A : i32 to vector<1000x1xi32>
    %lt3A_3 = arith.cmpi slt, %add3A_1, %lt3A_2 : vector<1000x1xi32>
    %get3A = arith.constant 0 : index
    %get3A_4 = arith.constant 0 : index
    %get3A_5 = arith.constant 0 : index
    %get3A_6 = vector.load %arg1[%get3A, %get3A_4, %get3A_5] : memref<2x1000x128xf32, #tpu.memory_space<vmem>>, vector<1x1000x128xf32>
    %get3A_7 = vector.shape_cast %get3A_6 : vector<1x1000x128xf32> to vector<1000x128xf32>
    %get3A_8 = arith.constant 1 : index
    %get3A_9 = arith.constant 0 : index
    %get3A_10 = arith.constant 0 : index
    %get3A_11 = vector.load %arg1[%get3A_8, %get3A_9, %get3A_10] : memref<2x1000x128xf32, #tpu.memory_space<vmem>>, vector<1x1000x128xf32>
    %get3A_12 = vector.shape_cast %get3A_11 : vector<1x1000x128xf32> to vector<1000x128xf32>
    %add3A_13 = arith.addf %get3A_7, %get3A_12 : vector<1000x128xf32>
    %get3A_14 = arith.constant 0 : index
    %get3A_15 = arith.constant 0 : index
    %get3A_16 = vector.load %arg3[%get3A_14, %get3A_15] : memref<1000x1xf32, #tpu.memory_space<vmem>>, vector<1000x1xf32>
    %get3A_17 = arith.constant 0 : index
    %get3A_18 = arith.constant 0 : index
    %get3A_19 = vector.load %arg2[%get3A_17, %get3A_18] : memref<1000x128xf32, #tpu.memory_space<vmem>>, vector<1000x128xf32>
    %add3A_20 = arith.addf %add3A_13, %get3A_19 : vector<1000x128xf32>
    %mul3A_21 = vector.broadcast %get3A_16 : vector<1000x1xf32> to vector<1000x128xf32>
    %mul3A_22 = arith.mulf %mul3A_21, %add3A_20 : vector<1000x128xf32>
    %get3A_23 = arith.constant 0 : index
    %get3A_24 = arith.constant 0 : index
    %get3A_25 = vector.load %arg4[%get3A_23, %get3A_24] : memref<1x128xf32, #tpu.memory_space<vmem>>, vector<1x128xf32>
    %add3A_26 = vector.broadcast %get3A_25 : vector<1x128xf32> to vector<1000x128xf32>
    %add3A_27 = arith.addf %mul3A_22, %add3A_26 : vector<1000x128xf32>
    %max3A = arith.constant 0.000000e+00 : f32
    %max3A_28 = vector.broadcast %max3A : f32 to vector<1000x128xf32>
    %max3A_29 = arith.maximumf %add3A_27, %max3A_28 : vector<1000x128xf32>
    %get3A_30 = arith.constant 0 : index
    %get3A_31 = arith.constant 0 : index
    %get3A_32 = vector.load %arg5[%get3A_30, %get3A_31] : memref<128x128xf32, #tpu.memory_space<vmem>>, vector<128x128xf32>
    %dot_general3A = arith.constant dense<0.000000e+00> : vector<1000x128xf32>
    %dot_general3A_33 = tpu.matmul %max3A_29, %get3A_32, %dot_general3A {dimension_numbers = #tpu.dot_dimension_numbers<[1], [0], [0], [1], [0, 0, 1, 1], [], []>, transpose_lhs_hint = false} : vector<1000x128xf32>, vector<128x128xf32>, vector<1000x128xf32> -> vector<1000x128xf32>
    %mul3A_34 = vector.broadcast %get3A_16 : vector<1000x1xf32> to vector<1000x128xf32>
    %mul3A_35 = arith.mulf %mul3A_34, %dot_general3A_33 : vector<1000x128xf32>
    %jit3A = arith.constant 0.000000e+00 : f32
    %broadcast_in_dim3A = vector.shape_cast %lt3A_3 : vector<1000x1xi1> to vector<1000x1xi1>
    %broadcast_in_dim3A_36 = vector.broadcast %broadcast_in_dim3A : vector<1000x1xi1> to vector<1000x128xi1>
    %broadcast_in_dim3A_37 = vector.broadcast %jit3A : f32 to vector<1000x128xf32>
    %select_n3A = arith.select %broadcast_in_dim3A_36, %mul3A_35, %broadcast_in_dim3A_37 : vector<1000x128xi1>, vector<1000x128xf32>
    %swap3A = arith.constant 0 : index
    %swap3A_38 = arith.constant 0 : index
    %swap3A_39 = vector.load %arg6[%swap3A, %swap3A_38] : memref<1000x128xf32, #tpu.memory_space<vmem>>, vector<1000x128xf32>
    tpu.vector_store %arg6[%swap3A, %swap3A_38], %select_n3A {strides = array<i32>} : memref<1000x128xf32, #tpu.memory_space<vmem>>, vector<1000x128xf32>,
    return
  }
  func.func @transform_0(%arg0: i32) -> (i32, i32, i32) {
    %c0_i32 = arith.constant 0 : i32
    %c0_i32_0 = arith.constant 0 : i32
    %c0_i32_1 = arith.constant 0 : i32
    return %c0_i32, %arg0, %c0_i32_0 : i32, i32, i32
  }
  func.func @transform_1(%arg0: i32) -> (i32, i32) {
    %c0_i32 = arith.constant 0 : i32
    %c0_i32_0 = arith.constant 0 : i32
    return %arg0, %c0_i32 : i32, i32
  }
  func.func @transform_2(%arg0: i32) -> (i32, i32) {
    %c0_i32 = arith.constant 0 : i32
    %c0_i32_0 = arith.constant 0 : i32
    return %arg0, %c0_i32 : i32, i32
  }
  func.func @transform_3(%arg0: i32) -> (i32, i32) {
    %c0_i32 = arith.constant 0 : i32
    %c0_i32_0 = arith.constant 0 : i32
    %c0_i32_1 = arith.constant 0 : i32
    return %c0_i32, %c0_i32_0 : i32, i32
  }
  func.func @transform_4(%arg0: i32) -> (i32, i32) {
    %c0_i32 = arith.constant 0 : i32
    %c0_i32_0 = arith.constant 0 : i32
    %c0_i32_1 = arith.constant 0 : i32
    return %c0_i32, %c0_i32_0 : i32, i32
  }
  func.func @transform_5(%arg0: i32) -> (i32, i32) {
    %c0_i32 = arith.constant 0 : i32
    %c0_i32_0 = arith.constant 0 : i32
    return %arg0, %c0_i32 : i32, i32
  }
}

module attributes {stable_mosaic.version = 14 : i64} {
  func.func @_t3_body(%arg0: i32, %arg1: memref<2x1000x128xf32, #tpu.memory_space<vmem>>, %arg2: memref<1000x128xf32, #tpu.memory_space<vmem>>, %arg3: memref<1000x1xf32, #tpu.memory_space<vmem>>, %arg4: memref<1x128xf32, #tpu.memory_space<vmem>>, %arg5: memref<1000x1xi32, #tpu.memory_space<vmem>>, %arg6: memref<384x128xf32, #tpu.memory_space<vmem>>, %arg7: memref<1x128xf32, #tpu.memory_space<vmem>>, %arg8: memref<64x128xf32, #tpu.memory_space<vmem>>, %arg9: memref<64x128xf32, #tpu.memory_space<vmem>>, %arg10: memref<64x128xf32, #tpu.memory_space<vmem>>, %arg11: memref<64x128xf32, #tpu.memory_space<vmem>>) attributes {dimension_semantics = [#tpu.dimension_semantics<arbitrary>], iteration_bounds = array<i64: 10>, scalar_prefetch = 0 : i64, scratch_operands = 3 : i64, tpu.core_type = #tpu.core_type<tc>, window_params = [{transform_indices = @transform_0, window_bounds = array<i64: 2, 1000, 128>}, {transform_indices = @transform_1, window_bounds = array<i64: 1000, 128>}, {transform_indices = @transform_2, window_bounds = array<i64: 1000, 1>}, {pipeline_mode = #tpu.pipeline_mode<synchronous>, transform_indices = @transform_3, window_bounds = array<i64: 1, 128>}, {transform_indices = @transform_4, window_bounds = array<i64: 1000, 1>}, {pipeline_mode = #tpu.pipeline_mode<synchronous>, transform_indices = @transform_5, window_bounds = array<i64: 384, 128>}, {pipeline_mode = #tpu.pipeline_mode<synchronous>, transform_indices = @transform_6, window_bounds = array<i64: 1, 128>}, {pipeline_mode = #tpu.pipeline_mode<synchronous>, transform_indices = @transform_7, window_bounds = array<i64: 64, 128>}]} {
    %eq3A = arith.constant 0 : i32
    %eq3A_0 = arith.cmpi eq, %arg0, %eq3A : i32
    %convert_element_type3A = arith.extui %eq3A_0 : i1 to i32
    %cond3A = arith.constant 0 : i32
    %cond3A_1 = arith.cmpi ne, %convert_element_type3A, %cond3A : i32
    scf.if %cond3A_1 {
      %broadcast_in_dim3A_67 = arith.constant 0xFF800000 : f32
      %broadcast_in_dim3A_68 = vector.broadcast %broadcast_in_dim3A_67 : f32 to vector<64x128xf32>
      %swap3A_69 = arith.constant 0 : index
      %swap3A_70 = arith.constant 0 : index
      %swap3A_71 = vector.load %arg9[%swap3A_69, %swap3A_70] : memref<64x128xf32, #tpu.memory_space<vmem>>, vector<64x128xf32>
      tpu.vector_store %arg9[%swap3A_69, %swap3A_70], %broadcast_in_dim3A_68 {strides = array<i32>} : memref<64x128xf32, #tpu.memory_space<vmem>>, vector<64x128xf32>,
      %broadcast_in_dim3A_72 = arith.constant 0.000000e+00 : f32
      %broadcast_in_dim3A_73 = vector.broadcast %broadcast_in_dim3A_72 : f32 to vector<64x128xf32>
      %swap3A_74 = arith.constant 0 : index
      %swap3A_75 = arith.constant 0 : index
      %swap3A_76 = vector.load %arg10[%swap3A_74, %swap3A_75] : memref<64x128xf32, #tpu.memory_space<vmem>>, vector<64x128xf32>
      tpu.vector_store %arg10[%swap3A_74, %swap3A_75], %broadcast_in_dim3A_73 {strides = array<i32>} : memref<64x128xf32, #tpu.memory_space<vmem>>, vector<64x128xf32>,
      %broadcast_in_dim3A_77 = arith.constant 0.000000e+00 : f32
      %broadcast_in_dim3A_78 = vector.broadcast %broadcast_in_dim3A_77 : f32 to vector<64x128xf32>
      %swap3A_79 = arith.constant 0 : index
      %swap3A_80 = arith.constant 0 : index
      %swap3A_81 = vector.load %arg11[%swap3A_79, %swap3A_80] : memref<64x128xf32, #tpu.memory_space<vmem>>, vector<64x128xf32>
      tpu.vector_store %arg11[%swap3A_79, %swap3A_80], %broadcast_in_dim3A_78 {strides = array<i32>} : memref<64x128xf32, #tpu.memory_space<vmem>>, vector<64x128xf32>,
    } else {
    }
    %get3A = arith.constant 0 : index
    %get3A_2 = arith.constant 0 : index
    %get3A_3 = arith.constant 0 : index
    %get3A_4 = vector.load %arg1[%get3A, %get3A_2, %get3A_3] : memref<2x1000x128xf32, #tpu.memory_space<vmem>>, vector<1x1000x128xf32>
    %get3A_5 = vector.shape_cast %get3A_4 : vector<1x1000x128xf32> to vector<1000x128xf32>
    %get3A_6 = arith.constant 1 : index
    %get3A_7 = arith.constant 0 : index
    %get3A_8 = arith.constant 0 : index
    %get3A_9 = vector.load %arg1[%get3A_6, %get3A_7, %get3A_8] : memref<2x1000x128xf32, #tpu.memory_space<vmem>>, vector<1x1000x128xf32>
    %get3A_10 = vector.shape_cast %get3A_9 : vector<1x1000x128xf32> to vector<1000x128xf32>
    %add3A = arith.addf %get3A_5, %get3A_10 : vector<1000x128xf32>
    %get3A_11 = arith.constant 0 : index
    %get3A_12 = arith.constant 0 : index
    %get3A_13 = vector.load %arg3[%get3A_11, %get3A_12] : memref<1000x1xf32, #tpu.memory_space<vmem>>, vector<1000x1xf32>
    %get3A_14 = arith.constant 0 : index
    %get3A_15 = arith.constant 0 : index
    %get3A_16 = vector.load %arg2[%get3A_14, %get3A_15] : memref<1000x128xf32, #tpu.memory_space<vmem>>, vector<1000x128xf32>
    %add3A_17 = arith.addf %add3A, %get3A_16 : vector<1000x128xf32>
    %mul3A = vector.broadcast %get3A_13 : vector<1000x1xf32> to vector<1000x128xf32>
    %mul3A_18 = arith.mulf %mul3A, %add3A_17 : vector<1000x128xf32>
    %get3A_19 = arith.constant 0 : index
    %get3A_20 = arith.constant 0 : index
    %get3A_21 = vector.load %arg4[%get3A_19, %get3A_20] : memref<1x128xf32, #tpu.memory_space<vmem>>, vector<1x128xf32>
    %add3A_22 = vector.broadcast %get3A_21 : vector<1x128xf32> to vector<1000x128xf32>
    %add3A_23 = arith.addf %mul3A_18, %add3A_22 : vector<1000x128xf32>
    %max3A = arith.constant 0.000000e+00 : f32
    %max3A_24 = vector.broadcast %max3A : f32 to vector<1000x128xf32>
    %max3A_25 = arith.maximumf %add3A_23, %max3A_24 : vector<1000x128xf32>
    %get3A_26 = arith.constant 0 : index
    %get3A_27 = arith.constant 0 : index
    %get3A_28 = vector.load %arg5[%get3A_26, %get3A_27] : memref<1000x1xi32, #tpu.memory_space<vmem>>, vector<1000x1xi32>
    %iota3A = tpu.iota {dimensions = array<i32: 1>} : vector<1000x64xi32>
    %eq3A_29 = vector.broadcast %get3A_28 : vector<1000x1xi32> to vector<1000x64xi32>
    %eq3A_30 = arith.cmpi eq, %eq3A_29, %iota3A : vector<1000x64xi32>
    %convert_element_type3A_31 = arith.extui %eq3A_30 : vector<1000x64xi1> to vector<1000x64xi32>
    %convert_element_type3A_32 = arith.sitofp %convert_element_type3A_31 : vector<1000x64xi32> to vector<1000x64xf32>
    %get3A_33 = arith.constant 0 : index
    %get3A_34 = arith.constant 0 : index
    %get3A_35 = vector.load %arg10[%get3A_33, %get3A_34] : memref<64x128xf32, #tpu.memory_space<vmem>>, vector<64x128xf32>
    %dot_general3A = arith.constant dense<0.000000e+00> : vector<64x128xf32>
    %dot_general3A_36 = tpu.matmul %convert_element_type3A_32, %max3A_25, %dot_general3A {dimension_numbers = #tpu.dot_dimension_numbers<[0], [0], [1], [1], [0, 1, 1, 1], [], []>, precision = #tpu.contract_precision<fp32>, transpose_lhs_hint = false} : vector<1000x64xf32>, vector<1000x128xf32>, vector<64x128xf32> -> vector<64x128xf32>
    %add3A_37 = arith.addf %get3A_35, %dot_general3A_36 : vector<64x128xf32>
    %swap3A = arith.constant 0 : index
    %swap3A_38 = arith.constant 0 : index
    %swap3A_39 = vector.load %arg10[%swap3A, %swap3A_38] : memref<64x128xf32, #tpu.memory_space<vmem>>, vector<64x128xf32>
    tpu.vector_store %arg10[%swap3A, %swap3A_38], %add3A_37 {strides = array<i32>} : memref<64x128xf32, #tpu.memory_space<vmem>>, vector<64x128xf32>,
    %get3A_40 = arith.constant 0 : index
    %get3A_41 = arith.constant 0 : index
    %get3A_42 = vector.load %arg11[%get3A_40, %get3A_41] : memref<64x128xf32, #tpu.memory_space<vmem>>, vector<64x128xf32>
    %broadcast_in_dim3A = arith.constant 1.000000e+00 : f32
    %broadcast_in_dim3A_43 = vector.broadcast %broadcast_in_dim3A : f32 to vector<1000x128xf32>
    %dot_general3A_44 = arith.constant dense<0.000000e+00> : vector<64x128xf32>
    %dot_general3A_45 = tpu.matmul %convert_element_type3A_32, %broadcast_in_dim3A_43, %dot_general3A_44 {dimension_numbers = #tpu.dot_dimension_numbers<[0], [0], [1], [1], [0, 1, 1, 1], [], []>, precision = #tpu.contract_precision<fp32>, transpose_lhs_hint = false} : vector<1000x64xf32>, vector<1000x128xf32>, vector<64x128xf32> -> vector<64x128xf32>
    %add3A_46 = arith.addf %get3A_42, %dot_general3A_45 : vector<64x128xf32>
    %swap3A_47 = arith.constant 0 : index
    %swap3A_48 = arith.constant 0 : index
    %swap3A_49 = vector.load %arg11[%swap3A_47, %swap3A_48] : memref<64x128xf32, #tpu.memory_space<vmem>>, vector<64x128xf32>
    tpu.vector_store %arg11[%swap3A_47, %swap3A_48], %add3A_46 {strides = array<i32>} : memref<64x128xf32, #tpu.memory_space<vmem>>, vector<64x128xf32>,
    %slice3A = vector.extract_strided_slice %get3A_28 {offsets = [0, 0], sizes = [1, 1], strides = [1, 1]} : vector<1000x1xi32> to vector<1x1xi32>
    %squeeze3A = vector.extract %slice3A[0, 0] : i32 from vector<1x1xi32>
    %slice3A_50 = vector.extract_strided_slice %get3A_28 {offsets = [999, 0], sizes = [1, 1], strides = [1, 1]} : vector<1000x1xi32> to vector<1x1xi32>
    %squeeze3A_51 = vector.extract %slice3A_50[0, 0] : i32 from vector<1x1xi32>
    %add3A_52 = arith.constant 1 : i32
    %add3A_53 = arith.addi %squeeze3A_51, %add3A_52 : i32
    %while3A = arith.constant 0 : i32
    %while3A_54 = arith.subi %add3A_53, %squeeze3A : i32
    %while3A_55 = arith.addi %squeeze3A, %while3A_54 : i32
    %while3A_56 = arith.constant 1 : i32
    %while3A_57 = arith.divsi %while3A_54, %while3A_56 : i32
    %while3A_58 = arith.muli %while3A_57, %while3A_56 : i32
    %while3A_59 = arith.addi %squeeze3A, %while3A_58 : i32
    %while3A_60 = arith.constant 1 : i32
    scf.for %while3A_67 = %squeeze3A to %while3A_59 step %while3A_60  : i32 {
      %eq3A_68 = vector.broadcast %while3A_67 : i32 to vector<1000x1xi32>
      %eq3A_69 = arith.cmpi eq, %get3A_28, %eq3A_68 : vector<1000x1xi32>
      %jit3A = arith.constant 0xFF800000 : f32
      %broadcast_in_dim3A_70 = vector.shape_cast %eq3A_69 : vector<1000x1xi1> to vector<1000x1xi1>
      %broadcast_in_dim3A_71 = vector.broadcast %broadcast_in_dim3A_70 : vector<1000x1xi1> to vector<1000x128xi1>
      %broadcast_in_dim3A_72 = vector.broadcast %jit3A : f32 to vector<1000x128xf32>
      %select_n3A = arith.select %broadcast_in_dim3A_71, %max3A_25, %broadcast_in_dim3A_72 : vector<1000x128xi1>, vector<1000x128xf32>
      %reduce_max3A = arith.constant dense<0xFF800000> : vector<128xf32>
      %reduce_max3A_73 = vector.multi_reduction <maximumf>, %select_n3A, %reduce_max3A [0] : vector<1000x128xf32> to vector<128xf32>
      %broadcast_in_dim3A_74 = vector.shape_cast %reduce_max3A_73 : vector<128xf32> to vector<1x128xf32>
      %get3A_75 = arith.index_cast %while3A_67 : i32 to index
      %get3A_76 = arith.constant 0 : index
      %get3A_77 = vector.load %arg9[%get3A_75, %get3A_76] : memref<64x128xf32, #tpu.memory_space<vmem>>, vector<1x128xf32>
      %max3A_78 = arith.maximumf %get3A_77, %broadcast_in_dim3A_74 : vector<1x128xf32>
      %swap3A_79 = arith.index_cast %while3A_67 : i32 to index
      %swap3A_80 = arith.constant 0 : index
      %swap3A_81 = vector.load %arg9[%swap3A_79, %swap3A_80] : memref<64x128xf32, #tpu.memory_space<vmem>>, vector<1x128xf32>
      tpu.vector_store %arg9[%swap3A_79, %swap3A_80], %max3A_78 {strides = array<i32>} : memref<64x128xf32, #tpu.memory_space<vmem>>, vector<1x128xf32>,
    }
    %while3A_61 = arith.constant 1 : i32
    scf.for %while3A_67 = %while3A_59 to %while3A_55 step %while3A_61  : i32 {
      %eq3A_68 = vector.broadcast %while3A_67 : i32 to vector<1000x1xi32>
      %eq3A_69 = arith.cmpi eq, %get3A_28, %eq3A_68 : vector<1000x1xi32>
      %jit3A = arith.constant 0xFF800000 : f32
      %broadcast_in_dim3A_70 = vector.shape_cast %eq3A_69 : vector<1000x1xi1> to vector<1000x1xi1>
      %broadcast_in_dim3A_71 = vector.broadcast %broadcast_in_dim3A_70 : vector<1000x1xi1> to vector<1000x128xi1>
      %broadcast_in_dim3A_72 = vector.broadcast %jit3A : f32 to vector<1000x128xf32>
      %select_n3A = arith.select %broadcast_in_dim3A_71, %max3A_25, %broadcast_in_dim3A_72 : vector<1000x128xi1>, vector<1000x128xf32>
      %reduce_max3A = arith.constant dense<0xFF800000> : vector<128xf32>
      %reduce_max3A_73 = vector.multi_reduction <maximumf>, %select_n3A, %reduce_max3A [0] : vector<1000x128xf32> to vector<128xf32>
      %broadcast_in_dim3A_74 = vector.shape_cast %reduce_max3A_73 : vector<128xf32> to vector<1x128xf32>
      %get3A_75 = arith.index_cast %while3A_67 : i32 to index
      %get3A_76 = arith.constant 0 : index
      %get3A_77 = vector.load %arg9[%get3A_75, %get3A_76] : memref<64x128xf32, #tpu.memory_space<vmem>>, vector<1x128xf32>
      %max3A_78 = arith.maximumf %get3A_77, %broadcast_in_dim3A_74 : vector<1x128xf32>
      %swap3A_79 = arith.index_cast %while3A_67 : i32 to index
      %swap3A_80 = arith.constant 0 : index
      %swap3A_81 = vector.load %arg9[%swap3A_79, %swap3A_80] : memref<64x128xf32, #tpu.memory_space<vmem>>, vector<1x128xf32>
      tpu.vector_store %arg9[%swap3A_79, %swap3A_80], %max3A_78 {strides = array<i32>} : memref<64x128xf32, #tpu.memory_space<vmem>>, vector<1x128xf32>,
    }
    %eq3A_62 = arith.constant 9 : i32
    %eq3A_63 = arith.cmpi eq, %arg0, %eq3A_62 : i32
    %convert_element_type3A_64 = arith.extui %eq3A_63 : i1 to i32
    %cond3A_65 = arith.constant 0 : i32
    %cond3A_66 = arith.cmpi ne, %convert_element_type3A_64, %cond3A_65 : i32
    scf.if %cond3A_66 {
      %get3A_67 = arith.constant 0 : index
      %get3A_68 = arith.constant 0 : index
      %get3A_69 = vector.load %arg11[%get3A_67, %get3A_68] : memref<64x128xf32, #tpu.memory_space<vmem>>, vector<64x128xf32>
      %gt3A = arith.constant 0.000000e+00 : f32
      %gt3A_70 = vector.broadcast %gt3A : f32 to vector<64x128xf32>
      %gt3A_71 = arith.cmpf ogt, %get3A_69, %gt3A_70 : vector<64x128xf32>
      %get3A_72 = arith.constant 0 : index
      %get3A_73 = arith.constant 0 : index
      %get3A_74 = vector.load %arg9[%get3A_72, %get3A_73] : memref<64x128xf32, #tpu.memory_space<vmem>>, vector<64x128xf32>
      %jit3A = arith.constant 0.000000e+00 : f32
      %broadcast_in_dim3A_75 = vector.broadcast %jit3A : f32 to vector<64x128xf32>
      %select_n3A = arith.select %gt3A_71, %get3A_74, %broadcast_in_dim3A_75 : vector<64x128xi1>, vector<64x128xf32>
      %get3A_76 = arith.constant 0 : index
      %get3A_77 = arith.constant 0 : index
      %get3A_78 = vector.load %arg10[%get3A_76, %get3A_77] : memref<64x128xf32, #tpu.memory_space<vmem>>, vector<64x128xf32>
      %max3A_79 = arith.constant 1.000000e+00 : f32
      %max3A_80 = vector.broadcast %max3A_79 : f32 to vector<64x128xf32>
      %max3A_81 = arith.maximumf %get3A_69, %max3A_80 : vector<64x128xf32>
      %div3A = arith.divf %get3A_78, %max3A_81 : vector<64x128xf32>
      %get3A_82 = arith.constant 0 : index
      %get3A_83 = arith.constant 0 : index
      %get3A_84 = vector.load %arg6[%get3A_82, %get3A_83] : memref<384x128xf32, #tpu.memory_space<vmem>>, vector<384x128xf32>
      %slice3A_85 = vector.extract_strided_slice %get3A_84 {offsets = [0, 0], sizes = [128, 128], strides = [1, 1]} : vector<384x128xf32> to vector<128x128xf32>
      %dot_general3A_86 = arith.constant dense<0.000000e+00> : vector<64x128xf32>
      %dot_general3A_87 = tpu.matmul %select_n3A, %slice3A_85, %dot_general3A_86 {dimension_numbers = #tpu.dot_dimension_numbers<[1], [0], [0], [1], [0, 0, 1, 1], [], []>, precision = #tpu.contract_precision<fp32>, transpose_lhs_hint = false} : vector<64x128xf32>, vector<128x128xf32>, vector<64x128xf32> -> vector<64x128xf32>
      %slice3A_88 = vector.extract_strided_slice %get3A_84 {offsets = [128, 0], sizes = [128, 128], strides = [1, 1]} : vector<384x128xf32> to vector<128x128xf32>
      %dot_general3A_89 = arith.constant dense<0.000000e+00> : vector<64x128xf32>
      %dot_general3A_90 = tpu.matmul %div3A, %slice3A_88, %dot_general3A_89 {dimension_numbers = #tpu.dot_dimension_numbers<[1], [0], [0], [1], [0, 0, 1, 1], [], []>, precision = #tpu.contract_precision<fp32>, transpose_lhs_hint = false} : vector<64x128xf32>, vector<128x128xf32>, vector<64x128xf32> -> vector<64x128xf32>
      %add3A_91 = arith.addf %dot_general3A_87, %dot_general3A_90 : vector<64x128xf32>
      %slice3A_92 = vector.extract_strided_slice %get3A_84 {offsets = [256, 0], sizes = [128, 128], strides = [1, 1]} : vector<384x128xf32> to vector<128x128xf32>
      %dot_general3A_93 = arith.constant dense<0.000000e+00> : vector<64x128xf32>
      %dot_general3A_94 = tpu.matmul %get3A_78, %slice3A_92, %dot_general3A_93 {dimension_numbers = #tpu.dot_dimension_numbers<[1], [0], [0], [1], [0, 0, 1, 1], [], []>, precision = #tpu.contract_precision<fp32>, transpose_lhs_hint = false} : vector<64x128xf32>, vector<128x128xf32>, vector<64x128xf32> -> vector<64x128xf32>
      %add3A_95 = arith.addf %add3A_91, %dot_general3A_94 : vector<64x128xf32>
      %get3A_96 = arith.constant 0 : index
      %get3A_97 = arith.constant 0 : index
      %get3A_98 = vector.load %arg7[%get3A_96, %get3A_97] : memref<1x128xf32, #tpu.memory_space<vmem>>, vector<1x128xf32>
      %add3A_99 = vector.broadcast %get3A_98 : vector<1x128xf32> to vector<64x128xf32>
      %add3A_100 = arith.addf %add3A_95, %add3A_99 : vector<64x128xf32>
      %swap3A_101 = arith.constant 0 : index
      %swap3A_102 = arith.constant 0 : index
      %swap3A_103 = vector.load %arg8[%swap3A_101, %swap3A_102] : memref<64x128xf32, #tpu.memory_space<vmem>>, vector<64x128xf32>
      tpu.vector_store %arg8[%swap3A_101, %swap3A_102], %add3A_100 {strides = array<i32>} : memref<64x128xf32, #tpu.memory_space<vmem>>, vector<64x128xf32>,
    } else {
    }
    return
  }
  func.func @transform_0(%arg0: i32) -> (i32, i32, i32) {
    %c0_i32 = arith.constant 0 : i32
    %c0_i32_0 = arith.constant 0 : i32
    %c0_i32_1 = arith.constant 0 : i32
    return %c0_i32, %arg0, %c0_i32_0 : i32, i32, i32
  }
  func.func @transform_1(%arg0: i32) -> (i32, i32) {
    %c0_i32 = arith.constant 0 : i32
    %c0_i32_0 = arith.constant 0 : i32
    return %arg0, %c0_i32 : i32, i32
  }
  func.func @transform_2(%arg0: i32) -> (i32, i32) {
    %c0_i32 = arith.constant 0 : i32
    %c0_i32_0 = arith.constant 0 : i32
    return %arg0, %c0_i32 : i32, i32
  }
  func.func @transform_3(%arg0: i32) -> (i32, i32) {
    %c0_i32 = arith.constant 0 : i32
    %c0_i32_0 = arith.constant 0 : i32
    %c0_i32_1 = arith.constant 0 : i32
    return %c0_i32, %c0_i32_0 : i32, i32
  }
  func.func @transform_4(%arg0: i32) -> (i32, i32) {
    %c0_i32 = arith.constant 0 : i32
    %c0_i32_0 = arith.constant 0 : i32
    return %arg0, %c0_i32 : i32, i32
  }
  func.func @transform_5(%arg0: i32) -> (i32, i32) {
    %c0_i32 = arith.constant 0 : i32
    %c0_i32_0 = arith.constant 0 : i32
    %c0_i32_1 = arith.constant 0 : i32
    return %c0_i32, %c0_i32_0 : i32, i32
  }
  func.func @transform_6(%arg0: i32) -> (i32, i32) {
    %c0_i32 = arith.constant 0 : i32
    %c0_i32_0 = arith.constant 0 : i32
    %c0_i32_1 = arith.constant 0 : i32
    return %c0_i32, %c0_i32_0 : i32, i32
  }
  func.func @transform_7(%arg0: i32) -> (i32, i32) {
    %c0_i32 = arith.constant 0 : i32
    %c0_i32_0 = arith.constant 0 : i32
    %c0_i32_1 = arith.constant 0 : i32
    return %c0_i32, %c0_i32_0 : i32, i32
  }
}

</mosaic_0001>

<sc_bundles>
// kernel: gather_offload_async_start
scs
__scs_entry_jumppad:
0x0: {  	(pc) =	sbr.rel $0x88, $3  }
0x1: {  	(tag) =	ssettag $0x0;
	lr =	simm.s32 $0x1  }
0x2: {  	[smem:$0x3F96] =	sst lr;
	_ =	strace $0xD0000000  }
0x3: {  	_ = 	snop  }
0x4: {  	_ = 	snop  }
0x5: {  	_ = 	snop  }
0x6: {  	_ = 	snop  }
0x7: {  	_ = 	snop  }
__scs_overlays_trampoline_lowered:
0x8: {  	[smem:$0x3FA5] =	sst s0  }
0x9: {  	[smem:$0x3FA6] =	sst s1  }
0xa: {  	[smem:$0x3FA7] =	sst s2  }
0xb: {  	[smem:$0x3FA8] =	sst s3  }
0xc: {  	[smem:$0x3FA9] =	sst s4  }
0xd: {  	[smem:$0x3FAA] =	sst s5  }
0xe: {  	[smem:$0x3FAB] =	sst s6  }
0xf: {  	[smem:$0x3FAC] =	sst s7  }
0x10: {  	[smem:$0x3FAD] =	sst s8  }
0x11: {  	[smem:$0x3FAE] =	sst s9;
	s0 =	simm.s32 @!p0 $0x0  }
0x12: {  	s1 =	sld [smem:$0x3F94];
	s0 =	simm.s32 @p0 $0x1  }
0x13: {  	[smem:$0x3FAF] =	sst s0;
	s0 =	simm.s32 @!p1 $0x0  }
0x14: {  	s2 =	sld [smem:$0x3F93];
	s0 =	simm.s32 @p1 $0x1  }
0x15: {  	[smem:$0x3FB0] =	sst s0;
	s0 =	simm.s32 @!p2 $0x0  }
0x16: {  	s3 =	sld [smem:$0x3FDB];
	s0 =	simm.s32 @p2 $0x1  }
0x17: {  	s4 =	simm.s32 $0x1BF5;
	[smem:$0x3FB2] =	sst s0  }
0x18: {  	s0 =	sld [smem:$0x3F95];
	_ =	swait.ge [sflag:s4], $0x0  }
0x19: {  	s7 =	sld [smem:$0x3F96]  }
0x1a: {  	s8 =	sadd.s32 $0xFFFFE003, lr  }
0x1b: {  	s9 =	sadd.s32 $0xFFFFFEF7, lr;
	s5 =	simm.s32 $0xFFFFFFFF;
	p2 =	slt.u32 s8, $0xFFFFF086  }
0x1c: {  	p1 =	slt.u32 s9, $0xF7A;
	s5 =	simm.s32 @!p2 $0x0  }
0x1d: {  	s5 =	simm.s32 @p1 $0x1;
	p0 =	seq.s32 s7, s2  }
0x1e: {  	s7 =	smul.u32 @!p0 $0xF7A, s2;
	p2 =	seq.s32 @!p0 s5, $0x0  }
0x1f: {  	s9 =	smul.u32 $0xF7A, s1;
	s8 =	simm.s32 @!p0 $0x1BF5;
	p2 =	por !p2, p0  }
0x20: {  	[sflag:s8] =	ssyncset.s32 @!p0 $0xFFFFF086;
	s6 =	sadd.s32 @!p0 s3, s7;
	s7 =	simm.s32 @!p0 $0x108  }
0x21: {  	s3 =	sadd.s32 s3, s9;
	s6 =	sadd.s32 @!p0 $0x88, s6;
	s7 =	simm.s32 @p2 $0x1082  }
0x22: {  	[simem:s7], [sflag:s8] =	dma.local @!p0 [hbm:s6], $0xF7A  }
0x23: {  	s9 =	sor.u32 $0xD0000000, s2;
	s6 =	simm.s32 $0x108;
	_ =	swait.ge @!p0 [sflag:s8], $0x0  }
0x24: {  	s3 =	sadd.s32 $0x88, s3;
	s6 =	simm.s32 @!p1 $0x1082;
	[sflag:s4] =	ssyncset.s32 $0xFFFFF086  }
0x25: {  	[simem:s6], [sflag:s4] =	dma.local [hbm:s3], $0xF7A  }
0x26: {  	[smem:$0x3F96] =	sst s1;
	(tag) =	ssettag s2;
	_ =	strace s9  }
0x27: {  	s1 =	sld [smem:$0x3FA6]  }
0x28: {  	s2 =	sld [smem:$0x3FA7]  }
0x29: {  	s4 =	sld [smem:$0x3FA9]  }
0x2a: {  	p0 =	seq.s32 s5, $0x0;
	s5 =	sld [smem:$0x3FAA]  }
0x2b: {  	s6 =	sld [smem:$0x3FAB]  }
0x2c: {  	s7 =	sld [smem:$0x3FAC]  }
0x2d: {  	s3 =	simm.s32 $0x108;
	s8 =	sld [smem:$0x3FAD]  }
0x2e: {  	s3 =	simm.s32 @!p0 $0x1082;
	s9 =	sld [smem:$0x3FAE]  }
0x2f: {  	lr =	sadd.s32 s0, s3;
	s0 =	sld [smem:$0x3FA5]  }
0x30: {  	s3 =	sld [smem:$0x3FA8]  }
0x31: {  	[smem:$0x3FB1] =	sst s10  }
0x32: {  	s10 =	sld [smem:$0x3FAF];
	_ =	sdelay $0x3  }
0x33: {  	p0 =	seq.s32 s10, $0x1;
	s10 =	sld [smem:$0x3FB1];
	_ =	sdelay $0x3  }
0x34: {  	[smem:$0x3FB1] =	sst s10  }
0x35: {  	s10 =	sld [smem:$0x3FB0];
	_ =	sdelay $0x3  }
0x36: {  	p1 =	seq.s32 s10, $0x1;
	s10 =	sld [smem:$0x3FB1];
	_ =	sdelay $0x3  }
0x37: {  	[smem:$0x3FB1] =	sst s10  }
0x38: {  	s10 =	sld [smem:$0x3FB2]  }
0x39: {  	_ = 	snop;
	(pc) =	sbr.ind lr, $3  }
0x3a: {  	_ = 	snop  }
0x3b: {  	_ = 	snop  }
0x3c: {  	p2 =	seq.s32 s10, $0x1;
	s10 =	sld [smem:$0x3FB1]  }
0x3d: {  	_ =	shalt  }
0x3e: {  	_ =	shalt  }
0x3f: {  	_ =	shalt  }
0x40: {  	_ =	shalt  }
0x41: {  	_ =	shalt  }
0x42: {  	_ =	shalt  }
0x43: {  	_ =	shalt  }
0x44: {  	_ =	shalt  }
0x45: {  	_ =	shalt  }
0x46: {  	_ =	shalt  }
0x47: {  	_ =	shalt  }
0x48: {  	_ =	shalt  }
0x49: {  	_ =	shalt  }
0x4a: {  	_ =	shalt  }
0x4b: {  	_ =	shalt  }
0x4c: {  	_ =	shalt  }
0x4d: {  	_ =	shalt  }
0x4e: {  	_ =	shalt  }
0x4f: {  	_ =	shalt  }
0x50: {  	_ =	shalt  }
0x51: {  	_ =	shalt  }
0x52: {  	_ =	shalt  }
0x53: {  	_ =	shalt  }
0x54: {  	_ =	shalt  }
0x55: {  	_ =	shalt  }
0x56: {  	_ =	shalt  }
0x57: {  	_ =	shalt  }
0x58: {  	_ =	shalt  }
0x59: {  	_ =	shalt  }
0x5a: {  	_ =	shalt  }
0x5b: {  	_ =	shalt  }
0x5c: {  	_ =	shalt  }
0x5d: {  	_ =	shalt  }
0x5e: {  	_ =	shalt  }
0x5f: {  	_ =	shalt  }
0x60: {  	_ =	shalt  }
0x61: {  	_ =	shalt  }
0x62: {  	_ =	shalt  }
0x63: {  	_ =	shalt  }
0x64: {  	_ =	shalt  }
0x65: {  	_ =	shalt  }
0x66: {  	_ =	shalt  }
0x67: {  	_ =	shalt  }
0x68: {  	_ =	shalt  }
0x69: {  	_ =	shalt  }
0x6a: {  	_ =	shalt  }
0x6b: {  	_ =	shalt  }
0x6c: {  	_ =	shalt  }
0x6d: {  	_ =	shalt  }
0x6e: {  	_ =	shalt  }
0x6f: {  	_ =	shalt  }
0x70: {  	_ =	shalt  }
0x71: {  	_ =	shalt  }
0x72: {  	_ =	shalt  }
0x73: {  	_ =	shalt  }
0x74: {  	_ =	shalt  }
0x75: {  	_ =	shalt  }
0x76: {  	_ =	shalt  }
0x77: {  	_ =	shalt  }
0x78: {  	_ =	shalt  }
0x79: {  	_ =	shalt  }
0x7a: {  	_ =	shalt  }
0x7b: {  	_ =	shalt  }
0x7c: {  	_ =	shalt  }
0x7d: {  	_ =	shalt  }
0x7e: {  	_ =	shalt  }
0x7f: {  	_ =	shalt  }
0x80: {  	_ =	shalt  }
0x81: {  	_ =	shalt  }
0x82: {  	_ =	shalt  }
0x83: {  	_ =	shalt  }
0x84: {  	_ =	shalt  }
0x85: {  	_ =	shalt  }
0x86: {  	_ =	shalt  }
0x87: {  	_ =	shalt  }
.Lfunc_end0:
.L_simem_size_0:
called_computation_lowered:
.L_overlay_start_0:
0x88: {  	s2 =	sld [smem:$0x3FD9]  }
0x89: {  	s3 =	sld [smem:$0x3FFE];
	_ =	sdelay $0x1  }
0x8a: {  	s1 =	srdreg.scid  }
0x8b: {  	s0 =	sand.u32 $0x1, s1  }
0x8c: {  	s16 =	sshll.u32 s0, $0xA;
	s2 =	sadd.s32 s3, s2  }
0x8d: {  	s2 =	sadd.s32 s2, s16  }
0x8e: {  	[smem:$0x3FBD] =	sst s2  }
0x8f: {  	_ = 	snop  }
0x90: {  	(tm) =	ssettm $0x1  }
0x91: {  	s17 =	sld [smem:$0x3FFB];
	_ =	sdelay $0x3  }
0x92: {  	_ =	strace s17  }
0x93: {  	s2 =	sld [smem:$0x3FFC];
	_ =	sdelay $0x3  }
0x94: {  	_ =	strace s2  }
0x95: {  	s2 =	sld [smem:$0x3FFD];
	_ =	sdelay $0x3  }
0x96: {  	_ =	strace s2  }
0x97: {  	_ =	strace $0x8FFFFFFF  }
0x98: {  	s18 =	sld [smem:$0x3FDB];
	_ =	sdelay $0x1  }
0x99: {  	s19 =	simm.s32 $_scs_section_size  }
0x9a: {  	s4 =	simm.s32 $_size__tile_overlayer_lowered;
	s5 =	simm.s32 $_tile_overlayer_lowered  }
0x9b: {  	s22 =	simm.s32 $0x1BFF;
	s21 =	sshll.u32 s5, $0x1;
	s2 =	sadd.s32 s19, s18  }
0x9c: {  	s6 =	simm.s32 $0x0;
	s20 =	sshll.u32 s4, $0x1;
	s4 =	sadd.s32 s21, s2  }
0x9d: {  	[timem:s6], [sflag:s22] =	dma.local [hbm:s4], s20  }
0x9e: {  	_ =	swait.ge [sflag:s22], s20  }
0x9f: {  	s3 =	ssub.s32 $0x0, s20;
	[sflag:s22] =	ssyncset.done $0x0  }
0xa0: {  	[sflag:s22] =	ssyncadd.s32 s3;
	_ =	sdelay $0x1  }
0xa1: {  	s23 =	simm.s32 $0x1B8B  }
0xa2: {  	_ =	swait.ge [sflag:s23], $0x1  }
0xa3: {  	[sflag:s23] =	ssyncset.done $0x0  }
0xa4: {  	s25 =	simm.s32 $0x1B8E;
	s24 =	sld [smem:$0x3FFE];
	[sflag:s23] =	ssyncadd.s32 $0xFFFFFFFF  }
0xa5: {  	s26 =	simm.s32 $execute0_lowered;
	[smem:$0x3FD2] =	sst s25  }
0xa6: {  	s4 =	sshll.u32 s26, $0x1;
	_ =	strace $0x80000046;
	[dreg:$0x1] =	wrdreg $0xFFFFFFFF  }
0xa7: {  	s28 =	simm.s32 $_size_execute0_lowered;
	s2 =	sadd.s32 s2, s4;
	[dreg:$0x0] =	wrdreg $0x0  }
0xa8: {  	s4 =	sshll.u32 s28, $0x1;
	[dreg:$0x2] =	wrdreg s2  }
0xa9: {  	[dreg:$0x3] =	wrdreg s4  }
0xaa: {  	[dreg:$0x4] =	wrdreg $0xC0  }
0xab: {  	_ =	task [dreg:s6], $0x5FFFF  }
0xac: {  	[dreg:$0x1] =	wrdreg $0xFFFFFFFF  }
0xad: {  	[dreg:$0x0] =	wrdreg $0x60  }
0xae: {  	[dreg:$0x2] =	wrdreg s24  }
0xaf: {  	[dreg:$0x3] =	wrdreg $0x9  }
0xb0: {  	_ =	task.clear_ibuf [dreg:s6], $0x4FFFF;
	_ =	strace $0x90000046  }
0xb1: {  	s29 =	simm.s32 $0x9;
	_ =	strace $0x80000048  }
0xb2: {  	_ =	swait.ge [sflag:s29], $0x1  }
0xb3: {  	[sflag:s29] =	ssyncadd.s32 $0xFFFFFFFF  }
0xb4: {  	_ =	strace $0x90000048  }
0xb5: {  	_ =	sfence  }
0xb6: {  	s30 =	sld [smem:$0x0];
	_ =	sdelay $0x2  }
0xb7: {  	s31 =	sshll.u32 s1, $0xD;
	s1 =	sshrl.u32 s1, $0x2  }
0xb8: {  	s3 =	sand.u32 $0x4000, s31;
	s1 =	sadd.s32 s1, s30  }
0xb9: {  	s0 =	sor.u32 s3, s0;
	s1 =	sshll.u32 s1, $0x11  }
0xba: {  	s0 =	sor.u32 s1, s0  }
0xbb: {  	s0 =	sadd.s32 $0x8F2B, s0  }
0xbc: {  	[sflag:s0] =	ssyncadd.remote.s32 $0x1  }
0xbd: {  	_ =	sfence.sel $0xFFFF  }
0xbe: {  	[dreg:$0x0] =	wrdreg $0xFFFFFFFF;
	(pc) =	sbr.abs _section_cstart, $3  }
0xbf: {  	[dreg:$0x1] =	wrdreg $0xFFFFFFFF  }
0xc0: {  	_ =	task.clear_ibuf [dreg:s6], $0x2FFFF;
	_ =	strace $0x9FFFFFFF  }
0xc1: {  	(tm) =	ssettm $0x7FFFFFFF  }
tec
execute0_lowered:
.L_overlay_start_1:
0x0: {  	(tag) =	ssettag $0x1  }
0x1: {  	s0 =	srdreg.scid  }
0x2: {  	s1 =	sshll.u32 s0, $0x4  }
0x3: {  	s0 =	stileid.u32;
	s1 =	sand.u32 $0x10, s1  }
0x4: {  	s1 =	sor.u32 s0, s1  }
0x5: {  	s9 =	rddreg [dreg:$0x0];
	s6 =	simm.s32 $0x1;
	s2 =	smin.u32 s1, $0x8  }
0x6: {  	p0 =	slt.u32 s1, $0x8;
	s2 =	sadd.s32 s1, s2;
	s1 =	simm.s32 $0x80  }
0x7: {  	s7 =	simm.s32 $0x2;
	s2 =	sshll.u32 s2, $0x6;
	s1 =	simm.s32 @!p0 $0x40  }
0x8: {  	s10 =	simm.s32 $0x3;
	s13 =	simm.s32 $0x0;
	s3 =	sadd.s32 s1, s2  }
0x9: {  	s12 =	simm.s32 $0x0;
	s4 =	sadd.s32 $0x3E00, s9;
	s3 =	smin.u32 s3, $0xA00  }
.Ltmp0:
0xa: {  	s5 =	sadd.s32 $0x3C00, s9;
	s8 =	ssub.s32 s3, s2;
	(pc) =	sbr.rel .LBB2_1-.Ltmp0, $4  }
0xb: {  	s1 =	rddreg [dreg:$0x1];
	_ =	strace $0x80000047;
	p0 =	sgt.s32 s8, $0x0  }
0xc: {  	s9 =	sadd.s32 $0xDE00, s9;
	[sflag:s6] =	ssyncpa.u1 $0x0;
	s8 =	simm.s32 @!p0 $0x0  }
0xd: {  	s11 =	smov.u32 s2;
	[sflag:s7] =	ssyncpa.u1 $0x0;
	s8 =	sshrl.u32 s8, $0x6  }
0xe: {  	vm0 =	vmmov $0xff;
	vm1 =	vcmask $0x3F20;
	[sflag:s10] =	ssyncpa.u1 $0x0;
	p0 =	por $0x0, $0x0;
	s10 =	sadd.s32 $0x1, s8  }
.LBB2_6:
0xf: {  	[hbm:s17] =	stream.linear.scatter [tilespmem:s14], [sflag:$0x3], $0x400, $0x38;
	[tilespmem:$0x4080] =	vst v63  }
.LBB2_7:
0x10: {  	s13 =	sadd.s32 $0x40, s11  }
0x11: {  	s15 =	smov.u32 s2;
	p2 =	slt.s32 s13, s3  }
0x12: {  	s15 =	smov.u32 @p2 s13;
	p2 =	sne.s32 s12, s10  }
.Ltmp1:
0x13: {  	p1 =	slt.u32 s12, $0x2;
	(pc) =	sbr.rel @!p2 .LBB2_8-.Ltmp1, $4  }
0x14: {  	s14 =	simm.s32 @!p1 $0x3  }
0x15: {  	s16 =	sadd.s32 $0x1, s12;
	_ =	swait.ge @!p1 [sflag:s14], $0x2000  }
0x16: {  	p0 =	por !p0, !p0;
	s13 =	smov.u32 s11;
	[sflag:s14] =	ssyncset.done @!p1 $0x0  }
0x17: {  	s12 =	smov.u32 s16;
	s11 =	smov.u32 s15;
	[sflag:s14] =	ssyncadd.s32 @!p1 $0xFFFFE000  }
.LBB2_1:
0x18: {  	p1 =	sge.u32 s12, s8  }
0x19: {  	s14 =	sxor.u32 @!p1 $0xFFFFFFFF, s12  }
0x1a: {  	s31 =	sadd.s32 $0xFFFFFFFF, s12;
	s15 =	sshrl.u32 @!p1 s11, $0x3;
	s14 =	sshll.u32 @!p1 s14, $0x6  }
0x1b: {  	s16 =	sand.u32 @!p1 $0x7, s11;
	s15 =	sadd.s32 @!p1 s5, s15;
	s14 =	sand.u32 @!p1 $0x40, s14  }
0x1c: {  	[tilespmem:s14], [sflag:$0x2] =	stream.linear.gather @!p1 [hbm4b:s15+s16], $0x40, $0x38;
	[tilespmem:$0x4080] =	vst v63  }
0x1d: {  	p1 =	sge.u32 s31, s8  }
.Ltmp2:
0x1e: {  	_ = 	snop;
	(pc) =	sbr.rel @p1 .LBB2_7-.Ltmp2, $1  }
0x1f: {  	_ =	sdelay $0x3  }
0x20: {  	s14 =	simm.s32 $0x1  }
0x21: {  	_ =	swait.ge [sflag:s7], $0x40;
	s14 =	simm.s32 @!p0 $0x0  }
0x22: {  	[sflag:s7] =	ssyncset.done $0x0;
	s16 =	sshll.u32 s14, $0x6  }
0x23: {  	[sflag:s7] =	ssyncadd.s32 $0xFFFFFFC0;
	s15 =	sadd.s32 $0x0, s16  }
0x24: {  	v0 =	vld.msk [tilespmem:s15+$0x0 ss:$0x1], $0xffff;
	_ =	sdelay $0x4  }
0x25: {  	vm2 =	vgt.s32 v0, $0x0  }
0x26: {  	v0 =	vnsel vm2, $0x0, v0  }
0x27: {  	v0 =	vmin.u32 v0, $0x9FF  }
0x28: {  	v0 =	vshll.u32 v0, $0x4;
	_ =	sdelay $0x2  }
0x29: {  	s14 =	sshll.u32 s14, $0xD  }
0x2a: {  	s14 =	sor.u32 $0x80, s14  }
0x2b: {  	[tilespmem:s14], [sflag:$0x1] =	stream.indirect_vreg.gather [hbm:s4], $0x80, v0, vm0, $0x38;
	[tilespmem:$0x4080] =	vst v63  }
0x2c: {  	s17 =	sadd.s32 $0x10, s16;
	s15 =	sadd.s32 $0x400, s14  }
0x2d: {  	[tilespmem:s15], [sflag:$0x1] =	stream.indirect_vreg.gather [hbm:s4], $0x80, v0, vm1, $0x38;
	[tilespmem:$0x4080] =	vst v63  }
0x2e: {  	s18 =	simm.s32 $0x80;
	v0 =	vld.msk [tilespmem:s17+$0x0 ss:$0x1], $0xffff;
	s17 =	smov.u32 s14  }
.LBB2_3:
0x2f: {  	p1 =	sne.s32 s18, $0xC0;
	_ =	sdelay $0x4  }
0x30: {  	vm2 =	vgt.s32 v0, $0x0  }
0x31: {  	v0 =	vnsel vm2, $0x0, v0  }
0x32: {  	v0 =	vmin.u32 v0, $0x9FF  }
0x33: {  	v0 =	vshll.u32 v0, $0x4;
	_ =	sdelay $0x3  }
.Ltmp3:
0x34: {  	s19 =	sshra.s32 s18, $0x2;
	s17 =	sadd.s32 $0x800, s17;
	(pc) =	sbr.rel @p1 .LBB2_3-.Ltmp3, $4  }
0x35: {  	[tilespmem:s17], [sflag:$0x1] =	stream.indirect_vreg.gather [hbm:s4], $0x80, v0, vm0, $0x38;
	[tilespmem:$0x4080] =	vst v63  }
0x36: {  	s19 =	sadd.s32 s19, s16;
	s20 =	sadd.s32 $0x400, s17  }
0x37: {  	[tilespmem:s20], [sflag:$0x1] =	stream.indirect_vreg.gather [hbm:s4], $0x80, v0, vm1, $0x38;
	[tilespmem:$0x4080] =	vst v63  }
0x38: {  	s18 =	sadd.s32 $0x40, s18;
	v0 =	vld.msk [tilespmem:s19+$0x0 ss:$0x1], $0xffff  }
0x39: {  	_ =	sdelay $0x3  }
0x3a: {  	vm2 =	vgt.s32 v0, $0x0  }
0x3b: {  	v0 =	vnsel vm2, $0x0, v0  }
0x3c: {  	v0 =	vmin.u32 v0, $0x9FF  }
0x3d: {  	v0 =	vshll.u32 v0, $0x4;
	_ =	sdelay $0x3  }
0x3e: {  	s16 =	sadd.s32 $0x800, s17  }
0x3f: {  	[tilespmem:s16], [sflag:$0x1] =	stream.indirect_vreg.gather [hbm:s4], $0x80, v0, vm0, $0x38;
	[tilespmem:$0x4080] =	vst v63  }
0x40: {  	s16 =	sadd.s32 $0x400, s16  }
0x41: {  	[tilespmem:s16], [sflag:$0x1] =	stream.indirect_vreg.gather [hbm:s4], $0x80, v0, vm1, $0x38;
	[tilespmem:$0x4080] =	vst v63  }
0x42: {  	s13 =	sshll.u32 s13, $0x4;
	_ =	swait.ge [sflag:s6], $0x2000  }
0x43: {  	s13 =	sadd.s32 s13, s9;
	[sflag:s6] =	ssyncset.done $0x0  }
0x44: {  	s17 =	sadd.s32 $0x0, s13;
	s16 =	simm.s32 $0x80;
	[sflag:s6] =	ssyncadd.s32 $0xFFFFE000  }
.LBB2_5:
0x45: {  	[hbm:s17] =	stream.linear.scatter [tilespmem:s14], [sflag:$0x3], $0x400, $0x38;
	[tilespmem:$0x4080] =	vst v63  }
0x46: {  	s17 =	smov.u32 s16;
	s14 =	smov.u32 s15;
	p1 =	sne.s32 s16, $0x380  }
.Ltmp4:
0x47: {  	s16 =	sadd.s32 $0x80, s16;
	(pc) =	sbr.rel @p1 .LBB2_5-.Ltmp4, $2  }
0x48: {  	_ =	sdelay $0x2  }
0x49: {  	s15 =	sadd.s32 $0x400, s15;
	s17 =	sadd.s32 s17, s13  }
.Ltmp5:
0x4a: {  	_ = 	snop;
	(pc) =	sbr.rel .LBB2_6-.Ltmp5, $1  }
0x4b: {  	_ =	sdelay $0x3  }
.LBB2_8:
0x4c: {  	_ =	sfence.sel $0x180000  }
0x4d: {  	s2 =	simm.s32 $0x2;
	[bflag:$0x0] =	sbarrier.arrive $0xFFFF  }
0x4e: {  	s30 =	simm.s32 $0x3;
	[sflag:s2] =	ssyncpa.u1 $0x1  }
0x4f: {  	s31 =	simm.s32 $0x1;
	[sflag:s30] =	ssyncpa.u1 $0x1  }
0x50: {  	[sflag:s31] =	ssyncpa.u1 $0x1  }
0x51: {  	p0 =	sne.s32 s0, $0x0;
	_ =	strace $0x90000047  }
0x52: {  	s0 =	sadd.s32 @!p0 $0x100000, s1;
	[bflag:$0x2] =	sbarrier.arrive $0xFFFF  }
0x53: {  	[sflag:s0] =	ssyncadd.tile.s32 @!p0 $0x1;
	_ =	shalt  }
.Lfunc_end2:
_tile_overlayer_lowered:
.L_overlay_start_2:
0x54: {  	(tag) =	ssettag $0x2  }
0x55: {  	s0 =	rddreg [dreg:$0x0];
	s2 =	stileid.u32  }
0x56: {  	s1 =	rddreg [dreg:$0x1];
	p0 =	sne.s32 s2, $0x0  }
0x57: {  	s3 =	rddreg [dreg:$0x2];
	[bflag:$0x3] =	sbarrier.arrive $0xFFFF;
	s2 =	simm.s32 @!p0 $0x1C01  }
0x58: {  	[timem:s3], [sflag:s2] =	dma.local @!p0 [hbm:s0], s1  }
0x59: {  	s0 =	simm.s32 @!p0 $0x1  }
0x5a: {  	_ =	swait.ge @!p0 [sflag:s0], s1  }
0x5b: {  	s1 =	ssub.s32 @!p0 $0x0, s1;
	[sflag:s0] =	ssyncset.done @!p0 $0x0  }
0x5c: {  	[sflag:s0] =	ssyncadd.s32 @!p0 s1  }
0x5d: {  	[bflag:$0x3] =	sbarrier.arrive $0xFFFF  }
0x5e: {  	_ =	shalt  }

// kernel: kernel.11.cloned.1.call-start
scs
__scs_entry_jumppad:
0x0: {  	(pc) =	sbr.rel $0x88, $3  }
0x1: {  	(tag) =	ssettag $0x0;
	lr =	simm.s32 $0x1  }
0x2: {  	[smem:$0x3F96] =	sst lr;
	_ =	strace $0xD0000000  }
0x3: {  	_ = 	snop  }
0x4: {  	_ = 	snop  }
0x5: {  	_ = 	snop  }
0x6: {  	_ = 	snop  }
0x7: {  	_ = 	snop  }
__scs_overlays_trampoline_lowered:
0x8: {  	[smem:$0x3FA5] =	sst s0  }
0x9: {  	[smem:$0x3FA6] =	sst s1  }
0xa: {  	[smem:$0x3FA7] =	sst s2  }
0xb: {  	[smem:$0x3FA8] =	sst s3  }
0xc: {  	[smem:$0x3FA9] =	sst s4  }
0xd: {  	[smem:$0x3FAA] =	sst s5  }
0xe: {  	[smem:$0x3FAB] =	sst s6  }
0xf: {  	[smem:$0x3FAC] =	sst s7  }
0x10: {  	[smem:$0x3FAD] =	sst s8  }
0x11: {  	[smem:$0x3FAE] =	sst s9;
	s0 =	simm.s32 @!p0 $0x0  }
0x12: {  	s1 =	sld [smem:$0x3F94];
	s0 =	simm.s32 @p0 $0x1  }
0x13: {  	[smem:$0x3FAF] =	sst s0;
	s0 =	simm.s32 @!p1 $0x0  }
0x14: {  	s2 =	sld [smem:$0x3F93];
	s0 =	simm.s32 @p1 $0x1  }
0x15: {  	[smem:$0x3FB0] =	sst s0;
	s0 =	simm.s32 @!p2 $0x0  }
0x16: {  	s3 =	sld [smem:$0x3FDB];
	s0 =	simm.s32 @p2 $0x1  }
0x17: {  	s4 =	simm.s32 $0x1BF5;
	[smem:$0x3FB2] =	sst s0  }
0x18: {  	s0 =	sld [smem:$0x3F95];
	_ =	swait.ge [sflag:s4], $0x0  }
0x19: {  	s7 =	sld [smem:$0x3F96]  }
0x1a: {  	s8 =	sadd.s32 $0xFFFFE003, lr  }
0x1b: {  	s9 =	sadd.s32 $0xFFFFFEF7, lr;
	s5 =	simm.s32 $0xFFFFFFFF;
	p2 =	slt.u32 s8, $0xFFFFF086  }
0x1c: {  	p1 =	slt.u32 s9, $0xF7A;
	s5 =	simm.s32 @!p2 $0x0  }
0x1d: {  	s5 =	simm.s32 @p1 $0x1;
	p0 =	seq.s32 s7, s2  }
0x1e: {  	s7 =	smul.u32 @!p0 $0xF7A, s2;
	p2 =	seq.s32 @!p0 s5, $0x0  }
0x1f: {  	s9 =	smul.u32 $0xF7A, s1;
	s8 =	simm.s32 @!p0 $0x1BF5;
	p2 =	por !p2, p0  }
0x20: {  	[sflag:s8] =	ssyncset.s32 @!p0 $0xFFFFF086;
	s6 =	sadd.s32 @!p0 s3, s7;
	s7 =	simm.s32 @!p0 $0x108  }
0x21: {  	s3 =	sadd.s32 s3, s9;
	s6 =	sadd.s32 @!p0 $0x88, s6;
	s7 =	simm.s32 @p2 $0x1082  }
0x22: {  	[simem:s7], [sflag:s8] =	dma.local @!p0 [hbm:s6], $0xF7A  }
0x23: {  	s9 =	sor.u32 $0xD0000000, s2;
	s6 =	simm.s32 $0x108;
	_ =	swait.ge @!p0 [sflag:s8], $0x0  }
0x24: {  	s3 =	sadd.s32 $0x88, s3;
	s6 =	simm.s32 @!p1 $0x1082;
	[sflag:s4] =	ssyncset.s32 $0xFFFFF086  }
0x25: {  	[simem:s6], [sflag:s4] =	dma.local [hbm:s3], $0xF7A  }
0x26: {  	[smem:$0x3F96] =	sst s1;
	(tag) =	ssettag s2;
	_ =	strace s9  }
0x27: {  	s1 =	sld [smem:$0x3FA6]  }
0x28: {  	s2 =	sld [smem:$0x3FA7]  }
0x29: {  	s4 =	sld [smem:$0x3FA9]  }
0x2a: {  	p0 =	seq.s32 s5, $0x0;
	s5 =	sld [smem:$0x3FAA]  }
0x2b: {  	s6 =	sld [smem:$0x3FAB]  }
0x2c: {  	s7 =	sld [smem:$0x3FAC]  }
0x2d: {  	s3 =	simm.s32 $0x108;
	s8 =	sld [smem:$0x3FAD]  }
0x2e: {  	s3 =	simm.s32 @!p0 $0x1082;
	s9 =	sld [smem:$0x3FAE]  }
0x2f: {  	lr =	sadd.s32 s0, s3;
	s0 =	sld [smem:$0x3FA5]  }
0x30: {  	s3 =	sld [smem:$0x3FA8]  }
0x31: {  	[smem:$0x3FB1] =	sst s10  }
0x32: {  	s10 =	sld [smem:$0x3FAF];
	_ =	sdelay $0x3  }
0x33: {  	p0 =	seq.s32 s10, $0x1;
	s10 =	sld [smem:$0x3FB1];
	_ =	sdelay $0x3  }
0x34: {  	[smem:$0x3FB1] =	sst s10  }
0x35: {  	s10 =	sld [smem:$0x3FB0];
	_ =	sdelay $0x3  }
0x36: {  	p1 =	seq.s32 s10, $0x1;
	s10 =	sld [smem:$0x3FB1];
	_ =	sdelay $0x3  }
0x37: {  	[smem:$0x3FB1] =	sst s10  }
0x38: {  	s10 =	sld [smem:$0x3FB2]  }
0x39: {  	_ = 	snop;
	(pc) =	sbr.ind lr, $3  }
0x3a: {  	_ = 	snop  }
0x3b: {  	_ = 	snop  }
0x3c: {  	p2 =	seq.s32 s10, $0x1;
	s10 =	sld [smem:$0x3FB1]  }
0x3d: {  	_ =	shalt  }
0x3e: {  	_ =	shalt  }
0x3f: {  	_ =	shalt  }
0x40: {  	_ =	shalt  }
0x41: {  	_ =	shalt  }
0x42: {  	_ =	shalt  }
0x43: {  	_ =	shalt  }
0x44: {  	_ =	shalt  }
0x45: {  	_ =	shalt  }
0x46: {  	_ =	shalt  }
0x47: {  	_ =	shalt  }
0x48: {  	_ =	shalt  }
0x49: {  	_ =	shalt  }
0x4a: {  	_ =	shalt  }
0x4b: {  	_ =	shalt  }
0x4c: {  	_ =	shalt  }
0x4d: {  	_ =	shalt  }
0x4e: {  	_ =	shalt  }
0x4f: {  	_ =	shalt  }
0x50: {  	_ =	shalt  }
0x51: {  	_ =	shalt  }
0x52: {  	_ =	shalt  }
0x53: {  	_ =	shalt  }
0x54: {  	_ =	shalt  }
0x55: {  	_ =	shalt  }
0x56: {  	_ =	shalt  }
0x57: {  	_ =	shalt  }
0x58: {  	_ =	shalt  }
0x59: {  	_ =	shalt  }
0x5a: {  	_ =	shalt  }
0x5b: {  	_ =	shalt  }
0x5c: {  	_ =	shalt  }
0x5d: {  	_ =	shalt  }
0x5e: {  	_ =	shalt  }
0x5f: {  	_ =	shalt  }
0x60: {  	_ =	shalt  }
0x61: {  	_ =	shalt  }
0x62: {  	_ =	shalt  }
0x63: {  	_ =	shalt  }
0x64: {  	_ =	shalt  }
0x65: {  	_ =	shalt  }
0x66: {  	_ =	shalt  }
0x67: {  	_ =	shalt  }
0x68: {  	_ =	shalt  }
0x69: {  	_ =	shalt  }
0x6a: {  	_ =	shalt  }
0x6b: {  	_ =	shalt  }
0x6c: {  	_ =	shalt  }
0x6d: {  	_ =	shalt  }
0x6e: {  	_ =	shalt  }
0x6f: {  	_ =	shalt  }
0x70: {  	_ =	shalt  }
0x71: {  	_ =	shalt  }
0x72: {  	_ =	shalt  }
0x73: {  	_ =	shalt  }
0x74: {  	_ =	shalt  }
0x75: {  	_ =	shalt  }
0x76: {  	_ =	shalt  }
0x77: {  	_ =	shalt  }
0x78: {  	_ =	shalt  }
0x79: {  	_ =	shalt  }
0x7a: {  	_ =	shalt  }
0x7b: {  	_ =	shalt  }
0x7c: {  	_ =	shalt  }
0x7d: {  	_ =	shalt  }
0x7e: {  	_ =	shalt  }
0x7f: {  	_ =	shalt  }
0x80: {  	_ =	shalt  }
0x81: {  	_ =	shalt  }
0x82: {  	_ =	shalt  }
0x83: {  	_ =	shalt  }
0x84: {  	_ =	shalt  }
0x85: {  	_ =	shalt  }
0x86: {  	_ =	shalt  }
0x87: {  	_ =	shalt  }
.Lfunc_end0:
.L_simem_size_0:
called_computation.1_lowered:
.L_overlay_start_0:
0x88: {  	s2 =	sld [smem:$0x3FD9]  }
0x89: {  	s3 =	sld [smem:$0x3FFE];
	_ =	sdelay $0x1  }
0x8a: {  	s1 =	srdreg.scid  }
0x8b: {  	s0 =	sand.u32 $0x1, s1  }
0x8c: {  	s16 =	sshll.u32 s0, $0xA;
	s2 =	sadd.s32 s3, s2  }
0x8d: {  	s2 =	sadd.s32 s2, s16  }
0x8e: {  	[smem:$0x3FBD] =	sst s2  }
0x8f: {  	_ = 	snop  }
0x90: {  	(tm) =	ssettm $0x1  }
0x91: {  	s17 =	sld [smem:$0x3FFB];
	_ =	sdelay $0x3  }
0x92: {  	_ =	strace s17  }
0x93: {  	s2 =	sld [smem:$0x3FFC];
	_ =	sdelay $0x3  }
0x94: {  	_ =	strace s2  }
0x95: {  	s2 =	sld [smem:$0x3FFD];
	_ =	sdelay $0x3  }
0x96: {  	_ =	strace s2  }
0x97: {  	_ =	strace $0x8FFFFFFF  }
0x98: {  	s18 =	sld [smem:$0x3FDB];
	_ =	sdelay $0x1  }
0x99: {  	s19 =	simm.s32 $_scs_section_size  }
0x9a: {  	s4 =	simm.s32 $_size__tile_overlayer_lowered;
	s5 =	simm.s32 $_tile_overlayer_lowered  }
0x9b: {  	s22 =	simm.s32 $0x1BFF;
	s21 =	sshll.u32 s5, $0x1;
	s2 =	sadd.s32 s19, s18  }
0x9c: {  	s6 =	simm.s32 $0x0;
	s20 =	sshll.u32 s4, $0x1;
	s4 =	sadd.s32 s21, s2  }
0x9d: {  	[timem:s6], [sflag:s22] =	dma.local [hbm:s4], s20  }
0x9e: {  	_ =	swait.ge [sflag:s22], s20  }
0x9f: {  	s3 =	ssub.s32 $0x0, s20;
	[sflag:s22] =	ssyncset.done $0x0  }
0xa0: {  	[sflag:s22] =	ssyncadd.s32 s3;
	_ =	sdelay $0x1  }
0xa1: {  	s23 =	simm.s32 $0x1B8B  }
0xa2: {  	_ =	swait.ge [sflag:s23], $0x1  }
0xa3: {  	[sflag:s23] =	ssyncset.done $0x0  }
0xa4: {  	s25 =	simm.s32 $0x1B8E;
	s24 =	sld [smem:$0x3FFE];
	[sflag:s23] =	ssyncadd.s32 $0xFFFFFFFF  }
0xa5: {  	s26 =	simm.s32 $execute0_lowered;
	[smem:$0x3FD2] =	sst s25  }
0xa6: {  	s4 =	sshll.u32 s26, $0x1;
	_ =	strace $0x80000049;
	[dreg:$0x1] =	wrdreg $0xFFFFFFFF  }
0xa7: {  	s28 =	simm.s32 $_size_execute0_lowered;
	s2 =	sadd.s32 s2, s4;
	[dreg:$0x0] =	wrdreg $0x0  }
0xa8: {  	s4 =	sshll.u32 s28, $0x1;
	[dreg:$0x2] =	wrdreg s2  }
0xa9: {  	[dreg:$0x3] =	wrdreg s4  }
0xaa: {  	[dreg:$0x4] =	wrdreg $0xC0  }
0xab: {  	_ =	task [dreg:s6], $0x5FFFF  }
0xac: {  	[dreg:$0x1] =	wrdreg $0xFFFFFFFF  }
0xad: {  	[dreg:$0x0] =	wrdreg $0x60  }
0xae: {  	[dreg:$0x2] =	wrdreg s24  }
0xaf: {  	[dreg:$0x3] =	wrdreg $0x68800  }
0xb0: {  	[dreg:$0x4] =	wrdreg $0x9  }
0xb1: {  	_ =	task.clear_ibuf [dreg:s6], $0x5FFFF;
	_ =	strace $0x90000049  }
0xb2: {  	s29 =	simm.s32 $0x9;
	_ =	strace $0x8000004B  }
0xb3: {  	_ =	swait.ge [sflag:s29], $0x1  }
0xb4: {  	[sflag:s29] =	ssyncadd.s32 $0xFFFFFFFF  }
0xb5: {  	_ =	strace $0x9000004B  }
0xb6: {  	_ =	sfence  }
0xb7: {  	s30 =	sld [smem:$0x0];
	_ =	sdelay $0x2  }
0xb8: {  	s31 =	sshll.u32 s1, $0xD;
	s1 =	sshrl.u32 s1, $0x2  }
0xb9: {  	s3 =	sand.u32 $0x4000, s31;
	s1 =	sadd.s32 s1, s30  }
0xba: {  	s0 =	sor.u32 s3, s0;
	s1 =	sshll.u32 s1, $0x11  }
0xbb: {  	s0 =	sor.u32 s1, s0  }
0xbc: {  	s0 =	sadd.s32 $0x8F2B, s0  }
0xbd: {  	[sflag:s0] =	ssyncadd.remote.s32 $0x1  }
0xbe: {  	_ =	sfence.sel $0xFFFF  }
0xbf: {  	[dreg:$0x0] =	wrdreg $0xFFFFFFFF;
	(pc) =	sbr.abs _section_cstart, $3  }
0xc0: {  	[dreg:$0x1] =	wrdreg $0xFFFFFFFF  }
0xc1: {  	_ =	task.clear_ibuf [dreg:s6], $0x2FFFF;
	_ =	strace $0x9FFFFFFF  }
0xc2: {  	(tm) =	ssettm $0x7FFFFFFF  }
0xc3: {  	_ =	shalt  }
tec
execute0_lowered:
.L_overlay_start_1:
0x0: {  	(tag) =	ssettag $0x1  }
0x1: {  	s6 =	rddreg [dreg:$0x0]  }
0x2: {  	s1 =	srdreg.scid;
	s0 =	stileid.u32  }
0x3: {  	s2 =	rddreg [dreg:$0x1];
	s3 =	simm.s32 $0x0;
	s17 =	simm.s32 $0x80  }
0x4: {  	s18 =	simm.s32 $0x2800;
	s21 =	simm.s32 $0x0;
	s7 =	sand.u32 $0x1, s1  }
0x5: {  	s4 =	sshll.u32 s0, $0x1;
	s1 =	rddreg [dreg:$0x2];
	s9 =	smul.u32 $0x4E000, s0  }
0x6: {  	[smem:$0x7FF] =	sst s3;
	s5 =	sadd.s32 $0x3C00, s6;
	s12 =	smul.u32 $0x13800, s0  }
0x7: {  	s13 =	sadd.s32 $0x17E00, s6;
	s16 =	sadd.s32 $0x138000, s2;
	s19 =	sadd.s32 $0x124800, s2  }
0x8: {  	p0 =	sne.s32 s0, $0xF;
	s31 =	sshll.u32 s0, $0x6;
	p1 =	seq.s32 s0, $0xF  }
0x9: {  	s4 =	sor.u32 s7, s4;
	_ =	strace $0x8000004A;
	s10 =	ssub.s32 $0x2, s7  }
0xa: {  	s7 =	smul.u32 $0x138800, s7;
	s16 =	sshrl.u32 @!p0 s16, $0x3;
	s19 =	sshrl.u32 @p1 s19, $0x3  }
0xb: {  	s4 =	smul.u32 $0x500, s4;
	s11 =	sshrl.u32 s10, $0x1;
	s9 =	sshrl.u32 s9, $0x2  }
0xc: {  	s10 =	ssub.s32 s10, s11;
	s20 =	sadd.s32 s9, s2;
	s26 =	sadd.s32 s12, s7  }
0xd: {  	s29 =	sshrl.u32 s7, $0x3;
	s11 =	simm.s32 $0x1;
	s12 =	sor.u32 $0x1C01, s31  }
0xe: {  	s8 =	sadd.s32 s4, s6;
	s4 =	sadd.s32 $0x4A00, s6;
	s14 =	sadd.s32 $0x6800, s20  }
0xf: {  	s15 =	sadd.s32 $0xD000, s20;
	s28 =	sshrl.u32 s26, $0x3;
	s30 =	sadd.s32 s13, s29  }
0x10: {  	s9 =	smax.u32 s10, $0x1;
	s10 =	simm.s32 $0x2880;
	s6 =	sadd.s32 $0xDE00, s8  }
0x11: {  	s7 =	sadd.s32 s13, s28;
	s8 =	sadd.s32 $0x24900, s30;
	s13 =	sshrl.u32 s20, $0x3  }
0x12: {  	s14 =	sshrl.u32 s14, $0x3;
	s15 =	sshrl.u32 s15, $0x3;
	s20 =	sshrl.u32 @!p1 s20, $0x3  }
.LBB2_1:
0x13: {  	[tilespmem:s10], [sflag:$0x1] =	stream.linear.gather [hbm4b:s4+s3], $0x4000, $0x38;
	[tilespmem:$0x1A100] =	vst v63  }
0x14: {  	_ =	swait.ge [sflag:s11], $0x4000  }
0x15: {  	[sflag:s11] =	ssyncset.done $0x0  }
0x16: {  	[sflag:s11] =	ssyncadd.s32 $0xFFFFC000  }
0x17: {  	[spmem:s13], [sflag:s12] =	dma.local [hbm:s5], $0xD00  }
0x18: {  	_ =	swait.ge [sflag:s11], $0xD00  }
0x19: {  	[sflag:s11] =	ssyncset.done $0x0  }
0x1a: {  	[sflag:s11] =	ssyncadd.s32 $0xFFFFF300  }
0x1b: {  	[spmem:s14], [sflag:s12] =	dma.local [hbm:s5], $0xD00  }
0x1c: {  	_ =	swait.ge [sflag:s11], $0xD00  }
0x1d: {  	[sflag:s11] =	ssyncset.done $0x0  }
0x1e: {  	[sflag:s11] =	ssyncadd.s32 $0xFFFFF300  }
0x1f: {  	[spmem:s15], [sflag:s12] =	dma.local [hbm:s5], $0xD00  }
0x20: {  	_ =	swait.ge [sflag:s11], $0xD00  }
0x21: {  	[sflag:s11] =	ssyncset.done $0x0  }
0x22: {  	s22 =	simm.s32 @!p0 $0x1;
	[sflag:s11] =	ssyncadd.s32 $0xFFFFF300  }
0x23: {  	[spmem:s16], [sflag:s12] =	dma.local @!p0 [hbm:s5], $0x100  }
0x24: {  	_ =	swait.ge @!p0 [sflag:s22], $0x100  }
0x25: {  	[sflag:s22] =	ssyncset.done @!p0 $0x0  }
0x26: {  	[sflag:s22] =	ssyncadd.s32 @!p0 $0xFFFFFF00  }
0x27: {  	[tilespmem:s3], [sflag:$0x1] =	stream.linear.gather [hbm4b:s6+s3], $0x2800, $0x38;
	[tilespmem:$0x1A100] =	vst v63  }
0x28: {  	_ =	swait.ge [sflag:s11], $0x2800  }
0x29: {  	[sflag:s11] =	ssyncset.done $0x0  }
0x2a: {  	[sflag:s11] =	ssyncadd.s32 $0xFFFFD800  }
0x2b: {  	s31 =	simm.s32 $0x0;
	[bflag:$0x0] =	sbarrier.arrive $0xFFFF  }
0x2c: {  	v0 =	vld [tilespmem:s31+$0x0];
	_ =	sdelay $0x4  }
0x2d: {  	v0 =	vshrl.u32 v0, $0x10  }
0x2e: {  	[tilespmem:$0x2800] =	vst v0  }
0x2f: {  	v0 =	vld [tilespmem:s31+$0x10];
	_ =	sdelay $0x4  }
0x30: {  	v0 =	vshrl.u32 v0, $0x10  }
0x31: {  	[tilespmem:$0x2810] =	vst v0  }
0x32: {  	v0 =	vld [tilespmem:s31+$0x20];
	_ =	sdelay $0x4  }
0x33: {  	v0 =	vshrl.u32 v0, $0x10  }
0x34: {  	[tilespmem:$0x2820] =	vst v0  }
0x35: {  	v0 =	vld [tilespmem:s31+$0x30];
	_ =	sdelay $0x4  }
0x36: {  	v0 =	vshrl.u32 v0, $0x10  }
0x37: {  	[tilespmem:$0x2830] =	vst v0  }
0x38: {  	v0 =	vld [tilespmem:s31+$0x40];
	_ =	sdelay $0x4  }
0x39: {  	v0 =	vshrl.u32 v0, $0x10  }
0x3a: {  	[tilespmem:$0x2840] =	vst v0  }
0x3b: {  	v0 =	vld [tilespmem:s31+$0x50];
	_ =	sdelay $0x4  }
0x3c: {  	v0 =	vshrl.u32 v0, $0x10  }
0x3d: {  	[tilespmem:$0x2850] =	vst v0  }
0x3e: {  	v0 =	vld [tilespmem:s31+$0x60];
	_ =	sdelay $0x4  }
0x3f: {  	v0 =	vshrl.u32 v0, $0x10  }
0x40: {  	[tilespmem:$0x2860] =	vst v0  }
0x41: {  	v0 =	vld [tilespmem:s31+$0x70];
	_ =	sdelay $0x4  }
0x42: {  	v0 =	vshrl.u32 v0, $0x10  }
0x43: {  	[tilespmem:$0x2870] =	vst v0  }
0x44: {  	[spmem:s2] =	stream.indirect.scatter.add.f32 [tilespmem:s10], [sflag:$0x1], $0x80, s18, s17, $0xb8;
	[tilespmem:$0x1A100] =	vst v63  }
0x45: {  	_ =	swait.ge [sflag:s11], $0x4000  }
0x46: {  	s25 =	simm.s32 $0x400;
	s22 =	simm.s32 $0x200;
	[sflag:s11] =	ssyncset.done $0x0  }
.LBB2_2:
0x47: {  	s24 =	sshra.s32 s22, $0x2  }
0x48: {  	[sflag:s11] =	ssyncadd.s32 $0xFFFFC000;
	s22 =	smov.u32 s25;
	s23 =	sadd.s32 $0x200, s25  }
0x49: {  	p2 =	sne.s32 s25, $0x9E00;
	v0 =	vld [tilespmem:s24+$0x0];
	_ =	sdelay $0x4  }
0x4a: {  	v0 =	vshrl.u32 v0, $0x10  }
0x4b: {  	[tilespmem:$0x2800] =	vst v0  }
0x4c: {  	v0 =	vld [tilespmem:s24+$0x10];
	_ =	sdelay $0x4  }
0x4d: {  	v0 =	vshrl.u32 v0, $0x10  }
0x4e: {  	[tilespmem:$0x2810] =	vst v0  }
0x4f: {  	v0 =	vld [tilespmem:s24+$0x20];
	_ =	sdelay $0x4  }
0x50: {  	v0 =	vshrl.u32 v0, $0x10  }
0x51: {  	[tilespmem:$0x2820] =	vst v0  }
0x52: {  	v0 =	vld [tilespmem:s24+$0x30];
	_ =	sdelay $0x4  }
0x53: {  	v0 =	vshrl.u32 v0, $0x10  }
0x54: {  	[tilespmem:$0x2830] =	vst v0  }
0x55: {  	v0 =	vld [tilespmem:s24+$0x40];
	_ =	sdelay $0x4  }
0x56: {  	v0 =	vshrl.u32 v0, $0x10  }
0x57: {  	[tilespmem:$0x2840] =	vst v0  }
0x58: {  	v0 =	vld [tilespmem:s24+$0x50];
	_ =	sdelay $0x4  }
0x59: {  	v0 =	vshrl.u32 v0, $0x10  }
0x5a: {  	[tilespmem:$0x2850] =	vst v0  }
0x5b: {  	v0 =	vld [tilespmem:s24+$0x60];
	_ =	sdelay $0x4  }
0x5c: {  	v0 =	vshrl.u32 v0, $0x10  }
0x5d: {  	[tilespmem:$0x2860] =	vst v0  }
0x5e: {  	v0 =	vld [tilespmem:s24+$0x70];
	_ =	sdelay $0x4  }
.Ltmp0:
0x5f: {  	v0 =	vshrl.u32 v0, $0x10;
	(pc) =	sbr.rel @p2 .LBB2_2-.Ltmp0, $4  }
0x60: {  	[tilespmem:$0x2870] =	vst v0  }
0x61: {  	[spmem:s2] =	stream.indirect.scatter.add.f32 [tilespmem:s10], [sflag:$0x1], $0x80, s18, s17, $0xb8;
	[tilespmem:$0x1A100] =	vst v63  }
0x62: {  	_ =	swait.ge [sflag:s11], $0x4000  }
0x63: {  	s25 =	smov.u32 s23;
	[sflag:s11] =	ssyncset.done $0x0  }
0x64: {  	s22 =	sshra.s32 s22, $0x2;
	[sflag:s11] =	ssyncadd.s32 $0xFFFFC000  }
0x65: {  	v0 =	vld [tilespmem:s22+$0x0];
	_ =	sdelay $0x4  }
0x66: {  	v0 =	vshrl.u32 v0, $0x10  }
0x67: {  	[tilespmem:$0x2800] =	vst v0  }
0x68: {  	v0 =	vld [tilespmem:s22+$0x10];
	_ =	sdelay $0x4  }
0x69: {  	v0 =	vshrl.u32 v0, $0x10  }
0x6a: {  	[tilespmem:$0x2810] =	vst v0  }
0x6b: {  	v0 =	vld [tilespmem:s22+$0x20];
	_ =	sdelay $0x4  }
0x6c: {  	v0 =	vshrl.u32 v0, $0x10  }
0x6d: {  	[tilespmem:$0x2820] =	vst v0  }
0x6e: {  	v0 =	vld [tilespmem:s22+$0x30];
	_ =	sdelay $0x4  }
0x6f: {  	v0 =	vshrl.u32 v0, $0x10  }
0x70: {  	[tilespmem:$0x2830] =	vst v0  }
0x71: {  	v0 =	vld [tilespmem:s22+$0x40];
	_ =	sdelay $0x4  }
0x72: {  	v0 =	vshrl.u32 v0, $0x10  }
0x73: {  	[tilespmem:$0x2840] =	vst v0  }
0x74: {  	v0 =	vld [tilespmem:s22+$0x50];
	_ =	sdelay $0x4  }
0x75: {  	v0 =	vshrl.u32 v0, $0x10  }
0x76: {  	[tilespmem:$0x2850] =	vst v0  }
0x77: {  	v0 =	vld [tilespmem:s22+$0x60];
	_ =	sdelay $0x4  }
0x78: {  	v0 =	vshrl.u32 v0, $0x10  }
0x79: {  	[tilespmem:$0x2860] =	vst v0  }
0x7a: {  	v0 =	vld [tilespmem:s22+$0x70];
	_ =	sdelay $0x4  }
0x7b: {  	v0 =	vshrl.u32 v0, $0x10  }
0x7c: {  	[tilespmem:$0x2870] =	vst v0  }
0x7d: {  	[spmem:s2] =	stream.indirect.scatter.add.f32 [tilespmem:s10], [sflag:$0x1], $0x80, s18, s17, $0xb8;
	[tilespmem:$0x1A100] =	vst v63  }
0x7e: {  	_ =	swait.ge [sflag:s11], $0x4000  }
0x7f: {  	[sflag:s11] =	ssyncset.done $0x0  }
0x80: {  	[sflag:s11] =	ssyncadd.s32 $0xFFFFC000  }
0x81: {  	s22 =	simm.s32 @p1 $0x1;
	[bflag:$0x0] =	sbarrier.arrive $0xFFFF  }
0x82: {  	[hbm:s8], [sflag:s12] =	dma.local @p1 [spmem:s19], $0x2800  }
0x83: {  	s21 =	sadd.s32 $0x1, s21;
	_ =	swait.ge @p1 [sflag:s22], $0x2800  }
0x84: {  	p2 =	sne.s32 s21, s9;
	[sflag:s22] =	ssyncset.done @p1 $0x0  }
.Ltmp1:
0x85: {  	[sflag:s22] =	ssyncadd.s32 @p1 $0xFFFFD800;
	s22 =	simm.s32 @!p1 $0x1;
	(pc) =	sbr.rel @p2 .LBB2_1-.Ltmp1, $4  }
0x86: {  	[hbm:s7], [sflag:s12] =	dma.local @!p1 [spmem:s20], $0x2700  }
0x87: {  	_ =	swait.ge @!p1 [sflag:s22], $0x2700  }
0x88: {  	[sflag:s22] =	ssyncset.done @!p1 $0x0  }
0x89: {  	[sflag:s22] =	ssyncadd.s32 @!p1 $0xFFFFD900  }
0x8a: {  	_ =	sfence.sel $0x180000  }
0x8b: {  	[bflag:$0x0] =	sbarrier.arrive $0xFFFF  }
0x8c: {  	p0 =	sne.s32 s0, $0x0;
	_ =	strace $0x9000004A  }
0x8d: {  	s0 =	sadd.s32 @!p0 $0x100000, s1;
	[bflag:$0x2] =	sbarrier.arrive $0xFFFF  }
0x8e: {  	[sflag:s0] =	ssyncadd.tile.s32 @!p0 $0x1;
	_ =	shalt  }
.Lfunc_end2:
_tile_overlayer_lowered:
.L_overlay_start_2:
0x8f: {  	(tag) =	ssettag $0x2  }
0x90: {  	s0 =	rddreg [dreg:$0x0];
	s2 =	stileid.u32  }
0x91: {  	s1 =	rddreg [dreg:$0x1];
	p0 =	sne.s32 s2, $0x0  }
0x92: {  	s3 =	rddreg [dreg:$0x2];
	[bflag:$0x3] =	sbarrier.arrive $0xFFFF;
	s2 =	simm.s32 @!p0 $0x1C01  }
0x93: {  	[timem:s3], [sflag:s2] =	dma.local @!p0 [hbm:s0], s1  }
0x94: {  	s0 =	simm.s32 @!p0 $0x1  }
0x95: {  	_ =	swait.ge @!p0 [sflag:s0], s1  }
0x96: {  	s1 =	ssub.s32 @!p0 $0x0, s1;
	[sflag:s0] =	ssyncset.done @!p0 $0x0  }
0x97: {  	[sflag:s0] =	ssyncadd.s32 @!p0 s1  }
0x98: {  	[bflag:$0x3] =	sbarrier.arrive $0xFFFF  }
0x99: {  	_ =	shalt  }

// kernel: kernel.14.cloned.1.call-start
scs
__scs_entry_jumppad:
0x0: {  	(pc) =	sbr.rel $0x88, $3  }
0x1: {  	(tag) =	ssettag $0x0;
	lr =	simm.s32 $0x1  }
0x2: {  	[smem:$0x3F96] =	sst lr;
	_ =	strace $0xD0000000  }
0x3: {  	_ = 	snop  }
0x4: {  	_ = 	snop  }
0x5: {  	_ = 	snop  }
0x6: {  	_ = 	snop  }
0x7: {  	_ = 	snop  }
__scs_overlays_trampoline_lowered:
0x8: {  	[smem:$0x3FA5] =	sst s0  }
0x9: {  	[smem:$0x3FA6] =	sst s1  }
0xa: {  	[smem:$0x3FA7] =	sst s2  }
0xb: {  	[smem:$0x3FA8] =	sst s3  }
0xc: {  	[smem:$0x3FA9] =	sst s4  }
0xd: {  	[smem:$0x3FAA] =	sst s5  }
0xe: {  	[smem:$0x3FAB] =	sst s6  }
0xf: {  	[smem:$0x3FAC] =	sst s7  }
0x10: {  	[smem:$0x3FAD] =	sst s8  }
0x11: {  	[smem:$0x3FAE] =	sst s9;
	s0 =	simm.s32 @!p0 $0x0  }
0x12: {  	s1 =	sld [smem:$0x3F94];
	s0 =	simm.s32 @p0 $0x1  }
0x13: {  	[smem:$0x3FAF] =	sst s0;
	s0 =	simm.s32 @!p1 $0x0  }
0x14: {  	s2 =	sld [smem:$0x3F93];
	s0 =	simm.s32 @p1 $0x1  }
0x15: {  	[smem:$0x3FB0] =	sst s0;
	s0 =	simm.s32 @!p2 $0x0  }
0x16: {  	s3 =	sld [smem:$0x3FDB];
	s0 =	simm.s32 @p2 $0x1  }
0x17: {  	s4 =	simm.s32 $0x1BF5;
	[smem:$0x3FB2] =	sst s0  }
0x18: {  	s0 =	sld [smem:$0x3F95];
	_ =	swait.ge [sflag:s4], $0x0  }
0x19: {  	s7 =	sld [smem:$0x3F96]  }
0x1a: {  	s8 =	sadd.s32 $0xFFFFE003, lr  }
0x1b: {  	s9 =	sadd.s32 $0xFFFFFEF7, lr;
	s5 =	simm.s32 $0xFFFFFFFF;
	p2 =	slt.u32 s8, $0xFFFFF086  }
0x1c: {  	p1 =	slt.u32 s9, $0xF7A;
	s5 =	simm.s32 @!p2 $0x0  }
0x1d: {  	s5 =	simm.s32 @p1 $0x1;
	p0 =	seq.s32 s7, s2  }
0x1e: {  	s7 =	smul.u32 @!p0 $0xF7A, s2;
	p2 =	seq.s32 @!p0 s5, $0x0  }
0x1f: {  	s9 =	smul.u32 $0xF7A, s1;
	s8 =	simm.s32 @!p0 $0x1BF5;
	p2 =	por !p2, p0  }
0x20: {  	[sflag:s8] =	ssyncset.s32 @!p0 $0xFFFFF086;
	s6 =	sadd.s32 @!p0 s3, s7;
	s7 =	simm.s32 @!p0 $0x108  }
0x21: {  	s3 =	sadd.s32 s3, s9;
	s6 =	sadd.s32 @!p0 $0x88, s6;
	s7 =	simm.s32 @p2 $0x1082  }
0x22: {  	[simem:s7], [sflag:s8] =	dma.local @!p0 [hbm:s6], $0xF7A  }
0x23: {  	s9 =	sor.u32 $0xD0000000, s2;
	s6 =	simm.s32 $0x108;
	_ =	swait.ge @!p0 [sflag:s8], $0x0  }
0x24: {  	s3 =	sadd.s32 $0x88, s3;
	s6 =	simm.s32 @!p1 $0x1082;
	[sflag:s4] =	ssyncset.s32 $0xFFFFF086  }
0x25: {  	[simem:s6], [sflag:s4] =	dma.local [hbm:s3], $0xF7A  }
0x26: {  	[smem:$0x3F96] =	sst s1;
	(tag) =	ssettag s2;
	_ =	strace s9  }
0x27: {  	s1 =	sld [smem:$0x3FA6]  }
0x28: {  	s2 =	sld [smem:$0x3FA7]  }
0x29: {  	s4 =	sld [smem:$0x3FA9]  }
0x2a: {  	p0 =	seq.s32 s5, $0x0;
	s5 =	sld [smem:$0x3FAA]  }
0x2b: {  	s6 =	sld [smem:$0x3FAB]  }
0x2c: {  	s7 =	sld [smem:$0x3FAC]  }
0x2d: {  	s3 =	simm.s32 $0x108;
	s8 =	sld [smem:$0x3FAD]  }
0x2e: {  	s3 =	simm.s32 @!p0 $0x1082;
	s9 =	sld [smem:$0x3FAE]  }
0x2f: {  	lr =	sadd.s32 s0, s3;
	s0 =	sld [smem:$0x3FA5]  }
0x30: {  	s3 =	sld [smem:$0x3FA8]  }
0x31: {  	[smem:$0x3FB1] =	sst s10  }
0x32: {  	s10 =	sld [smem:$0x3FAF];
	_ =	sdelay $0x3  }
0x33: {  	p0 =	seq.s32 s10, $0x1;
	s10 =	sld [smem:$0x3FB1];
	_ =	sdelay $0x3  }
0x34: {  	[smem:$0x3FB1] =	sst s10  }
0x35: {  	s10 =	sld [smem:$0x3FB0];
	_ =	sdelay $0x3  }
0x36: {  	p1 =	seq.s32 s10, $0x1;
	s10 =	sld [smem:$0x3FB1];
	_ =	sdelay $0x3  }
0x37: {  	[smem:$0x3FB1] =	sst s10  }
0x38: {  	s10 =	sld [smem:$0x3FB2]  }
0x39: {  	_ = 	snop;
	(pc) =	sbr.ind lr, $3  }
0x3a: {  	_ = 	snop  }
0x3b: {  	_ = 	snop  }
0x3c: {  	p2 =	seq.s32 s10, $0x1;
	s10 =	sld [smem:$0x3FB1]  }
0x3d: {  	_ =	shalt  }
0x3e: {  	_ =	shalt  }
0x3f: {  	_ =	shalt  }
0x40: {  	_ =	shalt  }
0x41: {  	_ =	shalt  }
0x42: {  	_ =	shalt  }
0x43: {  	_ =	shalt  }
0x44: {  	_ =	shalt  }
0x45: {  	_ =	shalt  }
0x46: {  	_ =	shalt  }
0x47: {  	_ =	shalt  }
0x48: {  	_ =	shalt  }
0x49: {  	_ =	shalt  }
0x4a: {  	_ =	shalt  }
0x4b: {  	_ =	shalt  }
0x4c: {  	_ =	shalt  }
0x4d: {  	_ =	shalt  }
0x4e: {  	_ =	shalt  }
0x4f: {  	_ =	shalt  }
0x50: {  	_ =	shalt  }
0x51: {  	_ =	shalt  }
0x52: {  	_ =	shalt  }
0x53: {  	_ =	shalt  }
0x54: {  	_ =	shalt  }
0x55: {  	_ =	shalt  }
0x56: {  	_ =	shalt  }
0x57: {  	_ =	shalt  }
0x58: {  	_ =	shalt  }
0x59: {  	_ =	shalt  }
0x5a: {  	_ =	shalt  }
0x5b: {  	_ =	shalt  }
0x5c: {  	_ =	shalt  }
0x5d: {  	_ =	shalt  }
0x5e: {  	_ =	shalt  }
0x5f: {  	_ =	shalt  }
0x60: {  	_ =	shalt  }
0x61: {  	_ =	shalt  }
0x62: {  	_ =	shalt  }
0x63: {  	_ =	shalt  }
0x64: {  	_ =	shalt  }
0x65: {  	_ =	shalt  }
0x66: {  	_ =	shalt  }
0x67: {  	_ =	shalt  }
0x68: {  	_ =	shalt  }
0x69: {  	_ =	shalt  }
0x6a: {  	_ =	shalt  }
0x6b: {  	_ =	shalt  }
0x6c: {  	_ =	shalt  }
0x6d: {  	_ =	shalt  }
0x6e: {  	_ =	shalt  }
0x6f: {  	_ =	shalt  }
0x70: {  	_ =	shalt  }
0x71: {  	_ =	shalt  }
0x72: {  	_ =	shalt  }
0x73: {  	_ =	shalt  }
0x74: {  	_ =	shalt  }
0x75: {  	_ =	shalt  }
0x76: {  	_ =	shalt  }
0x77: {  	_ =	shalt  }
0x78: {  	_ =	shalt  }
0x79: {  	_ =	shalt  }
0x7a: {  	_ =	shalt  }
0x7b: {  	_ =	shalt  }
0x7c: {  	_ =	shalt  }
0x7d: {  	_ =	shalt  }
0x7e: {  	_ =	shalt  }
0x7f: {  	_ =	shalt  }
0x80: {  	_ =	shalt  }
0x81: {  	_ =	shalt  }
0x82: {  	_ =	shalt  }
0x83: {  	_ =	shalt  }
0x84: {  	_ =	shalt  }
0x85: {  	_ =	shalt  }
0x86: {  	_ =	shalt  }
0x87: {  	_ =	shalt  }
.Lfunc_end0:
.L_simem_size_0:
called_computation.2_lowered:
.L_overlay_start_0:
0x88: {  	s2 =	sld [smem:$0x3FD9]  }
0x89: {  	s3 =	sld [smem:$0x3FFE];
	_ =	sdelay $0x1  }
0x8a: {  	s1 =	srdreg.scid  }
0x8b: {  	s0 =	sand.u32 $0x1, s1  }
0x8c: {  	s16 =	sshll.u32 s0, $0xA;
	s2 =	sadd.s32 s3, s2  }
0x8d: {  	s2 =	sadd.s32 s2, s16  }
0x8e: {  	[smem:$0x3FBD] =	sst s2  }
0x8f: {  	_ = 	snop  }
0x90: {  	(tm) =	ssettm $0x1  }
0x91: {  	s17 =	sld [smem:$0x3FFB];
	_ =	sdelay $0x3  }
0x92: {  	_ =	strace s17  }
0x93: {  	s2 =	sld [smem:$0x3FFC];
	_ =	sdelay $0x3  }
0x94: {  	_ =	strace s2  }
0x95: {  	s2 =	sld [smem:$0x3FFD];
	_ =	sdelay $0x3  }
0x96: {  	_ =	strace s2  }
0x97: {  	_ =	strace $0x8FFFFFFF  }
0x98: {  	s18 =	sld [smem:$0x3FDB];
	_ =	sdelay $0x1  }
0x99: {  	s19 =	simm.s32 $_scs_section_size  }
0x9a: {  	s4 =	simm.s32 $_size__tile_overlayer_lowered;
	s5 =	simm.s32 $_tile_overlayer_lowered  }
0x9b: {  	s22 =	simm.s32 $0x1BFF;
	s21 =	sshll.u32 s5, $0x1;
	s2 =	sadd.s32 s19, s18  }
0x9c: {  	s6 =	simm.s32 $0x0;
	s20 =	sshll.u32 s4, $0x1;
	s4 =	sadd.s32 s21, s2  }
0x9d: {  	[timem:s6], [sflag:s22] =	dma.local [hbm:s4], s20  }
0x9e: {  	_ =	swait.ge [sflag:s22], s20  }
0x9f: {  	s3 =	ssub.s32 $0x0, s20;
	[sflag:s22] =	ssyncset.done $0x0  }
0xa0: {  	[sflag:s22] =	ssyncadd.s32 s3;
	_ =	sdelay $0x1  }
0xa1: {  	s23 =	simm.s32 $0x1B8B  }
0xa2: {  	_ =	swait.ge [sflag:s23], $0x1  }
0xa3: {  	[sflag:s23] =	ssyncset.done $0x0  }
0xa4: {  	s25 =	simm.s32 $0x1B8E;
	s24 =	sld [smem:$0x3FFE];
	[sflag:s23] =	ssyncadd.s32 $0xFFFFFFFF  }
0xa5: {  	s26 =	simm.s32 $execute0_lowered;
	[smem:$0x3FD2] =	sst s25  }
0xa6: {  	s4 =	sshll.u32 s26, $0x1;
	_ =	strace $0x8000004C;
	[dreg:$0x1] =	wrdreg $0xFFFFFFFF  }
0xa7: {  	s28 =	simm.s32 $_size_execute0_lowered;
	s2 =	sadd.s32 s2, s4;
	[dreg:$0x0] =	wrdreg $0x0  }
0xa8: {  	s4 =	sshll.u32 s28, $0x1;
	[dreg:$0x2] =	wrdreg s2  }
0xa9: {  	[dreg:$0x3] =	wrdreg s4  }
0xaa: {  	[dreg:$0x4] =	wrdreg $0xC0  }
0xab: {  	_ =	task [dreg:s6], $0x5FFFF  }
0xac: {  	[dreg:$0x1] =	wrdreg $0xFFFFFFFF  }
0xad: {  	[dreg:$0x0] =	wrdreg $0x60  }
0xae: {  	[dreg:$0x2] =	wrdreg s24  }
0xaf: {  	[dreg:$0x3] =	wrdreg $0xC4800  }
0xb0: {  	[dreg:$0x4] =	wrdreg $0x9  }
0xb1: {  	_ =	task.clear_ibuf [dreg:s6], $0x5FFFF;
	_ =	strace $0x9000004C  }
0xb2: {  	s29 =	simm.s32 $0x9;
	_ =	strace $0x8000004E  }
0xb3: {  	_ =	swait.ge [sflag:s29], $0x1  }
0xb4: {  	[sflag:s29] =	ssyncadd.s32 $0xFFFFFFFF  }
0xb5: {  	_ =	strace $0x9000004E  }
0xb6: {  	_ =	sfence  }
0xb7: {  	s30 =	sld [smem:$0x0];
	_ =	sdelay $0x2  }
0xb8: {  	s31 =	sshll.u32 s1, $0xD;
	s1 =	sshrl.u32 s1, $0x2  }
0xb9: {  	s3 =	sand.u32 $0x4000, s31;
	s1 =	sadd.s32 s1, s30  }
0xba: {  	s0 =	sor.u32 s3, s0;
	s1 =	sshll.u32 s1, $0x11  }
0xbb: {  	s0 =	sor.u32 s1, s0  }
0xbc: {  	s0 =	sadd.s32 $0x8F2B, s0  }
0xbd: {  	[sflag:s0] =	ssyncadd.remote.s32 $0x1  }
0xbe: {  	_ =	sfence.sel $0xFFFF  }
0xbf: {  	[dreg:$0x0] =	wrdreg $0xFFFFFFFF;
	(pc) =	sbr.abs _section_cstart, $3  }
0xc0: {  	[dreg:$0x1] =	wrdreg $0xFFFFFFFF  }
0xc1: {  	_ =	task.clear_ibuf [dreg:s6], $0x2FFFF;
	_ =	strace $0x9FFFFFFF  }
0xc2: {  	(tm) =	ssettm $0x7FFFFFFF  }
0xc3: {  	_ =	shalt  }
tec
execute0_lowered:
.L_overlay_start_1:
0x0: {  	(tag) =	ssettag $0x1  }
0x1: {  	s0 =	rddreg [dreg:$0x0]  }
0x2: {  	s1 =	rddreg [dreg:$0x1];
	s2 =	simm.s32 $0x0;
	s3 =	srdreg.scid  }
0x3: {  	s16 =	stileid.u32;
	s28 =	simm.s32 $0x4;
	s29 =	simm.s32 $0x300  }
0x4: {  	s30 =	simm.s32 $0x8;
	s31 =	simm.s32 $0x5;
	[smem:$0x7FF] =	sst s2  }
0x5: {  	s4 =	sadd.s32 $0x17E00, s0;
	s8 =	sadd.s32 $0xDE00, s0;
	s3 =	sand.u32 $0x1, s3  }
0x6: {  	s5 =	sadd.s32 $0x3C00, s0;
	s9 =	sshll.u32 s16, $0x1;
	s10 =	smul.u32 $0x4E000, s16  }
0x7: {  	s0 =	sadd.s32 $0x3F000, s0;
	s15 =	sshll.u32 s16, $0x6;
	s20 =	smul.u32 $0xA0, s16  }
0x8: {  	s18 =	sadd.s32 $0x138000, s1;
	p0 =	sne.s32 s16, $0xF;
	s19 =	smul.u32 $0x138800, s3  }
0x9: {  	s6 =	ssub.s32 $0x2, s3;
	s13 =	sor.u32 s3, s9;
	s3 =	smul.u32 $0x50, s3  }
0xa: {  	p1 =	seq.s32 s16, $0xF;
	_ =	strace $0x8000004D;
	s17 =	smul.u32 $0x500, s13  }
0xb: {  	s7 =	sshrl.u32 s6, $0x1;
	s14 =	sshrl.u32 s10, $0x2;
	s13 =	smul.u32 $0x13800, s16  }
0xc: {  	s10 =	simm.s32 $0x8480;
	s11 =	ssub.s32 s6, s7;
	s6 =	sadd.s32 s14, s1  }
0xd: {  	s7 =	sor.u32 $0x1C07, s15;
	s9 =	sshrl.u32 s19, $0x3;
	s22 =	sadd.s32 s3, s20  }
0xe: {  	s3 =	sadd.s32 $0x124800, s1;
	s20 =	simm.s32 $0x1;
	s12 =	sadd.s32 $0x6800, s6  }
0xf: {  	s14 =	sadd.s32 $0xD000, s6;
	s15 =	sadd.s32 s8, s17;
	s13 =	sadd.s32 s13, s19  }
0x10: {  	s9 =	sadd.s32 s0, s9;
	s23 =	smax.u32 s11, $0x1;
	s24 =	sshrl.u32 s6, $0x3  }
0x11: {  	s19 =	simm.s32 $0x80;
	s11 =	simm.s32 $0x6;
	[dreg:$0x3] =	wrdreg s15  }
0x12: {  	s15 =	sadd.s32 $0x10, s15;
	s13 =	sshrl.u32 s13, $0x3;
	[dreg:$0x7] =	wrdreg s23  }
0x13: {  	s21 =	sadd.s32 $0x24900, s9;
	[dreg:$0x8] =	wrdreg s24;
	s25 =	sshrl.u32 s12, $0x3  }
0x14: {  	s26 =	sshrl.u32 s14, $0x3;
	s23 =	simm.s32 $0x2;
	[dreg:$0x4] =	wrdreg s15  }
0x15: {  	s24 =	simm.s32 $0x200;
	s9 =	simm.s32 $0x280;
	[dreg:$0x6] =	wrdreg s21  }
0x16: {  	s12 =	simm.s32 $0x0;
	s0 =	sadd.s32 s0, s13;
	[dreg:$0x9] =	wrdreg s25  }
.Ltmp0:
0x17: {  	s15 =	simm.s32 $0x7;
	[dreg:$0xa] =	wrdreg s26;
	(pc) =	sbr.rel .LBB2_1-.Ltmp0, $4  }
0x18: {  	s21 =	simm.s32 $0x180;
	s25 =	sshrl.u32 @p1 s3, $0x3;
	s26 =	simm.s32 $0x4480  }
0x19: {  	s3 =	simm.s32 $0x3;
	[dreg:$0x5] =	wrdreg s0;
	s0 =	sshll.u32 s22, $0x4  }
0x1a: {  	s22 =	simm.s32 $0x480;
	s13 =	sadd.s32 s0, s8;
	s0 =	sshrl.u32 @!p0 s18, $0x3  }
0x1b: {  	s8 =	simm.s32 $0x400;
	[dreg:$0xb] =	wrdreg s0;
	s0 =	simm.s32 $0x380  }
.LBB2_4:
0x1c: {  	_ =	swait.ge [sflag:s31], $0x4000  }
0x1d: {  	[sflag:s31] =	ssyncset.done $0x0  }
0x1e: {  	[sflag:s31] =	ssyncadd.s32 $0xFFFFC000  }
0x1f: {  	[spmem:s1] =	stream.indirect.scatter.add.f32 [tilespmem:s26], [sflag:$0x8], $0x80, s0, s19, $0xb8;
	[tilespmem:$0x1FD00] =	vst v63  }
0x20: {  	_ =	swait.ge [sflag:s30], $0x4000  }
0x21: {  	[sflag:s30] =	ssyncset.done $0x0  }
0x22: {  	[sflag:s30] =	ssyncadd.s32 $0xFFFFC000  }
0x23: {  	[bflag:$0x0] =	sbarrier.arrive $0xFFFF  }
0x24: {  	s14 =	rddreg [dreg:$0x6]  }
0x25: {  	[hbm:s14], [sflag:s7] =	dma.local @p1 [spmem:s25], $0x2800  }
0x26: {  	s14 =	simm.s32 @p1 $0x7  }
0x27: {  	_ =	swait.ge @p1 [sflag:s14], $0x2800  }
0x28: {  	[sflag:s14] =	ssyncset.done @p1 $0x0  }
0x29: {  	s16 =	rddreg [dreg:$0x5];
	[sflag:s14] =	ssyncadd.s32 @p1 $0xFFFFD800;
	s14 =	sshrl.u32 @!p1 s6, $0x3  }
0x2a: {  	[hbm:s16], [sflag:s7] =	dma.local @!p1 [spmem:s14], $0x2700  }
0x2b: {  	s14 =	simm.s32 @!p1 $0x7  }
0x2c: {  	_ =	swait.ge @!p1 [sflag:s14], $0x2700  }
0x2d: {  	s12 =	sadd.s32 $0x1, s12;
	s18 =	rddreg [dreg:$0x7]  }
0x2e: {  	p2 =	sne.s32 s12, s18  }
.Ltmp1:
0x2f: {  	_ = 	snop;
	(pc) =	sbr.rel @!p2 .LBB2_5-.Ltmp1, $3  }
0x30: {  	_ =	sdelay $0x1  }
0x31: {  	[sflag:s14] =	ssyncset.done @!p1 $0x0  }
0x32: {  	[sflag:s14] =	ssyncadd.s32 @!p1 $0xFFFFD900  }
.LBB2_1:
0x33: {  	s14 =	rddreg [dreg:$0x8]  }
0x34: {  	[spmem:s14], [sflag:s7] =	dma.local [hbm:s5], $0xD00  }
0x35: {  	_ =	swait.ge [sflag:s15], $0xD00  }
0x36: {  	[sflag:s15] =	ssyncset.done $0x0  }
0x37: {  	s18 =	rddreg [dreg:$0x9];
	[sflag:s15] =	ssyncadd.s32 $0xFFFFF300  }
0x38: {  	[spmem:s18], [sflag:s7] =	dma.local [hbm:s5], $0xD00  }
0x39: {  	_ =	swait.ge [sflag:s15], $0xD00  }
0x3a: {  	[sflag:s15] =	ssyncset.done $0x0  }
0x3b: {  	s16 =	rddreg [dreg:$0xa];
	[sflag:s15] =	ssyncadd.s32 $0xFFFFF300  }
0x3c: {  	[spmem:s16], [sflag:s7] =	dma.local [hbm:s5], $0xD00  }
0x3d: {  	_ =	swait.ge [sflag:s15], $0xD00  }
0x3e: {  	[sflag:s15] =	ssyncset.done $0x0  }
0x3f: {  	s14 =	rddreg [dreg:$0xb];
	[sflag:s15] =	ssyncadd.s32 $0xFFFFF300  }
0x40: {  	[spmem:s14], [sflag:s7] =	dma.local @!p0 [hbm:s5], $0x100  }
0x41: {  	s14 =	simm.s32 @!p0 $0x7  }
0x42: {  	_ =	swait.ge @!p0 [sflag:s14], $0x100  }
0x43: {  	[sflag:s14] =	ssyncset.done @!p0 $0x0  }
0x44: {  	[sflag:s14] =	ssyncadd.s32 @!p0 $0xFFFFFF00  }
0x45: {  	[bflag:$0x0] =	sbarrier.arrive $0xFFFF  }
0x46: {  	s17 =	rddreg [dreg:$0x3]  }
0x47: {  	[tilespmem:s2], [sflag:$0x1] =	stream.linear.gather [hbm4b:s17+s2], $0x80, $0x38;
	[tilespmem:$0x1FD00] =	vst v63  }
0x48: {  	s18 =	rddreg [dreg:$0x4]  }
0x49: {  	[tilespmem:s19], [sflag:$0x2] =	stream.linear.gather [hbm4b:s18+s2], $0x80, $0x38;
	[tilespmem:$0x1FD00] =	vst v63  }
0x4a: {  	_ =	swait.ge [sflag:s20], $0x80  }
0x4b: {  	[sflag:s20] =	ssyncset.done $0x0  }
0x4c: {  	[sflag:s20] =	ssyncadd.s32 $0xFFFFFF80  }
0x4d: {  	v0 =	vld [tilespmem:$0x0];
	_ =	sdelay $0x1  }
0x4e: {  	v1 =	vld [tilespmem:$0x10];
	_ =	sdelay $0x1  }
0x4f: {  	v2 =	vld [tilespmem:$0x20]  }
0x50: {  	v3 =	vand.u32 $0xFFFF, v0  }
0x51: {  	v45 =	vld [tilespmem:$0x30];
	v0 =	vshrl.u32 v0, $0x10;
	[tilespmem:$0x180] =	vst v3  }
0x52: {  	v46 =	vand.u32 $0xFFFF, v1;
	[tilespmem:$0x300] =	vst v0  }
0x53: {  	v48 =	vld [tilespmem:$0x40];
	v47 =	vshrl.u32 v1, $0x10;
	[tilespmem:$0x190] =	vst v46  }
0x54: {  	v49 =	vand.u32 $0xFFFF, v2;
	[tilespmem:$0x310] =	vst v47  }
0x55: {  	v51 =	vld [tilespmem:$0x50];
	v50 =	vshrl.u32 v2, $0x10;
	[tilespmem:$0x1A0] =	vst v49  }
0x56: {  	v52 =	vand.u32 $0xFFFF, v45;
	[tilespmem:$0x320] =	vst v50  }
0x57: {  	v54 =	vld [tilespmem:$0x60];
	v53 =	vshrl.u32 v45, $0x10;
	[tilespmem:$0x1B0] =	vst v52  }
0x58: {  	v55 =	vand.u32 $0xFFFF, v48;
	[tilespmem:$0x330] =	vst v53  }
0x59: {  	v57 =	vld [tilespmem:$0x70];
	v56 =	vshrl.u32 v48, $0x10;
	[tilespmem:$0x1C0] =	vst v55  }
0x5a: {  	v58 =	vand.u32 $0xFFFF, v51;
	[tilespmem:$0x340] =	vst v56  }
0x5b: {  	v59 =	vshrl.u32 v51, $0x10;
	[tilespmem:$0x1D0] =	vst v58  }
0x5c: {  	v60 =	vand.u32 $0xFFFF, v54;
	[tilespmem:$0x350] =	vst v59  }
0x5d: {  	v61 =	vshrl.u32 v54, $0x10;
	[tilespmem:$0x1E0] =	vst v60  }
0x5e: {  	v62 =	vand.u32 $0xFFFF, v57;
	[tilespmem:$0x360] =	vst v61  }
0x5f: {  	v63 =	vshrl.u32 v57, $0x10;
	[tilespmem:$0x1F0] =	vst v62  }
0x60: {  	s14 =	simm.s32 $0xFFFFFB20;
	[tilespmem:$0x370] =	vst v63  }
0x61: {  	[tilespmem:s22], [sflag:$0x4] =	stream.indirect.gather [hbm4b:s4+s19], $0x80, s21, s19, $0xb8;
	[tilespmem:$0x1FD00] =	vst v63  }
.LBB2_2:
0x62: {  	p2 =	seq.s32 s14, $0x0  }
0x63: {  	s16 =	sadd.s32 @!p2 s14, s13  }
0x64: {  	s17 =	simm.s32 @!p2 $0x0;
	s18 =	simm.s32 @!p2 $0x100;
	s16 =	sadd.s32 @!p2 $0x500, s16  }
0x65: {  	[tilespmem:s18], [sflag:$0x3] =	stream.linear.gather @!p2 [hbm4b:s16+s17], $0x80, $0x38;
	[tilespmem:$0x1FD00] =	vst v63  }
0x66: {  	_ =	swait.ge [sflag:s23], $0x80  }
0x67: {  	[sflag:s23] =	ssyncset.done $0x0  }
0x68: {  	[sflag:s23] =	ssyncadd.s32 $0xFFFFFF80  }
0x69: {  	v0 =	vld [tilespmem:$0x80];
	_ =	sdelay $0x1  }
0x6a: {  	v1 =	vld [tilespmem:$0x90];
	_ =	sdelay $0x1  }
0x6b: {  	v2 =	vld [tilespmem:$0xA0]  }
0x6c: {  	v3 =	vand.u32 $0xFFFF, v0  }
0x6d: {  	v45 =	vld [tilespmem:$0xB0];
	v0 =	vshrl.u32 v0, $0x10;
	[tilespmem:$0x200] =	vst v3  }
0x6e: {  	v46 =	vand.u32 $0xFFFF, v1;
	[tilespmem:$0x380] =	vst v0  }
0x6f: {  	v48 =	vld [tilespmem:$0xC0];
	v47 =	vshrl.u32 v1, $0x10;
	[tilespmem:$0x210] =	vst v46  }
0x70: {  	v49 =	vand.u32 $0xFFFF, v2;
	[tilespmem:$0x390] =	vst v47  }
0x71: {  	v51 =	vld [tilespmem:$0xD0];
	v50 =	vshrl.u32 v2, $0x10;
	[tilespmem:$0x220] =	vst v49  }
0x72: {  	v52 =	vand.u32 $0xFFFF, v45;
	[tilespmem:$0x3A0] =	vst v50  }
0x73: {  	v54 =	vld [tilespmem:$0xE0];
	v53 =	vshrl.u32 v45, $0x10;
	[tilespmem:$0x230] =	vst v52  }
0x74: {  	v55 =	vand.u32 $0xFFFF, v48;
	[tilespmem:$0x3B0] =	vst v53  }
0x75: {  	v57 =	vld [tilespmem:$0xF0];
	v56 =	vshrl.u32 v48, $0x10;
	[tilespmem:$0x240] =	vst v55  }
0x76: {  	v58 =	vand.u32 $0xFFFF, v51;
	[tilespmem:$0x3C0] =	vst v56  }
0x77: {  	v59 =	vshrl.u32 v51, $0x10;
	[tilespmem:$0x250] =	vst v58  }
0x78: {  	v60 =	vand.u32 $0xFFFF, v54;
	[tilespmem:$0x3D0] =	vst v59  }
0x79: {  	v61 =	vshrl.u32 v54, $0x10;
	[tilespmem:$0x260] =	vst v60  }
0x7a: {  	v62 =	vand.u32 $0xFFFF, v57;
	[tilespmem:$0x3E0] =	vst v61  }
0x7b: {  	v63 =	vshrl.u32 v57, $0x10;
	[tilespmem:$0x270] =	vst v62  }
0x7c: {  	[tilespmem:$0x3F0] =	vst v63  }
0x7d: {  	[tilespmem:s26], [sflag:$0x5] =	stream.indirect.gather [hbm4b:s4+s19], $0x80, s24, s19, $0xb8;
	[tilespmem:$0x1FD00] =	vst v63  }
0x7e: {  	_ =	swait.ge [sflag:s28], $0x4000  }
0x7f: {  	[sflag:s28] =	ssyncset.done $0x0  }
.Ltmp2:
0x80: {  	[sflag:s28] =	ssyncadd.s32 $0xFFFFC000;
	(pc) =	sbr.rel @p2 .LBB2_4-.Ltmp2, $4  }
0x81: {  	[spmem:s1] =	stream.indirect.scatter.add.f32 [tilespmem:s22], [sflag:$0x8], $0x80, s29, s19, $0xb8;
	[tilespmem:$0x1FD00] =	vst v63  }
0x82: {  	_ =	swait.ge [sflag:s30], $0x4000  }
0x83: {  	[sflag:s30] =	ssyncset.done $0x0  }
0x84: {  	[sflag:s30] =	ssyncadd.s32 $0xFFFFC000  }
0x85: {  	s16 =	sadd.s32 s14, s13  }
0x86: {  	s17 =	sadd.s32 $0x510, s16  }
0x87: {  	[tilespmem:s2], [sflag:$0x1] =	stream.linear.gather [hbm4b:s17+s2], $0x80, $0x38;
	[tilespmem:$0x1FD00] =	vst v63  }
0x88: {  	_ =	swait.ge [sflag:s3], $0x80  }
0x89: {  	[sflag:s3] =	ssyncset.done $0x0  }
0x8a: {  	[sflag:s3] =	ssyncadd.s32 $0xFFFFFF80  }
0x8b: {  	v0 =	vld [tilespmem:$0x100];
	_ =	sdelay $0x1  }
0x8c: {  	v1 =	vld [tilespmem:$0x110];
	_ =	sdelay $0x1  }
0x8d: {  	v2 =	vld [tilespmem:$0x120]  }
0x8e: {  	v3 =	vand.u32 $0xFFFF, v0  }
0x8f: {  	v22 =	vld [tilespmem:$0x130];
	v0 =	vshrl.u32 v0, $0x10;
	[tilespmem:$0x280] =	vst v3  }
0x90: {  	v23 =	vand.u32 $0xFFFF, v1;
	[tilespmem:$0x400] =	vst v0  }
0x91: {  	v25 =	vld [tilespmem:$0x140];
	v24 =	vshrl.u32 v1, $0x10;
	[tilespmem:$0x290] =	vst v23  }
0x92: {  	v26 =	vand.u32 $0xFFFF, v2;
	[tilespmem:$0x410] =	vst v24  }
0x93: {  	v28 =	vld [tilespmem:$0x150];
	v27 =	vshrl.u32 v2, $0x10;
	[tilespmem:$0x2A0] =	vst v26  }
0x94: {  	v29 =	vand.u32 $0xFFFF, v22;
	[tilespmem:$0x420] =	vst v27  }
0x95: {  	v31 =	vld [tilespmem:$0x160];
	v30 =	vshrl.u32 v22, $0x10;
	[tilespmem:$0x2B0] =	vst v29  }
0x96: {  	v32 =	vand.u32 $0xFFFF, v25;
	[tilespmem:$0x430] =	vst v30  }
0x97: {  	v34 =	vld [tilespmem:$0x170];
	v33 =	vshrl.u32 v25, $0x10;
	[tilespmem:$0x2C0] =	vst v32  }
0x98: {  	v35 =	vand.u32 $0xFFFF, v28;
	[tilespmem:$0x440] =	vst v33  }
0x99: {  	v36 =	vshrl.u32 v28, $0x10;
	[tilespmem:$0x2D0] =	vst v35  }
0x9a: {  	v37 =	vand.u32 $0xFFFF, v31;
	[tilespmem:$0x450] =	vst v36  }
0x9b: {  	v38 =	vshrl.u32 v31, $0x10;
	[tilespmem:$0x2E0] =	vst v37  }
0x9c: {  	v39 =	vand.u32 $0xFFFF, v34;
	[tilespmem:$0x460] =	vst v38  }
0x9d: {  	v40 =	vshrl.u32 v34, $0x10;
	[tilespmem:$0x2F0] =	vst v39  }
0x9e: {  	[tilespmem:$0x470] =	vst v40  }
0x9f: {  	[tilespmem:s10], [sflag:$0x6] =	stream.indirect.gather [hbm4b:s4+s19], $0x80, s9, s19, $0xb8;
	[tilespmem:$0x1FD00] =	vst v63  }
0xa0: {  	_ =	swait.ge [sflag:s31], $0x4000  }
0xa1: {  	[sflag:s31] =	ssyncset.done $0x0  }
0xa2: {  	[sflag:s31] =	ssyncadd.s32 $0xFFFFC000  }
0xa3: {  	[spmem:s1] =	stream.indirect.scatter.add.f32 [tilespmem:s26], [sflag:$0x8], $0x80, s0, s19, $0xb8;
	[tilespmem:$0x1FD00] =	vst v63  }
0xa4: {  	_ =	swait.ge [sflag:s30], $0x4000  }
0xa5: {  	[sflag:s30] =	ssyncset.done $0x0  }
0xa6: {  	s16 =	sadd.s32 $0x520, s16;
	[sflag:s30] =	ssyncadd.s32 $0xFFFFC000  }
0xa7: {  	[tilespmem:s19], [sflag:$0x2] =	stream.linear.gather [hbm4b:s16+s2], $0x80, $0x38;
	[tilespmem:$0x1FD00] =	vst v63  }
0xa8: {  	_ =	swait.ge [sflag:s20], $0x80  }
0xa9: {  	[sflag:s20] =	ssyncset.done $0x0  }
0xaa: {  	[sflag:s20] =	ssyncadd.s32 $0xFFFFFF80  }
0xab: {  	v41 =	vld [tilespmem:$0x0];
	_ =	sdelay $0x1  }
0xac: {  	v42 =	vld [tilespmem:$0x10];
	_ =	sdelay $0x1  }
0xad: {  	v43 =	vld [tilespmem:$0x20]  }
0xae: {  	v44 =	vand.u32 $0xFFFF, v41  }
0xaf: {  	v45 =	vld [tilespmem:$0x30];
	v0 =	vshrl.u32 v41, $0x10;
	[tilespmem:$0x180] =	vst v44  }
0xb0: {  	v46 =	vand.u32 $0xFFFF, v42;
	[tilespmem:$0x300] =	vst v0  }
0xb1: {  	v48 =	vld [tilespmem:$0x40];
	v47 =	vshrl.u32 v42, $0x10;
	[tilespmem:$0x190] =	vst v46  }
0xb2: {  	v49 =	vand.u32 $0xFFFF, v43;
	[tilespmem:$0x310] =	vst v47  }
0xb3: {  	v51 =	vld [tilespmem:$0x50];
	v50 =	vshrl.u32 v43, $0x10;
	[tilespmem:$0x1A0] =	vst v49  }
0xb4: {  	v52 =	vand.u32 $0xFFFF, v45;
	[tilespmem:$0x320] =	vst v50  }
0xb5: {  	v54 =	vld [tilespmem:$0x60];
	v53 =	vshrl.u32 v45, $0x10;
	[tilespmem:$0x1B0] =	vst v52  }
0xb6: {  	v55 =	vand.u32 $0xFFFF, v48;
	[tilespmem:$0x330] =	vst v53  }
0xb7: {  	v57 =	vld [tilespmem:$0x70];
	v56 =	vshrl.u32 v48, $0x10;
	[tilespmem:$0x1C0] =	vst v55  }
0xb8: {  	v58 =	vand.u32 $0xFFFF, v51;
	[tilespmem:$0x340] =	vst v56  }
0xb9: {  	v59 =	vshrl.u32 v51, $0x10;
	[tilespmem:$0x1D0] =	vst v58  }
0xba: {  	v60 =	vand.u32 $0xFFFF, v54;
	[tilespmem:$0x350] =	vst v59  }
0xbb: {  	v61 =	vshrl.u32 v54, $0x10;
	[tilespmem:$0x1E0] =	vst v60  }
0xbc: {  	v62 =	vand.u32 $0xFFFF, v57;
	[tilespmem:$0x360] =	vst v61  }
0xbd: {  	v63 =	vshrl.u32 v57, $0x10;
	[tilespmem:$0x1F0] =	vst v62  }
0xbe: {  	[tilespmem:$0x370] =	vst v63  }
0xbf: {  	[tilespmem:s22], [sflag:$0x4] =	stream.indirect.gather [hbm4b:s4+s19], $0x80, s21, s19, $0xb8;
	[tilespmem:$0x1FD00] =	vst v63  }
0xc0: {  	_ =	swait.ge [sflag:s11], $0x4000  }
0xc1: {  	[sflag:s11] =	ssyncset.done $0x0  }
.Ltmp3:
0xc2: {  	[sflag:s11] =	ssyncadd.s32 $0xFFFFC000;
	(pc) =	sbr.rel .LBB2_2-.Ltmp3, $4  }
0xc3: {  	[spmem:s1] =	stream.indirect.scatter.add.f32 [tilespmem:s10], [sflag:$0x7], $0x80, s8, s19, $0xb8;
	[tilespmem:$0x1FD00] =	vst v63  }
0xc4: {  	_ =	swait.ge [sflag:s15], $0x4000  }
0xc5: {  	[sflag:s15] =	ssyncset.done $0x0  }
0xc6: {  	s14 =	sadd.s32 $0x30, s14;
	[sflag:s15] =	ssyncadd.s32 $0xFFFFC000  }
.LBB2_5:
0xc7: {  	_ =	sfence.sel $0x180000  }
0xc8: {  	[bflag:$0x0] =	sbarrier.arrive $0xFFFF  }
0xc9: {  	_ =	strace $0x9000004D  }
0xca: {  	s0 =	stileid.u32;
	[bflag:$0x2] =	sbarrier.arrive $0xFFFF  }
0xcb: {  	p0 =	sne.s32 s0, $0x0;
	s0 =	rddreg [dreg:$0x2]  }
0xcc: {  	s0 =	sadd.s32 @!p0 $0x100000, s0  }
0xcd: {  	[sflag:s0] =	ssyncadd.tile.s32 @!p0 $0x1;
	_ =	shalt  }
.Lfunc_end2:
_tile_overlayer_lowered:
.L_overlay_start_2:
0xce: {  	(tag) =	ssettag $0x2  }
0xcf: {  	s0 =	rddreg [dreg:$0x0];
	s2 =	stileid.u32  }
0xd0: {  	s1 =	rddreg [dreg:$0x1];
	p0 =	sne.s32 s2, $0x0  }
0xd1: {  	s3 =	rddreg [dreg:$0x2];
	[bflag:$0x3] =	sbarrier.arrive $0xFFFF;
	s2 =	simm.s32 @!p0 $0x1C07  }
0xd2: {  	[timem:s3], [sflag:s2] =	dma.local @!p0 [hbm:s0], s1  }
0xd3: {  	s0 =	simm.s32 @!p0 $0x7  }
0xd4: {  	_ =	swait.ge @!p0 [sflag:s0], s1  }
0xd5: {  	s1 =	ssub.s32 @!p0 $0x0, s1;
	[sflag:s0] =	ssyncset.done @!p0 $0x0  }
0xd6: {  	[sflag:s0] =	ssyncadd.s32 @!p0 s1  }
0xd7: {  	[bflag:$0x3] =	sbarrier.arrive $0xFFFF  }
0xd8: {  	_ =	shalt  }

// kernel: kernel.17.cloned.1.call-start
scs
__scs_entry_jumppad:
0x0: {  	(pc) =	sbr.rel $0x88, $3  }
0x1: {  	(tag) =	ssettag $0x0;
	lr =	simm.s32 $0x1  }
0x2: {  	[smem:$0x3F96] =	sst lr;
	_ =	strace $0xD0000000  }
0x3: {  	_ = 	snop  }
0x4: {  	_ = 	snop  }
0x5: {  	_ = 	snop  }
0x6: {  	_ = 	snop  }
0x7: {  	_ = 	snop  }
__scs_overlays_trampoline_lowered:
0x8: {  	[smem:$0x3FA5] =	sst s0  }
0x9: {  	[smem:$0x3FA6] =	sst s1  }
0xa: {  	[smem:$0x3FA7] =	sst s2  }
0xb: {  	[smem:$0x3FA8] =	sst s3  }
0xc: {  	[smem:$0x3FA9] =	sst s4  }
0xd: {  	[smem:$0x3FAA] =	sst s5  }
0xe: {  	[smem:$0x3FAB] =	sst s6  }
0xf: {  	[smem:$0x3FAC] =	sst s7  }
0x10: {  	[smem:$0x3FAD] =	sst s8  }
0x11: {  	[smem:$0x3FAE] =	sst s9;
	s0 =	simm.s32 @!p0 $0x0  }
0x12: {  	s1 =	sld [smem:$0x3F94];
	s0 =	simm.s32 @p0 $0x1  }
0x13: {  	[smem:$0x3FAF] =	sst s0;
	s0 =	simm.s32 @!p1 $0x0  }
0x14: {  	s2 =	sld [smem:$0x3F93];
	s0 =	simm.s32 @p1 $0x1  }
0x15: {  	[smem:$0x3FB0] =	sst s0;
	s0 =	simm.s32 @!p2 $0x0  }
0x16: {  	s3 =	sld [smem:$0x3FDB];
	s0 =	simm.s32 @p2 $0x1  }
0x17: {  	s4 =	simm.s32 $0x1BF5;
	[smem:$0x3FB2] =	sst s0  }
0x18: {  	s0 =	sld [smem:$0x3F95];
	_ =	swait.ge [sflag:s4], $0x0  }
0x19: {  	s7 =	sld [smem:$0x3F96]  }
0x1a: {  	s8 =	sadd.s32 $0xFFFFE003, lr  }
0x1b: {  	s9 =	sadd.s32 $0xFFFFFEF7, lr;
	s5 =	simm.s32 $0xFFFFFFFF;
	p2 =	slt.u32 s8, $0xFFFFF086  }
0x1c: {  	p1 =	slt.u32 s9, $0xF7A;
	s5 =	simm.s32 @!p2 $0x0  }
0x1d: {  	s5 =	simm.s32 @p1 $0x1;
	p0 =	seq.s32 s7, s2  }
0x1e: {  	s7 =	smul.u32 @!p0 $0xF7A, s2;
	p2 =	seq.s32 @!p0 s5, $0x0  }
0x1f: {  	s9 =	smul.u32 $0xF7A, s1;
	s8 =	simm.s32 @!p0 $0x1BF5;
	p2 =	por !p2, p0  }
0x20: {  	[sflag:s8] =	ssyncset.s32 @!p0 $0xFFFFF086;
	s6 =	sadd.s32 @!p0 s3, s7;
	s7 =	simm.s32 @!p0 $0x108  }
0x21: {  	s3 =	sadd.s32 s3, s9;
	s6 =	sadd.s32 @!p0 $0x88, s6;
	s7 =	simm.s32 @p2 $0x1082  }
0x22: {  	[simem:s7], [sflag:s8] =	dma.local @!p0 [hbm:s6], $0xF7A  }
0x23: {  	s9 =	sor.u32 $0xD0000000, s2;
	s6 =	simm.s32 $0x108;
	_ =	swait.ge @!p0 [sflag:s8], $0x0  }
0x24: {  	s3 =	sadd.s32 $0x88, s3;
	s6 =	simm.s32 @!p1 $0x1082;
	[sflag:s4] =	ssyncset.s32 $0xFFFFF086  }
0x25: {  	[simem:s6], [sflag:s4] =	dma.local [hbm:s3], $0xF7A  }
0x26: {  	[smem:$0x3F96] =	sst s1;
	(tag) =	ssettag s2;
	_ =	strace s9  }
0x27: {  	s1 =	sld [smem:$0x3FA6]  }
0x28: {  	s2 =	sld [smem:$0x3FA7]  }
0x29: {  	s4 =	sld [smem:$0x3FA9]  }
0x2a: {  	p0 =	seq.s32 s5, $0x0;
	s5 =	sld [smem:$0x3FAA]  }
0x2b: {  	s6 =	sld [smem:$0x3FAB]  }
0x2c: {  	s7 =	sld [smem:$0x3FAC]  }
0x2d: {  	s3 =	simm.s32 $0x108;
	s8 =	sld [smem:$0x3FAD]  }
0x2e: {  	s3 =	simm.s32 @!p0 $0x1082;
	s9 =	sld [smem:$0x3FAE]  }
0x2f: {  	lr =	sadd.s32 s0, s3;
	s0 =	sld [smem:$0x3FA5]  }
0x30: {  	s3 =	sld [smem:$0x3FA8]  }
0x31: {  	[smem:$0x3FB1] =	sst s10  }
0x32: {  	s10 =	sld [smem:$0x3FAF];
	_ =	sdelay $0x3  }
0x33: {  	p0 =	seq.s32 s10, $0x1;
	s10 =	sld [smem:$0x3FB1];
	_ =	sdelay $0x3  }
0x34: {  	[smem:$0x3FB1] =	sst s10  }
0x35: {  	s10 =	sld [smem:$0x3FB0];
	_ =	sdelay $0x3  }
0x36: {  	p1 =	seq.s32 s10, $0x1;
	s10 =	sld [smem:$0x3FB1];
	_ =	sdelay $0x3  }
0x37: {  	[smem:$0x3FB1] =	sst s10  }
0x38: {  	s10 =	sld [smem:$0x3FB2]  }
0x39: {  	_ = 	snop;
	(pc) =	sbr.ind lr, $3  }
0x3a: {  	_ = 	snop  }
0x3b: {  	_ = 	snop  }
0x3c: {  	p2 =	seq.s32 s10, $0x1;
	s10 =	sld [smem:$0x3FB1]  }
0x3d: {  	_ =	shalt  }
0x3e: {  	_ =	shalt  }
0x3f: {  	_ =	shalt  }
0x40: {  	_ =	shalt  }
0x41: {  	_ =	shalt  }
0x42: {  	_ =	shalt  }
0x43: {  	_ =	shalt  }
0x44: {  	_ =	shalt  }
0x45: {  	_ =	shalt  }
0x46: {  	_ =	shalt  }
0x47: {  	_ =	shalt  }
0x48: {  	_ =	shalt  }
0x49: {  	_ =	shalt  }
0x4a: {  	_ =	shalt  }
0x4b: {  	_ =	shalt  }
0x4c: {  	_ =	shalt  }
0x4d: {  	_ =	shalt  }
0x4e: {  	_ =	shalt  }
0x4f: {  	_ =	shalt  }
0x50: {  	_ =	shalt  }
0x51: {  	_ =	shalt  }
0x52: {  	_ =	shalt  }
0x53: {  	_ =	shalt  }
0x54: {  	_ =	shalt  }
0x55: {  	_ =	shalt  }
0x56: {  	_ =	shalt  }
0x57: {  	_ =	shalt  }
0x58: {  	_ =	shalt  }
0x59: {  	_ =	shalt  }
0x5a: {  	_ =	shalt  }
0x5b: {  	_ =	shalt  }
0x5c: {  	_ =	shalt  }
0x5d: {  	_ =	shalt  }
0x5e: {  	_ =	shalt  }
0x5f: {  	_ =	shalt  }
0x60: {  	_ =	shalt  }
0x61: {  	_ =	shalt  }
0x62: {  	_ =	shalt  }
0x63: {  	_ =	shalt  }
0x64: {  	_ =	shalt  }
0x65: {  	_ =	shalt  }
0x66: {  	_ =	shalt  }
0x67: {  	_ =	shalt  }
0x68: {  	_ =	shalt  }
0x69: {  	_ =	shalt  }
0x6a: {  	_ =	shalt  }
0x6b: {  	_ =	shalt  }
0x6c: {  	_ =	shalt  }
0x6d: {  	_ =	shalt  }
0x6e: {  	_ =	shalt  }
0x6f: {  	_ =	shalt  }
0x70: {  	_ =	shalt  }
0x71: {  	_ =	shalt  }
0x72: {  	_ =	shalt  }
0x73: {  	_ =	shalt  }
0x74: {  	_ =	shalt  }
0x75: {  	_ =	shalt  }
0x76: {  	_ =	shalt  }
0x77: {  	_ =	shalt  }
0x78: {  	_ =	shalt  }
0x79: {  	_ =	shalt  }
0x7a: {  	_ =	shalt  }
0x7b: {  	_ =	shalt  }
0x7c: {  	_ =	shalt  }
0x7d: {  	_ =	shalt  }
0x7e: {  	_ =	shalt  }
0x7f: {  	_ =	shalt  }
0x80: {  	_ =	shalt  }
0x81: {  	_ =	shalt  }
0x82: {  	_ =	shalt  }
0x83: {  	_ =	shalt  }
0x84: {  	_ =	shalt  }
0x85: {  	_ =	shalt  }
0x86: {  	_ =	shalt  }
0x87: {  	_ =	shalt  }
.Lfunc_end0:
.L_simem_size_0:
called_computation.3_lowered:
.L_overlay_start_0:
0x88: {  	s2 =	sld [smem:$0x3FD9]  }
0x89: {  	s3 =	sld [smem:$0x3FFE];
	_ =	sdelay $0x1  }
0x8a: {  	s1 =	srdreg.scid  }
0x8b: {  	s0 =	sand.u32 $0x1, s1  }
0x8c: {  	s16 =	sshll.u32 s0, $0xA;
	s2 =	sadd.s32 s3, s2  }
0x8d: {  	s2 =	sadd.s32 s2, s16  }
0x8e: {  	[smem:$0x3FBD] =	sst s2  }
0x8f: {  	_ = 	snop  }
0x90: {  	(tm) =	ssettm $0x1  }
0x91: {  	s17 =	sld [smem:$0x3FFB];
	_ =	sdelay $0x3  }
0x92: {  	_ =	strace s17  }
0x93: {  	s2 =	sld [smem:$0x3FFC];
	_ =	sdelay $0x3  }
0x94: {  	_ =	strace s2  }
0x95: {  	s2 =	sld [smem:$0x3FFD];
	_ =	sdelay $0x3  }
0x96: {  	_ =	strace s2  }
0x97: {  	_ =	strace $0x8FFFFFFF  }
0x98: {  	s18 =	sld [smem:$0x3FDB];
	_ =	sdelay $0x1  }
0x99: {  	s19 =	simm.s32 $_scs_section_size  }
0x9a: {  	s4 =	simm.s32 $_size__tile_overlayer_lowered;
	s5 =	simm.s32 $_tile_overlayer_lowered  }
0x9b: {  	s22 =	simm.s32 $0x1BFF;
	s21 =	sshll.u32 s5, $0x1;
	s2 =	sadd.s32 s19, s18  }
0x9c: {  	s6 =	simm.s32 $0x0;
	s20 =	sshll.u32 s4, $0x1;
	s4 =	sadd.s32 s21, s2  }
0x9d: {  	[timem:s6], [sflag:s22] =	dma.local [hbm:s4], s20  }
0x9e: {  	_ =	swait.ge [sflag:s22], s20  }
0x9f: {  	s3 =	ssub.s32 $0x0, s20;
	[sflag:s22] =	ssyncset.done $0x0  }
0xa0: {  	[sflag:s22] =	ssyncadd.s32 s3;
	_ =	sdelay $0x1  }
0xa1: {  	s23 =	simm.s32 $0x1B8B  }
0xa2: {  	_ =	swait.ge [sflag:s23], $0x1  }
0xa3: {  	[sflag:s23] =	ssyncset.done $0x0  }
0xa4: {  	s25 =	simm.s32 $0x1B8E;
	s24 =	sld [smem:$0x3FFE];
	[sflag:s23] =	ssyncadd.s32 $0xFFFFFFFF  }
0xa5: {  	s26 =	simm.s32 $execute0_lowered;
	[smem:$0x3FD2] =	sst s25  }
0xa6: {  	s4 =	sshll.u32 s26, $0x1;
	_ =	strace $0x8000004F;
	[dreg:$0x1] =	wrdreg $0xFFFFFFFF  }
0xa7: {  	s28 =	simm.s32 $_size_execute0_lowered;
	s2 =	sadd.s32 s2, s4;
	[dreg:$0x0] =	wrdreg $0x0  }
0xa8: {  	s4 =	sshll.u32 s28, $0x1;
	[dreg:$0x2] =	wrdreg s2  }
0xa9: {  	[dreg:$0x3] =	wrdreg s4  }
0xaa: {  	[dreg:$0x4] =	wrdreg $0xC0  }
0xab: {  	_ =	task [dreg:s6], $0x5FFFF  }
0xac: {  	[dreg:$0x1] =	wrdreg $0xFFFFFFFF  }
0xad: {  	[dreg:$0x0] =	wrdreg $0x60  }
0xae: {  	[dreg:$0x2] =	wrdreg s24  }
0xaf: {  	[dreg:$0x3] =	wrdreg $0xC4800  }
0xb0: {  	[dreg:$0x4] =	wrdreg $0x9  }
0xb1: {  	_ =	task.clear_ibuf [dreg:s6], $0x5FFFF;
	_ =	strace $0x9000004F  }
0xb2: {  	s29 =	simm.s32 $0x9;
	_ =	strace $0x80000051  }
0xb3: {  	_ =	swait.ge [sflag:s29], $0x1  }
0xb4: {  	[sflag:s29] =	ssyncadd.s32 $0xFFFFFFFF  }
0xb5: {  	_ =	strace $0x90000051  }
0xb6: {  	_ =	sfence  }
0xb7: {  	s30 =	sld [smem:$0x0];
	_ =	sdelay $0x2  }
0xb8: {  	s31 =	sshll.u32 s1, $0xD;
	s1 =	sshrl.u32 s1, $0x2  }
0xb9: {  	s3 =	sand.u32 $0x4000, s31;
	s1 =	sadd.s32 s1, s30  }
0xba: {  	s0 =	sor.u32 s3, s0;
	s1 =	sshll.u32 s1, $0x11  }
0xbb: {  	s0 =	sor.u32 s1, s0  }
0xbc: {  	s0 =	sadd.s32 $0x8F2B, s0  }
0xbd: {  	[sflag:s0] =	ssyncadd.remote.s32 $0x1  }
0xbe: {  	_ =	sfence.sel $0xFFFF  }
0xbf: {  	[dreg:$0x0] =	wrdreg $0xFFFFFFFF;
	(pc) =	sbr.abs _section_cstart, $3  }
0xc0: {  	[dreg:$0x1] =	wrdreg $0xFFFFFFFF  }
0xc1: {  	_ =	task.clear_ibuf [dreg:s6], $0x2FFFF;
	_ =	strace $0x9FFFFFFF  }
0xc2: {  	(tm) =	ssettm $0x7FFFFFFF  }
0xc3: {  	_ =	shalt  }
tec
execute0_lowered:
.L_overlay_start_1:
0x0: {  	(tag) =	ssettag $0x1  }
0x1: {  	s0 =	rddreg [dreg:$0x0]  }
0x2: {  	s1 =	rddreg [dreg:$0x1];
	s2 =	simm.s32 $0x0;
	s3 =	srdreg.scid  }
0x3: {  	s16 =	stileid.u32;
	s28 =	simm.s32 $0x4;
	s29 =	simm.s32 $0x300  }
0x4: {  	s30 =	simm.s32 $0x8;
	s31 =	simm.s32 $0x5;
	[smem:$0x7FF] =	sst s2  }
0x5: {  	s4 =	sadd.s32 $0x17E00, s0;
	s8 =	sadd.s32 $0xDE00, s0;
	s3 =	sand.u32 $0x1, s3  }
0x6: {  	s5 =	sadd.s32 $0x3C00, s0;
	s9 =	sshll.u32 s16, $0x1;
	s10 =	smul.u32 $0x4E000, s16  }
0x7: {  	s0 =	sadd.s32 $0x3F000, s0;
	s15 =	sshll.u32 s16, $0x6;
	s20 =	smul.u32 $0xA0, s16  }
0x8: {  	s18 =	sadd.s32 $0x138000, s1;
	p0 =	sne.s32 s16, $0xF;
	s19 =	smul.u32 $0x138800, s3  }
0x9: {  	s6 =	ssub.s32 $0x2, s3;
	s13 =	sor.u32 s3, s9;
	s3 =	smul.u32 $0x50, s3  }
0xa: {  	p1 =	seq.s32 s16, $0xF;
	_ =	strace $0x80000050;
	s17 =	smul.u32 $0x500, s13  }
0xb: {  	s7 =	sshrl.u32 s6, $0x1;
	s14 =	sshrl.u32 s10, $0x2;
	s13 =	smul.u32 $0x13800, s16  }
0xc: {  	s10 =	simm.s32 $0x8480;
	s11 =	ssub.s32 s6, s7;
	s6 =	sadd.s32 s14, s1  }
0xd: {  	s7 =	sor.u32 $0x1C07, s15;
	s9 =	sshrl.u32 s19, $0x3;
	s22 =	sadd.s32 s3, s20  }
0xe: {  	s3 =	sadd.s32 $0x124800, s1;
	s20 =	simm.s32 $0x1;
	s12 =	sadd.s32 $0x6800, s6  }
0xf: {  	s14 =	sadd.s32 $0xD000, s6;
	s15 =	sadd.s32 s8, s17;
	s13 =	sadd.s32 s13, s19  }
0x10: {  	s9 =	sadd.s32 s0, s9;
	s23 =	smax.u32 s11, $0x1;
	s24 =	sshrl.u32 s6, $0x3  }
0x11: {  	s19 =	simm.s32 $0x80;
	s11 =	simm.s32 $0x6;
	[dreg:$0x3] =	wrdreg s15  }
0x12: {  	s15 =	sadd.s32 $0x10, s15;
	s13 =	sshrl.u32 s13, $0x3;
	[dreg:$0x7] =	wrdreg s23  }
0x13: {  	s21 =	sadd.s32 $0x24900, s9;
	[dreg:$0x8] =	wrdreg s24;
	s25 =	sshrl.u32 s12, $0x3  }
0x14: {  	s26 =	sshrl.u32 s14, $0x3;
	s23 =	simm.s32 $0x2;
	[dreg:$0x4] =	wrdreg s15  }
0x15: {  	s24 =	simm.s32 $0x200;
	s9 =	simm.s32 $0x280;
	[dreg:$0x6] =	wrdreg s21  }
0x16: {  	s12 =	simm.s32 $0x0;
	s0 =	sadd.s32 s0, s13;
	[dreg:$0x9] =	wrdreg s25  }
.Ltmp0:
0x17: {  	s15 =	simm.s32 $0x7;
	[dreg:$0xa] =	wrdreg s26;
	(pc) =	sbr.rel .LBB2_1-.Ltmp0, $4  }
0x18: {  	s21 =	simm.s32 $0x180;
	s25 =	sshrl.u32 @p1 s3, $0x3;
	s26 =	simm.s32 $0x4480  }
0x19: {  	s3 =	simm.s32 $0x3;
	[dreg:$0x5] =	wrdreg s0;
	s0 =	sshll.u32 s22, $0x4  }
0x1a: {  	s22 =	simm.s32 $0x480;
	s13 =	sadd.s32 s0, s8;
	s0 =	sshrl.u32 @!p0 s18, $0x3  }
0x1b: {  	s8 =	simm.s32 $0x400;
	[dreg:$0xb] =	wrdreg s0;
	s0 =	simm.s32 $0x380  }
.LBB2_4:
0x1c: {  	_ =	swait.ge [sflag:s31], $0x4000  }
0x1d: {  	[sflag:s31] =	ssyncset.done $0x0  }
0x1e: {  	[sflag:s31] =	ssyncadd.s32 $0xFFFFC000  }
0x1f: {  	[spmem:s1] =	stream.indirect.scatter.add.f32 [tilespmem:s26], [sflag:$0x8], $0x80, s0, s19, $0xb8;
	[tilespmem:$0x1FD00] =	vst v63  }
0x20: {  	_ =	swait.ge [sflag:s30], $0x4000  }
0x21: {  	[sflag:s30] =	ssyncset.done $0x0  }
0x22: {  	[sflag:s30] =	ssyncadd.s32 $0xFFFFC000  }
0x23: {  	[bflag:$0x0] =	sbarrier.arrive $0xFFFF  }
0x24: {  	s14 =	rddreg [dreg:$0x6]  }
0x25: {  	[hbm:s14], [sflag:s7] =	dma.local @p1 [spmem:s25], $0x2800  }
0x26: {  	s14 =	simm.s32 @p1 $0x7  }
0x27: {  	_ =	swait.ge @p1 [sflag:s14], $0x2800  }
0x28: {  	[sflag:s14] =	ssyncset.done @p1 $0x0  }
0x29: {  	s16 =	rddreg [dreg:$0x5];
	[sflag:s14] =	ssyncadd.s32 @p1 $0xFFFFD800;
	s14 =	sshrl.u32 @!p1 s6, $0x3  }
0x2a: {  	[hbm:s16], [sflag:s7] =	dma.local @!p1 [spmem:s14], $0x2700  }
0x2b: {  	s14 =	simm.s32 @!p1 $0x7  }
0x2c: {  	_ =	swait.ge @!p1 [sflag:s14], $0x2700  }
0x2d: {  	s12 =	sadd.s32 $0x1, s12;
	s18 =	rddreg [dreg:$0x7]  }
0x2e: {  	p2 =	sne.s32 s12, s18  }
.Ltmp1:
0x2f: {  	_ = 	snop;
	(pc) =	sbr.rel @!p2 .LBB2_5-.Ltmp1, $3  }
0x30: {  	_ =	sdelay $0x1  }
0x31: {  	[sflag:s14] =	ssyncset.done @!p1 $0x0  }
0x32: {  	[sflag:s14] =	ssyncadd.s32 @!p1 $0xFFFFD900  }
.LBB2_1:
0x33: {  	s14 =	rddreg [dreg:$0x8]  }
0x34: {  	[spmem:s14], [sflag:s7] =	dma.local [hbm:s5], $0xD00  }
0x35: {  	_ =	swait.ge [sflag:s15], $0xD00  }
0x36: {  	[sflag:s15] =	ssyncset.done $0x0  }
0x37: {  	s18 =	rddreg [dreg:$0x9];
	[sflag:s15] =	ssyncadd.s32 $0xFFFFF300  }
0x38: {  	[spmem:s18], [sflag:s7] =	dma.local [hbm:s5], $0xD00  }
0x39: {  	_ =	swait.ge [sflag:s15], $0xD00  }
0x3a: {  	[sflag:s15] =	ssyncset.done $0x0  }
0x3b: {  	s16 =	rddreg [dreg:$0xa];
	[sflag:s15] =	ssyncadd.s32 $0xFFFFF300  }
0x3c: {  	[spmem:s16], [sflag:s7] =	dma.local [hbm:s5], $0xD00  }
0x3d: {  	_ =	swait.ge [sflag:s15], $0xD00  }
0x3e: {  	[sflag:s15] =	ssyncset.done $0x0  }
0x3f: {  	s14 =	rddreg [dreg:$0xb];
	[sflag:s15] =	ssyncadd.s32 $0xFFFFF300  }
0x40: {  	[spmem:s14], [sflag:s7] =	dma.local @!p0 [hbm:s5], $0x100  }
0x41: {  	s14 =	simm.s32 @!p0 $0x7  }
0x42: {  	_ =	swait.ge @!p0 [sflag:s14], $0x100  }
0x43: {  	[sflag:s14] =	ssyncset.done @!p0 $0x0  }
0x44: {  	[sflag:s14] =	ssyncadd.s32 @!p0 $0xFFFFFF00  }
0x45: {  	[bflag:$0x0] =	sbarrier.arrive $0xFFFF  }
0x46: {  	s17 =	rddreg [dreg:$0x3]  }
0x47: {  	[tilespmem:s2], [sflag:$0x1] =	stream.linear.gather [hbm4b:s17+s2], $0x80, $0x38;
	[tilespmem:$0x1FD00] =	vst v63  }
0x48: {  	s18 =	rddreg [dreg:$0x4]  }
0x49: {  	[tilespmem:s19], [sflag:$0x2] =	stream.linear.gather [hbm4b:s18+s2], $0x80, $0x38;
	[tilespmem:$0x1FD00] =	vst v63  }
0x4a: {  	_ =	swait.ge [sflag:s20], $0x80  }
0x4b: {  	[sflag:s20] =	ssyncset.done $0x0  }
0x4c: {  	[sflag:s20] =	ssyncadd.s32 $0xFFFFFF80  }
0x4d: {  	v0 =	vld [tilespmem:$0x0];
	_ =	sdelay $0x1  }
0x4e: {  	v1 =	vld [tilespmem:$0x10];
	_ =	sdelay $0x1  }
0x4f: {  	v2 =	vld [tilespmem:$0x20]  }
0x50: {  	v3 =	vand.u32 $0xFFFF, v0  }
0x51: {  	v45 =	vld [tilespmem:$0x30];
	v0 =	vshrl.u32 v0, $0x10;
	[tilespmem:$0x180] =	vst v3  }
0x52: {  	v46 =	vand.u32 $0xFFFF, v1;
	[tilespmem:$0x300] =	vst v0  }
0x53: {  	v48 =	vld [tilespmem:$0x40];
	v47 =	vshrl.u32 v1, $0x10;
	[tilespmem:$0x190] =	vst v46  }
0x54: {  	v49 =	vand.u32 $0xFFFF, v2;
	[tilespmem:$0x310] =	vst v47  }
0x55: {  	v51 =	vld [tilespmem:$0x50];
	v50 =	vshrl.u32 v2, $0x10;
	[tilespmem:$0x1A0] =	vst v49  }
0x56: {  	v52 =	vand.u32 $0xFFFF, v45;
	[tilespmem:$0x320] =	vst v50  }
0x57: {  	v54 =	vld [tilespmem:$0x60];
	v53 =	vshrl.u32 v45, $0x10;
	[tilespmem:$0x1B0] =	vst v52  }
0x58: {  	v55 =	vand.u32 $0xFFFF, v48;
	[tilespmem:$0x330] =	vst v53  }
0x59: {  	v57 =	vld [tilespmem:$0x70];
	v56 =	vshrl.u32 v48, $0x10;
	[tilespmem:$0x1C0] =	vst v55  }
0x5a: {  	v58 =	vand.u32 $0xFFFF, v51;
	[tilespmem:$0x340] =	vst v56  }
0x5b: {  	v59 =	vshrl.u32 v51, $0x10;
	[tilespmem:$0x1D0] =	vst v58  }
0x5c: {  	v60 =	vand.u32 $0xFFFF, v54;
	[tilespmem:$0x350] =	vst v59  }
0x5d: {  	v61 =	vshrl.u32 v54, $0x10;
	[tilespmem:$0x1E0] =	vst v60  }
0x5e: {  	v62 =	vand.u32 $0xFFFF, v57;
	[tilespmem:$0x360] =	vst v61  }
0x5f: {  	v63 =	vshrl.u32 v57, $0x10;
	[tilespmem:$0x1F0] =	vst v62  }
0x60: {  	s14 =	simm.s32 $0xFFFFFB20;
	[tilespmem:$0x370] =	vst v63  }
0x61: {  	[tilespmem:s22], [sflag:$0x4] =	stream.indirect.gather [hbm4b:s4+s19], $0x80, s21, s19, $0xb8;
	[tilespmem:$0x1FD00] =	vst v63  }
.LBB2_2:
0x62: {  	p2 =	seq.s32 s14, $0x0  }
0x63: {  	s16 =	sadd.s32 @!p2 s14, s13  }
0x64: {  	s17 =	simm.s32 @!p2 $0x0;
	s18 =	simm.s32 @!p2 $0x100;
	s16 =	sadd.s32 @!p2 $0x500, s16  }
0x65: {  	[tilespmem:s18], [sflag:$0x3] =	stream.linear.gather @!p2 [hbm4b:s16+s17], $0x80, $0x38;
	[tilespmem:$0x1FD00] =	vst v63  }
0x66: {  	_ =	swait.ge [sflag:s23], $0x80  }
0x67: {  	[sflag:s23] =	ssyncset.done $0x0  }
0x68: {  	[sflag:s23] =	ssyncadd.s32 $0xFFFFFF80  }
0x69: {  	v0 =	vld [tilespmem:$0x80];
	_ =	sdelay $0x1  }
0x6a: {  	v1 =	vld [tilespmem:$0x90];
	_ =	sdelay $0x1  }
0x6b: {  	v2 =	vld [tilespmem:$0xA0]  }
0x6c: {  	v3 =	vand.u32 $0xFFFF, v0  }
0x6d: {  	v45 =	vld [tilespmem:$0xB0];
	v0 =	vshrl.u32 v0, $0x10;
	[tilespmem:$0x200] =	vst v3  }
0x6e: {  	v46 =	vand.u32 $0xFFFF, v1;
	[tilespmem:$0x380] =	vst v0  }
0x6f: {  	v48 =	vld [tilespmem:$0xC0];
	v47 =	vshrl.u32 v1, $0x10;
	[tilespmem:$0x210] =	vst v46  }
0x70: {  	v49 =	vand.u32 $0xFFFF, v2;
	[tilespmem:$0x390] =	vst v47  }
0x71: {  	v51 =	vld [tilespmem:$0xD0];
	v50 =	vshrl.u32 v2, $0x10;
	[tilespmem:$0x220] =	vst v49  }
0x72: {  	v52 =	vand.u32 $0xFFFF, v45;
	[tilespmem:$0x3A0] =	vst v50  }
0x73: {  	v54 =	vld [tilespmem:$0xE0];
	v53 =	vshrl.u32 v45, $0x10;
	[tilespmem:$0x230] =	vst v52  }
0x74: {  	v55 =	vand.u32 $0xFFFF, v48;
	[tilespmem:$0x3B0] =	vst v53  }
0x75: {  	v57 =	vld [tilespmem:$0xF0];
	v56 =	vshrl.u32 v48, $0x10;
	[tilespmem:$0x240] =	vst v55  }
0x76: {  	v58 =	vand.u32 $0xFFFF, v51;
	[tilespmem:$0x3C0] =	vst v56  }
0x77: {  	v59 =	vshrl.u32 v51, $0x10;
	[tilespmem:$0x250] =	vst v58  }
0x78: {  	v60 =	vand.u32 $0xFFFF, v54;
	[tilespmem:$0x3D0] =	vst v59  }
0x79: {  	v61 =	vshrl.u32 v54, $0x10;
	[tilespmem:$0x260] =	vst v60  }
0x7a: {  	v62 =	vand.u32 $0xFFFF, v57;
	[tilespmem:$0x3E0] =	vst v61  }
0x7b: {  	v63 =	vshrl.u32 v57, $0x10;
	[tilespmem:$0x270] =	vst v62  }
0x7c: {  	[tilespmem:$0x3F0] =	vst v63  }
0x7d: {  	[tilespmem:s26], [sflag:$0x5] =	stream.indirect.gather [hbm4b:s4+s19], $0x80, s24, s19, $0xb8;
	[tilespmem:$0x1FD00] =	vst v63  }
0x7e: {  	_ =	swait.ge [sflag:s28], $0x4000  }
0x7f: {  	[sflag:s28] =	ssyncset.done $0x0  }
.Ltmp2:
0x80: {  	[sflag:s28] =	ssyncadd.s32 $0xFFFFC000;
	(pc) =	sbr.rel @p2 .LBB2_4-.Ltmp2, $4  }
0x81: {  	[spmem:s1] =	stream.indirect.scatter.add.f32 [tilespmem:s22], [sflag:$0x8], $0x80, s29, s19, $0xb8;
	[tilespmem:$0x1FD00] =	vst v63  }
0x82: {  	_ =	swait.ge [sflag:s30], $0x4000  }
0x83: {  	[sflag:s30] =	ssyncset.done $0x0  }
0x84: {  	[sflag:s30] =	ssyncadd.s32 $0xFFFFC000  }
0x85: {  	s16 =	sadd.s32 s14, s13  }
0x86: {  	s17 =	sadd.s32 $0x510, s16  }
0x87: {  	[tilespmem:s2], [sflag:$0x1] =	stream.linear.gather [hbm4b:s17+s2], $0x80, $0x38;
	[tilespmem:$0x1FD00] =	vst v63  }
0x88: {  	_ =	swait.ge [sflag:s3], $0x80  }
0x89: {  	[sflag:s3] =	ssyncset.done $0x0  }
0x8a: {  	[sflag:s3] =	ssyncadd.s32 $0xFFFFFF80  }
0x8b: {  	v0 =	vld [tilespmem:$0x100];
	_ =	sdelay $0x1  }
0x8c: {  	v1 =	vld [tilespmem:$0x110];
	_ =	sdelay $0x1  }
0x8d: {  	v2 =	vld [tilespmem:$0x120]  }
0x8e: {  	v3 =	vand.u32 $0xFFFF, v0  }
0x8f: {  	v22 =	vld [tilespmem:$0x130];
	v0 =	vshrl.u32 v0, $0x10;
	[tilespmem:$0x280] =	vst v3  }
0x90: {  	v23 =	vand.u32 $0xFFFF, v1;
	[tilespmem:$0x400] =	vst v0  }
0x91: {  	v25 =	vld [tilespmem:$0x140];
	v24 =	vshrl.u32 v1, $0x10;
	[tilespmem:$0x290] =	vst v23  }
0x92: {  	v26 =	vand.u32 $0xFFFF, v2;
	[tilespmem:$0x410] =	vst v24  }
0x93: {  	v28 =	vld [tilespmem:$0x150];
	v27 =	vshrl.u32 v2, $0x10;
	[tilespmem:$0x2A0] =	vst v26  }
0x94: {  	v29 =	vand.u32 $0xFFFF, v22;
	[tilespmem:$0x420] =	vst v27  }
0x95: {  	v31 =	vld [tilespmem:$0x160];
	v30 =	vshrl.u32 v22, $0x10;
	[tilespmem:$0x2B0] =	vst v29  }
0x96: {  	v32 =	vand.u32 $0xFFFF, v25;
	[tilespmem:$0x430] =	vst v30  }
0x97: {  	v34 =	vld [tilespmem:$0x170];
	v33 =	vshrl.u32 v25, $0x10;
	[tilespmem:$0x2C0] =	vst v32  }
0x98: {  	v35 =	vand.u32 $0xFFFF, v28;
	[tilespmem:$0x440] =	vst v33  }
0x99: {  	v36 =	vshrl.u32 v28, $0x10;
	[tilespmem:$0x2D0] =	vst v35  }
0x9a: {  	v37 =	vand.u32 $0xFFFF, v31;
	[tilespmem:$0x450] =	vst v36  }
0x9b: {  	v38 =	vshrl.u32 v31, $0x10;
	[tilespmem:$0x2E0] =	vst v37  }
0x9c: {  	v39 =	vand.u32 $0xFFFF, v34;
	[tilespmem:$0x460] =	vst v38  }
0x9d: {  	v40 =	vshrl.u32 v34, $0x10;
	[tilespmem:$0x2F0] =	vst v39  }
0x9e: {  	[tilespmem:$0x470] =	vst v40  }
0x9f: {  	[tilespmem:s10], [sflag:$0x6] =	stream.indirect.gather [hbm4b:s4+s19], $0x80, s9, s19, $0xb8;
	[tilespmem:$0x1FD00] =	vst v63  }
0xa0: {  	_ =	swait.ge [sflag:s31], $0x4000  }
0xa1: {  	[sflag:s31] =	ssyncset.done $0x0  }
0xa2: {  	[sflag:s31] =	ssyncadd.s32 $0xFFFFC000  }
0xa3: {  	[spmem:s1] =	stream.indirect.scatter.add.f32 [tilespmem:s26], [sflag:$0x8], $0x80, s0, s19, $0xb8;
	[tilespmem:$0x1FD00] =	vst v63  }
0xa4: {  	_ =	swait.ge [sflag:s30], $0x4000  }
0xa5: {  	[sflag:s30] =	ssyncset.done $0x0  }
0xa6: {  	s16 =	sadd.s32 $0x520, s16;
	[sflag:s30] =	ssyncadd.s32 $0xFFFFC000  }
0xa7: {  	[tilespmem:s19], [sflag:$0x2] =	stream.linear.gather [hbm4b:s16+s2], $0x80, $0x38;
	[tilespmem:$0x1FD00] =	vst v63  }
0xa8: {  	_ =	swait.ge [sflag:s20], $0x80  }
0xa9: {  	[sflag:s20] =	ssyncset.done $0x0  }
0xaa: {  	[sflag:s20] =	ssyncadd.s32 $0xFFFFFF80  }
0xab: {  	v41 =	vld [tilespmem:$0x0];
	_ =	sdelay $0x1  }
0xac: {  	v42 =	vld [tilespmem:$0x10];
	_ =	sdelay $0x1  }
0xad: {  	v43 =	vld [tilespmem:$0x20]  }
0xae: {  	v44 =	vand.u32 $0xFFFF, v41  }
0xaf: {  	v45 =	vld [tilespmem:$0x30];
	v0 =	vshrl.u32 v41, $0x10;
	[tilespmem:$0x180] =	vst v44  }
0xb0: {  	v46 =	vand.u32 $0xFFFF, v42;
	[tilespmem:$0x300] =	vst v0  }
0xb1: {  	v48 =	vld [tilespmem:$0x40];
	v47 =	vshrl.u32 v42, $0x10;
	[tilespmem:$0x190] =	vst v46  }
0xb2: {  	v49 =	vand.u32 $0xFFFF, v43;
	[tilespmem:$0x310] =	vst v47  }
0xb3: {  	v51 =	vld [tilespmem:$0x50];
	v50 =	vshrl.u32 v43, $0x10;
	[tilespmem:$0x1A0] =	vst v49  }
0xb4: {  	v52 =	vand.u32 $0xFFFF, v45;
	[tilespmem:$0x320] =	vst v50  }
0xb5: {  	v54 =	vld [tilespmem:$0x60];
	v53 =	vshrl.u32 v45, $0x10;
	[tilespmem:$0x1B0] =	vst v52  }
0xb6: {  	v55 =	vand.u32 $0xFFFF, v48;
	[tilespmem:$0x330] =	vst v53  }
0xb7: {  	v57 =	vld [tilespmem:$0x70];
	v56 =	vshrl.u32 v48, $0x10;
	[tilespmem:$0x1C0] =	vst v55  }
0xb8: {  	v58 =	vand.u32 $0xFFFF, v51;
	[tilespmem:$0x340] =	vst v56  }
0xb9: {  	v59 =	vshrl.u32 v51, $0x10;
	[tilespmem:$0x1D0] =	vst v58  }
0xba: {  	v60 =	vand.u32 $0xFFFF, v54;
	[tilespmem:$0x350] =	vst v59  }
0xbb: {  	v61 =	vshrl.u32 v54, $0x10;
	[tilespmem:$0x1E0] =	vst v60  }
0xbc: {  	v62 =	vand.u32 $0xFFFF, v57;
	[tilespmem:$0x360] =	vst v61  }
0xbd: {  	v63 =	vshrl.u32 v57, $0x10;
	[tilespmem:$0x1F0] =	vst v62  }
0xbe: {  	[tilespmem:$0x370] =	vst v63  }
0xbf: {  	[tilespmem:s22], [sflag:$0x4] =	stream.indirect.gather [hbm4b:s4+s19], $0x80, s21, s19, $0xb8;
	[tilespmem:$0x1FD00] =	vst v63  }
0xc0: {  	_ =	swait.ge [sflag:s11], $0x4000  }
0xc1: {  	[sflag:s11] =	ssyncset.done $0x0  }
.Ltmp3:
0xc2: {  	[sflag:s11] =	ssyncadd.s32 $0xFFFFC000;
	(pc) =	sbr.rel .LBB2_2-.Ltmp3, $4  }
0xc3: {  	[spmem:s1] =	stream.indirect.scatter.add.f32 [tilespmem:s10], [sflag:$0x7], $0x80, s8, s19, $0xb8;
	[tilespmem:$0x1FD00] =	vst v63  }
0xc4: {  	_ =	swait.ge [sflag:s15], $0x4000  }
0xc5: {  	[sflag:s15] =	ssyncset.done $0x0  }
0xc6: {  	s14 =	sadd.s32 $0x30, s14;
	[sflag:s15] =	ssyncadd.s32 $0xFFFFC000  }
.LBB2_5:
0xc7: {  	_ =	sfence.sel $0x180000  }
0xc8: {  	[bflag:$0x0] =	sbarrier.arrive $0xFFFF  }
0xc9: {  	_ =	strace $0x90000050  }
0xca: {  	s0 =	stileid.u32;
	[bflag:$0x2] =	sbarrier.arrive $0xFFFF  }
0xcb: {  	p0 =	sne.s32 s0, $0x0;
	s0 =	rddreg [dreg:$0x2]  }
0xcc: {  	s0 =	sadd.s32 @!p0 $0x100000, s0  }
0xcd: {  	[sflag:s0] =	ssyncadd.tile.s32 @!p0 $0x1;
	_ =	shalt  }
.Lfunc_end2:
_tile_overlayer_lowered:
.L_overlay_start_2:
0xce: {  	(tag) =	ssettag $0x2  }
0xcf: {  	s0 =	rddreg [dreg:$0x0];
	s2 =	stileid.u32  }
0xd0: {  	s1 =	rddreg [dreg:$0x1];
	p0 =	sne.s32 s2, $0x0  }
0xd1: {  	s3 =	rddreg [dreg:$0x2];
	[bflag:$0x3] =	sbarrier.arrive $0xFFFF;
	s2 =	simm.s32 @!p0 $0x1C07  }
0xd2: {  	[timem:s3], [sflag:s2] =	dma.local @!p0 [hbm:s0], s1  }
0xd3: {  	s0 =	simm.s32 @!p0 $0x7  }
0xd4: {  	_ =	swait.ge @!p0 [sflag:s0], s1  }
0xd5: {  	s1 =	ssub.s32 @!p0 $0x0, s1;
	[sflag:s0] =	ssyncset.done @!p0 $0x0  }
0xd6: {  	[sflag:s0] =	ssyncadd.s32 @!p0 s1  }
0xd7: {  	[bflag:$0x3] =	sbarrier.arrive $0xFFFF  }
0xd8: {  	_ =	shalt  }

// kernel: kernel.20.cloned.1.call-start
scs
__scs_entry_jumppad:
0x0: {  	(pc) =	sbr.rel $0x88, $3  }
0x1: {  	(tag) =	ssettag $0x0;
	lr =	simm.s32 $0x1  }
0x2: {  	[smem:$0x3F96] =	sst lr;
	_ =	strace $0xD0000000  }
0x3: {  	_ = 	snop  }
0x4: {  	_ = 	snop  }
0x5: {  	_ = 	snop  }
0x6: {  	_ = 	snop  }
0x7: {  	_ = 	snop  }
__scs_overlays_trampoline_lowered:
0x8: {  	[smem:$0x3FA5] =	sst s0  }
0x9: {  	[smem:$0x3FA6] =	sst s1  }
0xa: {  	[smem:$0x3FA7] =	sst s2  }
0xb: {  	[smem:$0x3FA8] =	sst s3  }
0xc: {  	[smem:$0x3FA9] =	sst s4  }
0xd: {  	[smem:$0x3FAA] =	sst s5  }
0xe: {  	[smem:$0x3FAB] =	sst s6  }
0xf: {  	[smem:$0x3FAC] =	sst s7  }
0x10: {  	[smem:$0x3FAD] =	sst s8  }
0x11: {  	[smem:$0x3FAE] =	sst s9;
	s0 =	simm.s32 @!p0 $0x0  }
0x12: {  	s1 =	sld [smem:$0x3F94];
	s0 =	simm.s32 @p0 $0x1  }
0x13: {  	[smem:$0x3FAF] =	sst s0;
	s0 =	simm.s32 @!p1 $0x0  }
0x14: {  	s2 =	sld [smem:$0x3F93];
	s0 =	simm.s32 @p1 $0x1  }
0x15: {  	[smem:$0x3FB0] =	sst s0;
	s0 =	simm.s32 @!p2 $0x0  }
0x16: {  	s3 =	sld [smem:$0x3FDB];
	s0 =	simm.s32 @p2 $0x1  }
0x17: {  	s4 =	simm.s32 $0x1BF5;
	[smem:$0x3FB2] =	sst s0  }
0x18: {  	s0 =	sld [smem:$0x3F95];
	_ =	swait.ge [sflag:s4], $0x0  }
0x19: {  	s7 =	sld [smem:$0x3F96]  }
0x1a: {  	s8 =	sadd.s32 $0xFFFFE003, lr  }
0x1b: {  	s9 =	sadd.s32 $0xFFFFFEF7, lr;
	s5 =	simm.s32 $0xFFFFFFFF;
	p2 =	slt.u32 s8, $0xFFFFF086  }
0x1c: {  	p1 =	slt.u32 s9, $0xF7A;
	s5 =	simm.s32 @!p2 $0x0  }
0x1d: {  	s5 =	simm.s32 @p1 $0x1;
	p0 =	seq.s32 s7, s2  }
0x1e: {  	s7 =	smul.u32 @!p0 $0xF7A, s2;
	p2 =	seq.s32 @!p0 s5, $0x0  }
0x1f: {  	s9 =	smul.u32 $0xF7A, s1;
	s8 =	simm.s32 @!p0 $0x1BF5;
	p2 =	por !p2, p0  }
0x20: {  	[sflag:s8] =	ssyncset.s32 @!p0 $0xFFFFF086;
	s6 =	sadd.s32 @!p0 s3, s7;
	s7 =	simm.s32 @!p0 $0x108  }
0x21: {  	s3 =	sadd.s32 s3, s9;
	s6 =	sadd.s32 @!p0 $0x88, s6;
	s7 =	simm.s32 @p2 $0x1082  }
0x22: {  	[simem:s7], [sflag:s8] =	dma.local @!p0 [hbm:s6], $0xF7A  }
0x23: {  	s9 =	sor.u32 $0xD0000000, s2;
	s6 =	simm.s32 $0x108;
	_ =	swait.ge @!p0 [sflag:s8], $0x0  }
0x24: {  	s3 =	sadd.s32 $0x88, s3;
	s6 =	simm.s32 @!p1 $0x1082;
	[sflag:s4] =	ssyncset.s32 $0xFFFFF086  }
0x25: {  	[simem:s6], [sflag:s4] =	dma.local [hbm:s3], $0xF7A  }
0x26: {  	[smem:$0x3F96] =	sst s1;
	(tag) =	ssettag s2;
	_ =	strace s9  }
0x27: {  	s1 =	sld [smem:$0x3FA6]  }
0x28: {  	s2 =	sld [smem:$0x3FA7]  }
0x29: {  	s4 =	sld [smem:$0x3FA9]  }
0x2a: {  	p0 =	seq.s32 s5, $0x0;
	s5 =	sld [smem:$0x3FAA]  }
0x2b: {  	s6 =	sld [smem:$0x3FAB]  }
0x2c: {  	s7 =	sld [smem:$0x3FAC]  }
0x2d: {  	s3 =	simm.s32 $0x108;
	s8 =	sld [smem:$0x3FAD]  }
0x2e: {  	s3 =	simm.s32 @!p0 $0x1082;
	s9 =	sld [smem:$0x3FAE]  }
0x2f: {  	lr =	sadd.s32 s0, s3;
	s0 =	sld [smem:$0x3FA5]  }
0x30: {  	s3 =	sld [smem:$0x3FA8]  }
0x31: {  	[smem:$0x3FB1] =	sst s10  }
0x32: {  	s10 =	sld [smem:$0x3FAF];
	_ =	sdelay $0x3  }
0x33: {  	p0 =	seq.s32 s10, $0x1;
	s10 =	sld [smem:$0x3FB1];
	_ =	sdelay $0x3  }
0x34: {  	[smem:$0x3FB1] =	sst s10  }
0x35: {  	s10 =	sld [smem:$0x3FB0];
	_ =	sdelay $0x3  }
0x36: {  	p1 =	seq.s32 s10, $0x1;
	s10 =	sld [smem:$0x3FB1];
	_ =	sdelay $0x3  }
0x37: {  	[smem:$0x3FB1] =	sst s10  }
0x38: {  	s10 =	sld [smem:$0x3FB2]  }
0x39: {  	_ = 	snop;
	(pc) =	sbr.ind lr, $3  }
0x3a: {  	_ = 	snop  }
0x3b: {  	_ = 	snop  }
0x3c: {  	p2 =	seq.s32 s10, $0x1;
	s10 =	sld [smem:$0x3FB1]  }
0x3d: {  	_ =	shalt  }
0x3e: {  	_ =	shalt  }
0x3f: {  	_ =	shalt  }
0x40: {  	_ =	shalt  }
0x41: {  	_ =	shalt  }
0x42: {  	_ =	shalt  }
0x43: {  	_ =	shalt  }
0x44: {  	_ =	shalt  }
0x45: {  	_ =	shalt  }
0x46: {  	_ =	shalt  }
0x47: {  	_ =	shalt  }
0x48: {  	_ =	shalt  }
0x49: {  	_ =	shalt  }
0x4a: {  	_ =	shalt  }
0x4b: {  	_ =	shalt  }
0x4c: {  	_ =	shalt  }
0x4d: {  	_ =	shalt  }
0x4e: {  	_ =	shalt  }
0x4f: {  	_ =	shalt  }
0x50: {  	_ =	shalt  }
0x51: {  	_ =	shalt  }
0x52: {  	_ =	shalt  }
0x53: {  	_ =	shalt  }
0x54: {  	_ =	shalt  }
0x55: {  	_ =	shalt  }
0x56: {  	_ =	shalt  }
0x57: {  	_ =	shalt  }
0x58: {  	_ =	shalt  }
0x59: {  	_ =	shalt  }
0x5a: {  	_ =	shalt  }
0x5b: {  	_ =	shalt  }
0x5c: {  	_ =	shalt  }
0x5d: {  	_ =	shalt  }
0x5e: {  	_ =	shalt  }
0x5f: {  	_ =	shalt  }
0x60: {  	_ =	shalt  }
0x61: {  	_ =	shalt  }
0x62: {  	_ =	shalt  }
0x63: {  	_ =	shalt  }
0x64: {  	_ =	shalt  }
0x65: {  	_ =	shalt  }
0x66: {  	_ =	shalt  }
0x67: {  	_ =	shalt  }
0x68: {  	_ =	shalt  }
0x69: {  	_ =	shalt  }
0x6a: {  	_ =	shalt  }
0x6b: {  	_ =	shalt  }
0x6c: {  	_ =	shalt  }
0x6d: {  	_ =	shalt  }
0x6e: {  	_ =	shalt  }
0x6f: {  	_ =	shalt  }
0x70: {  	_ =	shalt  }
0x71: {  	_ =	shalt  }
0x72: {  	_ =	shalt  }
0x73: {  	_ =	shalt  }
0x74: {  	_ =	shalt  }
0x75: {  	_ =	shalt  }
0x76: {  	_ =	shalt  }
0x77: {  	_ =	shalt  }
0x78: {  	_ =	shalt  }
0x79: {  	_ =	shalt  }
0x7a: {  	_ =	shalt  }
0x7b: {  	_ =	shalt  }
0x7c: {  	_ =	shalt  }
0x7d: {  	_ =	shalt  }
0x7e: {  	_ =	shalt  }
0x7f: {  	_ =	shalt  }
0x80: {  	_ =	shalt  }
0x81: {  	_ =	shalt  }
0x82: {  	_ =	shalt  }
0x83: {  	_ =	shalt  }
0x84: {  	_ =	shalt  }
0x85: {  	_ =	shalt  }
0x86: {  	_ =	shalt  }
0x87: {  	_ =	shalt  }
.Lfunc_end0:
.L_simem_size_0:
called_computation.4_lowered:
.L_overlay_start_0:
0x88: {  	s2 =	sld [smem:$0x3FD9]  }
0x89: {  	s3 =	sld [smem:$0x3FFE];
	_ =	sdelay $0x1  }
0x8a: {  	s1 =	srdreg.scid  }
0x8b: {  	s0 =	sand.u32 $0x1, s1  }
0x8c: {  	s16 =	sshll.u32 s0, $0xA;
	s2 =	sadd.s32 s3, s2  }
0x8d: {  	s2 =	sadd.s32 s2, s16  }
0x8e: {  	[smem:$0x3FBD] =	sst s2  }
0x8f: {  	_ = 	snop  }
0x90: {  	(tm) =	ssettm $0x1  }
0x91: {  	s17 =	sld [smem:$0x3FFB];
	_ =	sdelay $0x3  }
0x92: {  	_ =	strace s17  }
0x93: {  	s2 =	sld [smem:$0x3FFC];
	_ =	sdelay $0x3  }
0x94: {  	_ =	strace s2  }
0x95: {  	s2 =	sld [smem:$0x3FFD];
	_ =	sdelay $0x3  }
0x96: {  	_ =	strace s2  }
0x97: {  	_ =	strace $0x8FFFFFFF  }
0x98: {  	s18 =	sld [smem:$0x3FDB];
	_ =	sdelay $0x1  }
0x99: {  	s19 =	simm.s32 $_scs_section_size  }
0x9a: {  	s4 =	simm.s32 $_size__tile_overlayer_lowered;
	s5 =	simm.s32 $_tile_overlayer_lowered  }
0x9b: {  	s22 =	simm.s32 $0x1BFF;
	s21 =	sshll.u32 s5, $0x1;
	s2 =	sadd.s32 s19, s18  }
0x9c: {  	s6 =	simm.s32 $0x0;
	s20 =	sshll.u32 s4, $0x1;
	s4 =	sadd.s32 s21, s2  }
0x9d: {  	[timem:s6], [sflag:s22] =	dma.local [hbm:s4], s20  }
0x9e: {  	_ =	swait.ge [sflag:s22], s20  }
0x9f: {  	s3 =	ssub.s32 $0x0, s20;
	[sflag:s22] =	ssyncset.done $0x0  }
0xa0: {  	[sflag:s22] =	ssyncadd.s32 s3;
	_ =	sdelay $0x1  }
0xa1: {  	s23 =	simm.s32 $0x1B8B  }
0xa2: {  	_ =	swait.ge [sflag:s23], $0x1  }
0xa3: {  	[sflag:s23] =	ssyncset.done $0x0  }
0xa4: {  	s25 =	simm.s32 $0x1B8E;
	s24 =	sld [smem:$0x3FFE];
	[sflag:s23] =	ssyncadd.s32 $0xFFFFFFFF  }
0xa5: {  	s26 =	simm.s32 $execute0_lowered;
	[smem:$0x3FD2] =	sst s25  }
0xa6: {  	s4 =	sshll.u32 s26, $0x1;
	_ =	strace $0x80000052;
	[dreg:$0x1] =	wrdreg $0xFFFFFFFF  }
0xa7: {  	s28 =	simm.s32 $_size_execute0_lowered;
	s2 =	sadd.s32 s2, s4;
	[dreg:$0x0] =	wrdreg $0x0  }
0xa8: {  	s4 =	sshll.u32 s28, $0x1;
	[dreg:$0x2] =	wrdreg s2  }
0xa9: {  	[dreg:$0x3] =	wrdreg s4  }
0xaa: {  	[dreg:$0x4] =	wrdreg $0xC0  }
0xab: {  	_ =	task [dreg:s6], $0x5FFFF  }
0xac: {  	[dreg:$0x1] =	wrdreg $0xFFFFFFFF  }
0xad: {  	[dreg:$0x0] =	wrdreg $0x60  }
0xae: {  	[dreg:$0x2] =	wrdreg s24  }
0xaf: {  	[dreg:$0x3] =	wrdreg $0xC4800  }
0xb0: {  	[dreg:$0x4] =	wrdreg $0x9  }
0xb1: {  	_ =	task.clear_ibuf [dreg:s6], $0x5FFFF;
	_ =	strace $0x90000052  }
0xb2: {  	s29 =	simm.s32 $0x9;
	_ =	strace $0x80000054  }
0xb3: {  	_ =	swait.ge [sflag:s29], $0x1  }
0xb4: {  	[sflag:s29] =	ssyncadd.s32 $0xFFFFFFFF  }
0xb5: {  	_ =	strace $0x90000054  }
0xb6: {  	_ =	sfence  }
0xb7: {  	s30 =	sld [smem:$0x0];
	_ =	sdelay $0x2  }
0xb8: {  	s31 =	sshll.u32 s1, $0xD;
	s1 =	sshrl.u32 s1, $0x2  }
0xb9: {  	s3 =	sand.u32 $0x4000, s31;
	s1 =	sadd.s32 s1, s30  }
0xba: {  	s0 =	sor.u32 s3, s0;
	s1 =	sshll.u32 s1, $0x11  }
0xbb: {  	s0 =	sor.u32 s1, s0  }
0xbc: {  	s0 =	sadd.s32 $0x8F2B, s0  }
0xbd: {  	[sflag:s0] =	ssyncadd.remote.s32 $0x1  }
0xbe: {  	_ =	sfence.sel $0xFFFF  }
0xbf: {  	[dreg:$0x0] =	wrdreg $0xFFFFFFFF;
	(pc) =	sbr.abs _section_cstart, $3  }
0xc0: {  	[dreg:$0x1] =	wrdreg $0xFFFFFFFF  }
0xc1: {  	_ =	task.clear_ibuf [dreg:s6], $0x2FFFF;
	_ =	strace $0x9FFFFFFF  }
0xc2: {  	(tm) =	ssettm $0x7FFFFFFF  }
0xc3: {  	_ =	shalt  }
tec
execute0_lowered:
.L_overlay_start_1:
0x0: {  	(tag) =	ssettag $0x1  }
0x1: {  	s0 =	rddreg [dreg:$0x0]  }
0x2: {  	s1 =	rddreg [dreg:$0x1];
	s2 =	simm.s32 $0x0;
	s3 =	srdreg.scid  }
0x3: {  	s16 =	stileid.u32;
	s28 =	simm.s32 $0x4;
	s29 =	simm.s32 $0x300  }
0x4: {  	s30 =	simm.s32 $0x8;
	s31 =	simm.s32 $0x5;
	[smem:$0x7FF] =	sst s2  }
0x5: {  	s4 =	sadd.s32 $0x17E00, s0;
	s8 =	sadd.s32 $0xDE00, s0;
	s3 =	sand.u32 $0x1, s3  }
0x6: {  	s5 =	sadd.s32 $0x3C00, s0;
	s9 =	sshll.u32 s16, $0x1;
	s10 =	smul.u32 $0x4E000, s16  }
0x7: {  	s0 =	sadd.s32 $0x3F000, s0;
	s15 =	sshll.u32 s16, $0x6;
	s20 =	smul.u32 $0xA0, s16  }
0x8: {  	s18 =	sadd.s32 $0x138000, s1;
	p0 =	sne.s32 s16, $0xF;
	s19 =	smul.u32 $0x138800, s3  }
0x9: {  	s6 =	ssub.s32 $0x2, s3;
	s13 =	sor.u32 s3, s9;
	s3 =	smul.u32 $0x50, s3  }
0xa: {  	p1 =	seq.s32 s16, $0xF;
	_ =	strace $0x80000053;
	s17 =	smul.u32 $0x500, s13  }
0xb: {  	s7 =	sshrl.u32 s6, $0x1;
	s14 =	sshrl.u32 s10, $0x2;
	s13 =	smul.u32 $0x13800, s16  }
0xc: {  	s10 =	simm.s32 $0x8480;
	s11 =	ssub.s32 s6, s7;
	s6 =	sadd.s32 s14, s1  }
0xd: {  	s7 =	sor.u32 $0x1C07, s15;
	s9 =	sshrl.u32 s19, $0x3;
	s22 =	sadd.s32 s3, s20  }
0xe: {  	s3 =	sadd.s32 $0x124800, s1;
	s20 =	simm.s32 $0x1;
	s12 =	sadd.s32 $0x6800, s6  }
0xf: {  	s14 =	sadd.s32 $0xD000, s6;
	s15 =	sadd.s32 s8, s17;
	s13 =	sadd.s32 s13, s19  }
0x10: {  	s9 =	sadd.s32 s0, s9;
	s23 =	smax.u32 s11, $0x1;
	s24 =	sshrl.u32 s6, $0x3  }
0x11: {  	s19 =	simm.s32 $0x80;
	s11 =	simm.s32 $0x6;
	[dreg:$0x3] =	wrdreg s15  }
0x12: {  	s15 =	sadd.s32 $0x10, s15;
	s13 =	sshrl.u32 s13, $0x3;
	[dreg:$0x7] =	wrdreg s23  }
0x13: {  	s21 =	sadd.s32 $0x24900, s9;
	[dreg:$0x8] =	wrdreg s24;
	s25 =	sshrl.u32 s12, $0x3  }
0x14: {  	s26 =	sshrl.u32 s14, $0x3;
	s23 =	simm.s32 $0x2;
	[dreg:$0x4] =	wrdreg s15  }
0x15: {  	s24 =	simm.s32 $0x200;
	s9 =	simm.s32 $0x280;
	[dreg:$0x6] =	wrdreg s21  }
0x16: {  	s12 =	simm.s32 $0x0;
	s0 =	sadd.s32 s0, s13;
	[dreg:$0x9] =	wrdreg s25  }
.Ltmp0:
0x17: {  	s15 =	simm.s32 $0x7;
	[dreg:$0xa] =	wrdreg s26;
	(pc) =	sbr.rel .LBB2_1-.Ltmp0, $4  }
0x18: {  	s21 =	simm.s32 $0x180;
	s25 =	sshrl.u32 @p1 s3, $0x3;
	s26 =	simm.s32 $0x4480  }
0x19: {  	s3 =	simm.s32 $0x3;
	[dreg:$0x5] =	wrdreg s0;
	s0 =	sshll.u32 s22, $0x4  }
0x1a: {  	s22 =	simm.s32 $0x480;
	s13 =	sadd.s32 s0, s8;
	s0 =	sshrl.u32 @!p0 s18, $0x3  }
0x1b: {  	s8 =	simm.s32 $0x400;
	[dreg:$0xb] =	wrdreg s0;
	s0 =	simm.s32 $0x380  }
.LBB2_4:
0x1c: {  	_ =	swait.ge [sflag:s31], $0x4000  }
0x1d: {  	[sflag:s31] =	ssyncset.done $0x0  }
0x1e: {  	[sflag:s31] =	ssyncadd.s32 $0xFFFFC000  }
0x1f: {  	[spmem:s1] =	stream.indirect.scatter.add.f32 [tilespmem:s26], [sflag:$0x8], $0x80, s0, s19, $0xb8;
	[tilespmem:$0x1FD00] =	vst v63  }
0x20: {  	_ =	swait.ge [sflag:s30], $0x4000  }
0x21: {  	[sflag:s30] =	ssyncset.done $0x0  }
0x22: {  	[sflag:s30] =	ssyncadd.s32 $0xFFFFC000  }
0x23: {  	[bflag:$0x0] =	sbarrier.arrive $0xFFFF  }
0x24: {  	s14 =	rddreg [dreg:$0x6]  }
0x25: {  	[hbm:s14], [sflag:s7] =	dma.local @p1 [spmem:s25], $0x2800  }
0x26: {  	s14 =	simm.s32 @p1 $0x7  }
0x27: {  	_ =	swait.ge @p1 [sflag:s14], $0x2800  }
0x28: {  	[sflag:s14] =	ssyncset.done @p1 $0x0  }
0x29: {  	s16 =	rddreg [dreg:$0x5];
	[sflag:s14] =	ssyncadd.s32 @p1 $0xFFFFD800;
	s14 =	sshrl.u32 @!p1 s6, $0x3  }
0x2a: {  	[hbm:s16], [sflag:s7] =	dma.local @!p1 [spmem:s14], $0x2700  }
0x2b: {  	s14 =	simm.s32 @!p1 $0x7  }
0x2c: {  	_ =	swait.ge @!p1 [sflag:s14], $0x2700  }
0x2d: {  	s12 =	sadd.s32 $0x1, s12;
	s18 =	rddreg [dreg:$0x7]  }
0x2e: {  	p2 =	sne.s32 s12, s18  }
.Ltmp1:
0x2f: {  	_ = 	snop;
	(pc) =	sbr.rel @!p2 .LBB2_5-.Ltmp1, $3  }
0x30: {  	_ =	sdelay $0x1  }
0x31: {  	[sflag:s14] =	ssyncset.done @!p1 $0x0  }
0x32: {  	[sflag:s14] =	ssyncadd.s32 @!p1 $0xFFFFD900  }
.LBB2_1:
0x33: {  	s14 =	rddreg [dreg:$0x8]  }
0x34: {  	[spmem:s14], [sflag:s7] =	dma.local [hbm:s5], $0xD00  }
0x35: {  	_ =	swait.ge [sflag:s15], $0xD00  }
0x36: {  	[sflag:s15] =	ssyncset.done $0x0  }
0x37: {  	s18 =	rddreg [dreg:$0x9];
	[sflag:s15] =	ssyncadd.s32 $0xFFFFF300  }
0x38: {  	[spmem:s18], [sflag:s7] =	dma.local [hbm:s5], $0xD00  }
0x39: {  	_ =	swait.ge [sflag:s15], $0xD00  }
0x3a: {  	[sflag:s15] =	ssyncset.done $0x0  }
0x3b: {  	s16 =	rddreg [dreg:$0xa];
	[sflag:s15] =	ssyncadd.s32 $0xFFFFF300  }
0x3c: {  	[spmem:s16], [sflag:s7] =	dma.local [hbm:s5], $0xD00  }
0x3d: {  	_ =	swait.ge [sflag:s15], $0xD00  }
0x3e: {  	[sflag:s15] =	ssyncset.done $0x0  }
0x3f: {  	s14 =	rddreg [dreg:$0xb];
	[sflag:s15] =	ssyncadd.s32 $0xFFFFF300  }
0x40: {  	[spmem:s14], [sflag:s7] =	dma.local @!p0 [hbm:s5], $0x100  }
0x41: {  	s14 =	simm.s32 @!p0 $0x7  }
0x42: {  	_ =	swait.ge @!p0 [sflag:s14], $0x100  }
0x43: {  	[sflag:s14] =	ssyncset.done @!p0 $0x0  }
0x44: {  	[sflag:s14] =	ssyncadd.s32 @!p0 $0xFFFFFF00  }
0x45: {  	[bflag:$0x0] =	sbarrier.arrive $0xFFFF  }
0x46: {  	s17 =	rddreg [dreg:$0x3]  }
0x47: {  	[tilespmem:s2], [sflag:$0x1] =	stream.linear.gather [hbm4b:s17+s2], $0x80, $0x38;
	[tilespmem:$0x1FD00] =	vst v63  }
0x48: {  	s18 =	rddreg [dreg:$0x4]  }
0x49: {  	[tilespmem:s19], [sflag:$0x2] =	stream.linear.gather [hbm4b:s18+s2], $0x80, $0x38;
	[tilespmem:$0x1FD00] =	vst v63  }
0x4a: {  	_ =	swait.ge [sflag:s20], $0x80  }
0x4b: {  	[sflag:s20] =	ssyncset.done $0x0  }
0x4c: {  	[sflag:s20] =	ssyncadd.s32 $0xFFFFFF80  }
0x4d: {  	v0 =	vld [tilespmem:$0x0];
	_ =	sdelay $0x1  }
0x4e: {  	v1 =	vld [tilespmem:$0x10];
	_ =	sdelay $0x1  }
0x4f: {  	v2 =	vld [tilespmem:$0x20]  }
0x50: {  	v3 =	vand.u32 $0xFFFF, v0  }
0x51: {  	v45 =	vld [tilespmem:$0x30];
	v0 =	vshrl.u32 v0, $0x10;
	[tilespmem:$0x180] =	vst v3  }
0x52: {  	v46 =	vand.u32 $0xFFFF, v1;
	[tilespmem:$0x300] =	vst v0  }
0x53: {  	v48 =	vld [tilespmem:$0x40];
	v47 =	vshrl.u32 v1, $0x10;
	[tilespmem:$0x190] =	vst v46  }
0x54: {  	v49 =	vand.u32 $0xFFFF, v2;
	[tilespmem:$0x310] =	vst v47  }
0x55: {  	v51 =	vld [tilespmem:$0x50];
	v50 =	vshrl.u32 v2, $0x10;
	[tilespmem:$0x1A0] =	vst v49  }
0x56: {  	v52 =	vand.u32 $0xFFFF, v45;
	[tilespmem:$0x320] =	vst v50  }
0x57: {  	v54 =	vld [tilespmem:$0x60];
	v53 =	vshrl.u32 v45, $0x10;
	[tilespmem:$0x1B0] =	vst v52  }
0x58: {  	v55 =	vand.u32 $0xFFFF, v48;
	[tilespmem:$0x330] =	vst v53  }
0x59: {  	v57 =	vld [tilespmem:$0x70];
	v56 =	vshrl.u32 v48, $0x10;
	[tilespmem:$0x1C0] =	vst v55  }
0x5a: {  	v58 =	vand.u32 $0xFFFF, v51;
	[tilespmem:$0x340] =	vst v56  }
0x5b: {  	v59 =	vshrl.u32 v51, $0x10;
	[tilespmem:$0x1D0] =	vst v58  }
0x5c: {  	v60 =	vand.u32 $0xFFFF, v54;
	[tilespmem:$0x350] =	vst v59  }
0x5d: {  	v61 =	vshrl.u32 v54, $0x10;
	[tilespmem:$0x1E0] =	vst v60  }
0x5e: {  	v62 =	vand.u32 $0xFFFF, v57;
	[tilespmem:$0x360] =	vst v61  }
0x5f: {  	v63 =	vshrl.u32 v57, $0x10;
	[tilespmem:$0x1F0] =	vst v62  }
0x60: {  	s14 =	simm.s32 $0xFFFFFB20;
	[tilespmem:$0x370] =	vst v63  }
0x61: {  	[tilespmem:s22], [sflag:$0x4] =	stream.indirect.gather [hbm4b:s4+s19], $0x80, s21, s19, $0xb8;
	[tilespmem:$0x1FD00] =	vst v63  }
.LBB2_2:
0x62: {  	p2 =	seq.s32 s14, $0x0  }
0x63: {  	s16 =	sadd.s32 @!p2 s14, s13  }
0x64: {  	s17 =	simm.s32 @!p2 $0x0;
	s18 =	simm.s32 @!p2 $0x100;
	s16 =	sadd.s32 @!p2 $0x500, s16  }
0x65: {  	[tilespmem:s18], [sflag:$0x3] =	stream.linear.gather @!p2 [hbm4b:s16+s17], $0x80, $0x38;
	[tilespmem:$0x1FD00] =	vst v63  }
0x66: {  	_ =	swait.ge [sflag:s23], $0x80  }
0x67: {  	[sflag:s23] =	ssyncset.done $0x0  }
0x68: {  	[sflag:s23] =	ssyncadd.s32 $0xFFFFFF80  }
0x69: {  	v0 =	vld [tilespmem:$0x80];
	_ =	sdelay $0x1  }
0x6a: {  	v1 =	vld [tilespmem:$0x90];
	_ =	sdelay $0x1  }
0x6b: {  	v2 =	vld [tilespmem:$0xA0]  }
0x6c: {  	v3 =	vand.u32 $0xFFFF, v0  }
0x6d: {  	v45 =	vld [tilespmem:$0xB0];
	v0 =	vshrl.u32 v0, $0x10;
	[tilespmem:$0x200] =	vst v3  }
0x6e: {  	v46 =	vand.u32 $0xFFFF, v1;
	[tilespmem:$0x380] =	vst v0  }
0x6f: {  	v48 =	vld [tilespmem:$0xC0];
	v47 =	vshrl.u32 v1, $0x10;
	[tilespmem:$0x210] =	vst v46  }
0x70: {  	v49 =	vand.u32 $0xFFFF, v2;
	[tilespmem:$0x390] =	vst v47  }
0x71: {  	v51 =	vld [tilespmem:$0xD0];
	v50 =	vshrl.u32 v2, $0x10;
	[tilespmem:$0x220] =	vst v49  }
0x72: {  	v52 =	vand.u32 $0xFFFF, v45;
	[tilespmem:$0x3A0] =	vst v50  }
0x73: {  	v54 =	vld [tilespmem:$0xE0];
	v53 =	vshrl.u32 v45, $0x10;
	[tilespmem:$0x230] =	vst v52  }
0x74: {  	v55 =	vand.u32 $0xFFFF, v48;
	[tilespmem:$0x3B0] =	vst v53  }
0x75: {  	v57 =	vld [tilespmem:$0xF0];
	v56 =	vshrl.u32 v48, $0x10;
	[tilespmem:$0x240] =	vst v55  }
0x76: {  	v58 =	vand.u32 $0xFFFF, v51;
	[tilespmem:$0x3C0] =	vst v56  }
0x77: {  	v59 =	vshrl.u32 v51, $0x10;
	[tilespmem:$0x250] =	vst v58  }
0x78: {  	v60 =	vand.u32 $0xFFFF, v54;
	[tilespmem:$0x3D0] =	vst v59  }
0x79: {  	v61 =	vshrl.u32 v54, $0x10;
	[tilespmem:$0x260] =	vst v60  }
0x7a: {  	v62 =	vand.u32 $0xFFFF, v57;
	[tilespmem:$0x3E0] =	vst v61  }
0x7b: {  	v63 =	vshrl.u32 v57, $0x10;
	[tilespmem:$0x270] =	vst v62  }
0x7c: {  	[tilespmem:$0x3F0] =	vst v63  }
0x7d: {  	[tilespmem:s26], [sflag:$0x5] =	stream.indirect.gather [hbm4b:s4+s19], $0x80, s24, s19, $0xb8;
	[tilespmem:$0x1FD00] =	vst v63  }
0x7e: {  	_ =	swait.ge [sflag:s28], $0x4000  }
0x7f: {  	[sflag:s28] =	ssyncset.done $0x0  }
.Ltmp2:
0x80: {  	[sflag:s28] =	ssyncadd.s32 $0xFFFFC000;
	(pc) =	sbr.rel @p2 .LBB2_4-.Ltmp2, $4  }
0x81: {  	[spmem:s1] =	stream.indirect.scatter.add.f32 [tilespmem:s22], [sflag:$0x8], $0x80, s29, s19, $0xb8;
	[tilespmem:$0x1FD00] =	vst v63  }
0x82: {  	_ =	swait.ge [sflag:s30], $0x4000  }
0x83: {  	[sflag:s30] =	ssyncset.done $0x0  }
0x84: {  	[sflag:s30] =	ssyncadd.s32 $0xFFFFC000  }
0x85: {  	s16 =	sadd.s32 s14, s13  }
0x86: {  	s17 =	sadd.s32 $0x510, s16  }
0x87: {  	[tilespmem:s2], [sflag:$0x1] =	stream.linear.gather [hbm4b:s17+s2], $0x80, $0x38;
	[tilespmem:$0x1FD00] =	vst v63  }
0x88: {  	_ =	swait.ge [sflag:s3], $0x80  }
0x89: {  	[sflag:s3] =	ssyncset.done $0x0  }
0x8a: {  	[sflag:s3] =	ssyncadd.s32 $0xFFFFFF80  }
0x8b: {  	v0 =	vld [tilespmem:$0x100];
	_ =	sdelay $0x1  }
0x8c: {  	v1 =	vld [tilespmem:$0x110];
	_ =	sdelay $0x1  }
0x8d: {  	v2 =	vld [tilespmem:$0x120]  }
0x8e: {  	v3 =	vand.u32 $0xFFFF, v0  }
0x8f: {  	v22 =	vld [tilespmem:$0x130];
	v0 =	vshrl.u32 v0, $0x10;
	[tilespmem:$0x280] =	vst v3  }
0x90: {  	v23 =	vand.u32 $0xFFFF, v1;
	[tilespmem:$0x400] =	vst v0  }
0x91: {  	v25 =	vld [tilespmem:$0x140];
	v24 =	vshrl.u32 v1, $0x10;
	[tilespmem:$0x290] =	vst v23  }
0x92: {  	v26 =	vand.u32 $0xFFFF, v2;
	[tilespmem:$0x410] =	vst v24  }
0x93: {  	v28 =	vld [tilespmem:$0x150];
	v27 =	vshrl.u32 v2, $0x10;
	[tilespmem:$0x2A0] =	vst v26  }
0x94: {  	v29 =	vand.u32 $0xFFFF, v22;
	[tilespmem:$0x420] =	vst v27  }
0x95: {  	v31 =	vld [tilespmem:$0x160];
	v30 =	vshrl.u32 v22, $0x10;
	[tilespmem:$0x2B0] =	vst v29  }
0x96: {  	v32 =	vand.u32 $0xFFFF, v25;
	[tilespmem:$0x430] =	vst v30  }
0x97: {  	v34 =	vld [tilespmem:$0x170];
	v33 =	vshrl.u32 v25, $0x10;
	[tilespmem:$0x2C0] =	vst v32  }
0x98: {  	v35 =	vand.u32 $0xFFFF, v28;
	[tilespmem:$0x440] =	vst v33  }
0x99: {  	v36 =	vshrl.u32 v28, $0x10;
	[tilespmem:$0x2D0] =	vst v35  }
0x9a: {  	v37 =	vand.u32 $0xFFFF, v31;
	[tilespmem:$0x450] =	vst v36  }
0x9b: {  	v38 =	vshrl.u32 v31, $0x10;
	[tilespmem:$0x2E0] =	vst v37  }
0x9c: {  	v39 =	vand.u32 $0xFFFF, v34;
	[tilespmem:$0x460] =	vst v38  }
0x9d: {  	v40 =	vshrl.u32 v34, $0x10;
	[tilespmem:$0x2F0] =	vst v39  }
0x9e: {  	[tilespmem:$0x470] =	vst v40  }
0x9f: {  	[tilespmem:s10], [sflag:$0x6] =	stream.indirect.gather [hbm4b:s4+s19], $0x80, s9, s19, $0xb8;
	[tilespmem:$0x1FD00] =	vst v63  }
0xa0: {  	_ =	swait.ge [sflag:s31], $0x4000  }
0xa1: {  	[sflag:s31] =	ssyncset.done $0x0  }
0xa2: {  	[sflag:s31] =	ssyncadd.s32 $0xFFFFC000  }
0xa3: {  	[spmem:s1] =	stream.indirect.scatter.add.f32 [tilespmem:s26], [sflag:$0x8], $0x80, s0, s19, $0xb8;
	[tilespmem:$0x1FD00] =	vst v63  }
0xa4: {  	_ =	swait.ge [sflag:s30], $0x4000  }
0xa5: {  	[sflag:s30] =	ssyncset.done $0x0  }
0xa6: {  	s16 =	sadd.s32 $0x520, s16;
	[sflag:s30] =	ssyncadd.s32 $0xFFFFC000  }
0xa7: {  	[tilespmem:s19], [sflag:$0x2] =	stream.linear.gather [hbm4b:s16+s2], $0x80, $0x38;
	[tilespmem:$0x1FD00] =	vst v63  }
0xa8: {  	_ =	swait.ge [sflag:s20], $0x80  }
0xa9: {  	[sflag:s20] =	ssyncset.done $0x0  }
0xaa: {  	[sflag:s20] =	ssyncadd.s32 $0xFFFFFF80  }
0xab: {  	v41 =	vld [tilespmem:$0x0];
	_ =	sdelay $0x1  }
0xac: {  	v42 =	vld [tilespmem:$0x10];
	_ =	sdelay $0x1  }
0xad: {  	v43 =	vld [tilespmem:$0x20]  }
0xae: {  	v44 =	vand.u32 $0xFFFF, v41  }
0xaf: {  	v45 =	vld [tilespmem:$0x30];
	v0 =	vshrl.u32 v41, $0x10;
	[tilespmem:$0x180] =	vst v44  }
0xb0: {  	v46 =	vand.u32 $0xFFFF, v42;
	[tilespmem:$0x300] =	vst v0  }
0xb1: {  	v48 =	vld [tilespmem:$0x40];
	v47 =	vshrl.u32 v42, $0x10;
	[tilespmem:$0x190] =	vst v46  }
0xb2: {  	v49 =	vand.u32 $0xFFFF, v43;
	[tilespmem:$0x310] =	vst v47  }
0xb3: {  	v51 =	vld [tilespmem:$0x50];
	v50 =	vshrl.u32 v43, $0x10;
	[tilespmem:$0x1A0] =	vst v49  }
0xb4: {  	v52 =	vand.u32 $0xFFFF, v45;
	[tilespmem:$0x320] =	vst v50  }
0xb5: {  	v54 =	vld [tilespmem:$0x60];
	v53 =	vshrl.u32 v45, $0x10;
	[tilespmem:$0x1B0] =	vst v52  }
0xb6: {  	v55 =	vand.u32 $0xFFFF, v48;
	[tilespmem:$0x330] =	vst v53  }
0xb7: {  	v57 =	vld [tilespmem:$0x70];
	v56 =	vshrl.u32 v48, $0x10;
	[tilespmem:$0x1C0] =	vst v55  }
0xb8: {  	v58 =	vand.u32 $0xFFFF, v51;
	[tilespmem:$0x340] =	vst v56  }
0xb9: {  	v59 =	vshrl.u32 v51, $0x10;
	[tilespmem:$0x1D0] =	vst v58  }
0xba: {  	v60 =	vand.u32 $0xFFFF, v54;
	[tilespmem:$0x350] =	vst v59  }
0xbb: {  	v61 =	vshrl.u32 v54, $0x10;
	[tilespmem:$0x1E0] =	vst v60  }
0xbc: {  	v62 =	vand.u32 $0xFFFF, v57;
	[tilespmem:$0x360] =	vst v61  }
0xbd: {  	v63 =	vshrl.u32 v57, $0x10;
	[tilespmem:$0x1F0] =	vst v62  }
0xbe: {  	[tilespmem:$0x370] =	vst v63  }
0xbf: {  	[tilespmem:s22], [sflag:$0x4] =	stream.indirect.gather [hbm4b:s4+s19], $0x80, s21, s19, $0xb8;
	[tilespmem:$0x1FD00] =	vst v63  }
0xc0: {  	_ =	swait.ge [sflag:s11], $0x4000  }
0xc1: {  	[sflag:s11] =	ssyncset.done $0x0  }
.Ltmp3:
0xc2: {  	[sflag:s11] =	ssyncadd.s32 $0xFFFFC000;
	(pc) =	sbr.rel .LBB2_2-.Ltmp3, $4  }
0xc3: {  	[spmem:s1] =	stream.indirect.scatter.add.f32 [tilespmem:s10], [sflag:$0x7], $0x80, s8, s19, $0xb8;
	[tilespmem:$0x1FD00] =	vst v63  }
0xc4: {  	_ =	swait.ge [sflag:s15], $0x4000  }
0xc5: {  	[sflag:s15] =	ssyncset.done $0x0  }
0xc6: {  	s14 =	sadd.s32 $0x30, s14;
	[sflag:s15] =	ssyncadd.s32 $0xFFFFC000  }
.LBB2_5:
0xc7: {  	_ =	sfence.sel $0x180000  }
0xc8: {  	[bflag:$0x0] =	sbarrier.arrive $0xFFFF  }
0xc9: {  	_ =	strace $0x90000053  }
0xca: {  	s0 =	stileid.u32;
	[bflag:$0x2] =	sbarrier.arrive $0xFFFF  }
0xcb: {  	p0 =	sne.s32 s0, $0x0;
	s0 =	rddreg [dreg:$0x2]  }
0xcc: {  	s0 =	sadd.s32 @!p0 $0x100000, s0  }
0xcd: {  	[sflag:s0] =	ssyncadd.tile.s32 @!p0 $0x1;
	_ =	shalt  }
.Lfunc_end2:
_tile_overlayer_lowered:
.L_overlay_start_2:
0xce: {  	(tag) =	ssettag $0x2  }
0xcf: {  	s0 =	rddreg [dreg:$0x0];
	s2 =	stileid.u32  }
0xd0: {  	s1 =	rddreg [dreg:$0x1];
	p0 =	sne.s32 s2, $0x0  }
0xd1: {  	s3 =	rddreg [dreg:$0x2];
	[bflag:$0x3] =	sbarrier.arrive $0xFFFF;
	s2 =	simm.s32 @!p0 $0x1C07  }
0xd2: {  	[timem:s3], [sflag:s2] =	dma.local @!p0 [hbm:s0], s1  }
0xd3: {  	s0 =	simm.s32 @!p0 $0x7  }
0xd4: {  	_ =	swait.ge @!p0 [sflag:s0], s1  }
0xd5: {  	s1 =	ssub.s32 @!p0 $0x0, s1;
	[sflag:s0] =	ssyncset.done @!p0 $0x0  }
0xd6: {  	[sflag:s0] =	ssyncadd.s32 @!p0 s1  }
0xd7: {  	[bflag:$0x3] =	sbarrier.arrive $0xFFFF  }
0xd8: {  	_ =	shalt  }

</sc_bundles>
